<compile_context>
chip_gen: v7x
topology: tpu7x:2x2x1
jax: 0.10.2.dev20260603
libtpu: 0.0.44.dev20260713+nightly
codegen_flags: <defaults>
</compile_context>

<pallas_src>
import functools

import jax
import jax.numpy as jnp
from jax import lax
from jax.experimental import pallas as pl
from jax.experimental.pallas import tpu as pltpu
from jax.experimental.pallas import tpu_sc as plsc

N_NODES = 10000
N_EDGES = 160000
N_ANGLES = 320000
N_SPECIES = 16
DIM = 64

NC = 2
NS = 16
L = 16
NW = NC * NS

TBL_W = 8
E_PER_W = N_EDGES // NW

A_ROWS = N_ANGLES // 128
W_ROWS = 80
T_ROWS = A_ROWS - 31 * W_ROWS
B_ROWS = 16
B_CHUNK = B_ROWS * 128
T_FULL = T_ROWS // B_ROWS
T_REM = T_ROWS - T_FULL * B_ROWS

BA = 2560
NB = N_ANGLES // BA

D_ROWS = 8
D_CHUNK = D_ROWS * 128
D_FULL_W = W_ROWS // D_ROWS
D_FULL_T = T_ROWS // D_ROWS
D_REM = T_ROWS - D_FULL_T * D_ROWS

N_STRIPE = 624
N_TAIL = N_NODES - NS * N_STRIPE

@functools.lru_cache(maxsize=None)
def _mesh():
    return plsc.VectorSubcoreMesh(
        core_axis_name="c", subcore_axis_name="s", num_cores=NC, num_subcores=NS)


_SC_PARAMS = pltpu.CompilerParams(needs_layout_passes=False,
                                  use_tc_tiling_on_sc=False)


def _wid():
    return lax.axis_index("s") * NC + lax.axis_index("c")


@functools.lru_cache(maxsize=None)
def _edge_stage():
    return pl.kernel(
        _edge_body,
        out_type=jax.ShapeDtypeStruct((N_EDGES, TBL_W), jnp.float32),
        mesh=_mesh(),
        compiler_params=_SC_PARAMS,
        scratch_types=[
            pltpu.VMEM((E_PER_W,), jnp.int32),
            pltpu.VMEM((E_PER_W,), jnp.float32),
            pltpu.VMEM((E_PER_W,), jnp.float32),
            pltpu.VMEM((E_PER_W, 3), jnp.float32),
            pltpu.VMEM((N_NODES,), jnp.int32),
            pltpu.VMEM((E_PER_W, TBL_W), jnp.float32),
        ],
    )


def _edge_body(edge_dst_h, dist_h, sw_h, vec_h, species_h, tbl_h,
               edst_v, d_v, sw_v, vec_v, spec_v, tbl_v):
    base = pl.multiple_of(_wid() * E_PER_W, E_PER_W)
    pltpu.sync_copy(edge_dst_h.at[pl.ds(base, E_PER_W)], edst_v)
    pltpu.sync_copy(dist_h.at[pl.ds(base, E_PER_W)], d_v)
    pltpu.sync_copy(sw_h.at[pl.ds(base, E_PER_W)], sw_v)
    pltpu.sync_copy(vec_h.at[pl.ds(base, E_PER_W)], vec_v)
    pltpu.sync_copy(species_h, spec_v)

    iot = lax.iota(jnp.int32, L)
    c0 = jnp.full((L,), 0, jnp.int32)
    c1 = jnp.full((L,), 1, jnp.int32)
    c2 = jnp.full((L,), 2, jnp.int32)
    c3 = jnp.full((L,), 3, jnp.int32)
    c4 = jnp.full((L,), 4, jnp.int32)

    def lane(off):
        rows = off + iot
        d16 = d_v[pl.ds(off, L)]
        sw16 = sw_v[pl.ds(off, L)]
        vx = plsc.load_gather(vec_v, [rows, c0])
        vy = plsc.load_gather(vec_v, [rows, c1])
        vz = plsc.load_gather(vec_v, [rows, c2])
        edst16 = edst_v[pl.ds(off, L)]
        spec16 = plsc.load_gather(spec_v, [edst16])
        inv = 1.0 / d16
        sij = sw16 * inv
        f = sij * inv
        plsc.store_scatter(tbl_v, [rows, c0], sij)
        plsc.store_scatter(tbl_v, [rows, c1], f * vx)
        plsc.store_scatter(tbl_v, [rows, c2], f * vy)
        plsc.store_scatter(tbl_v, [rows, c3], f * vz)
        plsc.store_scatter(tbl_v, [rows, c4], spec16.astype(jnp.float32))

    def body(j, carry):
        lane(j * L)
        return carry

    lax.fori_loop(0, E_PER_W // L, body, 0)
    lane(E_PER_W - L)
    pltpu.sync_copy(tbl_v, tbl_h.at[pl.ds(base, E_PER_W)])


@functools.lru_cache(maxsize=None)
def _angle_stage():
    return pl.kernel(
        _angle_body,
        out_type=(jax.ShapeDtypeStruct((N_ANGLES, TBL_W), jnp.float32),
                  jax.ShapeDtypeStruct((N_ANGLES, TBL_W), jnp.float32)),
        mesh=_mesh(),
        compiler_params=_SC_PARAMS,
        scratch_types=[
            pltpu.VMEM((B_ROWS, 128), jnp.int32),
            pltpu.VMEM((B_ROWS, 128), jnp.int32),
            pltpu.VMEM((B_CHUNK, TBL_W), jnp.float32),
            pltpu.VMEM((B_CHUNK, TBL_W), jnp.float32),
            pltpu.SemaphoreType.DMA,
        ],
    )


def _gather_chunk(tbl_h, asrc_v, adst_v, ra_v, rb_v, sem, nrows):
    descs = []
    for k in range(nrows):
        descs.append(pltpu.async_copy(
            tbl_h.at[asrc_v.at[k]], ra_v.at[pl.ds(k * 128, 128)], sem))
    for k in range(nrows):
        descs.append(pltpu.async_copy(
            tbl_h.at[adst_v.at[k]], rb_v.at[pl.ds(k * 128, 128)], sem))
    for dsc in descs:
        dsc.wait()


def _angle_body(tbl_h, asrc_h, adst_h, ga_h, gb_h,
                asrc_v, adst_v, ra_v, rb_v, sem):
    wid = _wid()
    r0 = wid * W_ROWS

    def chunk(t, carry):
        rowb = pl.multiple_of(r0 + t * B_ROWS, B_ROWS)
        cb = pl.multiple_of(rowb * 128, B_CHUNK)
        pltpu.sync_copy(asrc_h.at[pl.ds(rowb, B_ROWS)], asrc_v)
        pltpu.sync_copy(adst_h.at[pl.ds(rowb, B_ROWS)], adst_v)
        _gather_chunk(tbl_h, asrc_v, adst_v, ra_v, rb_v, sem, B_ROWS)
        pltpu.sync_copy(ra_v, ga_h.at[pl.ds(cb, B_CHUNK)])
        pltpu.sync_copy(rb_v, gb_h.at[pl.ds(cb, B_CHUNK)])
        return carry

    nch = jnp.where(wid == NW - 1, T_FULL, W_ROWS // B_ROWS)
    lax.fori_loop(0, nch, chunk, 0)

    @pl.when(wid == NW - 1)
    def _():
        rowb = 31 * W_ROWS + T_FULL * B_ROWS
        cb = rowb * 128
        pltpu.sync_copy(asrc_h.at[pl.ds(rowb, T_REM)],
                        asrc_v.at[pl.ds(0, T_REM)])
        pltpu.sync_copy(adst_h.at[pl.ds(rowb, T_REM)],
                        adst_v.at[pl.ds(0, T_REM)])
        _gather_chunk(tbl_h, asrc_v, adst_v, ra_v, rb_v, sem, T_REM)
        pltpu.sync_copy(ra_v.at[pl.ds(0, T_REM * 128)],
                        ga_h.at[pl.ds(cb, T_REM * 128)])
        pltpu.sync_copy(rb_v.at[pl.ds(0, T_REM * 128)],
                        gb_h.at[pl.ds(cb, T_REM * 128)])


def _silu(x):
    return x / (1.0 + jnp.exp2(x * (-1.4426950408889634)))


def _mlp_block(ga_ref, gb_ref, w0_ref, b0_ref, w1_ref, b1_ref,
               w2_ref, b2_ref, w3_ref, b3_ref, y_ref):
    ga = ga_ref[...]
    gb = gb_ref[...]
    th = jnp.sum(ga[:, 0:4] * gb[:, 0:4], axis=1, keepdims=True)
    cs = ga[:, 4:5]
    cd = gb[:, 4:5]
    w0 = w0_ref[...]
    u = w0[0:1, :]
    ar = w0[1:1 + N_SPECIES, :]
    br = w0[1 + N_SPECIES:1 + 2 * N_SPECIES, :]
    b0 = b0_ref[...]

    p_iota = lax.broadcasted_iota(jnp.int32, (256, N_SPECIES), 0)
    s_sel = (p_iota // N_SPECIES ==
             lax.broadcasted_iota(jnp.int32, (256, N_SPECIES), 1)).astype(jnp.float32)
    d_sel = (p_iota % N_SPECIES ==
             lax.broadcasted_iota(jnp.int32, (256, N_SPECIES), 1)).astype(jnp.float32)
    sa = jnp.dot(s_sel, ar, preferred_element_type=jnp.float32)
    sb = jnp.dot(s_sel, br, preferred_element_type=jnp.float32)
    da = jnp.dot(d_sel, ar, preferred_element_type=jnp.float32)
    db = jnp.dot(d_sel, br, preferred_element_type=jnp.float32)
    cboth = jnp.concatenate([sa + db + b0, sb + da + b0], axis=1)

    code = cs * float(N_SPECIES) + cd
    oh = (code.astype(jnp.int32) ==
          lax.broadcasted_iota(jnp.int32, (BA, 256), 1)).astype(jnp.float32)
    u2 = jnp.concatenate([u, u], axis=1)
    x = jnp.dot(oh, cboth, preferred_element_type=jnp.float32) + th * u2
    h = _silu(x)

    z64 = jnp.zeros((DIM, DIM), jnp.float32)
    for w_ref, b_ref in ((w1_ref, b1_ref), (w2_ref, b2_ref)):
        w = w_ref[...]
        b = b_ref[...]
        wd = jnp.concatenate([
            jnp.concatenate([w, z64], axis=1),
            jnp.concatenate([z64, w], axis=1)], axis=0)
        bd = jnp.concatenate([b, b], axis=1)
        h = _silu(jnp.dot(h, wd, preferred_element_type=jnp.float32) + bd)

    w3c = jnp.concatenate([w3_ref[...], w3_ref[...]], axis=0)
    g = jnp.dot(h, w3c, preferred_element_type=jnp.float32) + 2.0 * b3_ref[...]
    y_ref[...] = g * th


def _mlp_stage(ga, gb, W0, b0, W1, b1, W2, b2, W3, b3):
    full = lambda shape: pl.BlockSpec(shape, lambda i: (0,) * len(shape))
    return pl.pallas_call(
        _mlp_block,
        grid=(NB,),
        in_specs=[
            pl.BlockSpec((BA, TBL_W), lambda i: (i, 0)),
            pl.BlockSpec((BA, TBL_W), lambda i: (i, 0)),
            full((1 + 2 * N_SPECIES, DIM)), full((1, DIM)),
            full((DIM, DIM)), full((1, DIM)),
            full((DIM, DIM)), full((1, DIM)),
            full((DIM, DIM)), full((1, DIM)),
        ],
        out_specs=pl.BlockSpec((BA, DIM), lambda i: (i, 0)),
        out_shape=jax.ShapeDtypeStruct((N_ANGLES, DIM), jnp.float32),
    )(ga, gb, W0, b0, W1, b1, W2, b2, W3, b3)


@functools.lru_cache(maxsize=None)
def _scatter_stage():
    return pl.kernel(
        _scatter_body,
        out_type=jax.ShapeDtypeStruct((NC, N_NODES, DIM), jnp.float32),
        mesh=_mesh(),
        compiler_params=_SC_PARAMS,
        scratch_types=[
            pltpu.VMEM((D_CHUNK, DIM), jnp.float32),
            pltpu.VMEM((D_ROWS, 128), jnp.int32),
            pltpu.VMEM_SHARED((N_NODES, DIM), jnp.float32),
        ],
    )


def _scatter_body(y_h, cen_h, zeros_h, out_h, y_v, cen_v, acc_sh):
    c = lax.axis_index("c")
    s = lax.axis_index("s")
    wid = s * NC + c
    stripe = pl.multiple_of(s * N_STRIPE, N_STRIPE)
    pltpu.sync_copy(zeros_h.at[pl.ds(stripe, N_STRIPE)],
                    acc_sh.at[pl.ds(stripe, N_STRIPE)])

    @pl.when(s == NS - 1)
    def _():
        pltpu.sync_copy(zeros_h.at[pl.ds(NS * N_STRIPE, N_TAIL)],
                        acc_sh.at[pl.ds(NS * N_STRIPE, N_TAIL)])

    plsc.subcore_barrier()

    r0 = wid * W_ROWS

    def ychunk(t, carry):
        rowb = pl.multiple_of(r0 + t * D_ROWS, D_ROWS)
        yb = pl.multiple_of(rowb * 128, D_CHUNK)
        pltpu.sync_copy(y_h.at[pl.ds(yb, D_CHUNK)], y_v)
        pltpu.sync_copy(cen_h.at[pl.ds(rowb, D_ROWS)], cen_v)
        for k in range(D_ROWS):
            pltpu.sync_copy(y_v.at[pl.ds(k * 128, 128)],
                            acc_sh.at[cen_v.at[k]], add=True)
        return carry

    nch = jnp.where(wid == NW - 1, D_FULL_T, D_FULL_W)
    lax.fori_loop(0, nch, ychunk, 0)

    @pl.when(wid == NW - 1)
    def _():
        rowb = 31 * W_ROWS + D_FULL_T * D_ROWS
        yb = rowb * 128
        pltpu.sync_copy(y_h.at[pl.ds(yb, D_REM * 128)],
                        y_v.at[pl.ds(0, D_REM * 128)])
        pltpu.sync_copy(cen_h.at[pl.ds(rowb, D_REM)],
                        cen_v.at[pl.ds(0, D_REM)])
        for k in range(D_REM):
            pltpu.sync_copy(y_v.at[pl.ds(k * 128, 128)],
                            acc_sh.at[cen_v.at[k]], add=True)

    plsc.subcore_barrier()
    pltpu.sync_copy(acc_sh.at[pl.ds(stripe, N_STRIPE)],
                    out_h.at[c, pl.ds(stripe, N_STRIPE)])

    @pl.when(s == NS - 1)
    def _():
        pltpu.sync_copy(acc_sh.at[pl.ds(NS * N_STRIPE, N_TAIL)],
                        out_h.at[c, pl.ds(NS * N_STRIPE, N_TAIL)])


def _sum_block(a_ref, o_ref):
    o_ref[...] = a_ref[0] + a_ref[1]


def _sum_stage(acc2):
    return pl.pallas_call(
        _sum_block,
        grid=(5,),
        in_specs=[pl.BlockSpec((NC, 2000, DIM), lambda i: (0, i, 0))],
        out_specs=pl.BlockSpec((2000, DIM), lambda i: (i, 0)),
        out_shape=jax.ShapeDtypeStruct((N_NODES, DIM), jnp.float32),
    )(acc2)


def kernel(species, edge_src, edge_dst, distances, switch, vec,
           angle_src, angle_dst, central_atom,
           W0, b0, W1, b1, W2, b2, W3, b3):
    del edge_src
    species = species.astype(jnp.int32)
    edge_dst = edge_dst.astype(jnp.int32)
    asrc2 = angle_src.astype(jnp.int32).reshape(A_ROWS, 128)
    adst2 = angle_dst.astype(jnp.int32).reshape(A_ROWS, 128)
    cen2 = central_atom.astype(jnp.int32).reshape(A_ROWS, 128)

    tbl = _edge_stage()(edge_dst, distances, switch, vec, species)
    ga, gb = _angle_stage()(tbl, asrc2, adst2)
    y = _mlp_stage(ga, gb,
                   W0, b0.reshape(1, DIM), W1, b1.reshape(1, DIM),
                   W2, b2.reshape(1, DIM), W3, b3.reshape(1, DIM))
    acc2 = _scatter_stage()(y, cen2, jnp.zeros((N_NODES, DIM), jnp.float32))
    return _sum_stage(acc2)

# --- scband reference (transcript-rebuilt; emitter-appended) ---
"""Pipeline reference for scband-deep-pot-e3-embedding-21423296873077 (READ-ONLY COPY).

The authoritative reference and input builder live on the scoring server;
editing this copy changes nothing except your own understanding.
"""

import jax, jax.numpy as jnp
import numpy as np

N_NODES = 10000
N_EDGES = 160000
N_ANGLES = 320000
N_SPECIES = 16
DIM = 64
HIDDEN = [64, 64, 64]
IN_DIM = 1 + 2 * N_SPECIES


def _silu(x):
    return x * jax.nn.sigmoid(x)


def _mlp(params, x):
    n = len(params)
    for i, (W, b) in enumerate(params):
        x = x @ W + b
        if i < n - 1:
            x = _silu(x)
    return x


def setup_inputs(seed: int = 0):
    key = jax.random.key(seed)
    ks = jax.random.split(key, 20)
    species = jax.random.randint(ks[0], (N_NODES,), 0, N_SPECIES)
    edge_src = jax.random.randint(ks[1], (N_EDGES,), 0, N_NODES)
    edge_dst = jax.random.randint(ks[2], (N_EDGES,), 0, N_NODES)
    distances = jax.random.uniform(ks[3], (N_EDGES,), minval=0.5, maxval=6.0, dtype=jnp.float32)
    switch = jax.random.uniform(ks[4], (N_EDGES,), dtype=jnp.float32)
    vec = jax.random.normal(ks[5], (N_EDGES, 3), dtype=jnp.float32)
    angle_src = jax.random.randint(ks[6], (N_ANGLES,), 0, N_EDGES)
    angle_dst = jax.random.randint(ks[7], (N_ANGLES,), 0, N_EDGES)
    central_atom = jnp.sort(jax.random.randint(ks[8], (N_ANGLES,), 0, N_NODES))
    dims = [IN_DIM] + HIDDEN + [DIM]
    params = {}
    for i in range(len(dims) - 1):
        params['W%d' % i] = jax.random.normal(ks[9 + 2 * i], (dims[i], dims[i + 1]), dtype=jnp.float32) * (1.0 / np.sqrt(dims[i]))
        params['b%d' % i] = jnp.zeros((dims[i + 1],), dtype=jnp.float32)
    inp = {
        'species': species,
        'edge_src': edge_src,
        'edge_dst': edge_dst,
        'distances': distances,
        'switch': switch,
        'vec': vec,
        'angle_src': angle_src,
        'angle_dst': angle_dst,
        'central_atom': central_atom,
    }
    inp.update(params)
    return inp


def reference(species, edge_src, edge_dst, distances, switch, vec, angle_src, angle_dst, central_atom, W0, b0, W1, b1, W2, b2, W3, b3):
    onehot = jnp.eye(N_SPECIES, dtype=distances.dtype)[species]
    d = distances[:, None]
    sw = switch[:, None]
    vecn = vec / d
    sij = sw / d  # divide_distances=True
    Rij = jnp.concatenate((sij, sij * vecn), axis=-1)  # [E, 4]
    zdest = onehot[edge_dst]  # [E, N_SPECIES]
    z_angsrc = zdest[angle_src]
    z_angdst = zdest[angle_dst]
    theta = (Rij[angle_src] * Rij[angle_dst]).sum(axis=-1, keepdims=True)  # [A, 1]
    params = [(W0, b0), (W1, b1), (W2, b2), (W3, b3)]
    Gijk = _mlp(params, jnp.concatenate((theta, z_angsrc, z_angdst), axis=-1)) + _mlp(params, jnp.concatenate((theta, z_angdst, z_angsrc), axis=-1))
    embedding = jax.ops.segment_sum(Gijk * theta, central_atom, N_NODES)
    return embedding

if __name__ == "__main__":
    import jax
    _d = setup_inputs()
    print(jax.jit(kernel)(*tuple(_d.values())))

</pallas_src>

<mosaic_0001>
#map = affine_map<(d0, d1) -> (0, 0)>
#map1 = affine_map<(d0, d1) -> (0, 0, 0)>
module attributes {stable_mosaic.version = 14 : i64} {
  func.func @_scatter_body(%arg0: i32, %arg1: i32, %arg2: memref<320000x64xf32, #tpu.memory_space<hbm>>, %arg3: memref<2500x128xi32, #tpu.memory_space<hbm>>, %arg4: memref<10000x64xf32, #tpu.memory_space<hbm>>, %arg5: memref<2x10000x64xf32, #tpu.memory_space<hbm>>, %arg6: memref<1024x64xf32, #tpu.memory_space<vmem>>, %arg7: memref<8x128xi32, #tpu.memory_space<vmem>>, %arg8: memref<10000x64xf32, #tpu.memory_space<vmem_shared>>) attributes {dimension_semantics = [#tpu.dimension_semantics<core_parallel>, #tpu.dimension_semantics<subcore_parallel>], iteration_bounds = array<i64: 2, 16>, scalar_prefetch = 0 : i64, scratch_operands = 3 : i64, tpu.core_type = #tpu.core_type<sc_vector_subcore>, window_params = [{transform_indices = #map}, {transform_indices = #map}, {transform_indices = #map}, {transform_indices = #map1}]} {
    %mul3A = arith.constant 2 : i32
    %mul3A_0 = arith.muli %arg1, %mul3A : i32
    %add3A = arith.addi %mul3A_0, %arg0 : i32
    %mul3A_1 = arith.constant 624 : i32
    %mul3A_2 = arith.muli %arg1, %mul3A_1 : i32
    %multiple_of3A = tpu.assume_multiple %mul3A_2, 624 : i32
    "tpu.region"() ({
      %run_scoped3A = tpu.sem_alloc : memref<!tpu.dma_semaphore, #tpu.memory_space<semaphore_mem>>
      %dma_start3A = arith.constant 0 : i32
      %dma_start3A_30 = tpu.memref_slice %arg8[%multiple_of3A, %dma_start3A] : memref<10000x64xf32, #tpu.memory_space<vmem_shared>> -> memref<624x64xf32, #tpu.memory_space<vmem_shared>>
      %dma_start3A_31 = arith.constant 0 : i32
      %dma_start3A_32 = tpu.memref_slice %arg4[%multiple_of3A, %dma_start3A_31] : memref<10000x64xf32, #tpu.memory_space<hbm>> -> memref<624x64xf32, #tpu.memory_space<hbm>>
      tpu.enqueue_dma source(%dma_start3A_32 : memref<624x64xf32, #tpu.memory_space<hbm>>) target(%dma_start3A_30 : memref<624x64xf32, #tpu.memory_space<vmem_shared>>) target_semaphore(%run_scoped3A : memref<!tpu.dma_semaphore, #tpu.memory_space<semaphore_mem>>)
      %dma_wait3A = arith.constant 0 : i32
      %dma_wait3A_33 = tpu.memref_slice %arg8[%multiple_of3A, %dma_wait3A] : memref<10000x64xf32, #tpu.memory_space<vmem_shared>> -> memref<624x64xf32, #tpu.memory_space<vmem_shared>>
      %dma_wait3A_34 = arith.constant 0 : i32
      %dma_wait3A_35 = tpu.memref_slice %arg4[%multiple_of3A, %dma_wait3A_34] : memref<10000x64xf32, #tpu.memory_space<hbm>> -> memref<624x64xf32, #tpu.memory_space<hbm>>
      tpu.wait_dma2 semaphore(%run_scoped3A : memref<!tpu.dma_semaphore, #tpu.memory_space<semaphore_mem>>) src(%dma_wait3A_35 : memref<624x64xf32, #tpu.memory_space<hbm>>) dst(%dma_wait3A_33 : memref<624x64xf32, #tpu.memory_space<vmem_shared>>)
      tpu.yield
    }) : () -> ()
    %eq3A = arith.constant 15 : i32
    %eq3A_3 = arith.cmpi eq, %arg1, %eq3A : i32
    %convert_element_type3A = arith.extui %eq3A_3 : i1 to i32
    %cond3A = arith.constant 0 : i32
    %cond3A_4 = arith.cmpi ne, %convert_element_type3A, %cond3A : i32
    scf.if %cond3A_4 {
      "tpu.region"() ({
        %run_scoped3A = tpu.sem_alloc : memref<!tpu.dma_semaphore, #tpu.memory_space<semaphore_mem>>
        %dma_start3A = arith.constant 9984 : i32
        %dma_start3A_30 = arith.constant 0 : i32
        %dma_start3A_31 = tpu.memref_slice %arg8[%dma_start3A, %dma_start3A_30] : memref<10000x64xf32, #tpu.memory_space<vmem_shared>> -> memref<16x64xf32, #tpu.memory_space<vmem_shared>>
        %dma_start3A_32 = arith.constant 9984 : i32
        %dma_start3A_33 = arith.constant 0 : i32
        %dma_start3A_34 = tpu.memref_slice %arg4[%dma_start3A_32, %dma_start3A_33] : memref<10000x64xf32, #tpu.memory_space<hbm>> -> memref<16x64xf32, #tpu.memory_space<hbm>>
        tpu.enqueue_dma source(%dma_start3A_34 : memref<16x64xf32, #tpu.memory_space<hbm>>) target(%dma_start3A_31 : memref<16x64xf32, #tpu.memory_space<vmem_shared>>) target_semaphore(%run_scoped3A : memref<!tpu.dma_semaphore, #tpu.memory_space<semaphore_mem>>)
        %dma_wait3A = arith.constant 9984 : i32
        %dma_wait3A_35 = arith.constant 0 : i32
        %dma_wait3A_36 = tpu.memref_slice %arg8[%dma_wait3A, %dma_wait3A_35] : memref<10000x64xf32, #tpu.memory_space<vmem_shared>> -> memref<16x64xf32, #tpu.memory_space<vmem_shared>>
        %dma_wait3A_37 = arith.constant 9984 : i32
        %dma_wait3A_38 = arith.constant 0 : i32
        %dma_wait3A_39 = tpu.memref_slice %arg4[%dma_wait3A_37, %dma_wait3A_38] : memref<10000x64xf32, #tpu.memory_space<hbm>> -> memref<16x64xf32, #tpu.memory_space<hbm>>
        tpu.wait_dma2 semaphore(%run_scoped3A : memref<!tpu.dma_semaphore, #tpu.memory_space<semaphore_mem>>) src(%dma_wait3A_39 : memref<16x64xf32, #tpu.memory_space<hbm>>) dst(%dma_wait3A_36 : memref<16x64xf32, #tpu.memory_space<vmem_shared>>)
        tpu.yield
      }) : () -> ()
    } else {
    }
    %barrier3A = arith.constant 0 : index
    tpu.barrier barrier_id(%barrier3A)
    %mul3A_5 = arith.constant 80 : i32
    %mul3A_6 = arith.muli %add3A, %mul3A_5 : i32
    %eq3A_7 = arith.constant 31 : i32
    %eq3A_8 = arith.cmpi eq, %add3A, %eq3A_7 : i32
    %jit3A = arith.constant 2 : i32
    %jit3A_9 = arith.constant 10 : i32
    %select_n3A = arith.select %eq3A_8, %jit3A, %jit3A_9 : i32
    %while3A = arith.constant 0 : i32
    %while3A_10 = arith.constant 0 : i32
    %while3A_11 = arith.subi %select_n3A, %while3A_10 : i32
    %while3A_12 = arith.addi %while3A_10, %while3A_11 : i32
    %while3A_13 = arith.constant 1 : i32
    %while3A_14 = arith.divsi %while3A_11, %while3A_13 : i32
    %while3A_15 = arith.muli %while3A_14, %while3A_13 : i32
    %while3A_16 = arith.addi %while3A_10, %while3A_15 : i32
    %while3A_17 = arith.constant 1 : i32
    scf.for %while3A_30 = %while3A_10 to %while3A_16 step %while3A_17  : i32 {
      %mul3A_31 = arith.constant 8 : i32
      %mul3A_32 = arith.muli %while3A_30, %mul3A_31 : i32
      %add3A_33 = arith.addi %mul3A_6, %mul3A_32 : i32
      %multiple_of3A_34 = tpu.assume_multiple %add3A_33, 8 : i32
      %mul3A_35 = arith.constant 128 : i32
      %mul3A_36 = arith.muli %multiple_of3A_34, %mul3A_35 : i32
      %multiple_of3A_37 = tpu.assume_multiple %mul3A_36, 1024 : i32
      "tpu.region"() ({
        %run_scoped3A_45 = tpu.sem_alloc : memref<!tpu.dma_semaphore, #tpu.memory_space<semaphore_mem>>
        %dma_start3A = arith.constant 0 : i32
        %dma_start3A_46 = tpu.memref_slice %arg2[%multiple_of3A_37, %dma_start3A] : memref<320000x64xf32, #tpu.memory_space<hbm>> -> memref<1024x64xf32, #tpu.memory_space<hbm>>
        %dma_start3A_47 = arith.constant 0 : i32
        %dma_start3A_48 = tpu.memref_slice %arg2[%multiple_of3A_37, %dma_start3A_47] : memref<320000x64xf32, #tpu.memory_space<hbm>> -> memref<1024x64xf32, #tpu.memory_space<hbm>>
        tpu.enqueue_dma source(%dma_start3A_48 : memref<1024x64xf32, #tpu.memory_space<hbm>>) target(%arg6 : memref<1024x64xf32, #tpu.memory_space<vmem>>) target_semaphore(%run_scoped3A_45 : memref<!tpu.dma_semaphore, #tpu.memory_space<semaphore_mem>>)
        %dma_wait3A = arith.constant 0 : i32
        %dma_wait3A_49 = tpu.memref_slice %arg2[%multiple_of3A_37, %dma_wait3A] : memref<320000x64xf32, #tpu.memory_space<hbm>> -> memref<1024x64xf32, #tpu.memory_space<hbm>>
        %dma_wait3A_50 = arith.constant 0 : i32
        %dma_wait3A_51 = tpu.memref_slice %arg2[%multiple_of3A_37, %dma_wait3A_50] : memref<320000x64xf32, #tpu.memory_space<hbm>> -> memref<1024x64xf32, #tpu.memory_space<hbm>>
        tpu.wait_dma2 semaphore(%run_scoped3A_45 : memref<!tpu.dma_semaphore, #tpu.memory_space<semaphore_mem>>) src(%dma_wait3A_51 : memref<1024x64xf32, #tpu.memory_space<hbm>>) dst(%arg6 : memref<1024x64xf32, #tpu.memory_space<vmem>>)
        tpu.yield
      }) : () -> ()
      "tpu.region"() ({
        %run_scoped3A_45 = tpu.sem_alloc : memref<!tpu.dma_semaphore, #tpu.memory_space<semaphore_mem>>
        %dma_start3A = arith.constant 0 : i32
        %dma_start3A_46 = tpu.memref_slice %arg3[%multiple_of3A_34, %dma_start3A] : memref<2500x128xi32, #tpu.memory_space<hbm>> -> memref<8x128xi32, #tpu.memory_space<hbm>>
        %dma_start3A_47 = arith.constant 0 : i32
        %dma_start3A_48 = tpu.memref_slice %arg3[%multiple_of3A_34, %dma_start3A_47] : memref<2500x128xi32, #tpu.memory_space<hbm>> -> memref<8x128xi32, #tpu.memory_space<hbm>>
        tpu.enqueue_dma source(%dma_start3A_48 : memref<8x128xi32, #tpu.memory_space<hbm>>) target(%arg7 : memref<8x128xi32, #tpu.memory_space<vmem>>) target_semaphore(%run_scoped3A_45 : memref<!tpu.dma_semaphore, #tpu.memory_space<semaphore_mem>>)
        %dma_wait3A = arith.constant 0 : i32
        %dma_wait3A_49 = tpu.memref_slice %arg3[%multiple_of3A_34, %dma_wait3A] : memref<2500x128xi32, #tpu.memory_space<hbm>> -> memref<8x128xi32, #tpu.memory_space<hbm>>
        %dma_wait3A_50 = arith.constant 0 : i32
        %dma_wait3A_51 = tpu.memref_slice %arg3[%multiple_of3A_34, %dma_wait3A_50] : memref<2500x128xi32, #tpu.memory_space<hbm>> -> memref<8x128xi32, #tpu.memory_space<hbm>>
        tpu.wait_dma2 semaphore(%run_scoped3A_45 : memref<!tpu.dma_semaphore, #tpu.memory_space<semaphore_mem>>) src(%dma_wait3A_51 : memref<8x128xi32, #tpu.memory_space<hbm>>) dst(%arg7 : memref<8x128xi32, #tpu.memory_space<vmem>>)
        tpu.yield
      }) : () -> ()
      %run_scoped3A = arith.constant 0 : i32
      "tpu.region"() ({
        %run_scoped3A_45 = tpu.sem_alloc : memref<!tpu.dma_semaphore, #tpu.memory_space<semaphore_mem>>
        %dma_start3A = arith.constant 0 : i32
        %dma_start3A_46 = arith.constant 0 : i32
        %dma_start3A_47 = tpu.memref_slice %arg6[%dma_start3A, %dma_start3A_46] : memref<1024x64xf32, #tpu.memory_space<vmem>> -> memref<128x64xf32, #tpu.memory_space<vmem>>
        %dma_start3A_48 = arith.constant 0 : i32
        %dma_start3A_49 = tpu.memref_slice %arg7[%run_scoped3A, %dma_start3A_48] : memref<8x128xi32, #tpu.memory_space<vmem>> -> memref<1x128xi32, #tpu.memory_space<vmem>>
        %dma_start3A_50 = tpu.memref_squeeze %dma_start3A_49 : memref<1x128xi32, #tpu.memory_space<vmem>> -> memref<128xi32, #tpu.memory_space<vmem>>
        %dma_start3A_51 = arith.constant 0 : i32
        %dma_start3A_52 = arith.constant 0 : i32
        %dma_start3A_53 = tpu.memref_slice %arg8[%dma_start3A_51, %dma_start3A_52] : memref<10000x64xf32, #tpu.memory_space<vmem_shared>> -> memref<10000x64xf32, #tpu.memory_space<vmem_shared>>
        tpu.enqueue_indirect_dma source(%dma_start3A_47 : memref<128x64xf32, #tpu.memory_space<vmem>>) target(%dma_start3A_53 : memref<10000x64xf32, #tpu.memory_space<vmem_shared>>) offsets(%dma_start3A_50 : memref<128xi32, #tpu.memory_space<vmem>>) semaphore(%run_scoped3A_45 : memref<!tpu.dma_semaphore, #tpu.memory_space<semaphore_mem>>) {add = true}
        %dma_wait3A = arith.constant 0 : i32
        %dma_wait3A_54 = arith.constant 0 : i32
        %dma_wait3A_55 = tpu.memref_slice %arg6[%dma_wait3A, %dma_wait3A_54] : memref<1024x64xf32, #tpu.memory_space<vmem>> -> memref<128x64xf32, #tpu.memory_space<vmem>>
        %dma_wait3A_56 = arith.constant 0 : i32
        %dma_wait3A_57 = tpu.memref_slice %arg7[%run_scoped3A, %dma_wait3A_56] : memref<8x128xi32, #tpu.memory_space<vmem>> -> memref<1x128xi32, #tpu.memory_space<vmem>>
        %dma_wait3A_58 = tpu.memref_squeeze %dma_wait3A_57 : memref<1x128xi32, #tpu.memory_space<vmem>> -> memref<128xi32, #tpu.memory_space<vmem>>
        %dma_wait3A_59 = arith.constant 0 : i32
        %dma_wait3A_60 = arith.constant 0 : i32
        %dma_wait3A_61 = tpu.memref_slice %arg8[%dma_wait3A_59, %dma_wait3A_60] : memref<10000x64xf32, #tpu.memory_space<vmem_shared>> -> memref<10000x64xf32, #tpu.memory_space<vmem_shared>>
        tpu.wait_indirect_dma semaphore(%run_scoped3A_45 : memref<!tpu.dma_semaphore, #tpu.memory_space<semaphore_mem>>) src(%dma_wait3A_55 : memref<128x64xf32, #tpu.memory_space<vmem>>) dst(%dma_wait3A_61 : memref<10000x64xf32, #tpu.memory_space<vmem_shared>>)
        tpu.yield
      }) : () -> ()
      %run_scoped3A_38 = arith.constant 1 : i32
      "tpu.region"() ({
        %run_scoped3A_45 = tpu.sem_alloc : memref<!tpu.dma_semaphore, #tpu.memory_space<semaphore_mem>>
        %dma_start3A = arith.constant 128 : i32
        %dma_start3A_46 = arith.constant 0 : i32
        %dma_start3A_47 = tpu.memref_slice %arg6[%dma_start3A, %dma_start3A_46] : memref<1024x64xf32, #tpu.memory_space<vmem>> -> memref<128x64xf32, #tpu.memory_space<vmem>>
        %dma_start3A_48 = arith.constant 0 : i32
        %dma_start3A_49 = tpu.memref_slice %arg7[%run_scoped3A_38, %dma_start3A_48] : memref<8x128xi32, #tpu.memory_space<vmem>> -> memref<1x128xi32, #tpu.memory_space<vmem>>
        %dma_start3A_50 = tpu.memref_squeeze %dma_start3A_49 : memref<1x128xi32, #tpu.memory_space<vmem>> -> memref<128xi32, #tpu.memory_space<vmem>>
        %dma_start3A_51 = arith.constant 0 : i32
        %dma_start3A_52 = arith.constant 0 : i32
        %dma_start3A_53 = tpu.memref_slice %arg8[%dma_start3A_51, %dma_start3A_52] : memref<10000x64xf32, #tpu.memory_space<vmem_shared>> -> memref<10000x64xf32, #tpu.memory_space<vmem_shared>>
        tpu.enqueue_indirect_dma source(%dma_start3A_47 : memref<128x64xf32, #tpu.memory_space<vmem>>) target(%dma_start3A_53 : memref<10000x64xf32, #tpu.memory_space<vmem_shared>>) offsets(%dma_start3A_50 : memref<128xi32, #tpu.memory_space<vmem>>) semaphore(%run_scoped3A_45 : memref<!tpu.dma_semaphore, #tpu.memory_space<semaphore_mem>>) {add = true}
        %dma_wait3A = arith.constant 128 : i32
        %dma_wait3A_54 = arith.constant 0 : i32
        %dma_wait3A_55 = tpu.memref_slice %arg6[%dma_wait3A, %dma_wait3A_54] : memref<1024x64xf32, #tpu.memory_space<vmem>> -> memref<128x64xf32, #tpu.memory_space<vmem>>
        %dma_wait3A_56 = arith.constant 0 : i32
        %dma_wait3A_57 = tpu.memref_slice %arg7[%run_scoped3A_38, %dma_wait3A_56] : memref<8x128xi32, #tpu.memory_space<vmem>> -> memref<1x128xi32, #tpu.memory_space<vmem>>
        %dma_wait3A_58 = tpu.memref_squeeze %dma_wait3A_57 : memref<1x128xi32, #tpu.memory_space<vmem>> -> memref<128xi32, #tpu.memory_space<vmem>>
        %dma_wait3A_59 = arith.constant 0 : i32
        %dma_wait3A_60 = arith.constant 0 : i32
        %dma_wait3A_61 = tpu.memref_slice %arg8[%dma_wait3A_59, %dma_wait3A_60] : memref<10000x64xf32, #tpu.memory_space<vmem_shared>> -> memref<10000x64xf32, #tpu.memory_space<vmem_shared>>
        tpu.wait_indirect_dma semaphore(%run_scoped3A_45 : memref<!tpu.dma_semaphore, #tpu.memory_space<semaphore_mem>>) src(%dma_wait3A_55 : memref<128x64xf32, #tpu.memory_space<vmem>>) dst(%dma_wait3A_61 : memref<10000x64xf32, #tpu.memory_space<vmem_shared>>)
        tpu.yield
      }) : () -> ()
      %run_scoped3A_39 = arith.constant 2 : i32
      "tpu.region"() ({
        %run_scoped3A_45 = tpu.sem_alloc : memref<!tpu.dma_semaphore, #tpu.memory_space<semaphore_mem>>
        %dma_start3A = arith.constant 256 : i32
        %dma_start3A_46 = arith.constant 0 : i32
        %dma_start3A_47 = tpu.memref_slice %arg6[%dma_start3A, %dma_start3A_46] : memref<1024x64xf32, #tpu.memory_space<vmem>> -> memref<128x64xf32, #tpu.memory_space<vmem>>
        %dma_start3A_48 = arith.constant 0 : i32
        %dma_start3A_49 = tpu.memref_slice %arg7[%run_scoped3A_39, %dma_start3A_48] : memref<8x128xi32, #tpu.memory_space<vmem>> -> memref<1x128xi32, #tpu.memory_space<vmem>>
        %dma_start3A_50 = tpu.memref_squeeze %dma_start3A_49 : memref<1x128xi32, #tpu.memory_space<vmem>> -> memref<128xi32, #tpu.memory_space<vmem>>
        %dma_start3A_51 = arith.constant 0 : i32
        %dma_start3A_52 = arith.constant 0 : i32
        %dma_start3A_53 = tpu.memref_slice %arg8[%dma_start3A_51, %dma_start3A_52] : memref<10000x64xf32, #tpu.memory_space<vmem_shared>> -> memref<10000x64xf32, #tpu.memory_space<vmem_shared>>
        tpu.enqueue_indirect_dma source(%dma_start3A_47 : memref<128x64xf32, #tpu.memory_space<vmem>>) target(%dma_start3A_53 : memref<10000x64xf32, #tpu.memory_space<vmem_shared>>) offsets(%dma_start3A_50 : memref<128xi32, #tpu.memory_space<vmem>>) semaphore(%run_scoped3A_45 : memref<!tpu.dma_semaphore, #tpu.memory_space<semaphore_mem>>) {add = true}
        %dma_wait3A = arith.constant 256 : i32
        %dma_wait3A_54 = arith.constant 0 : i32
        %dma_wait3A_55 = tpu.memref_slice %arg6[%dma_wait3A, %dma_wait3A_54] : memref<1024x64xf32, #tpu.memory_space<vmem>> -> memref<128x64xf32, #tpu.memory_space<vmem>>
        %dma_wait3A_56 = arith.constant 0 : i32
        %dma_wait3A_57 = tpu.memref_slice %arg7[%run_scoped3A_39, %dma_wait3A_56] : memref<8x128xi32, #tpu.memory_space<vmem>> -> memref<1x128xi32, #tpu.memory_space<vmem>>
        %dma_wait3A_58 = tpu.memref_squeeze %dma_wait3A_57 : memref<1x128xi32, #tpu.memory_space<vmem>> -> memref<128xi32, #tpu.memory_space<vmem>>
        %dma_wait3A_59 = arith.constant 0 : i32
        %dma_wait3A_60 = arith.constant 0 : i32
        %dma_wait3A_61 = tpu.memref_slice %arg8[%dma_wait3A_59, %dma_wait3A_60] : memref<10000x64xf32, #tpu.memory_space<vmem_shared>> -> memref<10000x64xf32, #tpu.memory_space<vmem_shared>>
        tpu.wait_indirect_dma semaphore(%run_scoped3A_45 : memref<!tpu.dma_semaphore, #tpu.memory_space<semaphore_mem>>) src(%dma_wait3A_55 : memref<128x64xf32, #tpu.memory_space<vmem>>) dst(%dma_wait3A_61 : memref<10000x64xf32, #tpu.memory_space<vmem_shared>>)
        tpu.yield
      }) : () -> ()
      %run_scoped3A_40 = arith.constant 3 : i32
      "tpu.region"() ({
        %run_scoped3A_45 = tpu.sem_alloc : memref<!tpu.dma_semaphore, #tpu.memory_space<semaphore_mem>>
        %dma_start3A = arith.constant 384 : i32
        %dma_start3A_46 = arith.constant 0 : i32
        %dma_start3A_47 = tpu.memref_slice %arg6[%dma_start3A, %dma_start3A_46] : memref<1024x64xf32, #tpu.memory_space<vmem>> -> memref<128x64xf32, #tpu.memory_space<vmem>>
        %dma_start3A_48 = arith.constant 0 : i32
        %dma_start3A_49 = tpu.memref_slice %arg7[%run_scoped3A_40, %dma_start3A_48] : memref<8x128xi32, #tpu.memory_space<vmem>> -> memref<1x128xi32, #tpu.memory_space<vmem>>
        %dma_start3A_50 = tpu.memref_squeeze %dma_start3A_49 : memref<1x128xi32, #tpu.memory_space<vmem>> -> memref<128xi32, #tpu.memory_space<vmem>>
        %dma_start3A_51 = arith.constant 0 : i32
        %dma_start3A_52 = arith.constant 0 : i32
        %dma_start3A_53 = tpu.memref_slice %arg8[%dma_start3A_51, %dma_start3A_52] : memref<10000x64xf32, #tpu.memory_space<vmem_shared>> -> memref<10000x64xf32, #tpu.memory_space<vmem_shared>>
        tpu.enqueue_indirect_dma source(%dma_start3A_47 : memref<128x64xf32, #tpu.memory_space<vmem>>) target(%dma_start3A_53 : memref<10000x64xf32, #tpu.memory_space<vmem_shared>>) offsets(%dma_start3A_50 : memref<128xi32, #tpu.memory_space<vmem>>) semaphore(%run_scoped3A_45 : memref<!tpu.dma_semaphore, #tpu.memory_space<semaphore_mem>>) {add = true}
        %dma_wait3A = arith.constant 384 : i32
        %dma_wait3A_54 = arith.constant 0 : i32
        %dma_wait3A_55 = tpu.memref_slice %arg6[%dma_wait3A, %dma_wait3A_54] : memref<1024x64xf32, #tpu.memory_space<vmem>> -> memref<128x64xf32, #tpu.memory_space<vmem>>
        %dma_wait3A_56 = arith.constant 0 : i32
        %dma_wait3A_57 = tpu.memref_slice %arg7[%run_scoped3A_40, %dma_wait3A_56] : memref<8x128xi32, #tpu.memory_space<vmem>> -> memref<1x128xi32, #tpu.memory_space<vmem>>
        %dma_wait3A_58 = tpu.memref_squeeze %dma_wait3A_57 : memref<1x128xi32, #tpu.memory_space<vmem>> -> memref<128xi32, #tpu.memory_space<vmem>>
        %dma_wait3A_59 = arith.constant 0 : i32
        %dma_wait3A_60 = arith.constant 0 : i32
        %dma_wait3A_61 = tpu.memref_slice %arg8[%dma_wait3A_59, %dma_wait3A_60] : memref<10000x64xf32, #tpu.memory_space<vmem_shared>> -> memref<10000x64xf32, #tpu.memory_space<vmem_shared>>
        tpu.wait_indirect_dma semaphore(%run_scoped3A_45 : memref<!tpu.dma_semaphore, #tpu.memory_space<semaphore_mem>>) src(%dma_wait3A_55 : memref<128x64xf32, #tpu.memory_space<vmem>>) dst(%dma_wait3A_61 : memref<10000x64xf32, #tpu.memory_space<vmem_shared>>)
        tpu.yield
      }) : () -> ()
      %run_scoped3A_41 = arith.constant 4 : i32
      "tpu.region"() ({
        %run_scoped3A_45 = tpu.sem_alloc : memref<!tpu.dma_semaphore, #tpu.memory_space<semaphore_mem>>
        %dma_start3A = arith.constant 512 : i32
        %dma_start3A_46 = arith.constant 0 : i32
        %dma_start3A_47 = tpu.memref_slice %arg6[%dma_start3A, %dma_start3A_46] : memref<1024x64xf32, #tpu.memory_space<vmem>> -> memref<128x64xf32, #tpu.memory_space<vmem>>
        %dma_start3A_48 = arith.constant 0 : i32
        %dma_start3A_49 = tpu.memref_slice %arg7[%run_scoped3A_41, %dma_start3A_48] : memref<8x128xi32, #tpu.memory_space<vmem>> -> memref<1x128xi32, #tpu.memory_space<vmem>>
        %dma_start3A_50 = tpu.memref_squeeze %dma_start3A_49 : memref<1x128xi32, #tpu.memory_space<vmem>> -> memref<128xi32, #tpu.memory_space<vmem>>
        %dma_start3A_51 = arith.constant 0 : i32
        %dma_start3A_52 = arith.constant 0 : i32
        %dma_start3A_53 = tpu.memref_slice %arg8[%dma_start3A_51, %dma_start3A_52] : memref<10000x64xf32, #tpu.memory_space<vmem_shared>> -> memref<10000x64xf32, #tpu.memory_space<vmem_shared>>
        tpu.enqueue_indirect_dma source(%dma_start3A_47 : memref<128x64xf32, #tpu.memory_space<vmem>>) target(%dma_start3A_53 : memref<10000x64xf32, #tpu.memory_space<vmem_shared>>) offsets(%dma_start3A_50 : memref<128xi32, #tpu.memory_space<vmem>>) semaphore(%run_scoped3A_45 : memref<!tpu.dma_semaphore, #tpu.memory_space<semaphore_mem>>) {add = true}
        %dma_wait3A = arith.constant 512 : i32
        %dma_wait3A_54 = arith.constant 0 : i32
        %dma_wait3A_55 = tpu.memref_slice %arg6[%dma_wait3A, %dma_wait3A_54] : memref<1024x64xf32, #tpu.memory_space<vmem>> -> memref<128x64xf32, #tpu.memory_space<vmem>>
        %dma_wait3A_56 = arith.constant 0 : i32
        %dma_wait3A_57 = tpu.memref_slice %arg7[%run_scoped3A_41, %dma_wait3A_56] : memref<8x128xi32, #tpu.memory_space<vmem>> -> memref<1x128xi32, #tpu.memory_space<vmem>>
        %dma_wait3A_58 = tpu.memref_squeeze %dma_wait3A_57 : memref<1x128xi32, #tpu.memory_space<vmem>> -> memref<128xi32, #tpu.memory_space<vmem>>
        %dma_wait3A_59 = arith.constant 0 : i32
        %dma_wait3A_60 = arith.constant 0 : i32
        %dma_wait3A_61 = tpu.memref_slice %arg8[%dma_wait3A_59, %dma_wait3A_60] : memref<10000x64xf32, #tpu.memory_space<vmem_shared>> -> memref<10000x64xf32, #tpu.memory_space<vmem_shared>>
        tpu.wait_indirect_dma semaphore(%run_scoped3A_45 : memref<!tpu.dma_semaphore, #tpu.memory_space<semaphore_mem>>) src(%dma_wait3A_55 : memref<128x64xf32, #tpu.memory_space<vmem>>) dst(%dma_wait3A_61 : memref<10000x64xf32, #tpu.memory_space<vmem_shared>>)
        tpu.yield
      }) : () -> ()
      %run_scoped3A_42 = arith.constant 5 : i32
      "tpu.region"() ({
        %run_scoped3A_45 = tpu.sem_alloc : memref<!tpu.dma_semaphore, #tpu.memory_space<semaphore_mem>>
        %dma_start3A = arith.constant 640 : i32
        %dma_start3A_46 = arith.constant 0 : i32
        %dma_start3A_47 = tpu.memref_slice %arg6[%dma_start3A, %dma_start3A_46] : memref<1024x64xf32, #tpu.memory_space<vmem>> -> memref<128x64xf32, #tpu.memory_space<vmem>>
        %dma_start3A_48 = arith.constant 0 : i32
        %dma_start3A_49 = tpu.memref_slice %arg7[%run_scoped3A_42, %dma_start3A_48] : memref<8x128xi32, #tpu.memory_space<vmem>> -> memref<1x128xi32, #tpu.memory_space<vmem>>
        %dma_start3A_50 = tpu.memref_squeeze %dma_start3A_49 : memref<1x128xi32, #tpu.memory_space<vmem>> -> memref<128xi32, #tpu.memory_space<vmem>>
        %dma_start3A_51 = arith.constant 0 : i32
        %dma_start3A_52 = arith.constant 0 : i32
        %dma_start3A_53 = tpu.memref_slice %arg8[%dma_start3A_51, %dma_start3A_52] : memref<10000x64xf32, #tpu.memory_space<vmem_shared>> -> memref<10000x64xf32, #tpu.memory_space<vmem_shared>>
        tpu.enqueue_indirect_dma source(%dma_start3A_47 : memref<128x64xf32, #tpu.memory_space<vmem>>) target(%dma_start3A_53 : memref<10000x64xf32, #tpu.memory_space<vmem_shared>>) offsets(%dma_start3A_50 : memref<128xi32, #tpu.memory_space<vmem>>) semaphore(%run_scoped3A_45 : memref<!tpu.dma_semaphore, #tpu.memory_space<semaphore_mem>>) {add = true}
        %dma_wait3A = arith.constant 640 : i32
        %dma_wait3A_54 = arith.constant 0 : i32
        %dma_wait3A_55 = tpu.memref_slice %arg6[%dma_wait3A, %dma_wait3A_54] : memref<1024x64xf32, #tpu.memory_space<vmem>> -> memref<128x64xf32, #tpu.memory_space<vmem>>
        %dma_wait3A_56 = arith.constant 0 : i32
        %dma_wait3A_57 = tpu.memref_slice %arg7[%run_scoped3A_42, %dma_wait3A_56] : memref<8x128xi32, #tpu.memory_space<vmem>> -> memref<1x128xi32, #tpu.memory_space<vmem>>
        %dma_wait3A_58 = tpu.memref_squeeze %dma_wait3A_57 : memref<1x128xi32, #tpu.memory_space<vmem>> -> memref<128xi32, #tpu.memory_space<vmem>>
        %dma_wait3A_59 = arith.constant 0 : i32
        %dma_wait3A_60 = arith.constant 0 : i32
        %dma_wait3A_61 = tpu.memref_slice %arg8[%dma_wait3A_59, %dma_wait3A_60] : memref<10000x64xf32, #tpu.memory_space<vmem_shared>> -> memref<10000x64xf32, #tpu.memory_space<vmem_shared>>
        tpu.wait_indirect_dma semaphore(%run_scoped3A_45 : memref<!tpu.dma_semaphore, #tpu.memory_space<semaphore_mem>>) src(%dma_wait3A_55 : memref<128x64xf32, #tpu.memory_space<vmem>>) dst(%dma_wait3A_61 : memref<10000x64xf32, #tpu.memory_space<vmem_shared>>)
        tpu.yield
      }) : () -> ()
      %run_scoped3A_43 = arith.constant 6 : i32
      "tpu.region"() ({
        %run_scoped3A_45 = tpu.sem_alloc : memref<!tpu.dma_semaphore, #tpu.memory_space<semaphore_mem>>
        %dma_start3A = arith.constant 768 : i32
        %dma_start3A_46 = arith.constant 0 : i32
        %dma_start3A_47 = tpu.memref_slice %arg6[%dma_start3A, %dma_start3A_46] : memref<1024x64xf32, #tpu.memory_space<vmem>> -> memref<128x64xf32, #tpu.memory_space<vmem>>
        %dma_start3A_48 = arith.constant 0 : i32
        %dma_start3A_49 = tpu.memref_slice %arg7[%run_scoped3A_43, %dma_start3A_48] : memref<8x128xi32, #tpu.memory_space<vmem>> -> memref<1x128xi32, #tpu.memory_space<vmem>>
        %dma_start3A_50 = tpu.memref_squeeze %dma_start3A_49 : memref<1x128xi32, #tpu.memory_space<vmem>> -> memref<128xi32, #tpu.memory_space<vmem>>
        %dma_start3A_51 = arith.constant 0 : i32
        %dma_start3A_52 = arith.constant 0 : i32
        %dma_start3A_53 = tpu.memref_slice %arg8[%dma_start3A_51, %dma_start3A_52] : memref<10000x64xf32, #tpu.memory_space<vmem_shared>> -> memref<10000x64xf32, #tpu.memory_space<vmem_shared>>
        tpu.enqueue_indirect_dma source(%dma_start3A_47 : memref<128x64xf32, #tpu.memory_space<vmem>>) target(%dma_start3A_53 : memref<10000x64xf32, #tpu.memory_space<vmem_shared>>) offsets(%dma_start3A_50 : memref<128xi32, #tpu.memory_space<vmem>>) semaphore(%run_scoped3A_45 : memref<!tpu.dma_semaphore, #tpu.memory_space<semaphore_mem>>) {add = true}
        %dma_wait3A = arith.constant 768 : i32
        %dma_wait3A_54 = arith.constant 0 : i32
        %dma_wait3A_55 = tpu.memref_slice %arg6[%dma_wait3A, %dma_wait3A_54] : memref<1024x64xf32, #tpu.memory_space<vmem>> -> memref<128x64xf32, #tpu.memory_space<vmem>>
        %dma_wait3A_56 = arith.constant 0 : i32
        %dma_wait3A_57 = tpu.memref_slice %arg7[%run_scoped3A_43, %dma_wait3A_56] : memref<8x128xi32, #tpu.memory_space<vmem>> -> memref<1x128xi32, #tpu.memory_space<vmem>>
        %dma_wait3A_58 = tpu.memref_squeeze %dma_wait3A_57 : memref<1x128xi32, #tpu.memory_space<vmem>> -> memref<128xi32, #tpu.memory_space<vmem>>
        %dma_wait3A_59 = arith.constant 0 : i32
        %dma_wait3A_60 = arith.constant 0 : i32
        %dma_wait3A_61 = tpu.memref_slice %arg8[%dma_wait3A_59, %dma_wait3A_60] : memref<10000x64xf32, #tpu.memory_space<vmem_shared>> -> memref<10000x64xf32, #tpu.memory_space<vmem_shared>>
        tpu.wait_indirect_dma semaphore(%run_scoped3A_45 : memref<!tpu.dma_semaphore, #tpu.memory_space<semaphore_mem>>) src(%dma_wait3A_55 : memref<128x64xf32, #tpu.memory_space<vmem>>) dst(%dma_wait3A_61 : memref<10000x64xf32, #tpu.memory_space<vmem_shared>>)
        tpu.yield
      }) : () -> ()
      %run_scoped3A_44 = arith.constant 7 : i32
      "tpu.region"() ({
        %run_scoped3A_45 = tpu.sem_alloc : memref<!tpu.dma_semaphore, #tpu.memory_space<semaphore_mem>>
        %dma_start3A = arith.constant 896 : i32
        %dma_start3A_46 = arith.constant 0 : i32
        %dma_start3A_47 = tpu.memref_slice %arg6[%dma_start3A, %dma_start3A_46] : memref<1024x64xf32, #tpu.memory_space<vmem>> -> memref<128x64xf32, #tpu.memory_space<vmem>>
        %dma_start3A_48 = arith.constant 0 : i32
        %dma_start3A_49 = tpu.memref_slice %arg7[%run_scoped3A_44, %dma_start3A_48] : memref<8x128xi32, #tpu.memory_space<vmem>> -> memref<1x128xi32, #tpu.memory_space<vmem>>
        %dma_start3A_50 = tpu.memref_squeeze %dma_start3A_49 : memref<1x128xi32, #tpu.memory_space<vmem>> -> memref<128xi32, #tpu.memory_space<vmem>>
        %dma_start3A_51 = arith.constant 0 : i32
        %dma_start3A_52 = arith.constant 0 : i32
        %dma_start3A_53 = tpu.memref_slice %arg8[%dma_start3A_51, %dma_start3A_52] : memref<10000x64xf32, #tpu.memory_space<vmem_shared>> -> memref<10000x64xf32, #tpu.memory_space<vmem_shared>>
        tpu.enqueue_indirect_dma source(%dma_start3A_47 : memref<128x64xf32, #tpu.memory_space<vmem>>) target(%dma_start3A_53 : memref<10000x64xf32, #tpu.memory_space<vmem_shared>>) offsets(%dma_start3A_50 : memref<128xi32, #tpu.memory_space<vmem>>) semaphore(%run_scoped3A_45 : memref<!tpu.dma_semaphore, #tpu.memory_space<semaphore_mem>>) {add = true}
        %dma_wait3A = arith.constant 896 : i32
        %dma_wait3A_54 = arith.constant 0 : i32
        %dma_wait3A_55 = tpu.memref_slice %arg6[%dma_wait3A, %dma_wait3A_54] : memref<1024x64xf32, #tpu.memory_space<vmem>> -> memref<128x64xf32, #tpu.memory_space<vmem>>
        %dma_wait3A_56 = arith.constant 0 : i32
        %dma_wait3A_57 = tpu.memref_slice %arg7[%run_scoped3A_44, %dma_wait3A_56] : memref<8x128xi32, #tpu.memory_space<vmem>> -> memref<1x128xi32, #tpu.memory_space<vmem>>
        %dma_wait3A_58 = tpu.memref_squeeze %dma_wait3A_57 : memref<1x128xi32, #tpu.memory_space<vmem>> -> memref<128xi32, #tpu.memory_space<vmem>>
        %dma_wait3A_59 = arith.constant 0 : i32
        %dma_wait3A_60 = arith.constant 0 : i32
        %dma_wait3A_61 = tpu.memref_slice %arg8[%dma_wait3A_59, %dma_wait3A_60] : memref<10000x64xf32, #tpu.memory_space<vmem_shared>> -> memref<10000x64xf32, #tpu.memory_space<vmem_shared>>
        tpu.wait_indirect_dma semaphore(%run_scoped3A_45 : memref<!tpu.dma_semaphore, #tpu.memory_space<semaphore_mem>>) src(%dma_wait3A_55 : memref<128x64xf32, #tpu.memory_space<vmem>>) dst(%dma_wait3A_61 : memref<10000x64xf32, #tpu.memory_space<vmem_shared>>)
        tpu.yield
      }) : () -> ()
    }
    %while3A_18 = arith.constant 1 : i32
    scf.for %while3A_30 = %while3A_16 to %while3A_12 step %while3A_18  : i32 {
      %mul3A_31 = arith.constant 8 : i32
      %mul3A_32 = arith.muli %while3A_30, %mul3A_31 : i32
      %add3A_33 = arith.addi %mul3A_6, %mul3A_32 : i32
      %multiple_of3A_34 = tpu.assume_multiple %add3A_33, 8 : i32
      %mul3A_35 = arith.constant 128 : i32
      %mul3A_36 = arith.muli %multiple_of3A_34, %mul3A_35 : i32
      %multiple_of3A_37 = tpu.assume_multiple %mul3A_36, 1024 : i32
      "tpu.region"() ({
        %run_scoped3A_45 = tpu.sem_alloc : memref<!tpu.dma_semaphore, #tpu.memory_space<semaphore_mem>>
        %dma_start3A = arith.constant 0 : i32
        %dma_start3A_46 = tpu.memref_slice %arg2[%multiple_of3A_37, %dma_start3A] : memref<320000x64xf32, #tpu.memory_space<hbm>> -> memref<1024x64xf32, #tpu.memory_space<hbm>>
        %dma_start3A_47 = arith.constant 0 : i32
        %dma_start3A_48 = tpu.memref_slice %arg2[%multiple_of3A_37, %dma_start3A_47] : memref<320000x64xf32, #tpu.memory_space<hbm>> -> memref<1024x64xf32, #tpu.memory_space<hbm>>
        tpu.enqueue_dma source(%dma_start3A_48 : memref<1024x64xf32, #tpu.memory_space<hbm>>) target(%arg6 : memref<1024x64xf32, #tpu.memory_space<vmem>>) target_semaphore(%run_scoped3A_45 : memref<!tpu.dma_semaphore, #tpu.memory_space<semaphore_mem>>)
        %dma_wait3A = arith.constant 0 : i32
        %dma_wait3A_49 = tpu.memref_slice %arg2[%multiple_of3A_37, %dma_wait3A] : memref<320000x64xf32, #tpu.memory_space<hbm>> -> memref<1024x64xf32, #tpu.memory_space<hbm>>
        %dma_wait3A_50 = arith.constant 0 : i32
        %dma_wait3A_51 = tpu.memref_slice %arg2[%multiple_of3A_37, %dma_wait3A_50] : memref<320000x64xf32, #tpu.memory_space<hbm>> -> memref<1024x64xf32, #tpu.memory_space<hbm>>
        tpu.wait_dma2 semaphore(%run_scoped3A_45 : memref<!tpu.dma_semaphore, #tpu.memory_space<semaphore_mem>>) src(%dma_wait3A_51 : memref<1024x64xf32, #tpu.memory_space<hbm>>) dst(%arg6 : memref<1024x64xf32, #tpu.memory_space<vmem>>)
        tpu.yield
      }) : () -> ()
      "tpu.region"() ({
        %run_scoped3A_45 = tpu.sem_alloc : memref<!tpu.dma_semaphore, #tpu.memory_space<semaphore_mem>>
        %dma_start3A = arith.constant 0 : i32
        %dma_start3A_46 = tpu.memref_slice %arg3[%multiple_of3A_34, %dma_start3A] : memref<2500x128xi32, #tpu.memory_space<hbm>> -> memref<8x128xi32, #tpu.memory_space<hbm>>
        %dma_start3A_47 = arith.constant 0 : i32
        %dma_start3A_48 = tpu.memref_slice %arg3[%multiple_of3A_34, %dma_start3A_47] : memref<2500x128xi32, #tpu.memory_space<hbm>> -> memref<8x128xi32, #tpu.memory_space<hbm>>
        tpu.enqueue_dma source(%dma_start3A_48 : memref<8x128xi32, #tpu.memory_space<hbm>>) target(%arg7 : memref<8x128xi32, #tpu.memory_space<vmem>>) target_semaphore(%run_scoped3A_45 : memref<!tpu.dma_semaphore, #tpu.memory_space<semaphore_mem>>)
        %dma_wait3A = arith.constant 0 : i32
        %dma_wait3A_49 = tpu.memref_slice %arg3[%multiple_of3A_34, %dma_wait3A] : memref<2500x128xi32, #tpu.memory_space<hbm>> -> memref<8x128xi32, #tpu.memory_space<hbm>>
        %dma_wait3A_50 = arith.constant 0 : i32
        %dma_wait3A_51 = tpu.memref_slice %arg3[%multiple_of3A_34, %dma_wait3A_50] : memref<2500x128xi32, #tpu.memory_space<hbm>> -> memref<8x128xi32, #tpu.memory_space<hbm>>
        tpu.wait_dma2 semaphore(%run_scoped3A_45 : memref<!tpu.dma_semaphore, #tpu.memory_space<semaphore_mem>>) src(%dma_wait3A_51 : memref<8x128xi32, #tpu.memory_space<hbm>>) dst(%arg7 : memref<8x128xi32, #tpu.memory_space<vmem>>)
        tpu.yield
      }) : () -> ()
      %run_scoped3A = arith.constant 0 : i32
      "tpu.region"() ({
        %run_scoped3A_45 = tpu.sem_alloc : memref<!tpu.dma_semaphore, #tpu.memory_space<semaphore_mem>>
        %dma_start3A = arith.constant 0 : i32
        %dma_start3A_46 = arith.constant 0 : i32
        %dma_start3A_47 = tpu.memref_slice %arg6[%dma_start3A, %dma_start3A_46] : memref<1024x64xf32, #tpu.memory_space<vmem>> -> memref<128x64xf32, #tpu.memory_space<vmem>>
        %dma_start3A_48 = arith.constant 0 : i32
        %dma_start3A_49 = tpu.memref_slice %arg7[%run_scoped3A, %dma_start3A_48] : memref<8x128xi32, #tpu.memory_space<vmem>> -> memref<1x128xi32, #tpu.memory_space<vmem>>
        %dma_start3A_50 = tpu.memref_squeeze %dma_start3A_49 : memref<1x128xi32, #tpu.memory_space<vmem>> -> memref<128xi32, #tpu.memory_space<vmem>>
        %dma_start3A_51 = arith.constant 0 : i32
        %dma_start3A_52 = arith.constant 0 : i32
        %dma_start3A_53 = tpu.memref_slice %arg8[%dma_start3A_51, %dma_start3A_52] : memref<10000x64xf32, #tpu.memory_space<vmem_shared>> -> memref<10000x64xf32, #tpu.memory_space<vmem_shared>>
        tpu.enqueue_indirect_dma source(%dma_start3A_47 : memref<128x64xf32, #tpu.memory_space<vmem>>) target(%dma_start3A_53 : memref<10000x64xf32, #tpu.memory_space<vmem_shared>>) offsets(%dma_start3A_50 : memref<128xi32, #tpu.memory_space<vmem>>) semaphore(%run_scoped3A_45 : memref<!tpu.dma_semaphore, #tpu.memory_space<semaphore_mem>>) {add = true}
        %dma_wait3A = arith.constant 0 : i32
        %dma_wait3A_54 = arith.constant 0 : i32
        %dma_wait3A_55 = tpu.memref_slice %arg6[%dma_wait3A, %dma_wait3A_54] : memref<1024x64xf32, #tpu.memory_space<vmem>> -> memref<128x64xf32, #tpu.memory_space<vmem>>
        %dma_wait3A_56 = arith.constant 0 : i32
        %dma_wait3A_57 = tpu.memref_slice %arg7[%run_scoped3A, %dma_wait3A_56] : memref<8x128xi32, #tpu.memory_space<vmem>> -> memref<1x128xi32, #tpu.memory_space<vmem>>
        %dma_wait3A_58 = tpu.memref_squeeze %dma_wait3A_57 : memref<1x128xi32, #tpu.memory_space<vmem>> -> memref<128xi32, #tpu.memory_space<vmem>>
        %dma_wait3A_59 = arith.constant 0 : i32
        %dma_wait3A_60 = arith.constant 0 : i32
        %dma_wait3A_61 = tpu.memref_slice %arg8[%dma_wait3A_59, %dma_wait3A_60] : memref<10000x64xf32, #tpu.memory_space<vmem_shared>> -> memref<10000x64xf32, #tpu.memory_space<vmem_shared>>
        tpu.wait_indirect_dma semaphore(%run_scoped3A_45 : memref<!tpu.dma_semaphore, #tpu.memory_space<semaphore_mem>>) src(%dma_wait3A_55 : memref<128x64xf32, #tpu.memory_space<vmem>>) dst(%dma_wait3A_61 : memref<10000x64xf32, #tpu.memory_space<vmem_shared>>)
        tpu.yield
      }) : () -> ()
      %run_scoped3A_38 = arith.constant 1 : i32
      "tpu.region"() ({
        %run_scoped3A_45 = tpu.sem_alloc : memref<!tpu.dma_semaphore, #tpu.memory_space<semaphore_mem>>
        %dma_start3A = arith.constant 128 : i32
        %dma_start3A_46 = arith.constant 0 : i32
        %dma_start3A_47 = tpu.memref_slice %arg6[%dma_start3A, %dma_start3A_46] : memref<1024x64xf32, #tpu.memory_space<vmem>> -> memref<128x64xf32, #tpu.memory_space<vmem>>
        %dma_start3A_48 = arith.constant 0 : i32
        %dma_start3A_49 = tpu.memref_slice %arg7[%run_scoped3A_38, %dma_start3A_48] : memref<8x128xi32, #tpu.memory_space<vmem>> -> memref<1x128xi32, #tpu.memory_space<vmem>>
        %dma_start3A_50 = tpu.memref_squeeze %dma_start3A_49 : memref<1x128xi32, #tpu.memory_space<vmem>> -> memref<128xi32, #tpu.memory_space<vmem>>
        %dma_start3A_51 = arith.constant 0 : i32
        %dma_start3A_52 = arith.constant 0 : i32
        %dma_start3A_53 = tpu.memref_slice %arg8[%dma_start3A_51, %dma_start3A_52] : memref<10000x64xf32, #tpu.memory_space<vmem_shared>> -> memref<10000x64xf32, #tpu.memory_space<vmem_shared>>
        tpu.enqueue_indirect_dma source(%dma_start3A_47 : memref<128x64xf32, #tpu.memory_space<vmem>>) target(%dma_start3A_53 : memref<10000x64xf32, #tpu.memory_space<vmem_shared>>) offsets(%dma_start3A_50 : memref<128xi32, #tpu.memory_space<vmem>>) semaphore(%run_scoped3A_45 : memref<!tpu.dma_semaphore, #tpu.memory_space<semaphore_mem>>) {add = true}
        %dma_wait3A = arith.constant 128 : i32
        %dma_wait3A_54 = arith.constant 0 : i32
        %dma_wait3A_55 = tpu.memref_slice %arg6[%dma_wait3A, %dma_wait3A_54] : memref<1024x64xf32, #tpu.memory_space<vmem>> -> memref<128x64xf32, #tpu.memory_space<vmem>>
        %dma_wait3A_56 = arith.constant 0 : i32
        %dma_wait3A_57 = tpu.memref_slice %arg7[%run_scoped3A_38, %dma_wait3A_56] : memref<8x128xi32, #tpu.memory_space<vmem>> -> memref<1x128xi32, #tpu.memory_space<vmem>>
        %dma_wait3A_58 = tpu.memref_squeeze %dma_wait3A_57 : memref<1x128xi32, #tpu.memory_space<vmem>> -> memref<128xi32, #tpu.memory_space<vmem>>
        %dma_wait3A_59 = arith.constant 0 : i32
        %dma_wait3A_60 = arith.constant 0 : i32
        %dma_wait3A_61 = tpu.memref_slice %arg8[%dma_wait3A_59, %dma_wait3A_60] : memref<10000x64xf32, #tpu.memory_space<vmem_shared>> -> memref<10000x64xf32, #tpu.memory_space<vmem_shared>>
        tpu.wait_indirect_dma semaphore(%run_scoped3A_45 : memref<!tpu.dma_semaphore, #tpu.memory_space<semaphore_mem>>) src(%dma_wait3A_55 : memref<128x64xf32, #tpu.memory_space<vmem>>) dst(%dma_wait3A_61 : memref<10000x64xf32, #tpu.memory_space<vmem_shared>>)
        tpu.yield
      }) : () -> ()
      %run_scoped3A_39 = arith.constant 2 : i32
      "tpu.region"() ({
        %run_scoped3A_45 = tpu.sem_alloc : memref<!tpu.dma_semaphore, #tpu.memory_space<semaphore_mem>>
        %dma_start3A = arith.constant 256 : i32
        %dma_start3A_46 = arith.constant 0 : i32
        %dma_start3A_47 = tpu.memref_slice %arg6[%dma_start3A, %dma_start3A_46] : memref<1024x64xf32, #tpu.memory_space<vmem>> -> memref<128x64xf32, #tpu.memory_space<vmem>>
        %dma_start3A_48 = arith.constant 0 : i32
        %dma_start3A_49 = tpu.memref_slice %arg7[%run_scoped3A_39, %dma_start3A_48] : memref<8x128xi32, #tpu.memory_space<vmem>> -> memref<1x128xi32, #tpu.memory_space<vmem>>
        %dma_start3A_50 = tpu.memref_squeeze %dma_start3A_49 : memref<1x128xi32, #tpu.memory_space<vmem>> -> memref<128xi32, #tpu.memory_space<vmem>>
        %dma_start3A_51 = arith.constant 0 : i32
        %dma_start3A_52 = arith.constant 0 : i32
        %dma_start3A_53 = tpu.memref_slice %arg8[%dma_start3A_51, %dma_start3A_52] : memref<10000x64xf32, #tpu.memory_space<vmem_shared>> -> memref<10000x64xf32, #tpu.memory_space<vmem_shared>>
        tpu.enqueue_indirect_dma source(%dma_start3A_47 : memref<128x64xf32, #tpu.memory_space<vmem>>) target(%dma_start3A_53 : memref<10000x64xf32, #tpu.memory_space<vmem_shared>>) offsets(%dma_start3A_50 : memref<128xi32, #tpu.memory_space<vmem>>) semaphore(%run_scoped3A_45 : memref<!tpu.dma_semaphore, #tpu.memory_space<semaphore_mem>>) {add = true}
        %dma_wait3A = arith.constant 256 : i32
        %dma_wait3A_54 = arith.constant 0 : i32
        %dma_wait3A_55 = tpu.memref_slice %arg6[%dma_wait3A, %dma_wait3A_54] : memref<1024x64xf32, #tpu.memory_space<vmem>> -> memref<128x64xf32, #tpu.memory_space<vmem>>
        %dma_wait3A_56 = arith.constant 0 : i32
        %dma_wait3A_57 = tpu.memref_slice %arg7[%run_scoped3A_39, %dma_wait3A_56] : memref<8x128xi32, #tpu.memory_space<vmem>> -> memref<1x128xi32, #tpu.memory_space<vmem>>
        %dma_wait3A_58 = tpu.memref_squeeze %dma_wait3A_57 : memref<1x128xi32, #tpu.memory_space<vmem>> -> memref<128xi32, #tpu.memory_space<vmem>>
        %dma_wait3A_59 = arith.constant 0 : i32
        %dma_wait3A_60 = arith.constant 0 : i32
        %dma_wait3A_61 = tpu.memref_slice %arg8[%dma_wait3A_59, %dma_wait3A_60] : memref<10000x64xf32, #tpu.memory_space<vmem_shared>> -> memref<10000x64xf32, #tpu.memory_space<vmem_shared>>
        tpu.wait_indirect_dma semaphore(%run_scoped3A_45 : memref<!tpu.dma_semaphore, #tpu.memory_space<semaphore_mem>>) src(%dma_wait3A_55 : memref<128x64xf32, #tpu.memory_space<vmem>>) dst(%dma_wait3A_61 : memref<10000x64xf32, #tpu.memory_space<vmem_shared>>)
        tpu.yield
      }) : () -> ()
      %run_scoped3A_40 = arith.constant 3 : i32
      "tpu.region"() ({
        %run_scoped3A_45 = tpu.sem_alloc : memref<!tpu.dma_semaphore, #tpu.memory_space<semaphore_mem>>
        %dma_start3A = arith.constant 384 : i32
        %dma_start3A_46 = arith.constant 0 : i32
        %dma_start3A_47 = tpu.memref_slice %arg6[%dma_start3A, %dma_start3A_46] : memref<1024x64xf32, #tpu.memory_space<vmem>> -> memref<128x64xf32, #tpu.memory_space<vmem>>
        %dma_start3A_48 = arith.constant 0 : i32
        %dma_start3A_49 = tpu.memref_slice %arg7[%run_scoped3A_40, %dma_start3A_48] : memref<8x128xi32, #tpu.memory_space<vmem>> -> memref<1x128xi32, #tpu.memory_space<vmem>>
        %dma_start3A_50 = tpu.memref_squeeze %dma_start3A_49 : memref<1x128xi32, #tpu.memory_space<vmem>> -> memref<128xi32, #tpu.memory_space<vmem>>
        %dma_start3A_51 = arith.constant 0 : i32
        %dma_start3A_52 = arith.constant 0 : i32
        %dma_start3A_53 = tpu.memref_slice %arg8[%dma_start3A_51, %dma_start3A_52] : memref<10000x64xf32, #tpu.memory_space<vmem_shared>> -> memref<10000x64xf32, #tpu.memory_space<vmem_shared>>
        tpu.enqueue_indirect_dma source(%dma_start3A_47 : memref<128x64xf32, #tpu.memory_space<vmem>>) target(%dma_start3A_53 : memref<10000x64xf32, #tpu.memory_space<vmem_shared>>) offsets(%dma_start3A_50 : memref<128xi32, #tpu.memory_space<vmem>>) semaphore(%run_scoped3A_45 : memref<!tpu.dma_semaphore, #tpu.memory_space<semaphore_mem>>) {add = true}
        %dma_wait3A = arith.constant 384 : i32
        %dma_wait3A_54 = arith.constant 0 : i32
        %dma_wait3A_55 = tpu.memref_slice %arg6[%dma_wait3A, %dma_wait3A_54] : memref<1024x64xf32, #tpu.memory_space<vmem>> -> memref<128x64xf32, #tpu.memory_space<vmem>>
        %dma_wait3A_56 = arith.constant 0 : i32
        %dma_wait3A_57 = tpu.memref_slice %arg7[%run_scoped3A_40, %dma_wait3A_56] : memref<8x128xi32, #tpu.memory_space<vmem>> -> memref<1x128xi32, #tpu.memory_space<vmem>>
        %dma_wait3A_58 = tpu.memref_squeeze %dma_wait3A_57 : memref<1x128xi32, #tpu.memory_space<vmem>> -> memref<128xi32, #tpu.memory_space<vmem>>
        %dma_wait3A_59 = arith.constant 0 : i32
        %dma_wait3A_60 = arith.constant 0 : i32
        %dma_wait3A_61 = tpu.memref_slice %arg8[%dma_wait3A_59, %dma_wait3A_60] : memref<10000x64xf32, #tpu.memory_space<vmem_shared>> -> memref<10000x64xf32, #tpu.memory_space<vmem_shared>>
        tpu.wait_indirect_dma semaphore(%run_scoped3A_45 : memref<!tpu.dma_semaphore, #tpu.memory_space<semaphore_mem>>) src(%dma_wait3A_55 : memref<128x64xf32, #tpu.memory_space<vmem>>) dst(%dma_wait3A_61 : memref<10000x64xf32, #tpu.memory_space<vmem_shared>>)
        tpu.yield
      }) : () -> ()
      %run_scoped3A_41 = arith.constant 4 : i32
      "tpu.region"() ({
        %run_scoped3A_45 = tpu.sem_alloc : memref<!tpu.dma_semaphore, #tpu.memory_space<semaphore_mem>>
        %dma_start3A = arith.constant 512 : i32
        %dma_start3A_46 = arith.constant 0 : i32
        %dma_start3A_47 = tpu.memref_slice %arg6[%dma_start3A, %dma_start3A_46] : memref<1024x64xf32, #tpu.memory_space<vmem>> -> memref<128x64xf32, #tpu.memory_space<vmem>>
        %dma_start3A_48 = arith.constant 0 : i32
        %dma_start3A_49 = tpu.memref_slice %arg7[%run_scoped3A_41, %dma_start3A_48] : memref<8x128xi32, #tpu.memory_space<vmem>> -> memref<1x128xi32, #tpu.memory_space<vmem>>
        %dma_start3A_50 = tpu.memref_squeeze %dma_start3A_49 : memref<1x128xi32, #tpu.memory_space<vmem>> -> memref<128xi32, #tpu.memory_space<vmem>>
        %dma_start3A_51 = arith.constant 0 : i32
        %dma_start3A_52 = arith.constant 0 : i32
        %dma_start3A_53 = tpu.memref_slice %arg8[%dma_start3A_51, %dma_start3A_52] : memref<10000x64xf32, #tpu.memory_space<vmem_shared>> -> memref<10000x64xf32, #tpu.memory_space<vmem_shared>>
        tpu.enqueue_indirect_dma source(%dma_start3A_47 : memref<128x64xf32, #tpu.memory_space<vmem>>) target(%dma_start3A_53 : memref<10000x64xf32, #tpu.memory_space<vmem_shared>>) offsets(%dma_start3A_50 : memref<128xi32, #tpu.memory_space<vmem>>) semaphore(%run_scoped3A_45 : memref<!tpu.dma_semaphore, #tpu.memory_space<semaphore_mem>>) {add = true}
        %dma_wait3A = arith.constant 512 : i32
        %dma_wait3A_54 = arith.constant 0 : i32
        %dma_wait3A_55 = tpu.memref_slice %arg6[%dma_wait3A, %dma_wait3A_54] : memref<1024x64xf32, #tpu.memory_space<vmem>> -> memref<128x64xf32, #tpu.memory_space<vmem>>
        %dma_wait3A_56 = arith.constant 0 : i32
        %dma_wait3A_57 = tpu.memref_slice %arg7[%run_scoped3A_41, %dma_wait3A_56] : memref<8x128xi32, #tpu.memory_space<vmem>> -> memref<1x128xi32, #tpu.memory_space<vmem>>
        %dma_wait3A_58 = tpu.memref_squeeze %dma_wait3A_57 : memref<1x128xi32, #tpu.memory_space<vmem>> -> memref<128xi32, #tpu.memory_space<vmem>>
        %dma_wait3A_59 = arith.constant 0 : i32
        %dma_wait3A_60 = arith.constant 0 : i32
        %dma_wait3A_61 = tpu.memref_slice %arg8[%dma_wait3A_59, %dma_wait3A_60] : memref<10000x64xf32, #tpu.memory_space<vmem_shared>> -> memref<10000x64xf32, #tpu.memory_space<vmem_shared>>
        tpu.wait_indirect_dma semaphore(%run_scoped3A_45 : memref<!tpu.dma_semaphore, #tpu.memory_space<semaphore_mem>>) src(%dma_wait3A_55 : memref<128x64xf32, #tpu.memory_space<vmem>>) dst(%dma_wait3A_61 : memref<10000x64xf32, #tpu.memory_space<vmem_shared>>)
        tpu.yield
      }) : () -> ()
      %run_scoped3A_42 = arith.constant 5 : i32
      "tpu.region"() ({
        %run_scoped3A_45 = tpu.sem_alloc : memref<!tpu.dma_semaphore, #tpu.memory_space<semaphore_mem>>
        %dma_start3A = arith.constant 640 : i32
        %dma_start3A_46 = arith.constant 0 : i32
        %dma_start3A_47 = tpu.memref_slice %arg6[%dma_start3A, %dma_start3A_46] : memref<1024x64xf32, #tpu.memory_space<vmem>> -> memref<128x64xf32, #tpu.memory_space<vmem>>
        %dma_start3A_48 = arith.constant 0 : i32
        %dma_start3A_49 = tpu.memref_slice %arg7[%run_scoped3A_42, %dma_start3A_48] : memref<8x128xi32, #tpu.memory_space<vmem>> -> memref<1x128xi32, #tpu.memory_space<vmem>>
        %dma_start3A_50 = tpu.memref_squeeze %dma_start3A_49 : memref<1x128xi32, #tpu.memory_space<vmem>> -> memref<128xi32, #tpu.memory_space<vmem>>
        %dma_start3A_51 = arith.constant 0 : i32
        %dma_start3A_52 = arith.constant 0 : i32
        %dma_start3A_53 = tpu.memref_slice %arg8[%dma_start3A_51, %dma_start3A_52] : memref<10000x64xf32, #tpu.memory_space<vmem_shared>> -> memref<10000x64xf32, #tpu.memory_space<vmem_shared>>
        tpu.enqueue_indirect_dma source(%dma_start3A_47 : memref<128x64xf32, #tpu.memory_space<vmem>>) target(%dma_start3A_53 : memref<10000x64xf32, #tpu.memory_space<vmem_shared>>) offsets(%dma_start3A_50 : memref<128xi32, #tpu.memory_space<vmem>>) semaphore(%run_scoped3A_45 : memref<!tpu.dma_semaphore, #tpu.memory_space<semaphore_mem>>) {add = true}
        %dma_wait3A = arith.constant 640 : i32
        %dma_wait3A_54 = arith.constant 0 : i32
        %dma_wait3A_55 = tpu.memref_slice %arg6[%dma_wait3A, %dma_wait3A_54] : memref<1024x64xf32, #tpu.memory_space<vmem>> -> memref<128x64xf32, #tpu.memory_space<vmem>>
        %dma_wait3A_56 = arith.constant 0 : i32
        %dma_wait3A_57 = tpu.memref_slice %arg7[%run_scoped3A_42, %dma_wait3A_56] : memref<8x128xi32, #tpu.memory_space<vmem>> -> memref<1x128xi32, #tpu.memory_space<vmem>>
        %dma_wait3A_58 = tpu.memref_squeeze %dma_wait3A_57 : memref<1x128xi32, #tpu.memory_space<vmem>> -> memref<128xi32, #tpu.memory_space<vmem>>
        %dma_wait3A_59 = arith.constant 0 : i32
        %dma_wait3A_60 = arith.constant 0 : i32
        %dma_wait3A_61 = tpu.memref_slice %arg8[%dma_wait3A_59, %dma_wait3A_60] : memref<10000x64xf32, #tpu.memory_space<vmem_shared>> -> memref<10000x64xf32, #tpu.memory_space<vmem_shared>>
        tpu.wait_indirect_dma semaphore(%run_scoped3A_45 : memref<!tpu.dma_semaphore, #tpu.memory_space<semaphore_mem>>) src(%dma_wait3A_55 : memref<128x64xf32, #tpu.memory_space<vmem>>) dst(%dma_wait3A_61 : memref<10000x64xf32, #tpu.memory_space<vmem_shared>>)
        tpu.yield
      }) : () -> ()
      %run_scoped3A_43 = arith.constant 6 : i32
      "tpu.region"() ({
        %run_scoped3A_45 = tpu.sem_alloc : memref<!tpu.dma_semaphore, #tpu.memory_space<semaphore_mem>>
        %dma_start3A = arith.constant 768 : i32
        %dma_start3A_46 = arith.constant 0 : i32
        %dma_start3A_47 = tpu.memref_slice %arg6[%dma_start3A, %dma_start3A_46] : memref<1024x64xf32, #tpu.memory_space<vmem>> -> memref<128x64xf32, #tpu.memory_space<vmem>>
        %dma_start3A_48 = arith.constant 0 : i32
        %dma_start3A_49 = tpu.memref_slice %arg7[%run_scoped3A_43, %dma_start3A_48] : memref<8x128xi32, #tpu.memory_space<vmem>> -> memref<1x128xi32, #tpu.memory_space<vmem>>
        %dma_start3A_50 = tpu.memref_squeeze %dma_start3A_49 : memref<1x128xi32, #tpu.memory_space<vmem>> -> memref<128xi32, #tpu.memory_space<vmem>>
        %dma_start3A_51 = arith.constant 0 : i32
        %dma_start3A_52 = arith.constant 0 : i32
        %dma_start3A_53 = tpu.memref_slice %arg8[%dma_start3A_51, %dma_start3A_52] : memref<10000x64xf32, #tpu.memory_space<vmem_shared>> -> memref<10000x64xf32, #tpu.memory_space<vmem_shared>>
        tpu.enqueue_indirect_dma source(%dma_start3A_47 : memref<128x64xf32, #tpu.memory_space<vmem>>) target(%dma_start3A_53 : memref<10000x64xf32, #tpu.memory_space<vmem_shared>>) offsets(%dma_start3A_50 : memref<128xi32, #tpu.memory_space<vmem>>) semaphore(%run_scoped3A_45 : memref<!tpu.dma_semaphore, #tpu.memory_space<semaphore_mem>>) {add = true}
        %dma_wait3A = arith.constant 768 : i32
        %dma_wait3A_54 = arith.constant 0 : i32
        %dma_wait3A_55 = tpu.memref_slice %arg6[%dma_wait3A, %dma_wait3A_54] : memref<1024x64xf32, #tpu.memory_space<vmem>> -> memref<128x64xf32, #tpu.memory_space<vmem>>
        %dma_wait3A_56 = arith.constant 0 : i32
        %dma_wait3A_57 = tpu.memref_slice %arg7[%run_scoped3A_43, %dma_wait3A_56] : memref<8x128xi32, #tpu.memory_space<vmem>> -> memref<1x128xi32, #tpu.memory_space<vmem>>
        %dma_wait3A_58 = tpu.memref_squeeze %dma_wait3A_57 : memref<1x128xi32, #tpu.memory_space<vmem>> -> memref<128xi32, #tpu.memory_space<vmem>>
        %dma_wait3A_59 = arith.constant 0 : i32
        %dma_wait3A_60 = arith.constant 0 : i32
        %dma_wait3A_61 = tpu.memref_slice %arg8[%dma_wait3A_59, %dma_wait3A_60] : memref<10000x64xf32, #tpu.memory_space<vmem_shared>> -> memref<10000x64xf32, #tpu.memory_space<vmem_shared>>
        tpu.wait_indirect_dma semaphore(%run_scoped3A_45 : memref<!tpu.dma_semaphore, #tpu.memory_space<semaphore_mem>>) src(%dma_wait3A_55 : memref<128x64xf32, #tpu.memory_space<vmem>>) dst(%dma_wait3A_61 : memref<10000x64xf32, #tpu.memory_space<vmem_shared>>)
        tpu.yield
      }) : () -> ()
      %run_scoped3A_44 = arith.constant 7 : i32
      "tpu.region"() ({
        %run_scoped3A_45 = tpu.sem_alloc : memref<!tpu.dma_semaphore, #tpu.memory_space<semaphore_mem>>
        %dma_start3A = arith.constant 896 : i32
        %dma_start3A_46 = arith.constant 0 : i32
        %dma_start3A_47 = tpu.memref_slice %arg6[%dma_start3A, %dma_start3A_46] : memref<1024x64xf32, #tpu.memory_space<vmem>> -> memref<128x64xf32, #tpu.memory_space<vmem>>
        %dma_start3A_48 = arith.constant 0 : i32
        %dma_start3A_49 = tpu.memref_slice %arg7[%run_scoped3A_44, %dma_start3A_48] : memref<8x128xi32, #tpu.memory_space<vmem>> -> memref<1x128xi32, #tpu.memory_space<vmem>>
        %dma_start3A_50 = tpu.memref_squeeze %dma_start3A_49 : memref<1x128xi32, #tpu.memory_space<vmem>> -> memref<128xi32, #tpu.memory_space<vmem>>
        %dma_start3A_51 = arith.constant 0 : i32
        %dma_start3A_52 = arith.constant 0 : i32
        %dma_start3A_53 = tpu.memref_slice %arg8[%dma_start3A_51, %dma_start3A_52] : memref<10000x64xf32, #tpu.memory_space<vmem_shared>> -> memref<10000x64xf32, #tpu.memory_space<vmem_shared>>
        tpu.enqueue_indirect_dma source(%dma_start3A_47 : memref<128x64xf32, #tpu.memory_space<vmem>>) target(%dma_start3A_53 : memref<10000x64xf32, #tpu.memory_space<vmem_shared>>) offsets(%dma_start3A_50 : memref<128xi32, #tpu.memory_space<vmem>>) semaphore(%run_scoped3A_45 : memref<!tpu.dma_semaphore, #tpu.memory_space<semaphore_mem>>) {add = true}
        %dma_wait3A = arith.constant 896 : i32
        %dma_wait3A_54 = arith.constant 0 : i32
        %dma_wait3A_55 = tpu.memref_slice %arg6[%dma_wait3A, %dma_wait3A_54] : memref<1024x64xf32, #tpu.memory_space<vmem>> -> memref<128x64xf32, #tpu.memory_space<vmem>>
        %dma_wait3A_56 = arith.constant 0 : i32
        %dma_wait3A_57 = tpu.memref_slice %arg7[%run_scoped3A_44, %dma_wait3A_56] : memref<8x128xi32, #tpu.memory_space<vmem>> -> memref<1x128xi32, #tpu.memory_space<vmem>>
        %dma_wait3A_58 = tpu.memref_squeeze %dma_wait3A_57 : memref<1x128xi32, #tpu.memory_space<vmem>> -> memref<128xi32, #tpu.memory_space<vmem>>
        %dma_wait3A_59 = arith.constant 0 : i32
        %dma_wait3A_60 = arith.constant 0 : i32
        %dma_wait3A_61 = tpu.memref_slice %arg8[%dma_wait3A_59, %dma_wait3A_60] : memref<10000x64xf32, #tpu.memory_space<vmem_shared>> -> memref<10000x64xf32, #tpu.memory_space<vmem_shared>>
        tpu.wait_indirect_dma semaphore(%run_scoped3A_45 : memref<!tpu.dma_semaphore, #tpu.memory_space<semaphore_mem>>) src(%dma_wait3A_55 : memref<128x64xf32, #tpu.memory_space<vmem>>) dst(%dma_wait3A_61 : memref<10000x64xf32, #tpu.memory_space<vmem_shared>>)
        tpu.yield
      }) : () -> ()
    }
    %eq3A_19 = arith.constant 31 : i32
    %eq3A_20 = arith.cmpi eq, %add3A, %eq3A_19 : i32
    %convert_element_type3A_21 = arith.extui %eq3A_20 : i1 to i32
    %cond3A_22 = arith.constant 0 : i32
    %cond3A_23 = arith.cmpi ne, %convert_element_type3A_21, %cond3A_22 : i32
    scf.if %cond3A_23 {
      "tpu.region"() ({
        %run_scoped3A_33 = tpu.sem_alloc : memref<!tpu.dma_semaphore, #tpu.memory_space<semaphore_mem>>
        %dma_start3A = arith.constant 0 : i32
        %dma_start3A_34 = arith.constant 0 : i32
        %dma_start3A_35 = tpu.memref_slice %arg6[%dma_start3A, %dma_start3A_34] : memref<1024x64xf32, #tpu.memory_space<vmem>> -> memref<512x64xf32, #tpu.memory_space<vmem>>
        %dma_start3A_36 = arith.constant 319488 : i32
        %dma_start3A_37 = arith.constant 0 : i32
        %dma_start3A_38 = tpu.memref_slice %arg2[%dma_start3A_36, %dma_start3A_37] : memref<320000x64xf32, #tpu.memory_space<hbm>> -> memref<512x64xf32, #tpu.memory_space<hbm>>
        %dma_start3A_39 = arith.constant 0 : i32
        %dma_start3A_40 = arith.constant 0 : i32
        %dma_start3A_41 = tpu.memref_slice %arg6[%dma_start3A_39, %dma_start3A_40] : memref<1024x64xf32, #tpu.memory_space<vmem>> -> memref<512x64xf32, #tpu.memory_space<vmem>>
        %dma_start3A_42 = arith.constant 319488 : i32
        %dma_start3A_43 = arith.constant 0 : i32
        %dma_start3A_44 = tpu.memref_slice %arg2[%dma_start3A_42, %dma_start3A_43] : memref<320000x64xf32, #tpu.memory_space<hbm>> -> memref<512x64xf32, #tpu.memory_space<hbm>>
        tpu.enqueue_dma source(%dma_start3A_44 : memref<512x64xf32, #tpu.memory_space<hbm>>) target(%dma_start3A_41 : memref<512x64xf32, #tpu.memory_space<vmem>>) target_semaphore(%run_scoped3A_33 : memref<!tpu.dma_semaphore, #tpu.memory_space<semaphore_mem>>)
        %dma_wait3A = arith.constant 0 : i32
        %dma_wait3A_45 = arith.constant 0 : i32
        %dma_wait3A_46 = tpu.memref_slice %arg6[%dma_wait3A, %dma_wait3A_45] : memref<1024x64xf32, #tpu.memory_space<vmem>> -> memref<512x64xf32, #tpu.memory_space<vmem>>
        %dma_wait3A_47 = arith.constant 319488 : i32
        %dma_wait3A_48 = arith.constant 0 : i32
        %dma_wait3A_49 = tpu.memref_slice %arg2[%dma_wait3A_47, %dma_wait3A_48] : memref<320000x64xf32, #tpu.memory_space<hbm>> -> memref<512x64xf32, #tpu.memory_space<hbm>>
        %dma_wait3A_50 = arith.constant 0 : i32
        %dma_wait3A_51 = arith.constant 0 : i32
        %dma_wait3A_52 = tpu.memref_slice %arg6[%dma_wait3A_50, %dma_wait3A_51] : memref<1024x64xf32, #tpu.memory_space<vmem>> -> memref<512x64xf32, #tpu.memory_space<vmem>>
        %dma_wait3A_53 = arith.constant 319488 : i32
        %dma_wait3A_54 = arith.constant 0 : i32
        %dma_wait3A_55 = tpu.memref_slice %arg2[%dma_wait3A_53, %dma_wait3A_54] : memref<320000x64xf32, #tpu.memory_space<hbm>> -> memref<512x64xf32, #tpu.memory_space<hbm>>
        tpu.wait_dma2 semaphore(%run_scoped3A_33 : memref<!tpu.dma_semaphore, #tpu.memory_space<semaphore_mem>>) src(%dma_wait3A_55 : memref<512x64xf32, #tpu.memory_space<hbm>>) dst(%dma_wait3A_52 : memref<512x64xf32, #tpu.memory_space<vmem>>)
        tpu.yield
      }) : () -> ()
      "tpu.region"() ({
        %run_scoped3A_33 = tpu.sem_alloc : memref<!tpu.dma_semaphore, #tpu.memory_space<semaphore_mem>>
        %dma_start3A = arith.constant 0 : i32
        %dma_start3A_34 = arith.constant 0 : i32
        %dma_start3A_35 = tpu.memref_slice %arg7[%dma_start3A, %dma_start3A_34] : memref<8x128xi32, #tpu.memory_space<vmem>> -> memref<4x128xi32, #tpu.memory_space<vmem>>
        %dma_start3A_36 = arith.constant 2496 : i32
        %dma_start3A_37 = arith.constant 0 : i32
        %dma_start3A_38 = tpu.memref_slice %arg3[%dma_start3A_36, %dma_start3A_37] : memref<2500x128xi32, #tpu.memory_space<hbm>> -> memref<4x128xi32, #tpu.memory_space<hbm>>
        %dma_start3A_39 = arith.constant 0 : i32
        %dma_start3A_40 = arith.constant 0 : i32
        %dma_start3A_41 = tpu.memref_slice %arg7[%dma_start3A_39, %dma_start3A_40] : memref<8x128xi32, #tpu.memory_space<vmem>> -> memref<4x128xi32, #tpu.memory_space<vmem>>
        %dma_start3A_42 = arith.constant 2496 : i32
        %dma_start3A_43 = arith.constant 0 : i32
        %dma_start3A_44 = tpu.memref_slice %arg3[%dma_start3A_42, %dma_start3A_43] : memref<2500x128xi32, #tpu.memory_space<hbm>> -> memref<4x128xi32, #tpu.memory_space<hbm>>
        tpu.enqueue_dma source(%dma_start3A_44 : memref<4x128xi32, #tpu.memory_space<hbm>>) target(%dma_start3A_41 : memref<4x128xi32, #tpu.memory_space<vmem>>) target_semaphore(%run_scoped3A_33 : memref<!tpu.dma_semaphore, #tpu.memory_space<semaphore_mem>>)
        %dma_wait3A = arith.constant 0 : i32
        %dma_wait3A_45 = arith.constant 0 : i32
        %dma_wait3A_46 = tpu.memref_slice %arg7[%dma_wait3A, %dma_wait3A_45] : memref<8x128xi32, #tpu.memory_space<vmem>> -> memref<4x128xi32, #tpu.memory_space<vmem>>
        %dma_wait3A_47 = arith.constant 2496 : i32
        %dma_wait3A_48 = arith.constant 0 : i32
        %dma_wait3A_49 = tpu.memref_slice %arg3[%dma_wait3A_47, %dma_wait3A_48] : memref<2500x128xi32, #tpu.memory_space<hbm>> -> memref<4x128xi32, #tpu.memory_space<hbm>>
        %dma_wait3A_50 = arith.constant 0 : i32
        %dma_wait3A_51 = arith.constant 0 : i32
        %dma_wait3A_52 = tpu.memref_slice %arg7[%dma_wait3A_50, %dma_wait3A_51] : memref<8x128xi32, #tpu.memory_space<vmem>> -> memref<4x128xi32, #tpu.memory_space<vmem>>
        %dma_wait3A_53 = arith.constant 2496 : i32
        %dma_wait3A_54 = arith.constant 0 : i32
        %dma_wait3A_55 = tpu.memref_slice %arg3[%dma_wait3A_53, %dma_wait3A_54] : memref<2500x128xi32, #tpu.memory_space<hbm>> -> memref<4x128xi32, #tpu.memory_space<hbm>>
        tpu.wait_dma2 semaphore(%run_scoped3A_33 : memref<!tpu.dma_semaphore, #tpu.memory_space<semaphore_mem>>) src(%dma_wait3A_55 : memref<4x128xi32, #tpu.memory_space<hbm>>) dst(%dma_wait3A_52 : memref<4x128xi32, #tpu.memory_space<vmem>>)
        tpu.yield
      }) : () -> ()
      %run_scoped3A = arith.constant 0 : i32
      "tpu.region"() ({
        %run_scoped3A_33 = tpu.sem_alloc : memref<!tpu.dma_semaphore, #tpu.memory_space<semaphore_mem>>
        %dma_start3A = arith.constant 0 : i32
        %dma_start3A_34 = arith.constant 0 : i32
        %dma_start3A_35 = tpu.memref_slice %arg6[%dma_start3A, %dma_start3A_34] : memref<1024x64xf32, #tpu.memory_space<vmem>> -> memref<128x64xf32, #tpu.memory_space<vmem>>
        %dma_start3A_36 = arith.constant 0 : i32
        %dma_start3A_37 = tpu.memref_slice %arg7[%run_scoped3A, %dma_start3A_36] : memref<8x128xi32, #tpu.memory_space<vmem>> -> memref<1x128xi32, #tpu.memory_space<vmem>>
        %dma_start3A_38 = tpu.memref_squeeze %dma_start3A_37 : memref<1x128xi32, #tpu.memory_space<vmem>> -> memref<128xi32, #tpu.memory_space<vmem>>
        %dma_start3A_39 = arith.constant 0 : i32
        %dma_start3A_40 = arith.constant 0 : i32
        %dma_start3A_41 = tpu.memref_slice %arg8[%dma_start3A_39, %dma_start3A_40] : memref<10000x64xf32, #tpu.memory_space<vmem_shared>> -> memref<10000x64xf32, #tpu.memory_space<vmem_shared>>
        tpu.enqueue_indirect_dma source(%dma_start3A_35 : memref<128x64xf32, #tpu.memory_space<vmem>>) target(%dma_start3A_41 : memref<10000x64xf32, #tpu.memory_space<vmem_shared>>) offsets(%dma_start3A_38 : memref<128xi32, #tpu.memory_space<vmem>>) semaphore(%run_scoped3A_33 : memref<!tpu.dma_semaphore, #tpu.memory_space<semaphore_mem>>) {add = true}
        %dma_wait3A = arith.constant 0 : i32
        %dma_wait3A_42 = arith.constant 0 : i32
        %dma_wait3A_43 = tpu.memref_slice %arg6[%dma_wait3A, %dma_wait3A_42] : memref<1024x64xf32, #tpu.memory_space<vmem>> -> memref<128x64xf32, #tpu.memory_space<vmem>>
        %dma_wait3A_44 = arith.constant 0 : i32
        %dma_wait3A_45 = tpu.memref_slice %arg7[%run_scoped3A, %dma_wait3A_44] : memref<8x128xi32, #tpu.memory_space<vmem>> -> memref<1x128xi32, #tpu.memory_space<vmem>>
        %dma_wait3A_46 = tpu.memref_squeeze %dma_wait3A_45 : memref<1x128xi32, #tpu.memory_space<vmem>> -> memref<128xi32, #tpu.memory_space<vmem>>
        %dma_wait3A_47 = arith.constant 0 : i32
        %dma_wait3A_48 = arith.constant 0 : i32
        %dma_wait3A_49 = tpu.memref_slice %arg8[%dma_wait3A_47, %dma_wait3A_48] : memref<10000x64xf32, #tpu.memory_space<vmem_shared>> -> memref<10000x64xf32, #tpu.memory_space<vmem_shared>>
        tpu.wait_indirect_dma semaphore(%run_scoped3A_33 : memref<!tpu.dma_semaphore, #tpu.memory_space<semaphore_mem>>) src(%dma_wait3A_43 : memref<128x64xf32, #tpu.memory_space<vmem>>) dst(%dma_wait3A_49 : memref<10000x64xf32, #tpu.memory_space<vmem_shared>>)
        tpu.yield
      }) : () -> ()
      %run_scoped3A_30 = arith.constant 1 : i32
      "tpu.region"() ({
        %run_scoped3A_33 = tpu.sem_alloc : memref<!tpu.dma_semaphore, #tpu.memory_space<semaphore_mem>>
        %dma_start3A = arith.constant 128 : i32
        %dma_start3A_34 = arith.constant 0 : i32
        %dma_start3A_35 = tpu.memref_slice %arg6[%dma_start3A, %dma_start3A_34] : memref<1024x64xf32, #tpu.memory_space<vmem>> -> memref<128x64xf32, #tpu.memory_space<vmem>>
        %dma_start3A_36 = arith.constant 0 : i32
        %dma_start3A_37 = tpu.memref_slice %arg7[%run_scoped3A_30, %dma_start3A_36] : memref<8x128xi32, #tpu.memory_space<vmem>> -> memref<1x128xi32, #tpu.memory_space<vmem>>
        %dma_start3A_38 = tpu.memref_squeeze %dma_start3A_37 : memref<1x128xi32, #tpu.memory_space<vmem>> -> memref<128xi32, #tpu.memory_space<vmem>>
        %dma_start3A_39 = arith.constant 0 : i32
        %dma_start3A_40 = arith.constant 0 : i32
        %dma_start3A_41 = tpu.memref_slice %arg8[%dma_start3A_39, %dma_start3A_40] : memref<10000x64xf32, #tpu.memory_space<vmem_shared>> -> memref<10000x64xf32, #tpu.memory_space<vmem_shared>>
        tpu.enqueue_indirect_dma source(%dma_start3A_35 : memref<128x64xf32, #tpu.memory_space<vmem>>) target(%dma_start3A_41 : memref<10000x64xf32, #tpu.memory_space<vmem_shared>>) offsets(%dma_start3A_38 : memref<128xi32, #tpu.memory_space<vmem>>) semaphore(%run_scoped3A_33 : memref<!tpu.dma_semaphore, #tpu.memory_space<semaphore_mem>>) {add = true}
        %dma_wait3A = arith.constant 128 : i32
        %dma_wait3A_42 = arith.constant 0 : i32
        %dma_wait3A_43 = tpu.memref_slice %arg6[%dma_wait3A, %dma_wait3A_42] : memref<1024x64xf32, #tpu.memory_space<vmem>> -> memref<128x64xf32, #tpu.memory_space<vmem>>
        %dma_wait3A_44 = arith.constant 0 : i32
        %dma_wait3A_45 = tpu.memref_slice %arg7[%run_scoped3A_30, %dma_wait3A_44] : memref<8x128xi32, #tpu.memory_space<vmem>> -> memref<1x128xi32, #tpu.memory_space<vmem>>
        %dma_wait3A_46 = tpu.memref_squeeze %dma_wait3A_45 : memref<1x128xi32, #tpu.memory_space<vmem>> -> memref<128xi32, #tpu.memory_space<vmem>>
        %dma_wait3A_47 = arith.constant 0 : i32
        %dma_wait3A_48 = arith.constant 0 : i32
        %dma_wait3A_49 = tpu.memref_slice %arg8[%dma_wait3A_47, %dma_wait3A_48] : memref<10000x64xf32, #tpu.memory_space<vmem_shared>> -> memref<10000x64xf32, #tpu.memory_space<vmem_shared>>
        tpu.wait_indirect_dma semaphore(%run_scoped3A_33 : memref<!tpu.dma_semaphore, #tpu.memory_space<semaphore_mem>>) src(%dma_wait3A_43 : memref<128x64xf32, #tpu.memory_space<vmem>>) dst(%dma_wait3A_49 : memref<10000x64xf32, #tpu.memory_space<vmem_shared>>)
        tpu.yield
      }) : () -> ()
      %run_scoped3A_31 = arith.constant 2 : i32
      "tpu.region"() ({
        %run_scoped3A_33 = tpu.sem_alloc : memref<!tpu.dma_semaphore, #tpu.memory_space<semaphore_mem>>
        %dma_start3A = arith.constant 256 : i32
        %dma_start3A_34 = arith.constant 0 : i32
        %dma_start3A_35 = tpu.memref_slice %arg6[%dma_start3A, %dma_start3A_34] : memref<1024x64xf32, #tpu.memory_space<vmem>> -> memref<128x64xf32, #tpu.memory_space<vmem>>
        %dma_start3A_36 = arith.constant 0 : i32
        %dma_start3A_37 = tpu.memref_slice %arg7[%run_scoped3A_31, %dma_start3A_36] : memref<8x128xi32, #tpu.memory_space<vmem>> -> memref<1x128xi32, #tpu.memory_space<vmem>>
        %dma_start3A_38 = tpu.memref_squeeze %dma_start3A_37 : memref<1x128xi32, #tpu.memory_space<vmem>> -> memref<128xi32, #tpu.memory_space<vmem>>
        %dma_start3A_39 = arith.constant 0 : i32
        %dma_start3A_40 = arith.constant 0 : i32
        %dma_start3A_41 = tpu.memref_slice %arg8[%dma_start3A_39, %dma_start3A_40] : memref<10000x64xf32, #tpu.memory_space<vmem_shared>> -> memref<10000x64xf32, #tpu.memory_space<vmem_shared>>
        tpu.enqueue_indirect_dma source(%dma_start3A_35 : memref<128x64xf32, #tpu.memory_space<vmem>>) target(%dma_start3A_41 : memref<10000x64xf32, #tpu.memory_space<vmem_shared>>) offsets(%dma_start3A_38 : memref<128xi32, #tpu.memory_space<vmem>>) semaphore(%run_scoped3A_33 : memref<!tpu.dma_semaphore, #tpu.memory_space<semaphore_mem>>) {add = true}
        %dma_wait3A = arith.constant 256 : i32
        %dma_wait3A_42 = arith.constant 0 : i32
        %dma_wait3A_43 = tpu.memref_slice %arg6[%dma_wait3A, %dma_wait3A_42] : memref<1024x64xf32, #tpu.memory_space<vmem>> -> memref<128x64xf32, #tpu.memory_space<vmem>>
        %dma_wait3A_44 = arith.constant 0 : i32
        %dma_wait3A_45 = tpu.memref_slice %arg7[%run_scoped3A_31, %dma_wait3A_44] : memref<8x128xi32, #tpu.memory_space<vmem>> -> memref<1x128xi32, #tpu.memory_space<vmem>>
        %dma_wait3A_46 = tpu.memref_squeeze %dma_wait3A_45 : memref<1x128xi32, #tpu.memory_space<vmem>> -> memref<128xi32, #tpu.memory_space<vmem>>
        %dma_wait3A_47 = arith.constant 0 : i32
        %dma_wait3A_48 = arith.constant 0 : i32
        %dma_wait3A_49 = tpu.memref_slice %arg8[%dma_wait3A_47, %dma_wait3A_48] : memref<10000x64xf32, #tpu.memory_space<vmem_shared>> -> memref<10000x64xf32, #tpu.memory_space<vmem_shared>>
        tpu.wait_indirect_dma semaphore(%run_scoped3A_33 : memref<!tpu.dma_semaphore, #tpu.memory_space<semaphore_mem>>) src(%dma_wait3A_43 : memref<128x64xf32, #tpu.memory_space<vmem>>) dst(%dma_wait3A_49 : memref<10000x64xf32, #tpu.memory_space<vmem_shared>>)
        tpu.yield
      }) : () -> ()
      %run_scoped3A_32 = arith.constant 3 : i32
      "tpu.region"() ({
        %run_scoped3A_33 = tpu.sem_alloc : memref<!tpu.dma_semaphore, #tpu.memory_space<semaphore_mem>>
        %dma_start3A = arith.constant 384 : i32
        %dma_start3A_34 = arith.constant 0 : i32
        %dma_start3A_35 = tpu.memref_slice %arg6[%dma_start3A, %dma_start3A_34] : memref<1024x64xf32, #tpu.memory_space<vmem>> -> memref<128x64xf32, #tpu.memory_space<vmem>>
        %dma_start3A_36 = arith.constant 0 : i32
        %dma_start3A_37 = tpu.memref_slice %arg7[%run_scoped3A_32, %dma_start3A_36] : memref<8x128xi32, #tpu.memory_space<vmem>> -> memref<1x128xi32, #tpu.memory_space<vmem>>
        %dma_start3A_38 = tpu.memref_squeeze %dma_start3A_37 : memref<1x128xi32, #tpu.memory_space<vmem>> -> memref<128xi32, #tpu.memory_space<vmem>>
        %dma_start3A_39 = arith.constant 0 : i32
        %dma_start3A_40 = arith.constant 0 : i32
        %dma_start3A_41 = tpu.memref_slice %arg8[%dma_start3A_39, %dma_start3A_40] : memref<10000x64xf32, #tpu.memory_space<vmem_shared>> -> memref<10000x64xf32, #tpu.memory_space<vmem_shared>>
        tpu.enqueue_indirect_dma source(%dma_start3A_35 : memref<128x64xf32, #tpu.memory_space<vmem>>) target(%dma_start3A_41 : memref<10000x64xf32, #tpu.memory_space<vmem_shared>>) offsets(%dma_start3A_38 : memref<128xi32, #tpu.memory_space<vmem>>) semaphore(%run_scoped3A_33 : memref<!tpu.dma_semaphore, #tpu.memory_space<semaphore_mem>>) {add = true}
        %dma_wait3A = arith.constant 384 : i32
        %dma_wait3A_42 = arith.constant 0 : i32
        %dma_wait3A_43 = tpu.memref_slice %arg6[%dma_wait3A, %dma_wait3A_42] : memref<1024x64xf32, #tpu.memory_space<vmem>> -> memref<128x64xf32, #tpu.memory_space<vmem>>
        %dma_wait3A_44 = arith.constant 0 : i32
        %dma_wait3A_45 = tpu.memref_slice %arg7[%run_scoped3A_32, %dma_wait3A_44] : memref<8x128xi32, #tpu.memory_space<vmem>> -> memref<1x128xi32, #tpu.memory_space<vmem>>
        %dma_wait3A_46 = tpu.memref_squeeze %dma_wait3A_45 : memref<1x128xi32, #tpu.memory_space<vmem>> -> memref<128xi32, #tpu.memory_space<vmem>>
        %dma_wait3A_47 = arith.constant 0 : i32
        %dma_wait3A_48 = arith.constant 0 : i32
        %dma_wait3A_49 = tpu.memref_slice %arg8[%dma_wait3A_47, %dma_wait3A_48] : memref<10000x64xf32, #tpu.memory_space<vmem_shared>> -> memref<10000x64xf32, #tpu.memory_space<vmem_shared>>
        tpu.wait_indirect_dma semaphore(%run_scoped3A_33 : memref<!tpu.dma_semaphore, #tpu.memory_space<semaphore_mem>>) src(%dma_wait3A_43 : memref<128x64xf32, #tpu.memory_space<vmem>>) dst(%dma_wait3A_49 : memref<10000x64xf32, #tpu.memory_space<vmem_shared>>)
        tpu.yield
      }) : () -> ()
    } else {
    }
    %barrier3A_24 = arith.constant 0 : index
    tpu.barrier barrier_id(%barrier3A_24)
    "tpu.region"() ({
      %run_scoped3A = tpu.sem_alloc : memref<!tpu.dma_semaphore, #tpu.memory_space<semaphore_mem>>
      %dma_start3A = arith.constant 0 : i32
      %dma_start3A_30 = tpu.memref_slice %arg5[%arg0, %multiple_of3A, %dma_start3A] : memref<2x10000x64xf32, #tpu.memory_space<hbm>> -> memref<1x624x64xf32, #tpu.memory_space<hbm>>
      %dma_start3A_31 = tpu.memref_squeeze %dma_start3A_30 : memref<1x624x64xf32, #tpu.memory_space<hbm>> -> memref<624x64xf32, #tpu.memory_space<hbm>>
      %dma_start3A_32 = arith.constant 0 : i32
      %dma_start3A_33 = tpu.memref_slice %arg8[%multiple_of3A, %dma_start3A_32] : memref<10000x64xf32, #tpu.memory_space<vmem_shared>> -> memref<624x64xf32, #tpu.memory_space<vmem_shared>>
      tpu.enqueue_dma source(%dma_start3A_33 : memref<624x64xf32, #tpu.memory_space<vmem_shared>>) target(%dma_start3A_31 : memref<624x64xf32, #tpu.memory_space<hbm>>) target_semaphore(%run_scoped3A : memref<!tpu.dma_semaphore, #tpu.memory_space<semaphore_mem>>)
      %dma_wait3A = arith.constant 0 : i32
      %dma_wait3A_34 = tpu.memref_slice %arg5[%arg0, %multiple_of3A, %dma_wait3A] : memref<2x10000x64xf32, #tpu.memory_space<hbm>> -> memref<1x624x64xf32, #tpu.memory_space<hbm>>
      %dma_wait3A_35 = tpu.memref_squeeze %dma_wait3A_34 : memref<1x624x64xf32, #tpu.memory_space<hbm>> -> memref<624x64xf32, #tpu.memory_space<hbm>>
      %dma_wait3A_36 = arith.constant 0 : i32
      %dma_wait3A_37 = tpu.memref_slice %arg8[%multiple_of3A, %dma_wait3A_36] : memref<10000x64xf32, #tpu.memory_space<vmem_shared>> -> memref<624x64xf32, #tpu.memory_space<vmem_shared>>
      tpu.wait_dma2 semaphore(%run_scoped3A : memref<!tpu.dma_semaphore, #tpu.memory_space<semaphore_mem>>) src(%dma_wait3A_37 : memref<624x64xf32, #tpu.memory_space<vmem_shared>>) dst(%dma_wait3A_35 : memref<624x64xf32, #tpu.memory_space<hbm>>)
      tpu.yield
    }) : () -> ()
    %eq3A_25 = arith.constant 15 : i32
    %eq3A_26 = arith.cmpi eq, %arg1, %eq3A_25 : i32
    %convert_element_type3A_27 = arith.extui %eq3A_26 : i1 to i32
    %cond3A_28 = arith.constant 0 : i32
    %cond3A_29 = arith.cmpi ne, %convert_element_type3A_27, %cond3A_28 : i32
    scf.if %cond3A_29 {
      "tpu.region"() ({
        %run_scoped3A = tpu.sem_alloc : memref<!tpu.dma_semaphore, #tpu.memory_space<semaphore_mem>>
        %dma_start3A = arith.constant 9984 : i32
        %dma_start3A_30 = arith.constant 0 : i32
        %dma_start3A_31 = tpu.memref_slice %arg5[%arg0, %dma_start3A, %dma_start3A_30] : memref<2x10000x64xf32, #tpu.memory_space<hbm>> -> memref<1x16x64xf32, #tpu.memory_space<hbm>>
        %dma_start3A_32 = tpu.memref_squeeze %dma_start3A_31 : memref<1x16x64xf32, #tpu.memory_space<hbm>> -> memref<16x64xf32, #tpu.memory_space<hbm>>
        %dma_start3A_33 = arith.constant 9984 : i32
        %dma_start3A_34 = arith.constant 0 : i32
        %dma_start3A_35 = tpu.memref_slice %arg8[%dma_start3A_33, %dma_start3A_34] : memref<10000x64xf32, #tpu.memory_space<vmem_shared>> -> memref<16x64xf32, #tpu.memory_space<vmem_shared>>
        tpu.enqueue_dma source(%dma_start3A_35 : memref<16x64xf32, #tpu.memory_space<vmem_shared>>) target(%dma_start3A_32 : memref<16x64xf32, #tpu.memory_space<hbm>>) target_semaphore(%run_scoped3A : memref<!tpu.dma_semaphore, #tpu.memory_space<semaphore_mem>>)
        %dma_wait3A = arith.constant 9984 : i32
        %dma_wait3A_36 = arith.constant 0 : i32
        %dma_wait3A_37 = tpu.memref_slice %arg5[%arg0, %dma_wait3A, %dma_wait3A_36] : memref<2x10000x64xf32, #tpu.memory_space<hbm>> -> memref<1x16x64xf32, #tpu.memory_space<hbm>>
        %dma_wait3A_38 = tpu.memref_squeeze %dma_wait3A_37 : memref<1x16x64xf32, #tpu.memory_space<hbm>> -> memref<16x64xf32, #tpu.memory_space<hbm>>
        %dma_wait3A_39 = arith.constant 9984 : i32
        %dma_wait3A_40 = arith.constant 0 : i32
        %dma_wait3A_41 = tpu.memref_slice %arg8[%dma_wait3A_39, %dma_wait3A_40] : memref<10000x64xf32, #tpu.memory_space<vmem_shared>> -> memref<16x64xf32, #tpu.memory_space<vmem_shared>>
        tpu.wait_dma2 semaphore(%run_scoped3A : memref<!tpu.dma_semaphore, #tpu.memory_space<semaphore_mem>>) src(%dma_wait3A_41 : memref<16x64xf32, #tpu.memory_space<vmem_shared>>) dst(%dma_wait3A_38 : memref<16x64xf32, #tpu.memory_space<hbm>>)
        tpu.yield
      }) : () -> ()
    } else {
    }
    return
  }
}

#map = affine_map<(d0, d1) -> (0)>
#map1 = affine_map<(d0, d1) -> (0, 0)>
module attributes {stable_mosaic.version = 14 : i64} {
  func.func @_edge_body(%arg0: i32, %arg1: i32, %arg2: memref<160000xi32, #tpu.memory_space<hbm>>, %arg3: memref<160000xf32, #tpu.memory_space<hbm>>, %arg4: memref<160000xf32, #tpu.memory_space<hbm>>, %arg5: memref<160000x3xf32, #tpu.memory_space<hbm>>, %arg6: memref<10000xi32, #tpu.memory_space<hbm>>, %arg7: memref<160000x8xf32, #tpu.memory_space<hbm>>, %arg8: memref<5000xi32, #tpu.memory_space<vmem>>, %arg9: memref<5000xf32, #tpu.memory_space<vmem>>, %arg10: memref<5000xf32, #tpu.memory_space<vmem>>, %arg11: memref<5000x3xf32, #tpu.memory_space<vmem>>, %arg12: memref<10000xi32, #tpu.memory_space<vmem>>, %arg13: memref<5000x8xf32, #tpu.memory_space<vmem>>) attributes {dimension_semantics = [#tpu.dimension_semantics<core_parallel>, #tpu.dimension_semantics<subcore_parallel>], iteration_bounds = array<i64: 2, 16>, scalar_prefetch = 0 : i64, scratch_operands = 6 : i64, tpu.core_type = #tpu.core_type<sc_vector_subcore>, window_params = [{transform_indices = #map}, {transform_indices = #map}, {transform_indices = #map}, {transform_indices = #map1}, {transform_indices = #map}, {transform_indices = #map1}]} {
    %mul3A = arith.constant 2 : i32
    %mul3A_0 = arith.muli %arg1, %mul3A : i32
    %add3A = arith.addi %mul3A_0, %arg0 : i32
    %mul3A_1 = arith.constant 5000 : i32
    %mul3A_2 = arith.muli %add3A, %mul3A_1 : i32
    %multiple_of3A = tpu.assume_multiple %mul3A_2, 5000 : i32
    "tpu.region"() ({
      %run_scoped3A = tpu.sem_alloc : memref<!tpu.dma_semaphore, #tpu.memory_space<semaphore_mem>>
      %dma_start3A = tpu.memref_slice %arg2[%multiple_of3A] : memref<160000xi32, #tpu.memory_space<hbm>> -> memref<5000xi32, #tpu.memory_space<hbm>>
      %dma_start3A_35 = tpu.memref_slice %arg2[%multiple_of3A] : memref<160000xi32, #tpu.memory_space<hbm>> -> memref<5000xi32, #tpu.memory_space<hbm>>
      tpu.enqueue_dma source(%dma_start3A_35 : memref<5000xi32, #tpu.memory_space<hbm>>) target(%arg8 : memref<5000xi32, #tpu.memory_space<vmem>>) target_semaphore(%run_scoped3A : memref<!tpu.dma_semaphore, #tpu.memory_space<semaphore_mem>>)
      %dma_wait3A = tpu.memref_slice %arg2[%multiple_of3A] : memref<160000xi32, #tpu.memory_space<hbm>> -> memref<5000xi32, #tpu.memory_space<hbm>>
      %dma_wait3A_36 = tpu.memref_slice %arg2[%multiple_of3A] : memref<160000xi32, #tpu.memory_space<hbm>> -> memref<5000xi32, #tpu.memory_space<hbm>>
      tpu.wait_dma2 semaphore(%run_scoped3A : memref<!tpu.dma_semaphore, #tpu.memory_space<semaphore_mem>>) src(%dma_wait3A_36 : memref<5000xi32, #tpu.memory_space<hbm>>) dst(%arg8 : memref<5000xi32, #tpu.memory_space<vmem>>)
      tpu.yield
    }) : () -> ()
    "tpu.region"() ({
      %run_scoped3A = tpu.sem_alloc : memref<!tpu.dma_semaphore, #tpu.memory_space<semaphore_mem>>
      %dma_start3A = tpu.memref_slice %arg3[%multiple_of3A] : memref<160000xf32, #tpu.memory_space<hbm>> -> memref<5000xf32, #tpu.memory_space<hbm>>
      %dma_start3A_35 = tpu.memref_slice %arg3[%multiple_of3A] : memref<160000xf32, #tpu.memory_space<hbm>> -> memref<5000xf32, #tpu.memory_space<hbm>>
      tpu.enqueue_dma source(%dma_start3A_35 : memref<5000xf32, #tpu.memory_space<hbm>>) target(%arg9 : memref<5000xf32, #tpu.memory_space<vmem>>) target_semaphore(%run_scoped3A : memref<!tpu.dma_semaphore, #tpu.memory_space<semaphore_mem>>)
      %dma_wait3A = tpu.memref_slice %arg3[%multiple_of3A] : memref<160000xf32, #tpu.memory_space<hbm>> -> memref<5000xf32, #tpu.memory_space<hbm>>
      %dma_wait3A_36 = tpu.memref_slice %arg3[%multiple_of3A] : memref<160000xf32, #tpu.memory_space<hbm>> -> memref<5000xf32, #tpu.memory_space<hbm>>
      tpu.wait_dma2 semaphore(%run_scoped3A : memref<!tpu.dma_semaphore, #tpu.memory_space<semaphore_mem>>) src(%dma_wait3A_36 : memref<5000xf32, #tpu.memory_space<hbm>>) dst(%arg9 : memref<5000xf32, #tpu.memory_space<vmem>>)
      tpu.yield
    }) : () -> ()
    "tpu.region"() ({
      %run_scoped3A = tpu.sem_alloc : memref<!tpu.dma_semaphore, #tpu.memory_space<semaphore_mem>>
      %dma_start3A = tpu.memref_slice %arg4[%multiple_of3A] : memref<160000xf32, #tpu.memory_space<hbm>> -> memref<5000xf32, #tpu.memory_space<hbm>>
      %dma_start3A_35 = tpu.memref_slice %arg4[%multiple_of3A] : memref<160000xf32, #tpu.memory_space<hbm>> -> memref<5000xf32, #tpu.memory_space<hbm>>
      tpu.enqueue_dma source(%dma_start3A_35 : memref<5000xf32, #tpu.memory_space<hbm>>) target(%arg10 : memref<5000xf32, #tpu.memory_space<vmem>>) target_semaphore(%run_scoped3A : memref<!tpu.dma_semaphore, #tpu.memory_space<semaphore_mem>>)
      %dma_wait3A = tpu.memref_slice %arg4[%multiple_of3A] : memref<160000xf32, #tpu.memory_space<hbm>> -> memref<5000xf32, #tpu.memory_space<hbm>>
      %dma_wait3A_36 = tpu.memref_slice %arg4[%multiple_of3A] : memref<160000xf32, #tpu.memory_space<hbm>> -> memref<5000xf32, #tpu.memory_space<hbm>>
      tpu.wait_dma2 semaphore(%run_scoped3A : memref<!tpu.dma_semaphore, #tpu.memory_space<semaphore_mem>>) src(%dma_wait3A_36 : memref<5000xf32, #tpu.memory_space<hbm>>) dst(%arg10 : memref<5000xf32, #tpu.memory_space<vmem>>)
      tpu.yield
    }) : () -> ()
    "tpu.region"() ({
      %run_scoped3A = tpu.sem_alloc : memref<!tpu.dma_semaphore, #tpu.memory_space<semaphore_mem>>
      %dma_start3A = arith.constant 0 : i32
      %dma_start3A_35 = tpu.memref_slice %arg5[%multiple_of3A, %dma_start3A] : memref<160000x3xf32, #tpu.memory_space<hbm>> -> memref<5000x3xf32, #tpu.memory_space<hbm>>
      %dma_start3A_36 = arith.constant 0 : i32
      %dma_start3A_37 = tpu.memref_slice %arg5[%multiple_of3A, %dma_start3A_36] : memref<160000x3xf32, #tpu.memory_space<hbm>> -> memref<5000x3xf32, #tpu.memory_space<hbm>>
      tpu.enqueue_dma source(%dma_start3A_37 : memref<5000x3xf32, #tpu.memory_space<hbm>>) target(%arg11 : memref<5000x3xf32, #tpu.memory_space<vmem>>) target_semaphore(%run_scoped3A : memref<!tpu.dma_semaphore, #tpu.memory_space<semaphore_mem>>)
      %dma_wait3A = arith.constant 0 : i32
      %dma_wait3A_38 = tpu.memref_slice %arg5[%multiple_of3A, %dma_wait3A] : memref<160000x3xf32, #tpu.memory_space<hbm>> -> memref<5000x3xf32, #tpu.memory_space<hbm>>
      %dma_wait3A_39 = arith.constant 0 : i32
      %dma_wait3A_40 = tpu.memref_slice %arg5[%multiple_of3A, %dma_wait3A_39] : memref<160000x3xf32, #tpu.memory_space<hbm>> -> memref<5000x3xf32, #tpu.memory_space<hbm>>
      tpu.wait_dma2 semaphore(%run_scoped3A : memref<!tpu.dma_semaphore, #tpu.memory_space<semaphore_mem>>) src(%dma_wait3A_40 : memref<5000x3xf32, #tpu.memory_space<hbm>>) dst(%arg11 : memref<5000x3xf32, #tpu.memory_space<vmem>>)
      tpu.yield
    }) : () -> ()
    "tpu.region"() ({
      %run_scoped3A = tpu.sem_alloc : memref<!tpu.dma_semaphore, #tpu.memory_space<semaphore_mem>>
      tpu.enqueue_dma source(%arg6 : memref<10000xi32, #tpu.memory_space<hbm>>) target(%arg12 : memref<10000xi32, #tpu.memory_space<vmem>>) target_semaphore(%run_scoped3A : memref<!tpu.dma_semaphore, #tpu.memory_space<semaphore_mem>>)
      tpu.wait_dma2 semaphore(%run_scoped3A : memref<!tpu.dma_semaphore, #tpu.memory_space<semaphore_mem>>) src(%arg6 : memref<10000xi32, #tpu.memory_space<hbm>>) dst(%arg12 : memref<10000xi32, #tpu.memory_space<vmem>>)
      tpu.yield
    }) : () -> ()
    %iota3A = tpu.iota {dimensions = array<i32: 0>} : vector<16xi32>
    %broadcast_in_dim3A = arith.constant 0 : i32
    %broadcast_in_dim3A_3 = vector.broadcast %broadcast_in_dim3A : i32 to vector<16xi32>
    %broadcast_in_dim3A_4 = arith.constant 1 : i32
    %broadcast_in_dim3A_5 = vector.broadcast %broadcast_in_dim3A_4 : i32 to vector<16xi32>
    %broadcast_in_dim3A_6 = arith.constant 2 : i32
    %broadcast_in_dim3A_7 = vector.broadcast %broadcast_in_dim3A_6 : i32 to vector<16xi32>
    %broadcast_in_dim3A_8 = arith.constant 3 : i32
    %broadcast_in_dim3A_9 = vector.broadcast %broadcast_in_dim3A_8 : i32 to vector<16xi32>
    %broadcast_in_dim3A_10 = arith.constant 4 : i32
    %broadcast_in_dim3A_11 = vector.broadcast %broadcast_in_dim3A_10 : i32 to vector<16xi32>
    %scan3A = arith.constant 0 : i32
    %scan3A_12 = arith.constant 0 : i32
    %scan3A_13 = arith.constant 312 : i32
    %scan3A_14 = arith.addi %scan3A_12, %scan3A_13 : i32
    %scan3A_15 = arith.constant 1 : i32
    scf.for %scan3A_35 = %scan3A_12 to %scan3A_14 step %scan3A_15  : i32 {
      %mul3A_36 = arith.constant 16 : i32
      %mul3A_37 = arith.muli %scan3A_35, %mul3A_36 : i32
      %add3A_38 = vector.broadcast %mul3A_37 : i32 to vector<16xi32>
      %add3A_39 = arith.addi %add3A_38, %iota3A : vector<16xi32>
      %get3A_40 = arith.index_cast %mul3A_37 : i32 to index
      %get3A_41 = tpu.vector_load %arg9[%get3A_40] {strides = array<i32>} : memref<5000xf32, #tpu.memory_space<vmem>>, vector<16xf32>,
      %get3A_42 = arith.index_cast %mul3A_37 : i32 to index
      %get3A_43 = tpu.vector_load %arg10[%get3A_42] {strides = array<i32>} : memref<5000xf32, #tpu.memory_space<vmem>>, vector<16xf32>,
      %gather3A_44 = tpu.vector_load_idx %arg11[%add3A_39, %broadcast_in_dim3A_3] : memref<5000x3xf32, #tpu.memory_space<vmem>>[vector<16xi32>, vector<16xi32>], vector<16xf32>,
      %gather3A_45 = tpu.vector_load_idx %arg11[%add3A_39, %broadcast_in_dim3A_5] : memref<5000x3xf32, #tpu.memory_space<vmem>>[vector<16xi32>, vector<16xi32>], vector<16xf32>,
      %gather3A_46 = tpu.vector_load_idx %arg11[%add3A_39, %broadcast_in_dim3A_7] : memref<5000x3xf32, #tpu.memory_space<vmem>>[vector<16xi32>, vector<16xi32>], vector<16xf32>,
      %get3A_47 = arith.index_cast %mul3A_37 : i32 to index
      %get3A_48 = tpu.vector_load %arg8[%get3A_47] {strides = array<i32>} : memref<5000xi32, #tpu.memory_space<vmem>>, vector<16xi32>,
      %gather3A_49 = tpu.vector_load_idx %arg12[%get3A_48] : memref<10000xi32, #tpu.memory_space<vmem>>[vector<16xi32>], vector<16xi32>,
      %div3A_50 = arith.constant 1.000000e+00 : f32
      %div3A_51 = vector.broadcast %div3A_50 : f32 to vector<16xf32>
      %div3A_52 = arith.divf %div3A_51, %get3A_41 : vector<16xf32>
      %mul3A_53 = arith.mulf %get3A_43, %div3A_52 : vector<16xf32>
      %mul3A_54 = arith.mulf %mul3A_53, %div3A_52 : vector<16xf32>
      tpu.vector_store_idx %arg13[%add3A_39, %broadcast_in_dim3A_3], %mul3A_53 : memref<5000x8xf32, #tpu.memory_space<vmem>>[vector<16xi32>, vector<16xi32>], vector<16xf32>,
      %mul3A_55 = arith.mulf %mul3A_54, %gather3A_44 : vector<16xf32>
      tpu.vector_store_idx %arg13[%add3A_39, %broadcast_in_dim3A_5], %mul3A_55 : memref<5000x8xf32, #tpu.memory_space<vmem>>[vector<16xi32>, vector<16xi32>], vector<16xf32>,
      %mul3A_56 = arith.mulf %mul3A_54, %gather3A_45 : vector<16xf32>
      tpu.vector_store_idx %arg13[%add3A_39, %broadcast_in_dim3A_7], %mul3A_56 : memref<5000x8xf32, #tpu.memory_space<vmem>>[vector<16xi32>, vector<16xi32>], vector<16xf32>,
      %mul3A_57 = arith.mulf %mul3A_54, %gather3A_46 : vector<16xf32>
      tpu.vector_store_idx %arg13[%add3A_39, %broadcast_in_dim3A_9], %mul3A_57 : memref<5000x8xf32, #tpu.memory_space<vmem>>[vector<16xi32>, vector<16xi32>], vector<16xf32>,
      %convert_element_type3A_58 = arith.sitofp %gather3A_49 : vector<16xi32> to vector<16xf32>
      tpu.vector_store_idx %arg13[%add3A_39, %broadcast_in_dim3A_11], %convert_element_type3A_58 : memref<5000x8xf32, #tpu.memory_space<vmem>>[vector<16xi32>, vector<16xi32>], vector<16xf32>,
    }
    %scan3A_16 = arith.constant 312 : i32
    %add3A_17 = arith.constant 4984 : i32
    %add3A_18 = vector.broadcast %add3A_17 : i32 to vector<16xi32>
    %add3A_19 = arith.addi %add3A_18, %iota3A : vector<16xi32>
    %get3A = arith.constant 4984 : index
    %get3A_20 = tpu.vector_load %arg9[%get3A] {strides = array<i32>} : memref<5000xf32, #tpu.memory_space<vmem>>, vector<16xf32>,
    %get3A_21 = arith.constant 4984 : index
    %get3A_22 = tpu.vector_load %arg10[%get3A_21] {strides = array<i32>} : memref<5000xf32, #tpu.memory_space<vmem>>, vector<16xf32>,
    %gather3A = tpu.vector_load_idx %arg11[%add3A_19, %broadcast_in_dim3A_3] : memref<5000x3xf32, #tpu.memory_space<vmem>>[vector<16xi32>, vector<16xi32>], vector<16xf32>,
    %gather3A_23 = tpu.vector_load_idx %arg11[%add3A_19, %broadcast_in_dim3A_5] : memref<5000x3xf32, #tpu.memory_space<vmem>>[vector<16xi32>, vector<16xi32>], vector<16xf32>,
    %gather3A_24 = tpu.vector_load_idx %arg11[%add3A_19, %broadcast_in_dim3A_7] : memref<5000x3xf32, #tpu.memory_space<vmem>>[vector<16xi32>, vector<16xi32>], vector<16xf32>,
    %get3A_25 = arith.constant 4984 : index
    %get3A_26 = tpu.vector_load %arg8[%get3A_25] {strides = array<i32>} : memref<5000xi32, #tpu.memory_space<vmem>>, vector<16xi32>,
    %gather3A_27 = tpu.vector_load_idx %arg12[%get3A_26] : memref<10000xi32, #tpu.memory_space<vmem>>[vector<16xi32>], vector<16xi32>,
    %div3A = arith.constant 1.000000e+00 : f32
    %div3A_28 = vector.broadcast %div3A : f32 to vector<16xf32>
    %div3A_29 = arith.divf %div3A_28, %get3A_20 : vector<16xf32>
    %mul3A_30 = arith.mulf %get3A_22, %div3A_29 : vector<16xf32>
    %mul3A_31 = arith.mulf %mul3A_30, %div3A_29 : vector<16xf32>
    tpu.vector_store_idx %arg13[%add3A_19, %broadcast_in_dim3A_3], %mul3A_30 : memref<5000x8xf32, #tpu.memory_space<vmem>>[vector<16xi32>, vector<16xi32>], vector<16xf32>,
    %mul3A_32 = arith.mulf %mul3A_31, %gather3A : vector<16xf32>
    tpu.vector_store_idx %arg13[%add3A_19, %broadcast_in_dim3A_5], %mul3A_32 : memref<5000x8xf32, #tpu.memory_space<vmem>>[vector<16xi32>, vector<16xi32>], vector<16xf32>,
    %mul3A_33 = arith.mulf %mul3A_31, %gather3A_23 : vector<16xf32>
    tpu.vector_store_idx %arg13[%add3A_19, %broadcast_in_dim3A_7], %mul3A_33 : memref<5000x8xf32, #tpu.memory_space<vmem>>[vector<16xi32>, vector<16xi32>], vector<16xf32>,
    %mul3A_34 = arith.mulf %mul3A_31, %gather3A_24 : vector<16xf32>
    tpu.vector_store_idx %arg13[%add3A_19, %broadcast_in_dim3A_9], %mul3A_34 : memref<5000x8xf32, #tpu.memory_space<vmem>>[vector<16xi32>, vector<16xi32>], vector<16xf32>,
    %convert_element_type3A = arith.sitofp %gather3A_27 : vector<16xi32> to vector<16xf32>
    tpu.vector_store_idx %arg13[%add3A_19, %broadcast_in_dim3A_11], %convert_element_type3A : memref<5000x8xf32, #tpu.memory_space<vmem>>[vector<16xi32>, vector<16xi32>], vector<16xf32>,
    "tpu.region"() ({
      %run_scoped3A = tpu.sem_alloc : memref<!tpu.dma_semaphore, #tpu.memory_space<semaphore_mem>>
      %dma_start3A = arith.constant 0 : i32
      %dma_start3A_35 = tpu.memref_slice %arg7[%multiple_of3A, %dma_start3A] : memref<160000x8xf32, #tpu.memory_space<hbm>> -> memref<5000x8xf32, #tpu.memory_space<hbm>>
      %dma_start3A_36 = arith.constant 0 : i32
      %dma_start3A_37 = tpu.memref_slice %arg7[%multiple_of3A, %dma_start3A_36] : memref<160000x8xf32, #tpu.memory_space<hbm>> -> memref<5000x8xf32, #tpu.memory_space<hbm>>
      tpu.enqueue_dma source(%arg13 : memref<5000x8xf32, #tpu.memory_space<vmem>>) target(%dma_start3A_37 : memref<5000x8xf32, #tpu.memory_space<hbm>>) target_semaphore(%run_scoped3A : memref<!tpu.dma_semaphore, #tpu.memory_space<semaphore_mem>>)
      %dma_wait3A = arith.constant 0 : i32
      %dma_wait3A_38 = tpu.memref_slice %arg7[%multiple_of3A, %dma_wait3A] : memref<160000x8xf32, #tpu.memory_space<hbm>> -> memref<5000x8xf32, #tpu.memory_space<hbm>>
      %dma_wait3A_39 = arith.constant 0 : i32
      %dma_wait3A_40 = tpu.memref_slice %arg7[%multiple_of3A, %dma_wait3A_39] : memref<160000x8xf32, #tpu.memory_space<hbm>> -> memref<5000x8xf32, #tpu.memory_space<hbm>>
      tpu.wait_dma2 semaphore(%run_scoped3A : memref<!tpu.dma_semaphore, #tpu.memory_space<semaphore_mem>>) src(%arg13 : memref<5000x8xf32, #tpu.memory_space<vmem>>) dst(%dma_wait3A_40 : memref<5000x8xf32, #tpu.memory_space<hbm>>)
      tpu.yield
    }) : () -> ()
    return
  }
}

#map = affine_map<(d0, d1) -> (0, 0)>
module attributes {stable_mosaic.version = 14 : i64} {
  func.func @_angle_body(%arg0: i32, %arg1: i32, %arg2: memref<160000x8xf32, #tpu.memory_space<hbm>>, %arg3: memref<2500x128xi32, #tpu.memory_space<hbm>>, %arg4: memref<2500x128xi32, #tpu.memory_space<hbm>>, %arg5: memref<320000x8xf32, #tpu.memory_space<hbm>>, %arg6: memref<320000x8xf32, #tpu.memory_space<hbm>>, %arg7: memref<16x128xi32, #tpu.memory_space<vmem>>, %arg8: memref<16x128xi32, #tpu.memory_space<vmem>>, %arg9: memref<2048x8xf32, #tpu.memory_space<vmem>>, %arg10: memref<2048x8xf32, #tpu.memory_space<vmem>>, %arg11: memref<!tpu.dma_semaphore, #tpu.memory_space<semaphore_mem>>) attributes {dimension_semantics = [#tpu.dimension_semantics<core_parallel>, #tpu.dimension_semantics<subcore_parallel>], iteration_bounds = array<i64: 2, 16>, scalar_prefetch = 0 : i64, scratch_operands = 5 : i64, tpu.core_type = #tpu.core_type<sc_vector_subcore>, window_params = [{transform_indices = #map}, {transform_indices = #map}, {transform_indices = #map}, {transform_indices = #map}, {transform_indices = #map}]} {
    %mul3A = arith.constant 2 : i32
    %mul3A_0 = arith.muli %arg1, %mul3A : i32
    %add3A = arith.addi %mul3A_0, %arg0 : i32
    %mul3A_1 = arith.constant 80 : i32
    %mul3A_2 = arith.muli %add3A, %mul3A_1 : i32
    %eq3A = arith.constant 31 : i32
    %eq3A_3 = arith.cmpi eq, %add3A, %eq3A : i32
    %jit3A = arith.constant 1 : i32
    %jit3A_4 = arith.constant 5 : i32
    %select_n3A = arith.select %eq3A_3, %jit3A, %jit3A_4 : i32
    %while3A = arith.constant 0 : i32
    %while3A_5 = arith.constant 0 : i32
    %while3A_6 = arith.subi %select_n3A, %while3A_5 : i32
    %while3A_7 = arith.addi %while3A_5, %while3A_6 : i32
    %while3A_8 = arith.constant 1 : i32
    %while3A_9 = arith.divsi %while3A_6, %while3A_8 : i32
    %while3A_10 = arith.muli %while3A_9, %while3A_8 : i32
    %while3A_11 = arith.addi %while3A_5, %while3A_10 : i32
    %while3A_12 = arith.constant 1 : i32
    scf.for %while3A_17 = %while3A_5 to %while3A_11 step %while3A_12  : i32 {
      %mul3A_18 = arith.constant 16 : i32
      %mul3A_19 = arith.muli %while3A_17, %mul3A_18 : i32
      %add3A_20 = arith.addi %mul3A_2, %mul3A_19 : i32
      %multiple_of3A = tpu.assume_multiple %add3A_20, 16 : i32
      %mul3A_21 = arith.constant 128 : i32
      %mul3A_22 = arith.muli %multiple_of3A, %mul3A_21 : i32
      %multiple_of3A_23 = tpu.assume_multiple %mul3A_22, 2048 : i32
      "tpu.region"() ({
        %run_scoped3A = tpu.sem_alloc : memref<!tpu.dma_semaphore, #tpu.memory_space<semaphore_mem>>
        %dma_start3A_662 = arith.constant 0 : i32
        %dma_start3A_663 = tpu.memref_slice %arg3[%multiple_of3A, %dma_start3A_662] : memref<2500x128xi32, #tpu.memory_space<hbm>> -> memref<16x128xi32, #tpu.memory_space<hbm>>
        %dma_start3A_664 = arith.constant 0 : i32
        %dma_start3A_665 = tpu.memref_slice %arg3[%multiple_of3A, %dma_start3A_664] : memref<2500x128xi32, #tpu.memory_space<hbm>> -> memref<16x128xi32, #tpu.memory_space<hbm>>
        tpu.enqueue_dma source(%dma_start3A_665 : memref<16x128xi32, #tpu.memory_space<hbm>>) target(%arg7 : memref<16x128xi32, #tpu.memory_space<vmem>>) target_semaphore(%run_scoped3A : memref<!tpu.dma_semaphore, #tpu.memory_space<semaphore_mem>>)
        %dma_wait3A_666 = arith.constant 0 : i32
        %dma_wait3A_667 = tpu.memref_slice %arg3[%multiple_of3A, %dma_wait3A_666] : memref<2500x128xi32, #tpu.memory_space<hbm>> -> memref<16x128xi32, #tpu.memory_space<hbm>>
        %dma_wait3A_668 = arith.constant 0 : i32
        %dma_wait3A_669 = tpu.memref_slice %arg3[%multiple_of3A, %dma_wait3A_668] : memref<2500x128xi32, #tpu.memory_space<hbm>> -> memref<16x128xi32, #tpu.memory_space<hbm>>
        tpu.wait_dma2 semaphore(%run_scoped3A : memref<!tpu.dma_semaphore, #tpu.memory_space<semaphore_mem>>) src(%dma_wait3A_669 : memref<16x128xi32, #tpu.memory_space<hbm>>) dst(%arg7 : memref<16x128xi32, #tpu.memory_space<vmem>>)
        tpu.yield
      }) : () -> ()
      "tpu.region"() ({
        %run_scoped3A = tpu.sem_alloc : memref<!tpu.dma_semaphore, #tpu.memory_space<semaphore_mem>>
        %dma_start3A_662 = arith.constant 0 : i32
        %dma_start3A_663 = tpu.memref_slice %arg4[%multiple_of3A, %dma_start3A_662] : memref<2500x128xi32, #tpu.memory_space<hbm>> -> memref<16x128xi32, #tpu.memory_space<hbm>>
        %dma_start3A_664 = arith.constant 0 : i32
        %dma_start3A_665 = tpu.memref_slice %arg4[%multiple_of3A, %dma_start3A_664] : memref<2500x128xi32, #tpu.memory_space<hbm>> -> memref<16x128xi32, #tpu.memory_space<hbm>>
        tpu.enqueue_dma source(%dma_start3A_665 : memref<16x128xi32, #tpu.memory_space<hbm>>) target(%arg8 : memref<16x128xi32, #tpu.memory_space<vmem>>) target_semaphore(%run_scoped3A : memref<!tpu.dma_semaphore, #tpu.memory_space<semaphore_mem>>)
        %dma_wait3A_666 = arith.constant 0 : i32
        %dma_wait3A_667 = tpu.memref_slice %arg4[%multiple_of3A, %dma_wait3A_666] : memref<2500x128xi32, #tpu.memory_space<hbm>> -> memref<16x128xi32, #tpu.memory_space<hbm>>
        %dma_wait3A_668 = arith.constant 0 : i32
        %dma_wait3A_669 = tpu.memref_slice %arg4[%multiple_of3A, %dma_wait3A_668] : memref<2500x128xi32, #tpu.memory_space<hbm>> -> memref<16x128xi32, #tpu.memory_space<hbm>>
        tpu.wait_dma2 semaphore(%run_scoped3A : memref<!tpu.dma_semaphore, #tpu.memory_space<semaphore_mem>>) src(%dma_wait3A_669 : memref<16x128xi32, #tpu.memory_space<hbm>>) dst(%arg8 : memref<16x128xi32, #tpu.memory_space<vmem>>)
        tpu.yield
      }) : () -> ()
      %dma_start3A = arith.constant 0 : i32
      %dma_start3A_24 = arith.constant 0 : i32
      %dma_start3A_25 = arith.constant 0 : i32
      %dma_start3A_26 = tpu.memref_slice %arg9[%dma_start3A_24, %dma_start3A_25] : memref<2048x8xf32, #tpu.memory_space<vmem>> -> memref<128x8xf32, #tpu.memory_space<vmem>>
      %dma_start3A_27 = arith.constant 0 : i32
      %dma_start3A_28 = tpu.memref_slice %arg7[%dma_start3A, %dma_start3A_27] : memref<16x128xi32, #tpu.memory_space<vmem>> -> memref<1x128xi32, #tpu.memory_space<vmem>>
      %dma_start3A_29 = tpu.memref_squeeze %dma_start3A_28 : memref<1x128xi32, #tpu.memory_space<vmem>> -> memref<128xi32, #tpu.memory_space<vmem>>
      %dma_start3A_30 = arith.constant 0 : i32
      %dma_start3A_31 = arith.constant 0 : i32
      %dma_start3A_32 = tpu.memref_slice %arg2[%dma_start3A_30, %dma_start3A_31] : memref<160000x8xf32, #tpu.memory_space<hbm>> -> memref<160000x8xf32, #tpu.memory_space<hbm>>
      tpu.enqueue_indirect_dma source(%dma_start3A_32 : memref<160000x8xf32, #tpu.memory_space<hbm>>) target(%dma_start3A_26 : memref<128x8xf32, #tpu.memory_space<vmem>>) offsets(%dma_start3A_29 : memref<128xi32, #tpu.memory_space<vmem>>) semaphore(%arg11 : memref<!tpu.dma_semaphore, #tpu.memory_space<semaphore_mem>>)
      %dma_start3A_33 = arith.constant 1 : i32
      %dma_start3A_34 = arith.constant 128 : i32
      %dma_start3A_35 = arith.constant 0 : i32
      %dma_start3A_36 = tpu.memref_slice %arg9[%dma_start3A_34, %dma_start3A_35] : memref<2048x8xf32, #tpu.memory_space<vmem>> -> memref<128x8xf32, #tpu.memory_space<vmem>>
      %dma_start3A_37 = arith.constant 0 : i32
      %dma_start3A_38 = tpu.memref_slice %arg7[%dma_start3A_33, %dma_start3A_37] : memref<16x128xi32, #tpu.memory_space<vmem>> -> memref<1x128xi32, #tpu.memory_space<vmem>>
      %dma_start3A_39 = tpu.memref_squeeze %dma_start3A_38 : memref<1x128xi32, #tpu.memory_space<vmem>> -> memref<128xi32, #tpu.memory_space<vmem>>
      %dma_start3A_40 = arith.constant 0 : i32
      %dma_start3A_41 = arith.constant 0 : i32
      %dma_start3A_42 = tpu.memref_slice %arg2[%dma_start3A_40, %dma_start3A_41] : memref<160000x8xf32, #tpu.memory_space<hbm>> -> memref<160000x8xf32, #tpu.memory_space<hbm>>
      tpu.enqueue_indirect_dma source(%dma_start3A_42 : memref<160000x8xf32, #tpu.memory_space<hbm>>) target(%dma_start3A_36 : memref<128x8xf32, #tpu.memory_space<vmem>>) offsets(%dma_start3A_39 : memref<128xi32, #tpu.memory_space<vmem>>) semaphore(%arg11 : memref<!tpu.dma_semaphore, #tpu.memory_space<semaphore_mem>>)
      %dma_start3A_43 = arith.constant 2 : i32
      %dma_start3A_44 = arith.constant 256 : i32
      %dma_start3A_45 = arith.constant 0 : i32
      %dma_start3A_46 = tpu.memref_slice %arg9[%dma_start3A_44, %dma_start3A_45] : memref<2048x8xf32, #tpu.memory_space<vmem>> -> memref<128x8xf32, #tpu.memory_space<vmem>>
      %dma_start3A_47 = arith.constant 0 : i32
      %dma_start3A_48 = tpu.memref_slice %arg7[%dma_start3A_43, %dma_start3A_47] : memref<16x128xi32, #tpu.memory_space<vmem>> -> memref<1x128xi32, #tpu.memory_space<vmem>>
      %dma_start3A_49 = tpu.memref_squeeze %dma_start3A_48 : memref<1x128xi32, #tpu.memory_space<vmem>> -> memref<128xi32, #tpu.memory_space<vmem>>
      %dma_start3A_50 = arith.constant 0 : i32
      %dma_start3A_51 = arith.constant 0 : i32
      %dma_start3A_52 = tpu.memref_slice %arg2[%dma_start3A_50, %dma_start3A_51] : memref<160000x8xf32, #tpu.memory_space<hbm>> -> memref<160000x8xf32, #tpu.memory_space<hbm>>
      tpu.enqueue_indirect_dma source(%dma_start3A_52 : memref<160000x8xf32, #tpu.memory_space<hbm>>) target(%dma_start3A_46 : memref<128x8xf32, #tpu.memory_space<vmem>>) offsets(%dma_start3A_49 : memref<128xi32, #tpu.memory_space<vmem>>) semaphore(%arg11 : memref<!tpu.dma_semaphore, #tpu.memory_space<semaphore_mem>>)
      %dma_start3A_53 = arith.constant 3 : i32
      %dma_start3A_54 = arith.constant 384 : i32
      %dma_start3A_55 = arith.constant 0 : i32
      %dma_start3A_56 = tpu.memref_slice %arg9[%dma_start3A_54, %dma_start3A_55] : memref<2048x8xf32, #tpu.memory_space<vmem>> -> memref<128x8xf32, #tpu.memory_space<vmem>>
      %dma_start3A_57 = arith.constant 0 : i32
      %dma_start3A_58 = tpu.memref_slice %arg7[%dma_start3A_53, %dma_start3A_57] : memref<16x128xi32, #tpu.memory_space<vmem>> -> memref<1x128xi32, #tpu.memory_space<vmem>>
      %dma_start3A_59 = tpu.memref_squeeze %dma_start3A_58 : memref<1x128xi32, #tpu.memory_space<vmem>> -> memref<128xi32, #tpu.memory_space<vmem>>
      %dma_start3A_60 = arith.constant 0 : i32
      %dma_start3A_61 = arith.constant 0 : i32
      %dma_start3A_62 = tpu.memref_slice %arg2[%dma_start3A_60, %dma_start3A_61] : memref<160000x8xf32, #tpu.memory_space<hbm>> -> memref<160000x8xf32, #tpu.memory_space<hbm>>
      tpu.enqueue_indirect_dma source(%dma_start3A_62 : memref<160000x8xf32, #tpu.memory_space<hbm>>) target(%dma_start3A_56 : memref<128x8xf32, #tpu.memory_space<vmem>>) offsets(%dma_start3A_59 : memref<128xi32, #tpu.memory_space<vmem>>) semaphore(%arg11 : memref<!tpu.dma_semaphore, #tpu.memory_space<semaphore_mem>>)
      %dma_start3A_63 = arith.constant 4 : i32
      %dma_start3A_64 = arith.constant 512 : i32
      %dma_start3A_65 = arith.constant 0 : i32
      %dma_start3A_66 = tpu.memref_slice %arg9[%dma_start3A_64, %dma_start3A_65] : memref<2048x8xf32, #tpu.memory_space<vmem>> -> memref<128x8xf32, #tpu.memory_space<vmem>>
      %dma_start3A_67 = arith.constant 0 : i32
      %dma_start3A_68 = tpu.memref_slice %arg7[%dma_start3A_63, %dma_start3A_67] : memref<16x128xi32, #tpu.memory_space<vmem>> -> memref<1x128xi32, #tpu.memory_space<vmem>>
      %dma_start3A_69 = tpu.memref_squeeze %dma_start3A_68 : memref<1x128xi32, #tpu.memory_space<vmem>> -> memref<128xi32, #tpu.memory_space<vmem>>
      %dma_start3A_70 = arith.constant 0 : i32
      %dma_start3A_71 = arith.constant 0 : i32
      %dma_start3A_72 = tpu.memref_slice %arg2[%dma_start3A_70, %dma_start3A_71] : memref<160000x8xf32, #tpu.memory_space<hbm>> -> memref<160000x8xf32, #tpu.memory_space<hbm>>
      tpu.enqueue_indirect_dma source(%dma_start3A_72 : memref<160000x8xf32, #tpu.memory_space<hbm>>) target(%dma_start3A_66 : memref<128x8xf32, #tpu.memory_space<vmem>>) offsets(%dma_start3A_69 : memref<128xi32, #tpu.memory_space<vmem>>) semaphore(%arg11 : memref<!tpu.dma_semaphore, #tpu.memory_space<semaphore_mem>>)
      %dma_start3A_73 = arith.constant 5 : i32
      %dma_start3A_74 = arith.constant 640 : i32
      %dma_start3A_75 = arith.constant 0 : i32
      %dma_start3A_76 = tpu.memref_slice %arg9[%dma_start3A_74, %dma_start3A_75] : memref<2048x8xf32, #tpu.memory_space<vmem>> -> memref<128x8xf32, #tpu.memory_space<vmem>>
      %dma_start3A_77 = arith.constant 0 : i32
      %dma_start3A_78 = tpu.memref_slice %arg7[%dma_start3A_73, %dma_start3A_77] : memref<16x128xi32, #tpu.memory_space<vmem>> -> memref<1x128xi32, #tpu.memory_space<vmem>>
      %dma_start3A_79 = tpu.memref_squeeze %dma_start3A_78 : memref<1x128xi32, #tpu.memory_space<vmem>> -> memref<128xi32, #tpu.memory_space<vmem>>
      %dma_start3A_80 = arith.constant 0 : i32
      %dma_start3A_81 = arith.constant 0 : i32
      %dma_start3A_82 = tpu.memref_slice %arg2[%dma_start3A_80, %dma_start3A_81] : memref<160000x8xf32, #tpu.memory_space<hbm>> -> memref<160000x8xf32, #tpu.memory_space<hbm>>
      tpu.enqueue_indirect_dma source(%dma_start3A_82 : memref<160000x8xf32, #tpu.memory_space<hbm>>) target(%dma_start3A_76 : memref<128x8xf32, #tpu.memory_space<vmem>>) offsets(%dma_start3A_79 : memref<128xi32, #tpu.memory_space<vmem>>) semaphore(%arg11 : memref<!tpu.dma_semaphore, #tpu.memory_space<semaphore_mem>>)
      %dma_start3A_83 = arith.constant 6 : i32
      %dma_start3A_84 = arith.constant 768 : i32
      %dma_start3A_85 = arith.constant 0 : i32
      %dma_start3A_86 = tpu.memref_slice %arg9[%dma_start3A_84, %dma_start3A_85] : memref<2048x8xf32, #tpu.memory_space<vmem>> -> memref<128x8xf32, #tpu.memory_space<vmem>>
      %dma_start3A_87 = arith.constant 0 : i32
      %dma_start3A_88 = tpu.memref_slice %arg7[%dma_start3A_83, %dma_start3A_87] : memref<16x128xi32, #tpu.memory_space<vmem>> -> memref<1x128xi32, #tpu.memory_space<vmem>>
      %dma_start3A_89 = tpu.memref_squeeze %dma_start3A_88 : memref<1x128xi32, #tpu.memory_space<vmem>> -> memref<128xi32, #tpu.memory_space<vmem>>
      %dma_start3A_90 = arith.constant 0 : i32
      %dma_start3A_91 = arith.constant 0 : i32
      %dma_start3A_92 = tpu.memref_slice %arg2[%dma_start3A_90, %dma_start3A_91] : memref<160000x8xf32, #tpu.memory_space<hbm>> -> memref<160000x8xf32, #tpu.memory_space<hbm>>
      tpu.enqueue_indirect_dma source(%dma_start3A_92 : memref<160000x8xf32, #tpu.memory_space<hbm>>) target(%dma_start3A_86 : memref<128x8xf32, #tpu.memory_space<vmem>>) offsets(%dma_start3A_89 : memref<128xi32, #tpu.memory_space<vmem>>) semaphore(%arg11 : memref<!tpu.dma_semaphore, #tpu.memory_space<semaphore_mem>>)
      %dma_start3A_93 = arith.constant 7 : i32
      %dma_start3A_94 = arith.constant 896 : i32
      %dma_start3A_95 = arith.constant 0 : i32
      %dma_start3A_96 = tpu.memref_slice %arg9[%dma_start3A_94, %dma_start3A_95] : memref<2048x8xf32, #tpu.memory_space<vmem>> -> memref<128x8xf32, #tpu.memory_space<vmem>>
      %dma_start3A_97 = arith.constant 0 : i32
      %dma_start3A_98 = tpu.memref_slice %arg7[%dma_start3A_93, %dma_start3A_97] : memref<16x128xi32, #tpu.memory_space<vmem>> -> memref<1x128xi32, #tpu.memory_space<vmem>>
      %dma_start3A_99 = tpu.memref_squeeze %dma_start3A_98 : memref<1x128xi32, #tpu.memory_space<vmem>> -> memref<128xi32, #tpu.memory_space<vmem>>
      %dma_start3A_100 = arith.constant 0 : i32
      %dma_start3A_101 = arith.constant 0 : i32
      %dma_start3A_102 = tpu.memref_slice %arg2[%dma_start3A_100, %dma_start3A_101] : memref<160000x8xf32, #tpu.memory_space<hbm>> -> memref<160000x8xf32, #tpu.memory_space<hbm>>
      tpu.enqueue_indirect_dma source(%dma_start3A_102 : memref<160000x8xf32, #tpu.memory_space<hbm>>) target(%dma_start3A_96 : memref<128x8xf32, #tpu.memory_space<vmem>>) offsets(%dma_start3A_99 : memref<128xi32, #tpu.memory_space<vmem>>) semaphore(%arg11 : memref<!tpu.dma_semaphore, #tpu.memory_space<semaphore_mem>>)
      %dma_start3A_103 = arith.constant 8 : i32
      %dma_start3A_104 = arith.constant 1024 : i32
      %dma_start3A_105 = arith.constant 0 : i32
      %dma_start3A_106 = tpu.memref_slice %arg9[%dma_start3A_104, %dma_start3A_105] : memref<2048x8xf32, #tpu.memory_space<vmem>> -> memref<128x8xf32, #tpu.memory_space<vmem>>
      %dma_start3A_107 = arith.constant 0 : i32
      %dma_start3A_108 = tpu.memref_slice %arg7[%dma_start3A_103, %dma_start3A_107] : memref<16x128xi32, #tpu.memory_space<vmem>> -> memref<1x128xi32, #tpu.memory_space<vmem>>
      %dma_start3A_109 = tpu.memref_squeeze %dma_start3A_108 : memref<1x128xi32, #tpu.memory_space<vmem>> -> memref<128xi32, #tpu.memory_space<vmem>>
      %dma_start3A_110 = arith.constant 0 : i32
      %dma_start3A_111 = arith.constant 0 : i32
      %dma_start3A_112 = tpu.memref_slice %arg2[%dma_start3A_110, %dma_start3A_111] : memref<160000x8xf32, #tpu.memory_space<hbm>> -> memref<160000x8xf32, #tpu.memory_space<hbm>>
      tpu.enqueue_indirect_dma source(%dma_start3A_112 : memref<160000x8xf32, #tpu.memory_space<hbm>>) target(%dma_start3A_106 : memref<128x8xf32, #tpu.memory_space<vmem>>) offsets(%dma_start3A_109 : memref<128xi32, #tpu.memory_space<vmem>>) semaphore(%arg11 : memref<!tpu.dma_semaphore, #tpu.memory_space<semaphore_mem>>)
      %dma_start3A_113 = arith.constant 9 : i32
      %dma_start3A_114 = arith.constant 1152 : i32
      %dma_start3A_115 = arith.constant 0 : i32
      %dma_start3A_116 = tpu.memref_slice %arg9[%dma_start3A_114, %dma_start3A_115] : memref<2048x8xf32, #tpu.memory_space<vmem>> -> memref<128x8xf32, #tpu.memory_space<vmem>>
      %dma_start3A_117 = arith.constant 0 : i32
      %dma_start3A_118 = tpu.memref_slice %arg7[%dma_start3A_113, %dma_start3A_117] : memref<16x128xi32, #tpu.memory_space<vmem>> -> memref<1x128xi32, #tpu.memory_space<vmem>>
      %dma_start3A_119 = tpu.memref_squeeze %dma_start3A_118 : memref<1x128xi32, #tpu.memory_space<vmem>> -> memref<128xi32, #tpu.memory_space<vmem>>
      %dma_start3A_120 = arith.constant 0 : i32
      %dma_start3A_121 = arith.constant 0 : i32
      %dma_start3A_122 = tpu.memref_slice %arg2[%dma_start3A_120, %dma_start3A_121] : memref<160000x8xf32, #tpu.memory_space<hbm>> -> memref<160000x8xf32, #tpu.memory_space<hbm>>
      tpu.enqueue_indirect_dma source(%dma_start3A_122 : memref<160000x8xf32, #tpu.memory_space<hbm>>) target(%dma_start3A_116 : memref<128x8xf32, #tpu.memory_space<vmem>>) offsets(%dma_start3A_119 : memref<128xi32, #tpu.memory_space<vmem>>) semaphore(%arg11 : memref<!tpu.dma_semaphore, #tpu.memory_space<semaphore_mem>>)
      %dma_start3A_123 = arith.constant 10 : i32
      %dma_start3A_124 = arith.constant 1280 : i32
      %dma_start3A_125 = arith.constant 0 : i32
      %dma_start3A_126 = tpu.memref_slice %arg9[%dma_start3A_124, %dma_start3A_125] : memref<2048x8xf32, #tpu.memory_space<vmem>> -> memref<128x8xf32, #tpu.memory_space<vmem>>
      %dma_start3A_127 = arith.constant 0 : i32
      %dma_start3A_128 = tpu.memref_slice %arg7[%dma_start3A_123, %dma_start3A_127] : memref<16x128xi32, #tpu.memory_space<vmem>> -> memref<1x128xi32, #tpu.memory_space<vmem>>
      %dma_start3A_129 = tpu.memref_squeeze %dma_start3A_128 : memref<1x128xi32, #tpu.memory_space<vmem>> -> memref<128xi32, #tpu.memory_space<vmem>>
      %dma_start3A_130 = arith.constant 0 : i32
      %dma_start3A_131 = arith.constant 0 : i32
      %dma_start3A_132 = tpu.memref_slice %arg2[%dma_start3A_130, %dma_start3A_131] : memref<160000x8xf32, #tpu.memory_space<hbm>> -> memref<160000x8xf32, #tpu.memory_space<hbm>>
      tpu.enqueue_indirect_dma source(%dma_start3A_132 : memref<160000x8xf32, #tpu.memory_space<hbm>>) target(%dma_start3A_126 : memref<128x8xf32, #tpu.memory_space<vmem>>) offsets(%dma_start3A_129 : memref<128xi32, #tpu.memory_space<vmem>>) semaphore(%arg11 : memref<!tpu.dma_semaphore, #tpu.memory_space<semaphore_mem>>)
      %dma_start3A_133 = arith.constant 11 : i32
      %dma_start3A_134 = arith.constant 1408 : i32
      %dma_start3A_135 = arith.constant 0 : i32
      %dma_start3A_136 = tpu.memref_slice %arg9[%dma_start3A_134, %dma_start3A_135] : memref<2048x8xf32, #tpu.memory_space<vmem>> -> memref<128x8xf32, #tpu.memory_space<vmem>>
      %dma_start3A_137 = arith.constant 0 : i32
      %dma_start3A_138 = tpu.memref_slice %arg7[%dma_start3A_133, %dma_start3A_137] : memref<16x128xi32, #tpu.memory_space<vmem>> -> memref<1x128xi32, #tpu.memory_space<vmem>>
      %dma_start3A_139 = tpu.memref_squeeze %dma_start3A_138 : memref<1x128xi32, #tpu.memory_space<vmem>> -> memref<128xi32, #tpu.memory_space<vmem>>
      %dma_start3A_140 = arith.constant 0 : i32
      %dma_start3A_141 = arith.constant 0 : i32
      %dma_start3A_142 = tpu.memref_slice %arg2[%dma_start3A_140, %dma_start3A_141] : memref<160000x8xf32, #tpu.memory_space<hbm>> -> memref<160000x8xf32, #tpu.memory_space<hbm>>
      tpu.enqueue_indirect_dma source(%dma_start3A_142 : memref<160000x8xf32, #tpu.memory_space<hbm>>) target(%dma_start3A_136 : memref<128x8xf32, #tpu.memory_space<vmem>>) offsets(%dma_start3A_139 : memref<128xi32, #tpu.memory_space<vmem>>) semaphore(%arg11 : memref<!tpu.dma_semaphore, #tpu.memory_space<semaphore_mem>>)
      %dma_start3A_143 = arith.constant 12 : i32
      %dma_start3A_144 = arith.constant 1536 : i32
      %dma_start3A_145 = arith.constant 0 : i32
      %dma_start3A_146 = tpu.memref_slice %arg9[%dma_start3A_144, %dma_start3A_145] : memref<2048x8xf32, #tpu.memory_space<vmem>> -> memref<128x8xf32, #tpu.memory_space<vmem>>
      %dma_start3A_147 = arith.constant 0 : i32
      %dma_start3A_148 = tpu.memref_slice %arg7[%dma_start3A_143, %dma_start3A_147] : memref<16x128xi32, #tpu.memory_space<vmem>> -> memref<1x128xi32, #tpu.memory_space<vmem>>
      %dma_start3A_149 = tpu.memref_squeeze %dma_start3A_148 : memref<1x128xi32, #tpu.memory_space<vmem>> -> memref<128xi32, #tpu.memory_space<vmem>>
      %dma_start3A_150 = arith.constant 0 : i32
      %dma_start3A_151 = arith.constant 0 : i32
      %dma_start3A_152 = tpu.memref_slice %arg2[%dma_start3A_150, %dma_start3A_151] : memref<160000x8xf32, #tpu.memory_space<hbm>> -> memref<160000x8xf32, #tpu.memory_space<hbm>>
      tpu.enqueue_indirect_dma source(%dma_start3A_152 : memref<160000x8xf32, #tpu.memory_space<hbm>>) target(%dma_start3A_146 : memref<128x8xf32, #tpu.memory_space<vmem>>) offsets(%dma_start3A_149 : memref<128xi32, #tpu.memory_space<vmem>>) semaphore(%arg11 : memref<!tpu.dma_semaphore, #tpu.memory_space<semaphore_mem>>)
      %dma_start3A_153 = arith.constant 13 : i32
      %dma_start3A_154 = arith.constant 1664 : i32
      %dma_start3A_155 = arith.constant 0 : i32
      %dma_start3A_156 = tpu.memref_slice %arg9[%dma_start3A_154, %dma_start3A_155] : memref<2048x8xf32, #tpu.memory_space<vmem>> -> memref<128x8xf32, #tpu.memory_space<vmem>>
      %dma_start3A_157 = arith.constant 0 : i32
      %dma_start3A_158 = tpu.memref_slice %arg7[%dma_start3A_153, %dma_start3A_157] : memref<16x128xi32, #tpu.memory_space<vmem>> -> memref<1x128xi32, #tpu.memory_space<vmem>>
      %dma_start3A_159 = tpu.memref_squeeze %dma_start3A_158 : memref<1x128xi32, #tpu.memory_space<vmem>> -> memref<128xi32, #tpu.memory_space<vmem>>
      %dma_start3A_160 = arith.constant 0 : i32
      %dma_start3A_161 = arith.constant 0 : i32
      %dma_start3A_162 = tpu.memref_slice %arg2[%dma_start3A_160, %dma_start3A_161] : memref<160000x8xf32, #tpu.memory_space<hbm>> -> memref<160000x8xf32, #tpu.memory_space<hbm>>
      tpu.enqueue_indirect_dma source(%dma_start3A_162 : memref<160000x8xf32, #tpu.memory_space<hbm>>) target(%dma_start3A_156 : memref<128x8xf32, #tpu.memory_space<vmem>>) offsets(%dma_start3A_159 : memref<128xi32, #tpu.memory_space<vmem>>) semaphore(%arg11 : memref<!tpu.dma_semaphore, #tpu.memory_space<semaphore_mem>>)
      %dma_start3A_163 = arith.constant 14 : i32
      %dma_start3A_164 = arith.constant 1792 : i32
      %dma_start3A_165 = arith.constant 0 : i32
      %dma_start3A_166 = tpu.memref_slice %arg9[%dma_start3A_164, %dma_start3A_165] : memref<2048x8xf32, #tpu.memory_space<vmem>> -> memref<128x8xf32, #tpu.memory_space<vmem>>
      %dma_start3A_167 = arith.constant 0 : i32
      %dma_start3A_168 = tpu.memref_slice %arg7[%dma_start3A_163, %dma_start3A_167] : memref<16x128xi32, #tpu.memory_space<vmem>> -> memref<1x128xi32, #tpu.memory_space<vmem>>
      %dma_start3A_169 = tpu.memref_squeeze %dma_start3A_168 : memref<1x128xi32, #tpu.memory_space<vmem>> -> memref<128xi32, #tpu.memory_space<vmem>>
      %dma_start3A_170 = arith.constant 0 : i32
      %dma_start3A_171 = arith.constant 0 : i32
      %dma_start3A_172 = tpu.memref_slice %arg2[%dma_start3A_170, %dma_start3A_171] : memref<160000x8xf32, #tpu.memory_space<hbm>> -> memref<160000x8xf32, #tpu.memory_space<hbm>>
      tpu.enqueue_indirect_dma source(%dma_start3A_172 : memref<160000x8xf32, #tpu.memory_space<hbm>>) target(%dma_start3A_166 : memref<128x8xf32, #tpu.memory_space<vmem>>) offsets(%dma_start3A_169 : memref<128xi32, #tpu.memory_space<vmem>>) semaphore(%arg11 : memref<!tpu.dma_semaphore, #tpu.memory_space<semaphore_mem>>)
      %dma_start3A_173 = arith.constant 15 : i32
      %dma_start3A_174 = arith.constant 1920 : i32
      %dma_start3A_175 = arith.constant 0 : i32
      %dma_start3A_176 = tpu.memref_slice %arg9[%dma_start3A_174, %dma_start3A_175] : memref<2048x8xf32, #tpu.memory_space<vmem>> -> memref<128x8xf32, #tpu.memory_space<vmem>>
      %dma_start3A_177 = arith.constant 0 : i32
      %dma_start3A_178 = tpu.memref_slice %arg7[%dma_start3A_173, %dma_start3A_177] : memref<16x128xi32, #tpu.memory_space<vmem>> -> memref<1x128xi32, #tpu.memory_space<vmem>>
      %dma_start3A_179 = tpu.memref_squeeze %dma_start3A_178 : memref<1x128xi32, #tpu.memory_space<vmem>> -> memref<128xi32, #tpu.memory_space<vmem>>
      %dma_start3A_180 = arith.constant 0 : i32
      %dma_start3A_181 = arith.constant 0 : i32
      %dma_start3A_182 = tpu.memref_slice %arg2[%dma_start3A_180, %dma_start3A_181] : memref<160000x8xf32, #tpu.memory_space<hbm>> -> memref<160000x8xf32, #tpu.memory_space<hbm>>
      tpu.enqueue_indirect_dma source(%dma_start3A_182 : memref<160000x8xf32, #tpu.memory_space<hbm>>) target(%dma_start3A_176 : memref<128x8xf32, #tpu.memory_space<vmem>>) offsets(%dma_start3A_179 : memref<128xi32, #tpu.memory_space<vmem>>) semaphore(%arg11 : memref<!tpu.dma_semaphore, #tpu.memory_space<semaphore_mem>>)
      %dma_start3A_183 = arith.constant 0 : i32
      %dma_start3A_184 = arith.constant 0 : i32
      %dma_start3A_185 = arith.constant 0 : i32
      %dma_start3A_186 = tpu.memref_slice %arg10[%dma_start3A_184, %dma_start3A_185] : memref<2048x8xf32, #tpu.memory_space<vmem>> -> memref<128x8xf32, #tpu.memory_space<vmem>>
      %dma_start3A_187 = arith.constant 0 : i32
      %dma_start3A_188 = tpu.memref_slice %arg8[%dma_start3A_183, %dma_start3A_187] : memref<16x128xi32, #tpu.memory_space<vmem>> -> memref<1x128xi32, #tpu.memory_space<vmem>>
      %dma_start3A_189 = tpu.memref_squeeze %dma_start3A_188 : memref<1x128xi32, #tpu.memory_space<vmem>> -> memref<128xi32, #tpu.memory_space<vmem>>
      %dma_start3A_190 = arith.constant 0 : i32
      %dma_start3A_191 = arith.constant 0 : i32
      %dma_start3A_192 = tpu.memref_slice %arg2[%dma_start3A_190, %dma_start3A_191] : memref<160000x8xf32, #tpu.memory_space<hbm>> -> memref<160000x8xf32, #tpu.memory_space<hbm>>
      tpu.enqueue_indirect_dma source(%dma_start3A_192 : memref<160000x8xf32, #tpu.memory_space<hbm>>) target(%dma_start3A_186 : memref<128x8xf32, #tpu.memory_space<vmem>>) offsets(%dma_start3A_189 : memref<128xi32, #tpu.memory_space<vmem>>) semaphore(%arg11 : memref<!tpu.dma_semaphore, #tpu.memory_space<semaphore_mem>>)
      %dma_start3A_193 = arith.constant 1 : i32
      %dma_start3A_194 = arith.constant 128 : i32
      %dma_start3A_195 = arith.constant 0 : i32
      %dma_start3A_196 = tpu.memref_slice %arg10[%dma_start3A_194, %dma_start3A_195] : memref<2048x8xf32, #tpu.memory_space<vmem>> -> memref<128x8xf32, #tpu.memory_space<vmem>>
      %dma_start3A_197 = arith.constant 0 : i32
      %dma_start3A_198 = tpu.memref_slice %arg8[%dma_start3A_193, %dma_start3A_197] : memref<16x128xi32, #tpu.memory_space<vmem>> -> memref<1x128xi32, #tpu.memory_space<vmem>>
      %dma_start3A_199 = tpu.memref_squeeze %dma_start3A_198 : memref<1x128xi32, #tpu.memory_space<vmem>> -> memref<128xi32, #tpu.memory_space<vmem>>
      %dma_start3A_200 = arith.constant 0 : i32
      %dma_start3A_201 = arith.constant 0 : i32
      %dma_start3A_202 = tpu.memref_slice %arg2[%dma_start3A_200, %dma_start3A_201] : memref<160000x8xf32, #tpu.memory_space<hbm>> -> memref<160000x8xf32, #tpu.memory_space<hbm>>
      tpu.enqueue_indirect_dma source(%dma_start3A_202 : memref<160000x8xf32, #tpu.memory_space<hbm>>) target(%dma_start3A_196 : memref<128x8xf32, #tpu.memory_space<vmem>>) offsets(%dma_start3A_199 : memref<128xi32, #tpu.memory_space<vmem>>) semaphore(%arg11 : memref<!tpu.dma_semaphore, #tpu.memory_space<semaphore_mem>>)
      %dma_start3A_203 = arith.constant 2 : i32
      %dma_start3A_204 = arith.constant 256 : i32
      %dma_start3A_205 = arith.constant 0 : i32
      %dma_start3A_206 = tpu.memref_slice %arg10[%dma_start3A_204, %dma_start3A_205] : memref<2048x8xf32, #tpu.memory_space<vmem>> -> memref<128x8xf32, #tpu.memory_space<vmem>>
      %dma_start3A_207 = arith.constant 0 : i32
      %dma_start3A_208 = tpu.memref_slice %arg8[%dma_start3A_203, %dma_start3A_207] : memref<16x128xi32, #tpu.memory_space<vmem>> -> memref<1x128xi32, #tpu.memory_space<vmem>>
      %dma_start3A_209 = tpu.memref_squeeze %dma_start3A_208 : memref<1x128xi32, #tpu.memory_space<vmem>> -> memref<128xi32, #tpu.memory_space<vmem>>
      %dma_start3A_210 = arith.constant 0 : i32
      %dma_start3A_211 = arith.constant 0 : i32
      %dma_start3A_212 = tpu.memref_slice %arg2[%dma_start3A_210, %dma_start3A_211] : memref<160000x8xf32, #tpu.memory_space<hbm>> -> memref<160000x8xf32, #tpu.memory_space<hbm>>
      tpu.enqueue_indirect_dma source(%dma_start3A_212 : memref<160000x8xf32, #tpu.memory_space<hbm>>) target(%dma_start3A_206 : memref<128x8xf32, #tpu.memory_space<vmem>>) offsets(%dma_start3A_209 : memref<128xi32, #tpu.memory_space<vmem>>) semaphore(%arg11 : memref<!tpu.dma_semaphore, #tpu.memory_space<semaphore_mem>>)
      %dma_start3A_213 = arith.constant 3 : i32
      %dma_start3A_214 = arith.constant 384 : i32
      %dma_start3A_215 = arith.constant 0 : i32
      %dma_start3A_216 = tpu.memref_slice %arg10[%dma_start3A_214, %dma_start3A_215] : memref<2048x8xf32, #tpu.memory_space<vmem>> -> memref<128x8xf32, #tpu.memory_space<vmem>>
      %dma_start3A_217 = arith.constant 0 : i32
      %dma_start3A_218 = tpu.memref_slice %arg8[%dma_start3A_213, %dma_start3A_217] : memref<16x128xi32, #tpu.memory_space<vmem>> -> memref<1x128xi32, #tpu.memory_space<vmem>>
      %dma_start3A_219 = tpu.memref_squeeze %dma_start3A_218 : memref<1x128xi32, #tpu.memory_space<vmem>> -> memref<128xi32, #tpu.memory_space<vmem>>
      %dma_start3A_220 = arith.constant 0 : i32
      %dma_start3A_221 = arith.constant 0 : i32
      %dma_start3A_222 = tpu.memref_slice %arg2[%dma_start3A_220, %dma_start3A_221] : memref<160000x8xf32, #tpu.memory_space<hbm>> -> memref<160000x8xf32, #tpu.memory_space<hbm>>
      tpu.enqueue_indirect_dma source(%dma_start3A_222 : memref<160000x8xf32, #tpu.memory_space<hbm>>) target(%dma_start3A_216 : memref<128x8xf32, #tpu.memory_space<vmem>>) offsets(%dma_start3A_219 : memref<128xi32, #tpu.memory_space<vmem>>) semaphore(%arg11 : memref<!tpu.dma_semaphore, #tpu.memory_space<semaphore_mem>>)
      %dma_start3A_223 = arith.constant 4 : i32
      %dma_start3A_224 = arith.constant 512 : i32
      %dma_start3A_225 = arith.constant 0 : i32
      %dma_start3A_226 = tpu.memref_slice %arg10[%dma_start3A_224, %dma_start3A_225] : memref<2048x8xf32, #tpu.memory_space<vmem>> -> memref<128x8xf32, #tpu.memory_space<vmem>>
      %dma_start3A_227 = arith.constant 0 : i32
      %dma_start3A_228 = tpu.memref_slice %arg8[%dma_start3A_223, %dma_start3A_227] : memref<16x128xi32, #tpu.memory_space<vmem>> -> memref<1x128xi32, #tpu.memory_space<vmem>>
      %dma_start3A_229 = tpu.memref_squeeze %dma_start3A_228 : memref<1x128xi32, #tpu.memory_space<vmem>> -> memref<128xi32, #tpu.memory_space<vmem>>
      %dma_start3A_230 = arith.constant 0 : i32
      %dma_start3A_231 = arith.constant 0 : i32
      %dma_start3A_232 = tpu.memref_slice %arg2[%dma_start3A_230, %dma_start3A_231] : memref<160000x8xf32, #tpu.memory_space<hbm>> -> memref<160000x8xf32, #tpu.memory_space<hbm>>
      tpu.enqueue_indirect_dma source(%dma_start3A_232 : memref<160000x8xf32, #tpu.memory_space<hbm>>) target(%dma_start3A_226 : memref<128x8xf32, #tpu.memory_space<vmem>>) offsets(%dma_start3A_229 : memref<128xi32, #tpu.memory_space<vmem>>) semaphore(%arg11 : memref<!tpu.dma_semaphore, #tpu.memory_space<semaphore_mem>>)
      %dma_start3A_233 = arith.constant 5 : i32
      %dma_start3A_234 = arith.constant 640 : i32
      %dma_start3A_235 = arith.constant 0 : i32
      %dma_start3A_236 = tpu.memref_slice %arg10[%dma_start3A_234, %dma_start3A_235] : memref<2048x8xf32, #tpu.memory_space<vmem>> -> memref<128x8xf32, #tpu.memory_space<vmem>>
      %dma_start3A_237 = arith.constant 0 : i32
      %dma_start3A_238 = tpu.memref_slice %arg8[%dma_start3A_233, %dma_start3A_237] : memref<16x128xi32, #tpu.memory_space<vmem>> -> memref<1x128xi32, #tpu.memory_space<vmem>>
      %dma_start3A_239 = tpu.memref_squeeze %dma_start3A_238 : memref<1x128xi32, #tpu.memory_space<vmem>> -> memref<128xi32, #tpu.memory_space<vmem>>
      %dma_start3A_240 = arith.constant 0 : i32
      %dma_start3A_241 = arith.constant 0 : i32
      %dma_start3A_242 = tpu.memref_slice %arg2[%dma_start3A_240, %dma_start3A_241] : memref<160000x8xf32, #tpu.memory_space<hbm>> -> memref<160000x8xf32, #tpu.memory_space<hbm>>
      tpu.enqueue_indirect_dma source(%dma_start3A_242 : memref<160000x8xf32, #tpu.memory_space<hbm>>) target(%dma_start3A_236 : memref<128x8xf32, #tpu.memory_space<vmem>>) offsets(%dma_start3A_239 : memref<128xi32, #tpu.memory_space<vmem>>) semaphore(%arg11 : memref<!tpu.dma_semaphore, #tpu.memory_space<semaphore_mem>>)
      %dma_start3A_243 = arith.constant 6 : i32
      %dma_start3A_244 = arith.constant 768 : i32
      %dma_start3A_245 = arith.constant 0 : i32
      %dma_start3A_246 = tpu.memref_slice %arg10[%dma_start3A_244, %dma_start3A_245] : memref<2048x8xf32, #tpu.memory_space<vmem>> -> memref<128x8xf32, #tpu.memory_space<vmem>>
      %dma_start3A_247 = arith.constant 0 : i32
      %dma_start3A_248 = tpu.memref_slice %arg8[%dma_start3A_243, %dma_start3A_247] : memref<16x128xi32, #tpu.memory_space<vmem>> -> memref<1x128xi32, #tpu.memory_space<vmem>>
      %dma_start3A_249 = tpu.memref_squeeze %dma_start3A_248 : memref<1x128xi32, #tpu.memory_space<vmem>> -> memref<128xi32, #tpu.memory_space<vmem>>
      %dma_start3A_250 = arith.constant 0 : i32
      %dma_start3A_251 = arith.constant 0 : i32
      %dma_start3A_252 = tpu.memref_slice %arg2[%dma_start3A_250, %dma_start3A_251] : memref<160000x8xf32, #tpu.memory_space<hbm>> -> memref<160000x8xf32, #tpu.memory_space<hbm>>
      tpu.enqueue_indirect_dma source(%dma_start3A_252 : memref<160000x8xf32, #tpu.memory_space<hbm>>) target(%dma_start3A_246 : memref<128x8xf32, #tpu.memory_space<vmem>>) offsets(%dma_start3A_249 : memref<128xi32, #tpu.memory_space<vmem>>) semaphore(%arg11 : memref<!tpu.dma_semaphore, #tpu.memory_space<semaphore_mem>>)
      %dma_start3A_253 = arith.constant 7 : i32
      %dma_start3A_254 = arith.constant 896 : i32
      %dma_start3A_255 = arith.constant 0 : i32
      %dma_start3A_256 = tpu.memref_slice %arg10[%dma_start3A_254, %dma_start3A_255] : memref<2048x8xf32, #tpu.memory_space<vmem>> -> memref<128x8xf32, #tpu.memory_space<vmem>>
      %dma_start3A_257 = arith.constant 0 : i32
      %dma_start3A_258 = tpu.memref_slice %arg8[%dma_start3A_253, %dma_start3A_257] : memref<16x128xi32, #tpu.memory_space<vmem>> -> memref<1x128xi32, #tpu.memory_space<vmem>>
      %dma_start3A_259 = tpu.memref_squeeze %dma_start3A_258 : memref<1x128xi32, #tpu.memory_space<vmem>> -> memref<128xi32, #tpu.memory_space<vmem>>
      %dma_start3A_260 = arith.constant 0 : i32
      %dma_start3A_261 = arith.constant 0 : i32
      %dma_start3A_262 = tpu.memref_slice %arg2[%dma_start3A_260, %dma_start3A_261] : memref<160000x8xf32, #tpu.memory_space<hbm>> -> memref<160000x8xf32, #tpu.memory_space<hbm>>
      tpu.enqueue_indirect_dma source(%dma_start3A_262 : memref<160000x8xf32, #tpu.memory_space<hbm>>) target(%dma_start3A_256 : memref<128x8xf32, #tpu.memory_space<vmem>>) offsets(%dma_start3A_259 : memref<128xi32, #tpu.memory_space<vmem>>) semaphore(%arg11 : memref<!tpu.dma_semaphore, #tpu.memory_space<semaphore_mem>>)
      %dma_start3A_263 = arith.constant 8 : i32
      %dma_start3A_264 = arith.constant 1024 : i32
      %dma_start3A_265 = arith.constant 0 : i32
      %dma_start3A_266 = tpu.memref_slice %arg10[%dma_start3A_264, %dma_start3A_265] : memref<2048x8xf32, #tpu.memory_space<vmem>> -> memref<128x8xf32, #tpu.memory_space<vmem>>
      %dma_start3A_267 = arith.constant 0 : i32
      %dma_start3A_268 = tpu.memref_slice %arg8[%dma_start3A_263, %dma_start3A_267] : memref<16x128xi32, #tpu.memory_space<vmem>> -> memref<1x128xi32, #tpu.memory_space<vmem>>
      %dma_start3A_269 = tpu.memref_squeeze %dma_start3A_268 : memref<1x128xi32, #tpu.memory_space<vmem>> -> memref<128xi32, #tpu.memory_space<vmem>>
      %dma_start3A_270 = arith.constant 0 : i32
      %dma_start3A_271 = arith.constant 0 : i32
      %dma_start3A_272 = tpu.memref_slice %arg2[%dma_start3A_270, %dma_start3A_271] : memref<160000x8xf32, #tpu.memory_space<hbm>> -> memref<160000x8xf32, #tpu.memory_space<hbm>>
      tpu.enqueue_indirect_dma source(%dma_start3A_272 : memref<160000x8xf32, #tpu.memory_space<hbm>>) target(%dma_start3A_266 : memref<128x8xf32, #tpu.memory_space<vmem>>) offsets(%dma_start3A_269 : memref<128xi32, #tpu.memory_space<vmem>>) semaphore(%arg11 : memref<!tpu.dma_semaphore, #tpu.memory_space<semaphore_mem>>)
      %dma_start3A_273 = arith.constant 9 : i32
      %dma_start3A_274 = arith.constant 1152 : i32
      %dma_start3A_275 = arith.constant 0 : i32
      %dma_start3A_276 = tpu.memref_slice %arg10[%dma_start3A_274, %dma_start3A_275] : memref<2048x8xf32, #tpu.memory_space<vmem>> -> memref<128x8xf32, #tpu.memory_space<vmem>>
      %dma_start3A_277 = arith.constant 0 : i32
      %dma_start3A_278 = tpu.memref_slice %arg8[%dma_start3A_273, %dma_start3A_277] : memref<16x128xi32, #tpu.memory_space<vmem>> -> memref<1x128xi32, #tpu.memory_space<vmem>>
      %dma_start3A_279 = tpu.memref_squeeze %dma_start3A_278 : memref<1x128xi32, #tpu.memory_space<vmem>> -> memref<128xi32, #tpu.memory_space<vmem>>
      %dma_start3A_280 = arith.constant 0 : i32
      %dma_start3A_281 = arith.constant 0 : i32
      %dma_start3A_282 = tpu.memref_slice %arg2[%dma_start3A_280, %dma_start3A_281] : memref<160000x8xf32, #tpu.memory_space<hbm>> -> memref<160000x8xf32, #tpu.memory_space<hbm>>
      tpu.enqueue_indirect_dma source(%dma_start3A_282 : memref<160000x8xf32, #tpu.memory_space<hbm>>) target(%dma_start3A_276 : memref<128x8xf32, #tpu.memory_space<vmem>>) offsets(%dma_start3A_279 : memref<128xi32, #tpu.memory_space<vmem>>) semaphore(%arg11 : memref<!tpu.dma_semaphore, #tpu.memory_space<semaphore_mem>>)
      %dma_start3A_283 = arith.constant 10 : i32
      %dma_start3A_284 = arith.constant 1280 : i32
      %dma_start3A_285 = arith.constant 0 : i32
      %dma_start3A_286 = tpu.memref_slice %arg10[%dma_start3A_284, %dma_start3A_285] : memref<2048x8xf32, #tpu.memory_space<vmem>> -> memref<128x8xf32, #tpu.memory_space<vmem>>
      %dma_start3A_287 = arith.constant 0 : i32
      %dma_start3A_288 = tpu.memref_slice %arg8[%dma_start3A_283, %dma_start3A_287] : memref<16x128xi32, #tpu.memory_space<vmem>> -> memref<1x128xi32, #tpu.memory_space<vmem>>
      %dma_start3A_289 = tpu.memref_squeeze %dma_start3A_288 : memref<1x128xi32, #tpu.memory_space<vmem>> -> memref<128xi32, #tpu.memory_space<vmem>>
      %dma_start3A_290 = arith.constant 0 : i32
      %dma_start3A_291 = arith.constant 0 : i32
      %dma_start3A_292 = tpu.memref_slice %arg2[%dma_start3A_290, %dma_start3A_291] : memref<160000x8xf32, #tpu.memory_space<hbm>> -> memref<160000x8xf32, #tpu.memory_space<hbm>>
      tpu.enqueue_indirect_dma source(%dma_start3A_292 : memref<160000x8xf32, #tpu.memory_space<hbm>>) target(%dma_start3A_286 : memref<128x8xf32, #tpu.memory_space<vmem>>) offsets(%dma_start3A_289 : memref<128xi32, #tpu.memory_space<vmem>>) semaphore(%arg11 : memref<!tpu.dma_semaphore, #tpu.memory_space<semaphore_mem>>)
      %dma_start3A_293 = arith.constant 11 : i32
      %dma_start3A_294 = arith.constant 1408 : i32
      %dma_start3A_295 = arith.constant 0 : i32
      %dma_start3A_296 = tpu.memref_slice %arg10[%dma_start3A_294, %dma_start3A_295] : memref<2048x8xf32, #tpu.memory_space<vmem>> -> memref<128x8xf32, #tpu.memory_space<vmem>>
      %dma_start3A_297 = arith.constant 0 : i32
      %dma_start3A_298 = tpu.memref_slice %arg8[%dma_start3A_293, %dma_start3A_297] : memref<16x128xi32, #tpu.memory_space<vmem>> -> memref<1x128xi32, #tpu.memory_space<vmem>>
      %dma_start3A_299 = tpu.memref_squeeze %dma_start3A_298 : memref<1x128xi32, #tpu.memory_space<vmem>> -> memref<128xi32, #tpu.memory_space<vmem>>
      %dma_start3A_300 = arith.constant 0 : i32
      %dma_start3A_301 = arith.constant 0 : i32
      %dma_start3A_302 = tpu.memref_slice %arg2[%dma_start3A_300, %dma_start3A_301] : memref<160000x8xf32, #tpu.memory_space<hbm>> -> memref<160000x8xf32, #tpu.memory_space<hbm>>
      tpu.enqueue_indirect_dma source(%dma_start3A_302 : memref<160000x8xf32, #tpu.memory_space<hbm>>) target(%dma_start3A_296 : memref<128x8xf32, #tpu.memory_space<vmem>>) offsets(%dma_start3A_299 : memref<128xi32, #tpu.memory_space<vmem>>) semaphore(%arg11 : memref<!tpu.dma_semaphore, #tpu.memory_space<semaphore_mem>>)
      %dma_start3A_303 = arith.constant 12 : i32
      %dma_start3A_304 = arith.constant 1536 : i32
      %dma_start3A_305 = arith.constant 0 : i32
      %dma_start3A_306 = tpu.memref_slice %arg10[%dma_start3A_304, %dma_start3A_305] : memref<2048x8xf32, #tpu.memory_space<vmem>> -> memref<128x8xf32, #tpu.memory_space<vmem>>
      %dma_start3A_307 = arith.constant 0 : i32
      %dma_start3A_308 = tpu.memref_slice %arg8[%dma_start3A_303, %dma_start3A_307] : memref<16x128xi32, #tpu.memory_space<vmem>> -> memref<1x128xi32, #tpu.memory_space<vmem>>
      %dma_start3A_309 = tpu.memref_squeeze %dma_start3A_308 : memref<1x128xi32, #tpu.memory_space<vmem>> -> memref<128xi32, #tpu.memory_space<vmem>>
      %dma_start3A_310 = arith.constant 0 : i32
      %dma_start3A_311 = arith.constant 0 : i32
      %dma_start3A_312 = tpu.memref_slice %arg2[%dma_start3A_310, %dma_start3A_311] : memref<160000x8xf32, #tpu.memory_space<hbm>> -> memref<160000x8xf32, #tpu.memory_space<hbm>>
      tpu.enqueue_indirect_dma source(%dma_start3A_312 : memref<160000x8xf32, #tpu.memory_space<hbm>>) target(%dma_start3A_306 : memref<128x8xf32, #tpu.memory_space<vmem>>) offsets(%dma_start3A_309 : memref<128xi32, #tpu.memory_space<vmem>>) semaphore(%arg11 : memref<!tpu.dma_semaphore, #tpu.memory_space<semaphore_mem>>)
      %dma_start3A_313 = arith.constant 13 : i32
      %dma_start3A_314 = arith.constant 1664 : i32
      %dma_start3A_315 = arith.constant 0 : i32
      %dma_start3A_316 = tpu.memref_slice %arg10[%dma_start3A_314, %dma_start3A_315] : memref<2048x8xf32, #tpu.memory_space<vmem>> -> memref<128x8xf32, #tpu.memory_space<vmem>>
      %dma_start3A_317 = arith.constant 0 : i32
      %dma_start3A_318 = tpu.memref_slice %arg8[%dma_start3A_313, %dma_start3A_317] : memref<16x128xi32, #tpu.memory_space<vmem>> -> memref<1x128xi32, #tpu.memory_space<vmem>>
      %dma_start3A_319 = tpu.memref_squeeze %dma_start3A_318 : memref<1x128xi32, #tpu.memory_space<vmem>> -> memref<128xi32, #tpu.memory_space<vmem>>
      %dma_start3A_320 = arith.constant 0 : i32
      %dma_start3A_321 = arith.constant 0 : i32
      %dma_start3A_322 = tpu.memref_slice %arg2[%dma_start3A_320, %dma_start3A_321] : memref<160000x8xf32, #tpu.memory_space<hbm>> -> memref<160000x8xf32, #tpu.memory_space<hbm>>
      tpu.enqueue_indirect_dma source(%dma_start3A_322 : memref<160000x8xf32, #tpu.memory_space<hbm>>) target(%dma_start3A_316 : memref<128x8xf32, #tpu.memory_space<vmem>>) offsets(%dma_start3A_319 : memref<128xi32, #tpu.memory_space<vmem>>) semaphore(%arg11 : memref<!tpu.dma_semaphore, #tpu.memory_space<semaphore_mem>>)
      %dma_start3A_323 = arith.constant 14 : i32
      %dma_start3A_324 = arith.constant 1792 : i32
      %dma_start3A_325 = arith.constant 0 : i32
      %dma_start3A_326 = tpu.memref_slice %arg10[%dma_start3A_324, %dma_start3A_325] : memref<2048x8xf32, #tpu.memory_space<vmem>> -> memref<128x8xf32, #tpu.memory_space<vmem>>
      %dma_start3A_327 = arith.constant 0 : i32
      %dma_start3A_328 = tpu.memref_slice %arg8[%dma_start3A_323, %dma_start3A_327] : memref<16x128xi32, #tpu.memory_space<vmem>> -> memref<1x128xi32, #tpu.memory_space<vmem>>
      %dma_start3A_329 = tpu.memref_squeeze %dma_start3A_328 : memref<1x128xi32, #tpu.memory_space<vmem>> -> memref<128xi32, #tpu.memory_space<vmem>>
      %dma_start3A_330 = arith.constant 0 : i32
      %dma_start3A_331 = arith.constant 0 : i32
      %dma_start3A_332 = tpu.memref_slice %arg2[%dma_start3A_330, %dma_start3A_331] : memref<160000x8xf32, #tpu.memory_space<hbm>> -> memref<160000x8xf32, #tpu.memory_space<hbm>>
      tpu.enqueue_indirect_dma source(%dma_start3A_332 : memref<160000x8xf32, #tpu.memory_space<hbm>>) target(%dma_start3A_326 : memref<128x8xf32, #tpu.memory_space<vmem>>) offsets(%dma_start3A_329 : memref<128xi32, #tpu.memory_space<vmem>>) semaphore(%arg11 : memref<!tpu.dma_semaphore, #tpu.memory_space<semaphore_mem>>)
      %dma_start3A_333 = arith.constant 15 : i32
      %dma_start3A_334 = arith.constant 1920 : i32
      %dma_start3A_335 = arith.constant 0 : i32
      %dma_start3A_336 = tpu.memref_slice %arg10[%dma_start3A_334, %dma_start3A_335] : memref<2048x8xf32, #tpu.memory_space<vmem>> -> memref<128x8xf32, #tpu.memory_space<vmem>>
      %dma_start3A_337 = arith.constant 0 : i32
      %dma_start3A_338 = tpu.memref_slice %arg8[%dma_start3A_333, %dma_start3A_337] : memref<16x128xi32, #tpu.memory_space<vmem>> -> memref<1x128xi32, #tpu.memory_space<vmem>>
      %dma_start3A_339 = tpu.memref_squeeze %dma_start3A_338 : memref<1x128xi32, #tpu.memory_space<vmem>> -> memref<128xi32, #tpu.memory_space<vmem>>
      %dma_start3A_340 = arith.constant 0 : i32
      %dma_start3A_341 = arith.constant 0 : i32
      %dma_start3A_342 = tpu.memref_slice %arg2[%dma_start3A_340, %dma_start3A_341] : memref<160000x8xf32, #tpu.memory_space<hbm>> -> memref<160000x8xf32, #tpu.memory_space<hbm>>
      tpu.enqueue_indirect_dma source(%dma_start3A_342 : memref<160000x8xf32, #tpu.memory_space<hbm>>) target(%dma_start3A_336 : memref<128x8xf32, #tpu.memory_space<vmem>>) offsets(%dma_start3A_339 : memref<128xi32, #tpu.memory_space<vmem>>) semaphore(%arg11 : memref<!tpu.dma_semaphore, #tpu.memory_space<semaphore_mem>>)
      %dma_wait3A = arith.constant 0 : i32
      %dma_wait3A_343 = arith.constant 0 : i32
      %dma_wait3A_344 = arith.constant 0 : i32
      %dma_wait3A_345 = tpu.memref_slice %arg9[%dma_wait3A_343, %dma_wait3A_344] : memref<2048x8xf32, #tpu.memory_space<vmem>> -> memref<128x8xf32, #tpu.memory_space<vmem>>
      %dma_wait3A_346 = arith.constant 0 : i32
      %dma_wait3A_347 = tpu.memref_slice %arg7[%dma_wait3A, %dma_wait3A_346] : memref<16x128xi32, #tpu.memory_space<vmem>> -> memref<1x128xi32, #tpu.memory_space<vmem>>
      %dma_wait3A_348 = tpu.memref_squeeze %dma_wait3A_347 : memref<1x128xi32, #tpu.memory_space<vmem>> -> memref<128xi32, #tpu.memory_space<vmem>>
      %dma_wait3A_349 = arith.constant 0 : i32
      %dma_wait3A_350 = arith.constant 0 : i32
      %dma_wait3A_351 = tpu.memref_slice %arg2[%dma_wait3A_349, %dma_wait3A_350] : memref<160000x8xf32, #tpu.memory_space<hbm>> -> memref<160000x8xf32, #tpu.memory_space<hbm>>
      tpu.wait_indirect_dma semaphore(%arg11 : memref<!tpu.dma_semaphore, #tpu.memory_space<semaphore_mem>>) src(%dma_wait3A_351 : memref<160000x8xf32, #tpu.memory_space<hbm>>) dst(%dma_wait3A_345 : memref<128x8xf32, #tpu.memory_space<vmem>>)
      %dma_wait3A_352 = arith.constant 1 : i32
      %dma_wait3A_353 = arith.constant 128 : i32
      %dma_wait3A_354 = arith.constant 0 : i32
      %dma_wait3A_355 = tpu.memref_slice %arg9[%dma_wait3A_353, %dma_wait3A_354] : memref<2048x8xf32, #tpu.memory_space<vmem>> -> memref<128x8xf32, #tpu.memory_space<vmem>>
      %dma_wait3A_356 = arith.constant 0 : i32
      %dma_wait3A_357 = tpu.memref_slice %arg7[%dma_wait3A_352, %dma_wait3A_356] : memref<16x128xi32, #tpu.memory_space<vmem>> -> memref<1x128xi32, #tpu.memory_space<vmem>>
      %dma_wait3A_358 = tpu.memref_squeeze %dma_wait3A_357 : memref<1x128xi32, #tpu.memory_space<vmem>> -> memref<128xi32, #tpu.memory_space<vmem>>
      %dma_wait3A_359 = arith.constant 0 : i32
      %dma_wait3A_360 = arith.constant 0 : i32
      %dma_wait3A_361 = tpu.memref_slice %arg2[%dma_wait3A_359, %dma_wait3A_360] : memref<160000x8xf32, #tpu.memory_space<hbm>> -> memref<160000x8xf32, #tpu.memory_space<hbm>>
      tpu.wait_indirect_dma semaphore(%arg11 : memref<!tpu.dma_semaphore, #tpu.memory_space<semaphore_mem>>) src(%dma_wait3A_361 : memref<160000x8xf32, #tpu.memory_space<hbm>>) dst(%dma_wait3A_355 : memref<128x8xf32, #tpu.memory_space<vmem>>)
      %dma_wait3A_362 = arith.constant 2 : i32
      %dma_wait3A_363 = arith.constant 256 : i32
      %dma_wait3A_364 = arith.constant 0 : i32
      %dma_wait3A_365 = tpu.memref_slice %arg9[%dma_wait3A_363, %dma_wait3A_364] : memref<2048x8xf32, #tpu.memory_space<vmem>> -> memref<128x8xf32, #tpu.memory_space<vmem>>
      %dma_wait3A_366 = arith.constant 0 : i32
      %dma_wait3A_367 = tpu.memref_slice %arg7[%dma_wait3A_362, %dma_wait3A_366] : memref<16x128xi32, #tpu.memory_space<vmem>> -> memref<1x128xi32, #tpu.memory_space<vmem>>
      %dma_wait3A_368 = tpu.memref_squeeze %dma_wait3A_367 : memref<1x128xi32, #tpu.memory_space<vmem>> -> memref<128xi32, #tpu.memory_space<vmem>>
      %dma_wait3A_369 = arith.constant 0 : i32
      %dma_wait3A_370 = arith.constant 0 : i32
      %dma_wait3A_371 = tpu.memref_slice %arg2[%dma_wait3A_369, %dma_wait3A_370] : memref<160000x8xf32, #tpu.memory_space<hbm>> -> memref<160000x8xf32, #tpu.memory_space<hbm>>
      tpu.wait_indirect_dma semaphore(%arg11 : memref<!tpu.dma_semaphore, #tpu.memory_space<semaphore_mem>>) src(%dma_wait3A_371 : memref<160000x8xf32, #tpu.memory_space<hbm>>) dst(%dma_wait3A_365 : memref<128x8xf32, #tpu.memory_space<vmem>>)
      %dma_wait3A_372 = arith.constant 3 : i32
      %dma_wait3A_373 = arith.constant 384 : i32
      %dma_wait3A_374 = arith.constant 0 : i32
      %dma_wait3A_375 = tpu.memref_slice %arg9[%dma_wait3A_373, %dma_wait3A_374] : memref<2048x8xf32, #tpu.memory_space<vmem>> -> memref<128x8xf32, #tpu.memory_space<vmem>>
      %dma_wait3A_376 = arith.constant 0 : i32
      %dma_wait3A_377 = tpu.memref_slice %arg7[%dma_wait3A_372, %dma_wait3A_376] : memref<16x128xi32, #tpu.memory_space<vmem>> -> memref<1x128xi32, #tpu.memory_space<vmem>>
      %dma_wait3A_378 = tpu.memref_squeeze %dma_wait3A_377 : memref<1x128xi32, #tpu.memory_space<vmem>> -> memref<128xi32, #tpu.memory_space<vmem>>
      %dma_wait3A_379 = arith.constant 0 : i32
      %dma_wait3A_380 = arith.constant 0 : i32
      %dma_wait3A_381 = tpu.memref_slice %arg2[%dma_wait3A_379, %dma_wait3A_380] : memref<160000x8xf32, #tpu.memory_space<hbm>> -> memref<160000x8xf32, #tpu.memory_space<hbm>>
      tpu.wait_indirect_dma semaphore(%arg11 : memref<!tpu.dma_semaphore, #tpu.memory_space<semaphore_mem>>) src(%dma_wait3A_381 : memref<160000x8xf32, #tpu.memory_space<hbm>>) dst(%dma_wait3A_375 : memref<128x8xf32, #tpu.memory_space<vmem>>)
      %dma_wait3A_382 = arith.constant 4 : i32
      %dma_wait3A_383 = arith.constant 512 : i32
      %dma_wait3A_384 = arith.constant 0 : i32
      %dma_wait3A_385 = tpu.memref_slice %arg9[%dma_wait3A_383, %dma_wait3A_384] : memref<2048x8xf32, #tpu.memory_space<vmem>> -> memref<128x8xf32, #tpu.memory_space<vmem>>
      %dma_wait3A_386 = arith.constant 0 : i32
      %dma_wait3A_387 = tpu.memref_slice %arg7[%dma_wait3A_382, %dma_wait3A_386] : memref<16x128xi32, #tpu.memory_space<vmem>> -> memref<1x128xi32, #tpu.memory_space<vmem>>
      %dma_wait3A_388 = tpu.memref_squeeze %dma_wait3A_387 : memref<1x128xi32, #tpu.memory_space<vmem>> -> memref<128xi32, #tpu.memory_space<vmem>>
      %dma_wait3A_389 = arith.constant 0 : i32
      %dma_wait3A_390 = arith.constant 0 : i32
      %dma_wait3A_391 = tpu.memref_slice %arg2[%dma_wait3A_389, %dma_wait3A_390] : memref<160000x8xf32, #tpu.memory_space<hbm>> -> memref<160000x8xf32, #tpu.memory_space<hbm>>
      tpu.wait_indirect_dma semaphore(%arg11 : memref<!tpu.dma_semaphore, #tpu.memory_space<semaphore_mem>>) src(%dma_wait3A_391 : memref<160000x8xf32, #tpu.memory_space<hbm>>) dst(%dma_wait3A_385 : memref<128x8xf32, #tpu.memory_space<vmem>>)
      %dma_wait3A_392 = arith.constant 5 : i32
      %dma_wait3A_393 = arith.constant 640 : i32
      %dma_wait3A_394 = arith.constant 0 : i32
      %dma_wait3A_395 = tpu.memref_slice %arg9[%dma_wait3A_393, %dma_wait3A_394] : memref<2048x8xf32, #tpu.memory_space<vmem>> -> memref<128x8xf32, #tpu.memory_space<vmem>>
      %dma_wait3A_396 = arith.constant 0 : i32
      %dma_wait3A_397 = tpu.memref_slice %arg7[%dma_wait3A_392, %dma_wait3A_396] : memref<16x128xi32, #tpu.memory_space<vmem>> -> memref<1x128xi32, #tpu.memory_space<vmem>>
      %dma_wait3A_398 = tpu.memref_squeeze %dma_wait3A_397 : memref<1x128xi32, #tpu.memory_space<vmem>> -> memref<128xi32, #tpu.memory_space<vmem>>
      %dma_wait3A_399 = arith.constant 0 : i32
      %dma_wait3A_400 = arith.constant 0 : i32
      %dma_wait3A_401 = tpu.memref_slice %arg2[%dma_wait3A_399, %dma_wait3A_400] : memref<160000x8xf32, #tpu.memory_space<hbm>> -> memref<160000x8xf32, #tpu.memory_space<hbm>>
      tpu.wait_indirect_dma semaphore(%arg11 : memref<!tpu.dma_semaphore, #tpu.memory_space<semaphore_mem>>) src(%dma_wait3A_401 : memref<160000x8xf32, #tpu.memory_space<hbm>>) dst(%dma_wait3A_395 : memref<128x8xf32, #tpu.memory_space<vmem>>)
      %dma_wait3A_402 = arith.constant 6 : i32
      %dma_wait3A_403 = arith.constant 768 : i32
      %dma_wait3A_404 = arith.constant 0 : i32
      %dma_wait3A_405 = tpu.memref_slice %arg9[%dma_wait3A_403, %dma_wait3A_404] : memref<2048x8xf32, #tpu.memory_space<vmem>> -> memref<128x8xf32, #tpu.memory_space<vmem>>
      %dma_wait3A_406 = arith.constant 0 : i32
      %dma_wait3A_407 = tpu.memref_slice %arg7[%dma_wait3A_402, %dma_wait3A_406] : memref<16x128xi32, #tpu.memory_space<vmem>> -> memref<1x128xi32, #tpu.memory_space<vmem>>
      %dma_wait3A_408 = tpu.memref_squeeze %dma_wait3A_407 : memref<1x128xi32, #tpu.memory_space<vmem>> -> memref<128xi32, #tpu.memory_space<vmem>>
      %dma_wait3A_409 = arith.constant 0 : i32
      %dma_wait3A_410 = arith.constant 0 : i32
      %dma_wait3A_411 = tpu.memref_slice %arg2[%dma_wait3A_409, %dma_wait3A_410] : memref<160000x8xf32, #tpu.memory_space<hbm>> -> memref<160000x8xf32, #tpu.memory_space<hbm>>
      tpu.wait_indirect_dma semaphore(%arg11 : memref<!tpu.dma_semaphore, #tpu.memory_space<semaphore_mem>>) src(%dma_wait3A_411 : memref<160000x8xf32, #tpu.memory_space<hbm>>) dst(%dma_wait3A_405 : memref<128x8xf32, #tpu.memory_space<vmem>>)
      %dma_wait3A_412 = arith.constant 7 : i32
      %dma_wait3A_413 = arith.constant 896 : i32
      %dma_wait3A_414 = arith.constant 0 : i32
      %dma_wait3A_415 = tpu.memref_slice %arg9[%dma_wait3A_413, %dma_wait3A_414] : memref<2048x8xf32, #tpu.memory_space<vmem>> -> memref<128x8xf32, #tpu.memory_space<vmem>>
      %dma_wait3A_416 = arith.constant 0 : i32
      %dma_wait3A_417 = tpu.memref_slice %arg7[%dma_wait3A_412, %dma_wait3A_416] : memref<16x128xi32, #tpu.memory_space<vmem>> -> memref<1x128xi32, #tpu.memory_space<vmem>>
      %dma_wait3A_418 = tpu.memref_squeeze %dma_wait3A_417 : memref<1x128xi32, #tpu.memory_space<vmem>> -> memref<128xi32, #tpu.memory_space<vmem>>
      %dma_wait3A_419 = arith.constant 0 : i32
      %dma_wait3A_420 = arith.constant 0 : i32
      %dma_wait3A_421 = tpu.memref_slice %arg2[%dma_wait3A_419, %dma_wait3A_420] : memref<160000x8xf32, #tpu.memory_space<hbm>> -> memref<160000x8xf32, #tpu.memory_space<hbm>>
      tpu.wait_indirect_dma semaphore(%arg11 : memref<!tpu.dma_semaphore, #tpu.memory_space<semaphore_mem>>) src(%dma_wait3A_421 : memref<160000x8xf32, #tpu.memory_space<hbm>>) dst(%dma_wait3A_415 : memref<128x8xf32, #tpu.memory_space<vmem>>)
      %dma_wait3A_422 = arith.constant 8 : i32
      %dma_wait3A_423 = arith.constant 1024 : i32
      %dma_wait3A_424 = arith.constant 0 : i32
      %dma_wait3A_425 = tpu.memref_slice %arg9[%dma_wait3A_423, %dma_wait3A_424] : memref<2048x8xf32, #tpu.memory_space<vmem>> -> memref<128x8xf32, #tpu.memory_space<vmem>>
      %dma_wait3A_426 = arith.constant 0 : i32
      %dma_wait3A_427 = tpu.memref_slice %arg7[%dma_wait3A_422, %dma_wait3A_426] : memref<16x128xi32, #tpu.memory_space<vmem>> -> memref<1x128xi32, #tpu.memory_space<vmem>>
      %dma_wait3A_428 = tpu.memref_squeeze %dma_wait3A_427 : memref<1x128xi32, #tpu.memory_space<vmem>> -> memref<128xi32, #tpu.memory_space<vmem>>
      %dma_wait3A_429 = arith.constant 0 : i32
      %dma_wait3A_430 = arith.constant 0 : i32
      %dma_wait3A_431 = tpu.memref_slice %arg2[%dma_wait3A_429, %dma_wait3A_430] : memref<160000x8xf32, #tpu.memory_space<hbm>> -> memref<160000x8xf32, #tpu.memory_space<hbm>>
      tpu.wait_indirect_dma semaphore(%arg11 : memref<!tpu.dma_semaphore, #tpu.memory_space<semaphore_mem>>) src(%dma_wait3A_431 : memref<160000x8xf32, #tpu.memory_space<hbm>>) dst(%dma_wait3A_425 : memref<128x8xf32, #tpu.memory_space<vmem>>)
      %dma_wait3A_432 = arith.constant 9 : i32
      %dma_wait3A_433 = arith.constant 1152 : i32
      %dma_wait3A_434 = arith.constant 0 : i32
      %dma_wait3A_435 = tpu.memref_slice %arg9[%dma_wait3A_433, %dma_wait3A_434] : memref<2048x8xf32, #tpu.memory_space<vmem>> -> memref<128x8xf32, #tpu.memory_space<vmem>>
      %dma_wait3A_436 = arith.constant 0 : i32
      %dma_wait3A_437 = tpu.memref_slice %arg7[%dma_wait3A_432, %dma_wait3A_436] : memref<16x128xi32, #tpu.memory_space<vmem>> -> memref<1x128xi32, #tpu.memory_space<vmem>>
      %dma_wait3A_438 = tpu.memref_squeeze %dma_wait3A_437 : memref<1x128xi32, #tpu.memory_space<vmem>> -> memref<128xi32, #tpu.memory_space<vmem>>
      %dma_wait3A_439 = arith.constant 0 : i32
      %dma_wait3A_440 = arith.constant 0 : i32
      %dma_wait3A_441 = tpu.memref_slice %arg2[%dma_wait3A_439, %dma_wait3A_440] : memref<160000x8xf32, #tpu.memory_space<hbm>> -> memref<160000x8xf32, #tpu.memory_space<hbm>>
      tpu.wait_indirect_dma semaphore(%arg11 : memref<!tpu.dma_semaphore, #tpu.memory_space<semaphore_mem>>) src(%dma_wait3A_441 : memref<160000x8xf32, #tpu.memory_space<hbm>>) dst(%dma_wait3A_435 : memref<128x8xf32, #tpu.memory_space<vmem>>)
      %dma_wait3A_442 = arith.constant 10 : i32
      %dma_wait3A_443 = arith.constant 1280 : i32
      %dma_wait3A_444 = arith.constant 0 : i32
      %dma_wait3A_445 = tpu.memref_slice %arg9[%dma_wait3A_443, %dma_wait3A_444] : memref<2048x8xf32, #tpu.memory_space<vmem>> -> memref<128x8xf32, #tpu.memory_space<vmem>>
      %dma_wait3A_446 = arith.constant 0 : i32
      %dma_wait3A_447 = tpu.memref_slice %arg7[%dma_wait3A_442, %dma_wait3A_446] : memref<16x128xi32, #tpu.memory_space<vmem>> -> memref<1x128xi32, #tpu.memory_space<vmem>>
      %dma_wait3A_448 = tpu.memref_squeeze %dma_wait3A_447 : memref<1x128xi32, #tpu.memory_space<vmem>> -> memref<128xi32, #tpu.memory_space<vmem>>
      %dma_wait3A_449 = arith.constant 0 : i32
      %dma_wait3A_450 = arith.constant 0 : i32
      %dma_wait3A_451 = tpu.memref_slice %arg2[%dma_wait3A_449, %dma_wait3A_450] : memref<160000x8xf32, #tpu.memory_space<hbm>> -> memref<160000x8xf32, #tpu.memory_space<hbm>>
      tpu.wait_indirect_dma semaphore(%arg11 : memref<!tpu.dma_semaphore, #tpu.memory_space<semaphore_mem>>) src(%dma_wait3A_451 : memref<160000x8xf32, #tpu.memory_space<hbm>>) dst(%dma_wait3A_445 : memref<128x8xf32, #tpu.memory_space<vmem>>)
      %dma_wait3A_452 = arith.constant 11 : i32
      %dma_wait3A_453 = arith.constant 1408 : i32
      %dma_wait3A_454 = arith.constant 0 : i32
      %dma_wait3A_455 = tpu.memref_slice %arg9[%dma_wait3A_453, %dma_wait3A_454] : memref<2048x8xf32, #tpu.memory_space<vmem>> -> memref<128x8xf32, #tpu.memory_space<vmem>>
      %dma_wait3A_456 = arith.constant 0 : i32
      %dma_wait3A_457 = tpu.memref_slice %arg7[%dma_wait3A_452, %dma_wait3A_456] : memref<16x128xi32, #tpu.memory_space<vmem>> -> memref<1x128xi32, #tpu.memory_space<vmem>>
      %dma_wait3A_458 = tpu.memref_squeeze %dma_wait3A_457 : memref<1x128xi32, #tpu.memory_space<vmem>> -> memref<128xi32, #tpu.memory_space<vmem>>
      %dma_wait3A_459 = arith.constant 0 : i32
      %dma_wait3A_460 = arith.constant 0 : i32
      %dma_wait3A_461 = tpu.memref_slice %arg2[%dma_wait3A_459, %dma_wait3A_460] : memref<160000x8xf32, #tpu.memory_space<hbm>> -> memref<160000x8xf32, #tpu.memory_space<hbm>>
      tpu.wait_indirect_dma semaphore(%arg11 : memref<!tpu.dma_semaphore, #tpu.memory_space<semaphore_mem>>) src(%dma_wait3A_461 : memref<160000x8xf32, #tpu.memory_space<hbm>>) dst(%dma_wait3A_455 : memref<128x8xf32, #tpu.memory_space<vmem>>)
      %dma_wait3A_462 = arith.constant 12 : i32
      %dma_wait3A_463 = arith.constant 1536 : i32
      %dma_wait3A_464 = arith.constant 0 : i32
      %dma_wait3A_465 = tpu.memref_slice %arg9[%dma_wait3A_463, %dma_wait3A_464] : memref<2048x8xf32, #tpu.memory_space<vmem>> -> memref<128x8xf32, #tpu.memory_space<vmem>>
      %dma_wait3A_466 = arith.constant 0 : i32
      %dma_wait3A_467 = tpu.memref_slice %arg7[%dma_wait3A_462, %dma_wait3A_466] : memref<16x128xi32, #tpu.memory_space<vmem>> -> memref<1x128xi32, #tpu.memory_space<vmem>>
      %dma_wait3A_468 = tpu.memref_squeeze %dma_wait3A_467 : memref<1x128xi32, #tpu.memory_space<vmem>> -> memref<128xi32, #tpu.memory_space<vmem>>
      %dma_wait3A_469 = arith.constant 0 : i32
      %dma_wait3A_470 = arith.constant 0 : i32
      %dma_wait3A_471 = tpu.memref_slice %arg2[%dma_wait3A_469, %dma_wait3A_470] : memref<160000x8xf32, #tpu.memory_space<hbm>> -> memref<160000x8xf32, #tpu.memory_space<hbm>>
      tpu.wait_indirect_dma semaphore(%arg11 : memref<!tpu.dma_semaphore, #tpu.memory_space<semaphore_mem>>) src(%dma_wait3A_471 : memref<160000x8xf32, #tpu.memory_space<hbm>>) dst(%dma_wait3A_465 : memref<128x8xf32, #tpu.memory_space<vmem>>)
      %dma_wait3A_472 = arith.constant 13 : i32
      %dma_wait3A_473 = arith.constant 1664 : i32
      %dma_wait3A_474 = arith.constant 0 : i32
      %dma_wait3A_475 = tpu.memref_slice %arg9[%dma_wait3A_473, %dma_wait3A_474] : memref<2048x8xf32, #tpu.memory_space<vmem>> -> memref<128x8xf32, #tpu.memory_space<vmem>>
      %dma_wait3A_476 = arith.constant 0 : i32
      %dma_wait3A_477 = tpu.memref_slice %arg7[%dma_wait3A_472, %dma_wait3A_476] : memref<16x128xi32, #tpu.memory_space<vmem>> -> memref<1x128xi32, #tpu.memory_space<vmem>>
      %dma_wait3A_478 = tpu.memref_squeeze %dma_wait3A_477 : memref<1x128xi32, #tpu.memory_space<vmem>> -> memref<128xi32, #tpu.memory_space<vmem>>
      %dma_wait3A_479 = arith.constant 0 : i32
      %dma_wait3A_480 = arith.constant 0 : i32
      %dma_wait3A_481 = tpu.memref_slice %arg2[%dma_wait3A_479, %dma_wait3A_480] : memref<160000x8xf32, #tpu.memory_space<hbm>> -> memref<160000x8xf32, #tpu.memory_space<hbm>>
      tpu.wait_indirect_dma semaphore(%arg11 : memref<!tpu.dma_semaphore, #tpu.memory_space<semaphore_mem>>) src(%dma_wait3A_481 : memref<160000x8xf32, #tpu.memory_space<hbm>>) dst(%dma_wait3A_475 : memref<128x8xf32, #tpu.memory_space<vmem>>)
      %dma_wait3A_482 = arith.constant 14 : i32
      %dma_wait3A_483 = arith.constant 1792 : i32
      %dma_wait3A_484 = arith.constant 0 : i32
      %dma_wait3A_485 = tpu.memref_slice %arg9[%dma_wait3A_483, %dma_wait3A_484] : memref<2048x8xf32, #tpu.memory_space<vmem>> -> memref<128x8xf32, #tpu.memory_space<vmem>>
      %dma_wait3A_486 = arith.constant 0 : i32
      %dma_wait3A_487 = tpu.memref_slice %arg7[%dma_wait3A_482, %dma_wait3A_486] : memref<16x128xi32, #tpu.memory_space<vmem>> -> memref<1x128xi32, #tpu.memory_space<vmem>>
      %dma_wait3A_488 = tpu.memref_squeeze %dma_wait3A_487 : memref<1x128xi32, #tpu.memory_space<vmem>> -> memref<128xi32, #tpu.memory_space<vmem>>
      %dma_wait3A_489 = arith.constant 0 : i32
      %dma_wait3A_490 = arith.constant 0 : i32
      %dma_wait3A_491 = tpu.memref_slice %arg2[%dma_wait3A_489, %dma_wait3A_490] : memref<160000x8xf32, #tpu.memory_space<hbm>> -> memref<160000x8xf32, #tpu.memory_space<hbm>>
      tpu.wait_indirect_dma semaphore(%arg11 : memref<!tpu.dma_semaphore, #tpu.memory_space<semaphore_mem>>) src(%dma_wait3A_491 : memref<160000x8xf32, #tpu.memory_space<hbm>>) dst(%dma_wait3A_485 : memref<128x8xf32, #tpu.memory_space<vmem>>)
      %dma_wait3A_492 = arith.constant 15 : i32
      %dma_wait3A_493 = arith.constant 1920 : i32
      %dma_wait3A_494 = arith.constant 0 : i32
      %dma_wait3A_495 = tpu.memref_slice %arg9[%dma_wait3A_493, %dma_wait3A_494] : memref<2048x8xf32, #tpu.memory_space<vmem>> -> memref<128x8xf32, #tpu.memory_space<vmem>>
      %dma_wait3A_496 = arith.constant 0 : i32
      %dma_wait3A_497 = tpu.memref_slice %arg7[%dma_wait3A_492, %dma_wait3A_496] : memref<16x128xi32, #tpu.memory_space<vmem>> -> memref<1x128xi32, #tpu.memory_space<vmem>>
      %dma_wait3A_498 = tpu.memref_squeeze %dma_wait3A_497 : memref<1x128xi32, #tpu.memory_space<vmem>> -> memref<128xi32, #tpu.memory_space<vmem>>
      %dma_wait3A_499 = arith.constant 0 : i32
      %dma_wait3A_500 = arith.constant 0 : i32
      %dma_wait3A_501 = tpu.memref_slice %arg2[%dma_wait3A_499, %dma_wait3A_500] : memref<160000x8xf32, #tpu.memory_space<hbm>> -> memref<160000x8xf32, #tpu.memory_space<hbm>>
      tpu.wait_indirect_dma semaphore(%arg11 : memref<!tpu.dma_semaphore, #tpu.memory_space<semaphore_mem>>) src(%dma_wait3A_501 : memref<160000x8xf32, #tpu.memory_space<hbm>>) dst(%dma_wait3A_495 : memref<128x8xf32, #tpu.memory_space<vmem>>)
      %dma_wait3A_502 = arith.constant 0 : i32
      %dma_wait3A_503 = arith.constant 0 : i32
      %dma_wait3A_504 = arith.constant 0 : i32
      %dma_wait3A_505 = tpu.memref_slice %arg10[%dma_wait3A_503, %dma_wait3A_504] : memref<2048x8xf32, #tpu.memory_space<vmem>> -> memref<128x8xf32, #tpu.memory_space<vmem>>
      %dma_wait3A_506 = arith.constant 0 : i32
      %dma_wait3A_507 = tpu.memref_slice %arg8[%dma_wait3A_502, %dma_wait3A_506] : memref<16x128xi32, #tpu.memory_space<vmem>> -> memref<1x128xi32, #tpu.memory_space<vmem>>
      %dma_wait3A_508 = tpu.memref_squeeze %dma_wait3A_507 : memref<1x128xi32, #tpu.memory_space<vmem>> -> memref<128xi32, #tpu.memory_space<vmem>>
      %dma_wait3A_509 = arith.constant 0 : i32
      %dma_wait3A_510 = arith.constant 0 : i32
      %dma_wait3A_511 = tpu.memref_slice %arg2[%dma_wait3A_509, %dma_wait3A_510] : memref<160000x8xf32, #tpu.memory_space<hbm>> -> memref<160000x8xf32, #tpu.memory_space<hbm>>
      tpu.wait_indirect_dma semaphore(%arg11 : memref<!tpu.dma_semaphore, #tpu.memory_space<semaphore_mem>>) src(%dma_wait3A_511 : memref<160000x8xf32, #tpu.memory_space<hbm>>) dst(%dma_wait3A_505 : memref<128x8xf32, #tpu.memory_space<vmem>>)
      %dma_wait3A_512 = arith.constant 1 : i32
      %dma_wait3A_513 = arith.constant 128 : i32
      %dma_wait3A_514 = arith.constant 0 : i32
      %dma_wait3A_515 = tpu.memref_slice %arg10[%dma_wait3A_513, %dma_wait3A_514] : memref<2048x8xf32, #tpu.memory_space<vmem>> -> memref<128x8xf32, #tpu.memory_space<vmem>>
      %dma_wait3A_516 = arith.constant 0 : i32
      %dma_wait3A_517 = tpu.memref_slice %arg8[%dma_wait3A_512, %dma_wait3A_516] : memref<16x128xi32, #tpu.memory_space<vmem>> -> memref<1x128xi32, #tpu.memory_space<vmem>>
      %dma_wait3A_518 = tpu.memref_squeeze %dma_wait3A_517 : memref<1x128xi32, #tpu.memory_space<vmem>> -> memref<128xi32, #tpu.memory_space<vmem>>
      %dma_wait3A_519 = arith.constant 0 : i32
      %dma_wait3A_520 = arith.constant 0 : i32
      %dma_wait3A_521 = tpu.memref_slice %arg2[%dma_wait3A_519, %dma_wait3A_520] : memref<160000x8xf32, #tpu.memory_space<hbm>> -> memref<160000x8xf32, #tpu.memory_space<hbm>>
      tpu.wait_indirect_dma semaphore(%arg11 : memref<!tpu.dma_semaphore, #tpu.memory_space<semaphore_mem>>) src(%dma_wait3A_521 : memref<160000x8xf32, #tpu.memory_space<hbm>>) dst(%dma_wait3A_515 : memref<128x8xf32, #tpu.memory_space<vmem>>)
      %dma_wait3A_522 = arith.constant 2 : i32
      %dma_wait3A_523 = arith.constant 256 : i32
      %dma_wait3A_524 = arith.constant 0 : i32
      %dma_wait3A_525 = tpu.memref_slice %arg10[%dma_wait3A_523, %dma_wait3A_524] : memref<2048x8xf32, #tpu.memory_space<vmem>> -> memref<128x8xf32, #tpu.memory_space<vmem>>
      %dma_wait3A_526 = arith.constant 0 : i32
      %dma_wait3A_527 = tpu.memref_slice %arg8[%dma_wait3A_522, %dma_wait3A_526] : memref<16x128xi32, #tpu.memory_space<vmem>> -> memref<1x128xi32, #tpu.memory_space<vmem>>
      %dma_wait3A_528 = tpu.memref_squeeze %dma_wait3A_527 : memref<1x128xi32, #tpu.memory_space<vmem>> -> memref<128xi32, #tpu.memory_space<vmem>>
      %dma_wait3A_529 = arith.constant 0 : i32
      %dma_wait3A_530 = arith.constant 0 : i32
      %dma_wait3A_531 = tpu.memref_slice %arg2[%dma_wait3A_529, %dma_wait3A_530] : memref<160000x8xf32, #tpu.memory_space<hbm>> -> memref<160000x8xf32, #tpu.memory_space<hbm>>
      tpu.wait_indirect_dma semaphore(%arg11 : memref<!tpu.dma_semaphore, #tpu.memory_space<semaphore_mem>>) src(%dma_wait3A_531 : memref<160000x8xf32, #tpu.memory_space<hbm>>) dst(%dma_wait3A_525 : memref<128x8xf32, #tpu.memory_space<vmem>>)
      %dma_wait3A_532 = arith.constant 3 : i32
      %dma_wait3A_533 = arith.constant 384 : i32
      %dma_wait3A_534 = arith.constant 0 : i32
      %dma_wait3A_535 = tpu.memref_slice %arg10[%dma_wait3A_533, %dma_wait3A_534] : memref<2048x8xf32, #tpu.memory_space<vmem>> -> memref<128x8xf32, #tpu.memory_space<vmem>>
      %dma_wait3A_536 = arith.constant 0 : i32
      %dma_wait3A_537 = tpu.memref_slice %arg8[%dma_wait3A_532, %dma_wait3A_536] : memref<16x128xi32, #tpu.memory_space<vmem>> -> memref<1x128xi32, #tpu.memory_space<vmem>>
      %dma_wait3A_538 = tpu.memref_squeeze %dma_wait3A_537 : memref<1x128xi32, #tpu.memory_space<vmem>> -> memref<128xi32, #tpu.memory_space<vmem>>
      %dma_wait3A_539 = arith.constant 0 : i32
      %dma_wait3A_540 = arith.constant 0 : i32
      %dma_wait3A_541 = tpu.memref_slice %arg2[%dma_wait3A_539, %dma_wait3A_540] : memref<160000x8xf32, #tpu.memory_space<hbm>> -> memref<160000x8xf32, #tpu.memory_space<hbm>>
      tpu.wait_indirect_dma semaphore(%arg11 : memref<!tpu.dma_semaphore, #tpu.memory_space<semaphore_mem>>) src(%dma_wait3A_541 : memref<160000x8xf32, #tpu.memory_space<hbm>>) dst(%dma_wait3A_535 : memref<128x8xf32, #tpu.memory_space<vmem>>)
      %dma_wait3A_542 = arith.constant 4 : i32
      %dma_wait3A_543 = arith.constant 512 : i32
      %dma_wait3A_544 = arith.constant 0 : i32
      %dma_wait3A_545 = tpu.memref_slice %arg10[%dma_wait3A_543, %dma_wait3A_544] : memref<2048x8xf32, #tpu.memory_space<vmem>> -> memref<128x8xf32, #tpu.memory_space<vmem>>
      %dma_wait3A_546 = arith.constant 0 : i32
      %dma_wait3A_547 = tpu.memref_slice %arg8[%dma_wait3A_542, %dma_wait3A_546] : memref<16x128xi32, #tpu.memory_space<vmem>> -> memref<1x128xi32, #tpu.memory_space<vmem>>
      %dma_wait3A_548 = tpu.memref_squeeze %dma_wait3A_547 : memref<1x128xi32, #tpu.memory_space<vmem>> -> memref<128xi32, #tpu.memory_space<vmem>>
      %dma_wait3A_549 = arith.constant 0 : i32
      %dma_wait3A_550 = arith.constant 0 : i32
      %dma_wait3A_551 = tpu.memref_slice %arg2[%dma_wait3A_549, %dma_wait3A_550] : memref<160000x8xf32, #tpu.memory_space<hbm>> -> memref<160000x8xf32, #tpu.memory_space<hbm>>
      tpu.wait_indirect_dma semaphore(%arg11 : memref<!tpu.dma_semaphore, #tpu.memory_space<semaphore_mem>>) src(%dma_wait3A_551 : memref<160000x8xf32, #tpu.memory_space<hbm>>) dst(%dma_wait3A_545 : memref<128x8xf32, #tpu.memory_space<vmem>>)
      %dma_wait3A_552 = arith.constant 5 : i32
      %dma_wait3A_553 = arith.constant 640 : i32
      %dma_wait3A_554 = arith.constant 0 : i32
      %dma_wait3A_555 = tpu.memref_slice %arg10[%dma_wait3A_553, %dma_wait3A_554] : memref<2048x8xf32, #tpu.memory_space<vmem>> -> memref<128x8xf32, #tpu.memory_space<vmem>>
      %dma_wait3A_556 = arith.constant 0 : i32
      %dma_wait3A_557 = tpu.memref_slice %arg8[%dma_wait3A_552, %dma_wait3A_556] : memref<16x128xi32, #tpu.memory_space<vmem>> -> memref<1x128xi32, #tpu.memory_space<vmem>>
      %dma_wait3A_558 = tpu.memref_squeeze %dma_wait3A_557 : memref<1x128xi32, #tpu.memory_space<vmem>> -> memref<128xi32, #tpu.memory_space<vmem>>
      %dma_wait3A_559 = arith.constant 0 : i32
      %dma_wait3A_560 = arith.constant 0 : i32
      %dma_wait3A_561 = tpu.memref_slice %arg2[%dma_wait3A_559, %dma_wait3A_560] : memref<160000x8xf32, #tpu.memory_space<hbm>> -> memref<160000x8xf32, #tpu.memory_space<hbm>>
      tpu.wait_indirect_dma semaphore(%arg11 : memref<!tpu.dma_semaphore, #tpu.memory_space<semaphore_mem>>) src(%dma_wait3A_561 : memref<160000x8xf32, #tpu.memory_space<hbm>>) dst(%dma_wait3A_555 : memref<128x8xf32, #tpu.memory_space<vmem>>)
      %dma_wait3A_562 = arith.constant 6 : i32
      %dma_wait3A_563 = arith.constant 768 : i32
      %dma_wait3A_564 = arith.constant 0 : i32
      %dma_wait3A_565 = tpu.memref_slice %arg10[%dma_wait3A_563, %dma_wait3A_564] : memref<2048x8xf32, #tpu.memory_space<vmem>> -> memref<128x8xf32, #tpu.memory_space<vmem>>
      %dma_wait3A_566 = arith.constant 0 : i32
      %dma_wait3A_567 = tpu.memref_slice %arg8[%dma_wait3A_562, %dma_wait3A_566] : memref<16x128xi32, #tpu.memory_space<vmem>> -> memref<1x128xi32, #tpu.memory_space<vmem>>
      %dma_wait3A_568 = tpu.memref_squeeze %dma_wait3A_567 : memref<1x128xi32, #tpu.memory_space<vmem>> -> memref<128xi32, #tpu.memory_space<vmem>>
      %dma_wait3A_569 = arith.constant 0 : i32
      %dma_wait3A_570 = arith.constant 0 : i32
      %dma_wait3A_571 = tpu.memref_slice %arg2[%dma_wait3A_569, %dma_wait3A_570] : memref<160000x8xf32, #tpu.memory_space<hbm>> -> memref<160000x8xf32, #tpu.memory_space<hbm>>
      tpu.wait_indirect_dma semaphore(%arg11 : memref<!tpu.dma_semaphore, #tpu.memory_space<semaphore_mem>>) src(%dma_wait3A_571 : memref<160000x8xf32, #tpu.memory_space<hbm>>) dst(%dma_wait3A_565 : memref<128x8xf32, #tpu.memory_space<vmem>>)
      %dma_wait3A_572 = arith.constant 7 : i32
      %dma_wait3A_573 = arith.constant 896 : i32
      %dma_wait3A_574 = arith.constant 0 : i32
      %dma_wait3A_575 = tpu.memref_slice %arg10[%dma_wait3A_573, %dma_wait3A_574] : memref<2048x8xf32, #tpu.memory_space<vmem>> -> memref<128x8xf32, #tpu.memory_space<vmem>>
      %dma_wait3A_576 = arith.constant 0 : i32
      %dma_wait3A_577 = tpu.memref_slice %arg8[%dma_wait3A_572, %dma_wait3A_576] : memref<16x128xi32, #tpu.memory_space<vmem>> -> memref<1x128xi32, #tpu.memory_space<vmem>>
      %dma_wait3A_578 = tpu.memref_squeeze %dma_wait3A_577 : memref<1x128xi32, #tpu.memory_space<vmem>> -> memref<128xi32, #tpu.memory_space<vmem>>
      %dma_wait3A_579 = arith.constant 0 : i32
      %dma_wait3A_580 = arith.constant 0 : i32
      %dma_wait3A_581 = tpu.memref_slice %arg2[%dma_wait3A_579, %dma_wait3A_580] : memref<160000x8xf32, #tpu.memory_space<hbm>> -> memref<160000x8xf32, #tpu.memory_space<hbm>>
      tpu.wait_indirect_dma semaphore(%arg11 : memref<!tpu.dma_semaphore, #tpu.memory_space<semaphore_mem>>) src(%dma_wait3A_581 : memref<160000x8xf32, #tpu.memory_space<hbm>>) dst(%dma_wait3A_575 : memref<128x8xf32, #tpu.memory_space<vmem>>)
      %dma_wait3A_582 = arith.constant 8 : i32
      %dma_wait3A_583 = arith.constant 1024 : i32
      %dma_wait3A_584 = arith.constant 0 : i32
      %dma_wait3A_585 = tpu.memref_slice %arg10[%dma_wait3A_583, %dma_wait3A_584] : memref<2048x8xf32, #tpu.memory_space<vmem>> -> memref<128x8xf32, #tpu.memory_space<vmem>>
      %dma_wait3A_586 = arith.constant 0 : i32
      %dma_wait3A_587 = tpu.memref_slice %arg8[%dma_wait3A_582, %dma_wait3A_586] : memref<16x128xi32, #tpu.memory_space<vmem>> -> memref<1x128xi32, #tpu.memory_space<vmem>>
      %dma_wait3A_588 = tpu.memref_squeeze %dma_wait3A_587 : memref<1x128xi32, #tpu.memory_space<vmem>> -> memref<128xi32, #tpu.memory_space<vmem>>
      %dma_wait3A_589 = arith.constant 0 : i32
      %dma_wait3A_590 = arith.constant 0 : i32
      %dma_wait3A_591 = tpu.memref_slice %arg2[%dma_wait3A_589, %dma_wait3A_590] : memref<160000x8xf32, #tpu.memory_space<hbm>> -> memref<160000x8xf32, #tpu.memory_space<hbm>>
      tpu.wait_indirect_dma semaphore(%arg11 : memref<!tpu.dma_semaphore, #tpu.memory_space<semaphore_mem>>) src(%dma_wait3A_591 : memref<160000x8xf32, #tpu.memory_space<hbm>>) dst(%dma_wait3A_585 : memref<128x8xf32, #tpu.memory_space<vmem>>)
      %dma_wait3A_592 = arith.constant 9 : i32
      %dma_wait3A_593 = arith.constant 1152 : i32
      %dma_wait3A_594 = arith.constant 0 : i32
      %dma_wait3A_595 = tpu.memref_slice %arg10[%dma_wait3A_593, %dma_wait3A_594] : memref<2048x8xf32, #tpu.memory_space<vmem>> -> memref<128x8xf32, #tpu.memory_space<vmem>>
      %dma_wait3A_596 = arith.constant 0 : i32
      %dma_wait3A_597 = tpu.memref_slice %arg8[%dma_wait3A_592, %dma_wait3A_596] : memref<16x128xi32, #tpu.memory_space<vmem>> -> memref<1x128xi32, #tpu.memory_space<vmem>>
      %dma_wait3A_598 = tpu.memref_squeeze %dma_wait3A_597 : memref<1x128xi32, #tpu.memory_space<vmem>> -> memref<128xi32, #tpu.memory_space<vmem>>
      %dma_wait3A_599 = arith.constant 0 : i32
      %dma_wait3A_600 = arith.constant 0 : i32
      %dma_wait3A_601 = tpu.memref_slice %arg2[%dma_wait3A_599, %dma_wait3A_600] : memref<160000x8xf32, #tpu.memory_space<hbm>> -> memref<160000x8xf32, #tpu.memory_space<hbm>>
      tpu.wait_indirect_dma semaphore(%arg11 : memref<!tpu.dma_semaphore, #tpu.memory_space<semaphore_mem>>) src(%dma_wait3A_601 : memref<160000x8xf32, #tpu.memory_space<hbm>>) dst(%dma_wait3A_595 : memref<128x8xf32, #tpu.memory_space<vmem>>)
      %dma_wait3A_602 = arith.constant 10 : i32
      %dma_wait3A_603 = arith.constant 1280 : i32
      %dma_wait3A_604 = arith.constant 0 : i32
      %dma_wait3A_605 = tpu.memref_slice %arg10[%dma_wait3A_603, %dma_wait3A_604] : memref<2048x8xf32, #tpu.memory_space<vmem>> -> memref<128x8xf32, #tpu.memory_space<vmem>>
      %dma_wait3A_606 = arith.constant 0 : i32
      %dma_wait3A_607 = tpu.memref_slice %arg8[%dma_wait3A_602, %dma_wait3A_606] : memref<16x128xi32, #tpu.memory_space<vmem>> -> memref<1x128xi32, #tpu.memory_space<vmem>>
      %dma_wait3A_608 = tpu.memref_squeeze %dma_wait3A_607 : memref<1x128xi32, #tpu.memory_space<vmem>> -> memref<128xi32, #tpu.memory_space<vmem>>
      %dma_wait3A_609 = arith.constant 0 : i32
      %dma_wait3A_610 = arith.constant 0 : i32
      %dma_wait3A_611 = tpu.memref_slice %arg2[%dma_wait3A_609, %dma_wait3A_610] : memref<160000x8xf32, #tpu.memory_space<hbm>> -> memref<160000x8xf32, #tpu.memory_space<hbm>>
      tpu.wait_indirect_dma semaphore(%arg11 : memref<!tpu.dma_semaphore, #tpu.memory_space<semaphore_mem>>) src(%dma_wait3A_611 : memref<160000x8xf32, #tpu.memory_space<hbm>>) dst(%dma_wait3A_605 : memref<128x8xf32, #tpu.memory_space<vmem>>)
      %dma_wait3A_612 = arith.constant 11 : i32
      %dma_wait3A_613 = arith.constant 1408 : i32
      %dma_wait3A_614 = arith.constant 0 : i32
      %dma_wait3A_615 = tpu.memref_slice %arg10[%dma_wait3A_613, %dma_wait3A_614] : memref<2048x8xf32, #tpu.memory_space<vmem>> -> memref<128x8xf32, #tpu.memory_space<vmem>>
      %dma_wait3A_616 = arith.constant 0 : i32
      %dma_wait3A_617 = tpu.memref_slice %arg8[%dma_wait3A_612, %dma_wait3A_616] : memref<16x128xi32, #tpu.memory_space<vmem>> -> memref<1x128xi32, #tpu.memory_space<vmem>>
      %dma_wait3A_618 = tpu.memref_squeeze %dma_wait3A_617 : memref<1x128xi32, #tpu.memory_space<vmem>> -> memref<128xi32, #tpu.memory_space<vmem>>
      %dma_wait3A_619 = arith.constant 0 : i32
      %dma_wait3A_620 = arith.constant 0 : i32
      %dma_wait3A_621 = tpu.memref_slice %arg2[%dma_wait3A_619, %dma_wait3A_620] : memref<160000x8xf32, #tpu.memory_space<hbm>> -> memref<160000x8xf32, #tpu.memory_space<hbm>>
      tpu.wait_indirect_dma semaphore(%arg11 : memref<!tpu.dma_semaphore, #tpu.memory_space<semaphore_mem>>) src(%dma_wait3A_621 : memref<160000x8xf32, #tpu.memory_space<hbm>>) dst(%dma_wait3A_615 : memref<128x8xf32, #tpu.memory_space<vmem>>)
      %dma_wait3A_622 = arith.constant 12 : i32
      %dma_wait3A_623 = arith.constant 1536 : i32
      %dma_wait3A_624 = arith.constant 0 : i32
      %dma_wait3A_625 = tpu.memref_slice %arg10[%dma_wait3A_623, %dma_wait3A_624] : memref<2048x8xf32, #tpu.memory_space<vmem>> -> memref<128x8xf32, #tpu.memory_space<vmem>>
      %dma_wait3A_626 = arith.constant 0 : i32
      %dma_wait3A_627 = tpu.memref_slice %arg8[%dma_wait3A_622, %dma_wait3A_626] : memref<16x128xi32, #tpu.memory_space<vmem>> -> memref<1x128xi32, #tpu.memory_space<vmem>>
      %dma_wait3A_628 = tpu.memref_squeeze %dma_wait3A_627 : memref<1x128xi32, #tpu.memory_space<vmem>> -> memref<128xi32, #tpu.memory_space<vmem>>
      %dma_wait3A_629 = arith.constant 0 : i32
      %dma_wait3A_630 = arith.constant 0 : i32
      %dma_wait3A_631 = tpu.memref_slice %arg2[%dma_wait3A_629, %dma_wait3A_630] : memref<160000x8xf32, #tpu.memory_space<hbm>> -> memref<160000x8xf32, #tpu.memory_space<hbm>>
      tpu.wait_indirect_dma semaphore(%arg11 : memref<!tpu.dma_semaphore, #tpu.memory_space<semaphore_mem>>) src(%dma_wait3A_631 : memref<160000x8xf32, #tpu.memory_space<hbm>>) dst(%dma_wait3A_625 : memref<128x8xf32, #tpu.memory_space<vmem>>)
      %dma_wait3A_632 = arith.constant 13 : i32
      %dma_wait3A_633 = arith.constant 1664 : i32
      %dma_wait3A_634 = arith.constant 0 : i32
      %dma_wait3A_635 = tpu.memref_slice %arg10[%dma_wait3A_633, %dma_wait3A_634] : memref<2048x8xf32, #tpu.memory_space<vmem>> -> memref<128x8xf32, #tpu.memory_space<vmem>>
      %dma_wait3A_636 = arith.constant 0 : i32
      %dma_wait3A_637 = tpu.memref_slice %arg8[%dma_wait3A_632, %dma_wait3A_636] : memref<16x128xi32, #tpu.memory_space<vmem>> -> memref<1x128xi32, #tpu.memory_space<vmem>>
      %dma_wait3A_638 = tpu.memref_squeeze %dma_wait3A_637 : memref<1x128xi32, #tpu.memory_space<vmem>> -> memref<128xi32, #tpu.memory_space<vmem>>
      %dma_wait3A_639 = arith.constant 0 : i32
      %dma_wait3A_640 = arith.constant 0 : i32
      %dma_wait3A_641 = tpu.memref_slice %arg2[%dma_wait3A_639, %dma_wait3A_640] : memref<160000x8xf32, #tpu.memory_space<hbm>> -> memref<160000x8xf32, #tpu.memory_space<hbm>>
      tpu.wait_indirect_dma semaphore(%arg11 : memref<!tpu.dma_semaphore, #tpu.memory_space<semaphore_mem>>) src(%dma_wait3A_641 : memref<160000x8xf32, #tpu.memory_space<hbm>>) dst(%dma_wait3A_635 : memref<128x8xf32, #tpu.memory_space<vmem>>)
      %dma_wait3A_642 = arith.constant 14 : i32
      %dma_wait3A_643 = arith.constant 1792 : i32
      %dma_wait3A_644 = arith.constant 0 : i32
      %dma_wait3A_645 = tpu.memref_slice %arg10[%dma_wait3A_643, %dma_wait3A_644] : memref<2048x8xf32, #tpu.memory_space<vmem>> -> memref<128x8xf32, #tpu.memory_space<vmem>>
      %dma_wait3A_646 = arith.constant 0 : i32
      %dma_wait3A_647 = tpu.memref_slice %arg8[%dma_wait3A_642, %dma_wait3A_646] : memref<16x128xi32, #tpu.memory_space<vmem>> -> memref<1x128xi32, #tpu.memory_space<vmem>>
      %dma_wait3A_648 = tpu.memref_squeeze %dma_wait3A_647 : memref<1x128xi32, #tpu.memory_space<vmem>> -> memref<128xi32, #tpu.memory_space<vmem>>
      %dma_wait3A_649 = arith.constant 0 : i32
      %dma_wait3A_650 = arith.constant 0 : i32
      %dma_wait3A_651 = tpu.memref_slice %arg2[%dma_wait3A_649, %dma_wait3A_650] : memref<160000x8xf32, #tpu.memory_space<hbm>> -> memref<160000x8xf32, #tpu.memory_space<hbm>>
      tpu.wait_indirect_dma semaphore(%arg11 : memref<!tpu.dma_semaphore, #tpu.memory_space<semaphore_mem>>) src(%dma_wait3A_651 : memref<160000x8xf32, #tpu.memory_space<hbm>>) dst(%dma_wait3A_645 : memref<128x8xf32, #tpu.memory_space<vmem>>)
      %dma_wait3A_652 = arith.constant 15 : i32
      %dma_wait3A_653 = arith.constant 1920 : i32
      %dma_wait3A_654 = arith.constant 0 : i32
      %dma_wait3A_655 = tpu.memref_slice %arg10[%dma_wait3A_653, %dma_wait3A_654] : memref<2048x8xf32, #tpu.memory_space<vmem>> -> memref<128x8xf32, #tpu.memory_space<vmem>>
      %dma_wait3A_656 = arith.constant 0 : i32
      %dma_wait3A_657 = tpu.memref_slice %arg8[%dma_wait3A_652, %dma_wait3A_656] : memref<16x128xi32, #tpu.memory_space<vmem>> -> memref<1x128xi32, #tpu.memory_space<vmem>>
      %dma_wait3A_658 = tpu.memref_squeeze %dma_wait3A_657 : memref<1x128xi32, #tpu.memory_space<vmem>> -> memref<128xi32, #tpu.memory_space<vmem>>
      %dma_wait3A_659 = arith.constant 0 : i32
      %dma_wait3A_660 = arith.constant 0 : i32
      %dma_wait3A_661 = tpu.memref_slice %arg2[%dma_wait3A_659, %dma_wait3A_660] : memref<160000x8xf32, #tpu.memory_space<hbm>> -> memref<160000x8xf32, #tpu.memory_space<hbm>>
      tpu.wait_indirect_dma semaphore(%arg11 : memref<!tpu.dma_semaphore, #tpu.memory_space<semaphore_mem>>) src(%dma_wait3A_661 : memref<160000x8xf32, #tpu.memory_space<hbm>>) dst(%dma_wait3A_655 : memref<128x8xf32, #tpu.memory_space<vmem>>)
      "tpu.region"() ({
        %run_scoped3A = tpu.sem_alloc : memref<!tpu.dma_semaphore, #tpu.memory_space<semaphore_mem>>
        %dma_start3A_662 = arith.constant 0 : i32
        %dma_start3A_663 = tpu.memref_slice %arg5[%multiple_of3A_23, %dma_start3A_662] : memref<320000x8xf32, #tpu.memory_space<hbm>> -> memref<2048x8xf32, #tpu.memory_space<hbm>>
        %dma_start3A_664 = arith.constant 0 : i32
        %dma_start3A_665 = tpu.memref_slice %arg5[%multiple_of3A_23, %dma_start3A_664] : memref<320000x8xf32, #tpu.memory_space<hbm>> -> memref<2048x8xf32, #tpu.memory_space<hbm>>
        tpu.enqueue_dma source(%arg9 : memref<2048x8xf32, #tpu.memory_space<vmem>>) target(%dma_start3A_665 : memref<2048x8xf32, #tpu.memory_space<hbm>>) target_semaphore(%run_scoped3A : memref<!tpu.dma_semaphore, #tpu.memory_space<semaphore_mem>>)
        %dma_wait3A_666 = arith.constant 0 : i32
        %dma_wait3A_667 = tpu.memref_slice %arg5[%multiple_of3A_23, %dma_wait3A_666] : memref<320000x8xf32, #tpu.memory_space<hbm>> -> memref<2048x8xf32, #tpu.memory_space<hbm>>
        %dma_wait3A_668 = arith.constant 0 : i32
        %dma_wait3A_669 = tpu.memref_slice %arg5[%multiple_of3A_23, %dma_wait3A_668] : memref<320000x8xf32, #tpu.memory_space<hbm>> -> memref<2048x8xf32, #tpu.memory_space<hbm>>
        tpu.wait_dma2 semaphore(%run_scoped3A : memref<!tpu.dma_semaphore, #tpu.memory_space<semaphore_mem>>) src(%arg9 : memref<2048x8xf32, #tpu.memory_space<vmem>>) dst(%dma_wait3A_669 : memref<2048x8xf32, #tpu.memory_space<hbm>>)
        tpu.yield
      }) : () -> ()
      "tpu.region"() ({
        %run_scoped3A = tpu.sem_alloc : memref<!tpu.dma_semaphore, #tpu.memory_space<semaphore_mem>>
        %dma_start3A_662 = arith.constant 0 : i32
        %dma_start3A_663 = tpu.memref_slice %arg6[%multiple_of3A_23, %dma_start3A_662] : memref<320000x8xf32, #tpu.memory_space<hbm>> -> memref<2048x8xf32, #tpu.memory_space<hbm>>
        %dma_start3A_664 = arith.constant 0 : i32
        %dma_start3A_665 = tpu.memref_slice %arg6[%multiple_of3A_23, %dma_start3A_664] : memref<320000x8xf32, #tpu.memory_space<hbm>> -> memref<2048x8xf32, #tpu.memory_space<hbm>>
        tpu.enqueue_dma source(%arg10 : memref<2048x8xf32, #tpu.memory_space<vmem>>) target(%dma_start3A_665 : memref<2048x8xf32, #tpu.memory_space<hbm>>) target_semaphore(%run_scoped3A : memref<!tpu.dma_semaphore, #tpu.memory_space<semaphore_mem>>)
        %dma_wait3A_666 = arith.constant 0 : i32
        %dma_wait3A_667 = tpu.memref_slice %arg6[%multiple_of3A_23, %dma_wait3A_666] : memref<320000x8xf32, #tpu.memory_space<hbm>> -> memref<2048x8xf32, #tpu.memory_space<hbm>>
        %dma_wait3A_668 = arith.constant 0 : i32
        %dma_wait3A_669 = tpu.memref_slice %arg6[%multiple_of3A_23, %dma_wait3A_668] : memref<320000x8xf32, #tpu.memory_space<hbm>> -> memref<2048x8xf32, #tpu.memory_space<hbm>>
        tpu.wait_dma2 semaphore(%run_scoped3A : memref<!tpu.dma_semaphore, #tpu.memory_space<semaphore_mem>>) src(%arg10 : memref<2048x8xf32, #tpu.memory_space<vmem>>) dst(%dma_wait3A_669 : memref<2048x8xf32, #tpu.memory_space<hbm>>)
        tpu.yield
      }) : () -> ()
    }
    %while3A_13 = arith.constant 1 : i32
    scf.for %while3A_17 = %while3A_11 to %while3A_7 step %while3A_13  : i32 {
      %mul3A_18 = arith.constant 16 : i32
      %mul3A_19 = arith.muli %while3A_17, %mul3A_18 : i32
      %add3A_20 = arith.addi %mul3A_2, %mul3A_19 : i32
      %multiple_of3A = tpu.assume_multiple %add3A_20, 16 : i32
      %mul3A_21 = arith.constant 128 : i32
      %mul3A_22 = arith.muli %multiple_of3A, %mul3A_21 : i32
      %multiple_of3A_23 = tpu.assume_multiple %mul3A_22, 2048 : i32
      "tpu.region"() ({
        %run_scoped3A = tpu.sem_alloc : memref<!tpu.dma_semaphore, #tpu.memory_space<semaphore_mem>>
        %dma_start3A_662 = arith.constant 0 : i32
        %dma_start3A_663 = tpu.memref_slice %arg3[%multiple_of3A, %dma_start3A_662] : memref<2500x128xi32, #tpu.memory_space<hbm>> -> memref<16x128xi32, #tpu.memory_space<hbm>>
        %dma_start3A_664 = arith.constant 0 : i32
        %dma_start3A_665 = tpu.memref_slice %arg3[%multiple_of3A, %dma_start3A_664] : memref<2500x128xi32, #tpu.memory_space<hbm>> -> memref<16x128xi32, #tpu.memory_space<hbm>>
        tpu.enqueue_dma source(%dma_start3A_665 : memref<16x128xi32, #tpu.memory_space<hbm>>) target(%arg7 : memref<16x128xi32, #tpu.memory_space<vmem>>) target_semaphore(%run_scoped3A : memref<!tpu.dma_semaphore, #tpu.memory_space<semaphore_mem>>)
        %dma_wait3A_666 = arith.constant 0 : i32
        %dma_wait3A_667 = tpu.memref_slice %arg3[%multiple_of3A, %dma_wait3A_666] : memref<2500x128xi32, #tpu.memory_space<hbm>> -> memref<16x128xi32, #tpu.memory_space<hbm>>
        %dma_wait3A_668 = arith.constant 0 : i32
        %dma_wait3A_669 = tpu.memref_slice %arg3[%multiple_of3A, %dma_wait3A_668] : memref<2500x128xi32, #tpu.memory_space<hbm>> -> memref<16x128xi32, #tpu.memory_space<hbm>>
        tpu.wait_dma2 semaphore(%run_scoped3A : memref<!tpu.dma_semaphore, #tpu.memory_space<semaphore_mem>>) src(%dma_wait3A_669 : memref<16x128xi32, #tpu.memory_space<hbm>>) dst(%arg7 : memref<16x128xi32, #tpu.memory_space<vmem>>)
        tpu.yield
      }) : () -> ()
      "tpu.region"() ({
        %run_scoped3A = tpu.sem_alloc : memref<!tpu.dma_semaphore, #tpu.memory_space<semaphore_mem>>
        %dma_start3A_662 = arith.constant 0 : i32
        %dma_start3A_663 = tpu.memref_slice %arg4[%multiple_of3A, %dma_start3A_662] : memref<2500x128xi32, #tpu.memory_space<hbm>> -> memref<16x128xi32, #tpu.memory_space<hbm>>
        %dma_start3A_664 = arith.constant 0 : i32
        %dma_start3A_665 = tpu.memref_slice %arg4[%multiple_of3A, %dma_start3A_664] : memref<2500x128xi32, #tpu.memory_space<hbm>> -> memref<16x128xi32, #tpu.memory_space<hbm>>
        tpu.enqueue_dma source(%dma_start3A_665 : memref<16x128xi32, #tpu.memory_space<hbm>>) target(%arg8 : memref<16x128xi32, #tpu.memory_space<vmem>>) target_semaphore(%run_scoped3A : memref<!tpu.dma_semaphore, #tpu.memory_space<semaphore_mem>>)
        %dma_wait3A_666 = arith.constant 0 : i32
        %dma_wait3A_667 = tpu.memref_slice %arg4[%multiple_of3A, %dma_wait3A_666] : memref<2500x128xi32, #tpu.memory_space<hbm>> -> memref<16x128xi32, #tpu.memory_space<hbm>>
        %dma_wait3A_668 = arith.constant 0 : i32
        %dma_wait3A_669 = tpu.memref_slice %arg4[%multiple_of3A, %dma_wait3A_668] : memref<2500x128xi32, #tpu.memory_space<hbm>> -> memref<16x128xi32, #tpu.memory_space<hbm>>
        tpu.wait_dma2 semaphore(%run_scoped3A : memref<!tpu.dma_semaphore, #tpu.memory_space<semaphore_mem>>) src(%dma_wait3A_669 : memref<16x128xi32, #tpu.memory_space<hbm>>) dst(%arg8 : memref<16x128xi32, #tpu.memory_space<vmem>>)
        tpu.yield
      }) : () -> ()
      %dma_start3A = arith.constant 0 : i32
      %dma_start3A_24 = arith.constant 0 : i32
      %dma_start3A_25 = arith.constant 0 : i32
      %dma_start3A_26 = tpu.memref_slice %arg9[%dma_start3A_24, %dma_start3A_25] : memref<2048x8xf32, #tpu.memory_space<vmem>> -> memref<128x8xf32, #tpu.memory_space<vmem>>
      %dma_start3A_27 = arith.constant 0 : i32
      %dma_start3A_28 = tpu.memref_slice %arg7[%dma_start3A, %dma_start3A_27] : memref<16x128xi32, #tpu.memory_space<vmem>> -> memref<1x128xi32, #tpu.memory_space<vmem>>
      %dma_start3A_29 = tpu.memref_squeeze %dma_start3A_28 : memref<1x128xi32, #tpu.memory_space<vmem>> -> memref<128xi32, #tpu.memory_space<vmem>>
      %dma_start3A_30 = arith.constant 0 : i32
      %dma_start3A_31 = arith.constant 0 : i32
      %dma_start3A_32 = tpu.memref_slice %arg2[%dma_start3A_30, %dma_start3A_31] : memref<160000x8xf32, #tpu.memory_space<hbm>> -> memref<160000x8xf32, #tpu.memory_space<hbm>>
      tpu.enqueue_indirect_dma source(%dma_start3A_32 : memref<160000x8xf32, #tpu.memory_space<hbm>>) target(%dma_start3A_26 : memref<128x8xf32, #tpu.memory_space<vmem>>) offsets(%dma_start3A_29 : memref<128xi32, #tpu.memory_space<vmem>>) semaphore(%arg11 : memref<!tpu.dma_semaphore, #tpu.memory_space<semaphore_mem>>)
      %dma_start3A_33 = arith.constant 1 : i32
      %dma_start3A_34 = arith.constant 128 : i32
      %dma_start3A_35 = arith.constant 0 : i32
      %dma_start3A_36 = tpu.memref_slice %arg9[%dma_start3A_34, %dma_start3A_35] : memref<2048x8xf32, #tpu.memory_space<vmem>> -> memref<128x8xf32, #tpu.memory_space<vmem>>
      %dma_start3A_37 = arith.constant 0 : i32
      %dma_start3A_38 = tpu.memref_slice %arg7[%dma_start3A_33, %dma_start3A_37] : memref<16x128xi32, #tpu.memory_space<vmem>> -> memref<1x128xi32, #tpu.memory_space<vmem>>
      %dma_start3A_39 = tpu.memref_squeeze %dma_start3A_38 : memref<1x128xi32, #tpu.memory_space<vmem>> -> memref<128xi32, #tpu.memory_space<vmem>>
      %dma_start3A_40 = arith.constant 0 : i32
      %dma_start3A_41 = arith.constant 0 : i32
      %dma_start3A_42 = tpu.memref_slice %arg2[%dma_start3A_40, %dma_start3A_41] : memref<160000x8xf32, #tpu.memory_space<hbm>> -> memref<160000x8xf32, #tpu.memory_space<hbm>>
      tpu.enqueue_indirect_dma source(%dma_start3A_42 : memref<160000x8xf32, #tpu.memory_space<hbm>>) target(%dma_start3A_36 : memref<128x8xf32, #tpu.memory_space<vmem>>) offsets(%dma_start3A_39 : memref<128xi32, #tpu.memory_space<vmem>>) semaphore(%arg11 : memref<!tpu.dma_semaphore, #tpu.memory_space<semaphore_mem>>)
      %dma_start3A_43 = arith.constant 2 : i32
      %dma_start3A_44 = arith.constant 256 : i32
      %dma_start3A_45 = arith.constant 0 : i32
      %dma_start3A_46 = tpu.memref_slice %arg9[%dma_start3A_44, %dma_start3A_45] : memref<2048x8xf32, #tpu.memory_space<vmem>> -> memref<128x8xf32, #tpu.memory_space<vmem>>
      %dma_start3A_47 = arith.constant 0 : i32
      %dma_start3A_48 = tpu.memref_slice %arg7[%dma_start3A_43, %dma_start3A_47] : memref<16x128xi32, #tpu.memory_space<vmem>> -> memref<1x128xi32, #tpu.memory_space<vmem>>
      %dma_start3A_49 = tpu.memref_squeeze %dma_start3A_48 : memref<1x128xi32, #tpu.memory_space<vmem>> -> memref<128xi32, #tpu.memory_space<vmem>>
      %dma_start3A_50 = arith.constant 0 : i32
      %dma_start3A_51 = arith.constant 0 : i32
      %dma_start3A_52 = tpu.memref_slice %arg2[%dma_start3A_50, %dma_start3A_51] : memref<160000x8xf32, #tpu.memory_space<hbm>> -> memref<160000x8xf32, #tpu.memory_space<hbm>>
      tpu.enqueue_indirect_dma source(%dma_start3A_52 : memref<160000x8xf32, #tpu.memory_space<hbm>>) target(%dma_start3A_46 : memref<128x8xf32, #tpu.memory_space<vmem>>) offsets(%dma_start3A_49 : memref<128xi32, #tpu.memory_space<vmem>>) semaphore(%arg11 : memref<!tpu.dma_semaphore, #tpu.memory_space<semaphore_mem>>)
      %dma_start3A_53 = arith.constant 3 : i32
      %dma_start3A_54 = arith.constant 384 : i32
      %dma_start3A_55 = arith.constant 0 : i32
      %dma_start3A_56 = tpu.memref_slice %arg9[%dma_start3A_54, %dma_start3A_55] : memref<2048x8xf32, #tpu.memory_space<vmem>> -> memref<128x8xf32, #tpu.memory_space<vmem>>
      %dma_start3A_57 = arith.constant 0 : i32
      %dma_start3A_58 = tpu.memref_slice %arg7[%dma_start3A_53, %dma_start3A_57] : memref<16x128xi32, #tpu.memory_space<vmem>> -> memref<1x128xi32, #tpu.memory_space<vmem>>
      %dma_start3A_59 = tpu.memref_squeeze %dma_start3A_58 : memref<1x128xi32, #tpu.memory_space<vmem>> -> memref<128xi32, #tpu.memory_space<vmem>>
      %dma_start3A_60 = arith.constant 0 : i32
      %dma_start3A_61 = arith.constant 0 : i32
      %dma_start3A_62 = tpu.memref_slice %arg2[%dma_start3A_60, %dma_start3A_61] : memref<160000x8xf32, #tpu.memory_space<hbm>> -> memref<160000x8xf32, #tpu.memory_space<hbm>>
      tpu.enqueue_indirect_dma source(%dma_start3A_62 : memref<160000x8xf32, #tpu.memory_space<hbm>>) target(%dma_start3A_56 : memref<128x8xf32, #tpu.memory_space<vmem>>) offsets(%dma_start3A_59 : memref<128xi32, #tpu.memory_space<vmem>>) semaphore(%arg11 : memref<!tpu.dma_semaphore, #tpu.memory_space<semaphore_mem>>)
      %dma_start3A_63 = arith.constant 4 : i32
      %dma_start3A_64 = arith.constant 512 : i32
      %dma_start3A_65 = arith.constant 0 : i32
      %dma_start3A_66 = tpu.memref_slice %arg9[%dma_start3A_64, %dma_start3A_65] : memref<2048x8xf32, #tpu.memory_space<vmem>> -> memref<128x8xf32, #tpu.memory_space<vmem>>
      %dma_start3A_67 = arith.constant 0 : i32
      %dma_start3A_68 = tpu.memref_slice %arg7[%dma_start3A_63, %dma_start3A_67] : memref<16x128xi32, #tpu.memory_space<vmem>> -> memref<1x128xi32, #tpu.memory_space<vmem>>
      %dma_start3A_69 = tpu.memref_squeeze %dma_start3A_68 : memref<1x128xi32, #tpu.memory_space<vmem>> -> memref<128xi32, #tpu.memory_space<vmem>>
      %dma_start3A_70 = arith.constant 0 : i32
      %dma_start3A_71 = arith.constant 0 : i32
      %dma_start3A_72 = tpu.memref_slice %arg2[%dma_start3A_70, %dma_start3A_71] : memref<160000x8xf32, #tpu.memory_space<hbm>> -> memref<160000x8xf32, #tpu.memory_space<hbm>>
      tpu.enqueue_indirect_dma source(%dma_start3A_72 : memref<160000x8xf32, #tpu.memory_space<hbm>>) target(%dma_start3A_66 : memref<128x8xf32, #tpu.memory_space<vmem>>) offsets(%dma_start3A_69 : memref<128xi32, #tpu.memory_space<vmem>>) semaphore(%arg11 : memref<!tpu.dma_semaphore, #tpu.memory_space<semaphore_mem>>)
      %dma_start3A_73 = arith.constant 5 : i32
      %dma_start3A_74 = arith.constant 640 : i32
      %dma_start3A_75 = arith.constant 0 : i32
      %dma_start3A_76 = tpu.memref_slice %arg9[%dma_start3A_74, %dma_start3A_75] : memref<2048x8xf32, #tpu.memory_space<vmem>> -> memref<128x8xf32, #tpu.memory_space<vmem>>
      %dma_start3A_77 = arith.constant 0 : i32
      %dma_start3A_78 = tpu.memref_slice %arg7[%dma_start3A_73, %dma_start3A_77] : memref<16x128xi32, #tpu.memory_space<vmem>> -> memref<1x128xi32, #tpu.memory_space<vmem>>
      %dma_start3A_79 = tpu.memref_squeeze %dma_start3A_78 : memref<1x128xi32, #tpu.memory_space<vmem>> -> memref<128xi32, #tpu.memory_space<vmem>>
      %dma_start3A_80 = arith.constant 0 : i32
      %dma_start3A_81 = arith.constant 0 : i32
      %dma_start3A_82 = tpu.memref_slice %arg2[%dma_start3A_80, %dma_start3A_81] : memref<160000x8xf32, #tpu.memory_space<hbm>> -> memref<160000x8xf32, #tpu.memory_space<hbm>>
      tpu.enqueue_indirect_dma source(%dma_start3A_82 : memref<160000x8xf32, #tpu.memory_space<hbm>>) target(%dma_start3A_76 : memref<128x8xf32, #tpu.memory_space<vmem>>) offsets(%dma_start3A_79 : memref<128xi32, #tpu.memory_space<vmem>>) semaphore(%arg11 : memref<!tpu.dma_semaphore, #tpu.memory_space<semaphore_mem>>)
      %dma_start3A_83 = arith.constant 6 : i32
      %dma_start3A_84 = arith.constant 768 : i32
      %dma_start3A_85 = arith.constant 0 : i32
      %dma_start3A_86 = tpu.memref_slice %arg9[%dma_start3A_84, %dma_start3A_85] : memref<2048x8xf32, #tpu.memory_space<vmem>> -> memref<128x8xf32, #tpu.memory_space<vmem>>
      %dma_start3A_87 = arith.constant 0 : i32
      %dma_start3A_88 = tpu.memref_slice %arg7[%dma_start3A_83, %dma_start3A_87] : memref<16x128xi32, #tpu.memory_space<vmem>> -> memref<1x128xi32, #tpu.memory_space<vmem>>
      %dma_start3A_89 = tpu.memref_squeeze %dma_start3A_88 : memref<1x128xi32, #tpu.memory_space<vmem>> -> memref<128xi32, #tpu.memory_space<vmem>>
      %dma_start3A_90 = arith.constant 0 : i32
      %dma_start3A_91 = arith.constant 0 : i32
      %dma_start3A_92 = tpu.memref_slice %arg2[%dma_start3A_90, %dma_start3A_91] : memref<160000x8xf32, #tpu.memory_space<hbm>> -> memref<160000x8xf32, #tpu.memory_space<hbm>>
      tpu.enqueue_indirect_dma source(%dma_start3A_92 : memref<160000x8xf32, #tpu.memory_space<hbm>>) target(%dma_start3A_86 : memref<128x8xf32, #tpu.memory_space<vmem>>) offsets(%dma_start3A_89 : memref<128xi32, #tpu.memory_space<vmem>>) semaphore(%arg11 : memref<!tpu.dma_semaphore, #tpu.memory_space<semaphore_mem>>)
      %dma_start3A_93 = arith.constant 7 : i32
      %dma_start3A_94 = arith.constant 896 : i32
      %dma_start3A_95 = arith.constant 0 : i32
      %dma_start3A_96 = tpu.memref_slice %arg9[%dma_start3A_94, %dma_start3A_95] : memref<2048x8xf32, #tpu.memory_space<vmem>> -> memref<128x8xf32, #tpu.memory_space<vmem>>
      %dma_start3A_97 = arith.constant 0 : i32
      %dma_start3A_98 = tpu.memref_slice %arg7[%dma_start3A_93, %dma_start3A_97] : memref<16x128xi32, #tpu.memory_space<vmem>> -> memref<1x128xi32, #tpu.memory_space<vmem>>
      %dma_start3A_99 = tpu.memref_squeeze %dma_start3A_98 : memref<1x128xi32, #tpu.memory_space<vmem>> -> memref<128xi32, #tpu.memory_space<vmem>>
      %dma_start3A_100 = arith.constant 0 : i32
      %dma_start3A_101 = arith.constant 0 : i32
      %dma_start3A_102 = tpu.memref_slice %arg2[%dma_start3A_100, %dma_start3A_101] : memref<160000x8xf32, #tpu.memory_space<hbm>> -> memref<160000x8xf32, #tpu.memory_space<hbm>>
      tpu.enqueue_indirect_dma source(%dma_start3A_102 : memref<160000x8xf32, #tpu.memory_space<hbm>>) target(%dma_start3A_96 : memref<128x8xf32, #tpu.memory_space<vmem>>) offsets(%dma_start3A_99 : memref<128xi32, #tpu.memory_space<vmem>>) semaphore(%arg11 : memref<!tpu.dma_semaphore, #tpu.memory_space<semaphore_mem>>)
      %dma_start3A_103 = arith.constant 8 : i32
      %dma_start3A_104 = arith.constant 1024 : i32
      %dma_start3A_105 = arith.constant 0 : i32
      %dma_start3A_106 = tpu.memref_slice %arg9[%dma_start3A_104, %dma_start3A_105] : memref<2048x8xf32, #tpu.memory_space<vmem>> -> memref<128x8xf32, #tpu.memory_space<vmem>>
      %dma_start3A_107 = arith.constant 0 : i32
      %dma_start3A_108 = tpu.memref_slice %arg7[%dma_start3A_103, %dma_start3A_107] : memref<16x128xi32, #tpu.memory_space<vmem>> -> memref<1x128xi32, #tpu.memory_space<vmem>>
      %dma_start3A_109 = tpu.memref_squeeze %dma_start3A_108 : memref<1x128xi32, #tpu.memory_space<vmem>> -> memref<128xi32, #tpu.memory_space<vmem>>
      %dma_start3A_110 = arith.constant 0 : i32
      %dma_start3A_111 = arith.constant 0 : i32
      %dma_start3A_112 = tpu.memref_slice %arg2[%dma_start3A_110, %dma_start3A_111] : memref<160000x8xf32, #tpu.memory_space<hbm>> -> memref<160000x8xf32, #tpu.memory_space<hbm>>
      tpu.enqueue_indirect_dma source(%dma_start3A_112 : memref<160000x8xf32, #tpu.memory_space<hbm>>) target(%dma_start3A_106 : memref<128x8xf32, #tpu.memory_space<vmem>>) offsets(%dma_start3A_109 : memref<128xi32, #tpu.memory_space<vmem>>) semaphore(%arg11 : memref<!tpu.dma_semaphore, #tpu.memory_space<semaphore_mem>>)
      %dma_start3A_113 = arith.constant 9 : i32
      %dma_start3A_114 = arith.constant 1152 : i32
      %dma_start3A_115 = arith.constant 0 : i32
      %dma_start3A_116 = tpu.memref_slice %arg9[%dma_start3A_114, %dma_start3A_115] : memref<2048x8xf32, #tpu.memory_space<vmem>> -> memref<128x8xf32, #tpu.memory_space<vmem>>
      %dma_start3A_117 = arith.constant 0 : i32
      %dma_start3A_118 = tpu.memref_slice %arg7[%dma_start3A_113, %dma_start3A_117] : memref<16x128xi32, #tpu.memory_space<vmem>> -> memref<1x128xi32, #tpu.memory_space<vmem>>
      %dma_start3A_119 = tpu.memref_squeeze %dma_start3A_118 : memref<1x128xi32, #tpu.memory_space<vmem>> -> memref<128xi32, #tpu.memory_space<vmem>>
      %dma_start3A_120 = arith.constant 0 : i32
      %dma_start3A_121 = arith.constant 0 : i32
      %dma_start3A_122 = tpu.memref_slice %arg2[%dma_start3A_120, %dma_start3A_121] : memref<160000x8xf32, #tpu.memory_space<hbm>> -> memref<160000x8xf32, #tpu.memory_space<hbm>>
      tpu.enqueue_indirect_dma source(%dma_start3A_122 : memref<160000x8xf32, #tpu.memory_space<hbm>>) target(%dma_start3A_116 : memref<128x8xf32, #tpu.memory_space<vmem>>) offsets(%dma_start3A_119 : memref<128xi32, #tpu.memory_space<vmem>>) semaphore(%arg11 : memref<!tpu.dma_semaphore, #tpu.memory_space<semaphore_mem>>)
      %dma_start3A_123 = arith.constant 10 : i32
      %dma_start3A_124 = arith.constant 1280 : i32
      %dma_start3A_125 = arith.constant 0 : i32
      %dma_start3A_126 = tpu.memref_slice %arg9[%dma_start3A_124, %dma_start3A_125] : memref<2048x8xf32, #tpu.memory_space<vmem>> -> memref<128x8xf32, #tpu.memory_space<vmem>>
      %dma_start3A_127 = arith.constant 0 : i32
      %dma_start3A_128 = tpu.memref_slice %arg7[%dma_start3A_123, %dma_start3A_127] : memref<16x128xi32, #tpu.memory_space<vmem>> -> memref<1x128xi32, #tpu.memory_space<vmem>>
      %dma_start3A_129 = tpu.memref_squeeze %dma_start3A_128 : memref<1x128xi32, #tpu.memory_space<vmem>> -> memref<128xi32, #tpu.memory_space<vmem>>
      %dma_start3A_130 = arith.constant 0 : i32
      %dma_start3A_131 = arith.constant 0 : i32
      %dma_start3A_132 = tpu.memref_slice %arg2[%dma_start3A_130, %dma_start3A_131] : memref<160000x8xf32, #tpu.memory_space<hbm>> -> memref<160000x8xf32, #tpu.memory_space<hbm>>
      tpu.enqueue_indirect_dma source(%dma_start3A_132 : memref<160000x8xf32, #tpu.memory_space<hbm>>) target(%dma_start3A_126 : memref<128x8xf32, #tpu.memory_space<vmem>>) offsets(%dma_start3A_129 : memref<128xi32, #tpu.memory_space<vmem>>) semaphore(%arg11 : memref<!tpu.dma_semaphore, #tpu.memory_space<semaphore_mem>>)
      %dma_start3A_133 = arith.constant 11 : i32
      %dma_start3A_134 = arith.constant 1408 : i32
      %dma_start3A_135 = arith.constant 0 : i32
      %dma_start3A_136 = tpu.memref_slice %arg9[%dma_start3A_134, %dma_start3A_135] : memref<2048x8xf32, #tpu.memory_space<vmem>> -> memref<128x8xf32, #tpu.memory_space<vmem>>
      %dma_start3A_137 = arith.constant 0 : i32
      %dma_start3A_138 = tpu.memref_slice %arg7[%dma_start3A_133, %dma_start3A_137] : memref<16x128xi32, #tpu.memory_space<vmem>> -> memref<1x128xi32, #tpu.memory_space<vmem>>
      %dma_start3A_139 = tpu.memref_squeeze %dma_start3A_138 : memref<1x128xi32, #tpu.memory_space<vmem>> -> memref<128xi32, #tpu.memory_space<vmem>>
      %dma_start3A_140 = arith.constant 0 : i32
      %dma_start3A_141 = arith.constant 0 : i32
      %dma_start3A_142 = tpu.memref_slice %arg2[%dma_start3A_140, %dma_start3A_141] : memref<160000x8xf32, #tpu.memory_space<hbm>> -> memref<160000x8xf32, #tpu.memory_space<hbm>>
      tpu.enqueue_indirect_dma source(%dma_start3A_142 : memref<160000x8xf32, #tpu.memory_space<hbm>>) target(%dma_start3A_136 : memref<128x8xf32, #tpu.memory_space<vmem>>) offsets(%dma_start3A_139 : memref<128xi32, #tpu.memory_space<vmem>>) semaphore(%arg11 : memref<!tpu.dma_semaphore, #tpu.memory_space<semaphore_mem>>)
      %dma_start3A_143 = arith.constant 12 : i32
      %dma_start3A_144 = arith.constant 1536 : i32
      %dma_start3A_145 = arith.constant 0 : i32
      %dma_start3A_146 = tpu.memref_slice %arg9[%dma_start3A_144, %dma_start3A_145] : memref<2048x8xf32, #tpu.memory_space<vmem>> -> memref<128x8xf32, #tpu.memory_space<vmem>>
      %dma_start3A_147 = arith.constant 0 : i32
      %dma_start3A_148 = tpu.memref_slice %arg7[%dma_start3A_143, %dma_start3A_147] : memref<16x128xi32, #tpu.memory_space<vmem>> -> memref<1x128xi32, #tpu.memory_space<vmem>>
      %dma_start3A_149 = tpu.memref_squeeze %dma_start3A_148 : memref<1x128xi32, #tpu.memory_space<vmem>> -> memref<128xi32, #tpu.memory_space<vmem>>
      %dma_start3A_150 = arith.constant 0 : i32
      %dma_start3A_151 = arith.constant 0 : i32
      %dma_start3A_152 = tpu.memref_slice %arg2[%dma_start3A_150, %dma_start3A_151] : memref<160000x8xf32, #tpu.memory_space<hbm>> -> memref<160000x8xf32, #tpu.memory_space<hbm>>
      tpu.enqueue_indirect_dma source(%dma_start3A_152 : memref<160000x8xf32, #tpu.memory_space<hbm>>) target(%dma_start3A_146 : memref<128x8xf32, #tpu.memory_space<vmem>>) offsets(%dma_start3A_149 : memref<128xi32, #tpu.memory_space<vmem>>) semaphore(%arg11 : memref<!tpu.dma_semaphore, #tpu.memory_space<semaphore_mem>>)
      %dma_start3A_153 = arith.constant 13 : i32
      %dma_start3A_154 = arith.constant 1664 : i32
      %dma_start3A_155 = arith.constant 0 : i32
      %dma_start3A_156 = tpu.memref_slice %arg9[%dma_start3A_154, %dma_start3A_155] : memref<2048x8xf32, #tpu.memory_space<vmem>> -> memref<128x8xf32, #tpu.memory_space<vmem>>
      %dma_start3A_157 = arith.constant 0 : i32
      %dma_start3A_158 = tpu.memref_slice %arg7[%dma_start3A_153, %dma_start3A_157] : memref<16x128xi32, #tpu.memory_space<vmem>> -> memref<1x128xi32, #tpu.memory_space<vmem>>
      %dma_start3A_159 = tpu.memref_squeeze %dma_start3A_158 : memref<1x128xi32, #tpu.memory_space<vmem>> -> memref<128xi32, #tpu.memory_space<vmem>>
      %dma_start3A_160 = arith.constant 0 : i32
      %dma_start3A_161 = arith.constant 0 : i32
      %dma_start3A_162 = tpu.memref_slice %arg2[%dma_start3A_160, %dma_start3A_161] : memref<160000x8xf32, #tpu.memory_space<hbm>> -> memref<160000x8xf32, #tpu.memory_space<hbm>>
      tpu.enqueue_indirect_dma source(%dma_start3A_162 : memref<160000x8xf32, #tpu.memory_space<hbm>>) target(%dma_start3A_156 : memref<128x8xf32, #tpu.memory_space<vmem>>) offsets(%dma_start3A_159 : memref<128xi32, #tpu.memory_space<vmem>>) semaphore(%arg11 : memref<!tpu.dma_semaphore, #tpu.memory_space<semaphore_mem>>)
      %dma_start3A_163 = arith.constant 14 : i32
      %dma_start3A_164 = arith.constant 1792 : i32
      %dma_start3A_165 = arith.constant 0 : i32
      %dma_start3A_166 = tpu.memref_slice %arg9[%dma_start3A_164, %dma_start3A_165] : memref<2048x8xf32, #tpu.memory_space<vmem>> -> memref<128x8xf32, #tpu.memory_space<vmem>>
      %dma_start3A_167 = arith.constant 0 : i32
      %dma_start3A_168 = tpu.memref_slice %arg7[%dma_start3A_163, %dma_start3A_167] : memref<16x128xi32, #tpu.memory_space<vmem>> -> memref<1x128xi32, #tpu.memory_space<vmem>>
      %dma_start3A_169 = tpu.memref_squeeze %dma_start3A_168 : memref<1x128xi32, #tpu.memory_space<vmem>> -> memref<128xi32, #tpu.memory_space<vmem>>
      %dma_start3A_170 = arith.constant 0 : i32
      %dma_start3A_171 = arith.constant 0 : i32
      %dma_start3A_172 = tpu.memref_slice %arg2[%dma_start3A_170, %dma_start3A_171] : memref<160000x8xf32, #tpu.memory_space<hbm>> -> memref<160000x8xf32, #tpu.memory_space<hbm>>
      tpu.enqueue_indirect_dma source(%dma_start3A_172 : memref<160000x8xf32, #tpu.memory_space<hbm>>) target(%dma_start3A_166 : memref<128x8xf32, #tpu.memory_space<vmem>>) offsets(%dma_start3A_169 : memref<128xi32, #tpu.memory_space<vmem>>) semaphore(%arg11 : memref<!tpu.dma_semaphore, #tpu.memory_space<semaphore_mem>>)
      %dma_start3A_173 = arith.constant 15 : i32
      %dma_start3A_174 = arith.constant 1920 : i32
      %dma_start3A_175 = arith.constant 0 : i32
      %dma_start3A_176 = tpu.memref_slice %arg9[%dma_start3A_174, %dma_start3A_175] : memref<2048x8xf32, #tpu.memory_space<vmem>> -> memref<128x8xf32, #tpu.memory_space<vmem>>
      %dma_start3A_177 = arith.constant 0 : i32
      %dma_start3A_178 = tpu.memref_slice %arg7[%dma_start3A_173, %dma_start3A_177] : memref<16x128xi32, #tpu.memory_space<vmem>> -> memref<1x128xi32, #tpu.memory_space<vmem>>
      %dma_start3A_179 = tpu.memref_squeeze %dma_start3A_178 : memref<1x128xi32, #tpu.memory_space<vmem>> -> memref<128xi32, #tpu.memory_space<vmem>>
      %dma_start3A_180 = arith.constant 0 : i32
      %dma_start3A_181 = arith.constant 0 : i32
      %dma_start3A_182 = tpu.memref_slice %arg2[%dma_start3A_180, %dma_start3A_181] : memref<160000x8xf32, #tpu.memory_space<hbm>> -> memref<160000x8xf32, #tpu.memory_space<hbm>>
      tpu.enqueue_indirect_dma source(%dma_start3A_182 : memref<160000x8xf32, #tpu.memory_space<hbm>>) target(%dma_start3A_176 : memref<128x8xf32, #tpu.memory_space<vmem>>) offsets(%dma_start3A_179 : memref<128xi32, #tpu.memory_space<vmem>>) semaphore(%arg11 : memref<!tpu.dma_semaphore, #tpu.memory_space<semaphore_mem>>)
      %dma_start3A_183 = arith.constant 0 : i32
      %dma_start3A_184 = arith.constant 0 : i32
      %dma_start3A_185 = arith.constant 0 : i32
      %dma_start3A_186 = tpu.memref_slice %arg10[%dma_start3A_184, %dma_start3A_185] : memref<2048x8xf32, #tpu.memory_space<vmem>> -> memref<128x8xf32, #tpu.memory_space<vmem>>
      %dma_start3A_187 = arith.constant 0 : i32
      %dma_start3A_188 = tpu.memref_slice %arg8[%dma_start3A_183, %dma_start3A_187] : memref<16x128xi32, #tpu.memory_space<vmem>> -> memref<1x128xi32, #tpu.memory_space<vmem>>
      %dma_start3A_189 = tpu.memref_squeeze %dma_start3A_188 : memref<1x128xi32, #tpu.memory_space<vmem>> -> memref<128xi32, #tpu.memory_space<vmem>>
      %dma_start3A_190 = arith.constant 0 : i32
      %dma_start3A_191 = arith.constant 0 : i32
      %dma_start3A_192 = tpu.memref_slice %arg2[%dma_start3A_190, %dma_start3A_191] : memref<160000x8xf32, #tpu.memory_space<hbm>> -> memref<160000x8xf32, #tpu.memory_space<hbm>>
      tpu.enqueue_indirect_dma source(%dma_start3A_192 : memref<160000x8xf32, #tpu.memory_space<hbm>>) target(%dma_start3A_186 : memref<128x8xf32, #tpu.memory_space<vmem>>) offsets(%dma_start3A_189 : memref<128xi32, #tpu.memory_space<vmem>>) semaphore(%arg11 : memref<!tpu.dma_semaphore, #tpu.memory_space<semaphore_mem>>)
      %dma_start3A_193 = arith.constant 1 : i32
      %dma_start3A_194 = arith.constant 128 : i32
      %dma_start3A_195 = arith.constant 0 : i32
      %dma_start3A_196 = tpu.memref_slice %arg10[%dma_start3A_194, %dma_start3A_195] : memref<2048x8xf32, #tpu.memory_space<vmem>> -> memref<128x8xf32, #tpu.memory_space<vmem>>
      %dma_start3A_197 = arith.constant 0 : i32
      %dma_start3A_198 = tpu.memref_slice %arg8[%dma_start3A_193, %dma_start3A_197] : memref<16x128xi32, #tpu.memory_space<vmem>> -> memref<1x128xi32, #tpu.memory_space<vmem>>
      %dma_start3A_199 = tpu.memref_squeeze %dma_start3A_198 : memref<1x128xi32, #tpu.memory_space<vmem>> -> memref<128xi32, #tpu.memory_space<vmem>>
      %dma_start3A_200 = arith.constant 0 : i32
      %dma_start3A_201 = arith.constant 0 : i32
      %dma_start3A_202 = tpu.memref_slice %arg2[%dma_start3A_200, %dma_start3A_201] : memref<160000x8xf32, #tpu.memory_space<hbm>> -> memref<160000x8xf32, #tpu.memory_space<hbm>>
      tpu.enqueue_indirect_dma source(%dma_start3A_202 : memref<160000x8xf32, #tpu.memory_space<hbm>>) target(%dma_start3A_196 : memref<128x8xf32, #tpu.memory_space<vmem>>) offsets(%dma_start3A_199 : memref<128xi32, #tpu.memory_space<vmem>>) semaphore(%arg11 : memref<!tpu.dma_semaphore, #tpu.memory_space<semaphore_mem>>)
      %dma_start3A_203 = arith.constant 2 : i32
      %dma_start3A_204 = arith.constant 256 : i32
      %dma_start3A_205 = arith.constant 0 : i32
      %dma_start3A_206 = tpu.memref_slice %arg10[%dma_start3A_204, %dma_start3A_205] : memref<2048x8xf32, #tpu.memory_space<vmem>> -> memref<128x8xf32, #tpu.memory_space<vmem>>
      %dma_start3A_207 = arith.constant 0 : i32
      %dma_start3A_208 = tpu.memref_slice %arg8[%dma_start3A_203, %dma_start3A_207] : memref<16x128xi32, #tpu.memory_space<vmem>> -> memref<1x128xi32, #tpu.memory_space<vmem>>
      %dma_start3A_209 = tpu.memref_squeeze %dma_start3A_208 : memref<1x128xi32, #tpu.memory_space<vmem>> -> memref<128xi32, #tpu.memory_space<vmem>>
      %dma_start3A_210 = arith.constant 0 : i32
      %dma_start3A_211 = arith.constant 0 : i32
      %dma_start3A_212 = tpu.memref_slice %arg2[%dma_start3A_210, %dma_start3A_211] : memref<160000x8xf32, #tpu.memory_space<hbm>> -> memref<160000x8xf32, #tpu.memory_space<hbm>>
      tpu.enqueue_indirect_dma source(%dma_start3A_212 : memref<160000x8xf32, #tpu.memory_space<hbm>>) target(%dma_start3A_206 : memref<128x8xf32, #tpu.memory_space<vmem>>) offsets(%dma_start3A_209 : memref<128xi32, #tpu.memory_space<vmem>>) semaphore(%arg11 : memref<!tpu.dma_semaphore, #tpu.memory_space<semaphore_mem>>)
      %dma_start3A_213 = arith.constant 3 : i32
      %dma_start3A_214 = arith.constant 384 : i32
      %dma_start3A_215 = arith.constant 0 : i32
      %dma_start3A_216 = tpu.memref_slice %arg10[%dma_start3A_214, %dma_start3A_215] : memref<2048x8xf32, #tpu.memory_space<vmem>> -> memref<128x8xf32, #tpu.memory_space<vmem>>
      %dma_start3A_217 = arith.constant 0 : i32
      %dma_start3A_218 = tpu.memref_slice %arg8[%dma_start3A_213, %dma_start3A_217] : memref<16x128xi32, #tpu.memory_space<vmem>> -> memref<1x128xi32, #tpu.memory_space<vmem>>
      %dma_start3A_219 = tpu.memref_squeeze %dma_start3A_218 : memref<1x128xi32, #tpu.memory_space<vmem>> -> memref<128xi32, #tpu.memory_space<vmem>>
      %dma_start3A_220 = arith.constant 0 : i32
      %dma_start3A_221 = arith.constant 0 : i32
      %dma_start3A_222 = tpu.memref_slice %arg2[%dma_start3A_220, %dma_start3A_221] : memref<160000x8xf32, #tpu.memory_space<hbm>> -> memref<160000x8xf32, #tpu.memory_space<hbm>>
      tpu.enqueue_indirect_dma source(%dma_start3A_222 : memref<160000x8xf32, #tpu.memory_space<hbm>>) target(%dma_start3A_216 : memref<128x8xf32, #tpu.memory_space<vmem>>) offsets(%dma_start3A_219 : memref<128xi32, #tpu.memory_space<vmem>>) semaphore(%arg11 : memref<!tpu.dma_semaphore, #tpu.memory_space<semaphore_mem>>)
      %dma_start3A_223 = arith.constant 4 : i32
      %dma_start3A_224 = arith.constant 512 : i32
      %dma_start3A_225 = arith.constant 0 : i32
      %dma_start3A_226 = tpu.memref_slice %arg10[%dma_start3A_224, %dma_start3A_225] : memref<2048x8xf32, #tpu.memory_space<vmem>> -> memref<128x8xf32, #tpu.memory_space<vmem>>
      %dma_start3A_227 = arith.constant 0 : i32
      %dma_start3A_228 = tpu.memref_slice %arg8[%dma_start3A_223, %dma_start3A_227] : memref<16x128xi32, #tpu.memory_space<vmem>> -> memref<1x128xi32, #tpu.memory_space<vmem>>
      %dma_start3A_229 = tpu.memref_squeeze %dma_start3A_228 : memref<1x128xi32, #tpu.memory_space<vmem>> -> memref<128xi32, #tpu.memory_space<vmem>>
      %dma_start3A_230 = arith.constant 0 : i32
      %dma_start3A_231 = arith.constant 0 : i32
      %dma_start3A_232 = tpu.memref_slice %arg2[%dma_start3A_230, %dma_start3A_231] : memref<160000x8xf32, #tpu.memory_space<hbm>> -> memref<160000x8xf32, #tpu.memory_space<hbm>>
      tpu.enqueue_indirect_dma source(%dma_start3A_232 : memref<160000x8xf32, #tpu.memory_space<hbm>>) target(%dma_start3A_226 : memref<128x8xf32, #tpu.memory_space<vmem>>) offsets(%dma_start3A_229 : memref<128xi32, #tpu.memory_space<vmem>>) semaphore(%arg11 : memref<!tpu.dma_semaphore, #tpu.memory_space<semaphore_mem>>)
      %dma_start3A_233 = arith.constant 5 : i32
      %dma_start3A_234 = arith.constant 640 : i32
      %dma_start3A_235 = arith.constant 0 : i32
      %dma_start3A_236 = tpu.memref_slice %arg10[%dma_start3A_234, %dma_start3A_235] : memref<2048x8xf32, #tpu.memory_space<vmem>> -> memref<128x8xf32, #tpu.memory_space<vmem>>
      %dma_start3A_237 = arith.constant 0 : i32
      %dma_start3A_238 = tpu.memref_slice %arg8[%dma_start3A_233, %dma_start3A_237] : memref<16x128xi32, #tpu.memory_space<vmem>> -> memref<1x128xi32, #tpu.memory_space<vmem>>
      %dma_start3A_239 = tpu.memref_squeeze %dma_start3A_238 : memref<1x128xi32, #tpu.memory_space<vmem>> -> memref<128xi32, #tpu.memory_space<vmem>>
      %dma_start3A_240 = arith.constant 0 : i32
      %dma_start3A_241 = arith.constant 0 : i32
      %dma_start3A_242 = tpu.memref_slice %arg2[%dma_start3A_240, %dma_start3A_241] : memref<160000x8xf32, #tpu.memory_space<hbm>> -> memref<160000x8xf32, #tpu.memory_space<hbm>>
      tpu.enqueue_indirect_dma source(%dma_start3A_242 : memref<160000x8xf32, #tpu.memory_space<hbm>>) target(%dma_start3A_236 : memref<128x8xf32, #tpu.memory_space<vmem>>) offsets(%dma_start3A_239 : memref<128xi32, #tpu.memory_space<vmem>>) semaphore(%arg11 : memref<!tpu.dma_semaphore, #tpu.memory_space<semaphore_mem>>)
      %dma_start3A_243 = arith.constant 6 : i32
      %dma_start3A_244 = arith.constant 768 : i32
      %dma_start3A_245 = arith.constant 0 : i32
      %dma_start3A_246 = tpu.memref_slice %arg10[%dma_start3A_244, %dma_start3A_245] : memref<2048x8xf32, #tpu.memory_space<vmem>> -> memref<128x8xf32, #tpu.memory_space<vmem>>
      %dma_start3A_247 = arith.constant 0 : i32
      %dma_start3A_248 = tpu.memref_slice %arg8[%dma_start3A_243, %dma_start3A_247] : memref<16x128xi32, #tpu.memory_space<vmem>> -> memref<1x128xi32, #tpu.memory_space<vmem>>
      %dma_start3A_249 = tpu.memref_squeeze %dma_start3A_248 : memref<1x128xi32, #tpu.memory_space<vmem>> -> memref<128xi32, #tpu.memory_space<vmem>>
      %dma_start3A_250 = arith.constant 0 : i32
      %dma_start3A_251 = arith.constant 0 : i32
      %dma_start3A_252 = tpu.memref_slice %arg2[%dma_start3A_250, %dma_start3A_251] : memref<160000x8xf32, #tpu.memory_space<hbm>> -> memref<160000x8xf32, #tpu.memory_space<hbm>>
      tpu.enqueue_indirect_dma source(%dma_start3A_252 : memref<160000x8xf32, #tpu.memory_space<hbm>>) target(%dma_start3A_246 : memref<128x8xf32, #tpu.memory_space<vmem>>) offsets(%dma_start3A_249 : memref<128xi32, #tpu.memory_space<vmem>>) semaphore(%arg11 : memref<!tpu.dma_semaphore, #tpu.memory_space<semaphore_mem>>)
      %dma_start3A_253 = arith.constant 7 : i32
      %dma_start3A_254 = arith.constant 896 : i32
      %dma_start3A_255 = arith.constant 0 : i32
      %dma_start3A_256 = tpu.memref_slice %arg10[%dma_start3A_254, %dma_start3A_255] : memref<2048x8xf32, #tpu.memory_space<vmem>> -> memref<128x8xf32, #tpu.memory_space<vmem>>
      %dma_start3A_257 = arith.constant 0 : i32
      %dma_start3A_258 = tpu.memref_slice %arg8[%dma_start3A_253, %dma_start3A_257] : memref<16x128xi32, #tpu.memory_space<vmem>> -> memref<1x128xi32, #tpu.memory_space<vmem>>
      %dma_start3A_259 = tpu.memref_squeeze %dma_start3A_258 : memref<1x128xi32, #tpu.memory_space<vmem>> -> memref<128xi32, #tpu.memory_space<vmem>>
      %dma_start3A_260 = arith.constant 0 : i32
      %dma_start3A_261 = arith.constant 0 : i32
      %dma_start3A_262 = tpu.memref_slice %arg2[%dma_start3A_260, %dma_start3A_261] : memref<160000x8xf32, #tpu.memory_space<hbm>> -> memref<160000x8xf32, #tpu.memory_space<hbm>>
      tpu.enqueue_indirect_dma source(%dma_start3A_262 : memref<160000x8xf32, #tpu.memory_space<hbm>>) target(%dma_start3A_256 : memref<128x8xf32, #tpu.memory_space<vmem>>) offsets(%dma_start3A_259 : memref<128xi32, #tpu.memory_space<vmem>>) semaphore(%arg11 : memref<!tpu.dma_semaphore, #tpu.memory_space<semaphore_mem>>)
      %dma_start3A_263 = arith.constant 8 : i32
      %dma_start3A_264 = arith.constant 1024 : i32
      %dma_start3A_265 = arith.constant 0 : i32
      %dma_start3A_266 = tpu.memref_slice %arg10[%dma_start3A_264, %dma_start3A_265] : memref<2048x8xf32, #tpu.memory_space<vmem>> -> memref<128x8xf32, #tpu.memory_space<vmem>>
      %dma_start3A_267 = arith.constant 0 : i32
      %dma_start3A_268 = tpu.memref_slice %arg8[%dma_start3A_263, %dma_start3A_267] : memref<16x128xi32, #tpu.memory_space<vmem>> -> memref<1x128xi32, #tpu.memory_space<vmem>>
      %dma_start3A_269 = tpu.memref_squeeze %dma_start3A_268 : memref<1x128xi32, #tpu.memory_space<vmem>> -> memref<128xi32, #tpu.memory_space<vmem>>
      %dma_start3A_270 = arith.constant 0 : i32
      %dma_start3A_271 = arith.constant 0 : i32
      %dma_start3A_272 = tpu.memref_slice %arg2[%dma_start3A_270, %dma_start3A_271] : memref<160000x8xf32, #tpu.memory_space<hbm>> -> memref<160000x8xf32, #tpu.memory_space<hbm>>
      tpu.enqueue_indirect_dma source(%dma_start3A_272 : memref<160000x8xf32, #tpu.memory_space<hbm>>) target(%dma_start3A_266 : memref<128x8xf32, #tpu.memory_space<vmem>>) offsets(%dma_start3A_269 : memref<128xi32, #tpu.memory_space<vmem>>) semaphore(%arg11 : memref<!tpu.dma_semaphore, #tpu.memory_space<semaphore_mem>>)
      %dma_start3A_273 = arith.constant 9 : i32
      %dma_start3A_274 = arith.constant 1152 : i32
      %dma_start3A_275 = arith.constant 0 : i32
      %dma_start3A_276 = tpu.memref_slice %arg10[%dma_start3A_274, %dma_start3A_275] : memref<2048x8xf32, #tpu.memory_space<vmem>> -> memref<128x8xf32, #tpu.memory_space<vmem>>
      %dma_start3A_277 = arith.constant 0 : i32
      %dma_start3A_278 = tpu.memref_slice %arg8[%dma_start3A_273, %dma_start3A_277] : memref<16x128xi32, #tpu.memory_space<vmem>> -> memref<1x128xi32, #tpu.memory_space<vmem>>
      %dma_start3A_279 = tpu.memref_squeeze %dma_start3A_278 : memref<1x128xi32, #tpu.memory_space<vmem>> -> memref<128xi32, #tpu.memory_space<vmem>>
      %dma_start3A_280 = arith.constant 0 : i32
      %dma_start3A_281 = arith.constant 0 : i32
      %dma_start3A_282 = tpu.memref_slice %arg2[%dma_start3A_280, %dma_start3A_281] : memref<160000x8xf32, #tpu.memory_space<hbm>> -> memref<160000x8xf32, #tpu.memory_space<hbm>>
      tpu.enqueue_indirect_dma source(%dma_start3A_282 : memref<160000x8xf32, #tpu.memory_space<hbm>>) target(%dma_start3A_276 : memref<128x8xf32, #tpu.memory_space<vmem>>) offsets(%dma_start3A_279 : memref<128xi32, #tpu.memory_space<vmem>>) semaphore(%arg11 : memref<!tpu.dma_semaphore, #tpu.memory_space<semaphore_mem>>)
      %dma_start3A_283 = arith.constant 10 : i32
      %dma_start3A_284 = arith.constant 1280 : i32
      %dma_start3A_285 = arith.constant 0 : i32
      %dma_start3A_286 = tpu.memref_slice %arg10[%dma_start3A_284, %dma_start3A_285] : memref<2048x8xf32, #tpu.memory_space<vmem>> -> memref<128x8xf32, #tpu.memory_space<vmem>>
      %dma_start3A_287 = arith.constant 0 : i32
      %dma_start3A_288 = tpu.memref_slice %arg8[%dma_start3A_283, %dma_start3A_287] : memref<16x128xi32, #tpu.memory_space<vmem>> -> memref<1x128xi32, #tpu.memory_space<vmem>>
      %dma_start3A_289 = tpu.memref_squeeze %dma_start3A_288 : memref<1x128xi32, #tpu.memory_space<vmem>> -> memref<128xi32, #tpu.memory_space<vmem>>
      %dma_start3A_290 = arith.constant 0 : i32
      %dma_start3A_291 = arith.constant 0 : i32
      %dma_start3A_292 = tpu.memref_slice %arg2[%dma_start3A_290, %dma_start3A_291] : memref<160000x8xf32, #tpu.memory_space<hbm>> -> memref<160000x8xf32, #tpu.memory_space<hbm>>
      tpu.enqueue_indirect_dma source(%dma_start3A_292 : memref<160000x8xf32, #tpu.memory_space<hbm>>) target(%dma_start3A_286 : memref<128x8xf32, #tpu.memory_space<vmem>>) offsets(%dma_start3A_289 : memref<128xi32, #tpu.memory_space<vmem>>) semaphore(%arg11 : memref<!tpu.dma_semaphore, #tpu.memory_space<semaphore_mem>>)
      %dma_start3A_293 = arith.constant 11 : i32
      %dma_start3A_294 = arith.constant 1408 : i32
      %dma_start3A_295 = arith.constant 0 : i32
      %dma_start3A_296 = tpu.memref_slice %arg10[%dma_start3A_294, %dma_start3A_295] : memref<2048x8xf32, #tpu.memory_space<vmem>> -> memref<128x8xf32, #tpu.memory_space<vmem>>
      %dma_start3A_297 = arith.constant 0 : i32
      %dma_start3A_298 = tpu.memref_slice %arg8[%dma_start3A_293, %dma_start3A_297] : memref<16x128xi32, #tpu.memory_space<vmem>> -> memref<1x128xi32, #tpu.memory_space<vmem>>
      %dma_start3A_299 = tpu.memref_squeeze %dma_start3A_298 : memref<1x128xi32, #tpu.memory_space<vmem>> -> memref<128xi32, #tpu.memory_space<vmem>>
      %dma_start3A_300 = arith.constant 0 : i32
      %dma_start3A_301 = arith.constant 0 : i32
      %dma_start3A_302 = tpu.memref_slice %arg2[%dma_start3A_300, %dma_start3A_301] : memref<160000x8xf32, #tpu.memory_space<hbm>> -> memref<160000x8xf32, #tpu.memory_space<hbm>>
      tpu.enqueue_indirect_dma source(%dma_start3A_302 : memref<160000x8xf32, #tpu.memory_space<hbm>>) target(%dma_start3A_296 : memref<128x8xf32, #tpu.memory_space<vmem>>) offsets(%dma_start3A_299 : memref<128xi32, #tpu.memory_space<vmem>>) semaphore(%arg11 : memref<!tpu.dma_semaphore, #tpu.memory_space<semaphore_mem>>)
      %dma_start3A_303 = arith.constant 12 : i32
      %dma_start3A_304 = arith.constant 1536 : i32
      %dma_start3A_305 = arith.constant 0 : i32
      %dma_start3A_306 = tpu.memref_slice %arg10[%dma_start3A_304, %dma_start3A_305] : memref<2048x8xf32, #tpu.memory_space<vmem>> -> memref<128x8xf32, #tpu.memory_space<vmem>>
      %dma_start3A_307 = arith.constant 0 : i32
      %dma_start3A_308 = tpu.memref_slice %arg8[%dma_start3A_303, %dma_start3A_307] : memref<16x128xi32, #tpu.memory_space<vmem>> -> memref<1x128xi32, #tpu.memory_space<vmem>>
      %dma_start3A_309 = tpu.memref_squeeze %dma_start3A_308 : memref<1x128xi32, #tpu.memory_space<vmem>> -> memref<128xi32, #tpu.memory_space<vmem>>
      %dma_start3A_310 = arith.constant 0 : i32
      %dma_start3A_311 = arith.constant 0 : i32
      %dma_start3A_312 = tpu.memref_slice %arg2[%dma_start3A_310, %dma_start3A_311] : memref<160000x8xf32, #tpu.memory_space<hbm>> -> memref<160000x8xf32, #tpu.memory_space<hbm>>
      tpu.enqueue_indirect_dma source(%dma_start3A_312 : memref<160000x8xf32, #tpu.memory_space<hbm>>) target(%dma_start3A_306 : memref<128x8xf32, #tpu.memory_space<vmem>>) offsets(%dma_start3A_309 : memref<128xi32, #tpu.memory_space<vmem>>) semaphore(%arg11 : memref<!tpu.dma_semaphore, #tpu.memory_space<semaphore_mem>>)
      %dma_start3A_313 = arith.constant 13 : i32
      %dma_start3A_314 = arith.constant 1664 : i32
      %dma_start3A_315 = arith.constant 0 : i32
      %dma_start3A_316 = tpu.memref_slice %arg10[%dma_start3A_314, %dma_start3A_315] : memref<2048x8xf32, #tpu.memory_space<vmem>> -> memref<128x8xf32, #tpu.memory_space<vmem>>
      %dma_start3A_317 = arith.constant 0 : i32
      %dma_start3A_318 = tpu.memref_slice %arg8[%dma_start3A_313, %dma_start3A_317] : memref<16x128xi32, #tpu.memory_space<vmem>> -> memref<1x128xi32, #tpu.memory_space<vmem>>
      %dma_start3A_319 = tpu.memref_squeeze %dma_start3A_318 : memref<1x128xi32, #tpu.memory_space<vmem>> -> memref<128xi32, #tpu.memory_space<vmem>>
      %dma_start3A_320 = arith.constant 0 : i32
      %dma_start3A_321 = arith.constant 0 : i32
      %dma_start3A_322 = tpu.memref_slice %arg2[%dma_start3A_320, %dma_start3A_321] : memref<160000x8xf32, #tpu.memory_space<hbm>> -> memref<160000x8xf32, #tpu.memory_space<hbm>>
      tpu.enqueue_indirect_dma source(%dma_start3A_322 : memref<160000x8xf32, #tpu.memory_space<hbm>>) target(%dma_start3A_316 : memref<128x8xf32, #tpu.memory_space<vmem>>) offsets(%dma_start3A_319 : memref<128xi32, #tpu.memory_space<vmem>>) semaphore(%arg11 : memref<!tpu.dma_semaphore, #tpu.memory_space<semaphore_mem>>)
      %dma_start3A_323 = arith.constant 14 : i32
      %dma_start3A_324 = arith.constant 1792 : i32
      %dma_start3A_325 = arith.constant 0 : i32
      %dma_start3A_326 = tpu.memref_slice %arg10[%dma_start3A_324, %dma_start3A_325] : memref<2048x8xf32, #tpu.memory_space<vmem>> -> memref<128x8xf32, #tpu.memory_space<vmem>>
      %dma_start3A_327 = arith.constant 0 : i32
      %dma_start3A_328 = tpu.memref_slice %arg8[%dma_start3A_323, %dma_start3A_327] : memref<16x128xi32, #tpu.memory_space<vmem>> -> memref<1x128xi32, #tpu.memory_space<vmem>>
      %dma_start3A_329 = tpu.memref_squeeze %dma_start3A_328 : memref<1x128xi32, #tpu.memory_space<vmem>> -> memref<128xi32, #tpu.memory_space<vmem>>
      %dma_start3A_330 = arith.constant 0 : i32
      %dma_start3A_331 = arith.constant 0 : i32
      %dma_start3A_332 = tpu.memref_slice %arg2[%dma_start3A_330, %dma_start3A_331] : memref<160000x8xf32, #tpu.memory_space<hbm>> -> memref<160000x8xf32, #tpu.memory_space<hbm>>
      tpu.enqueue_indirect_dma source(%dma_start3A_332 : memref<160000x8xf32, #tpu.memory_space<hbm>>) target(%dma_start3A_326 : memref<128x8xf32, #tpu.memory_space<vmem>>) offsets(%dma_start3A_329 : memref<128xi32, #tpu.memory_space<vmem>>) semaphore(%arg11 : memref<!tpu.dma_semaphore, #tpu.memory_space<semaphore_mem>>)
      %dma_start3A_333 = arith.constant 15 : i32
      %dma_start3A_334 = arith.constant 1920 : i32
      %dma_start3A_335 = arith.constant 0 : i32
      %dma_start3A_336 = tpu.memref_slice %arg10[%dma_start3A_334, %dma_start3A_335] : memref<2048x8xf32, #tpu.memory_space<vmem>> -> memref<128x8xf32, #tpu.memory_space<vmem>>
      %dma_start3A_337 = arith.constant 0 : i32
      %dma_start3A_338 = tpu.memref_slice %arg8[%dma_start3A_333, %dma_start3A_337] : memref<16x128xi32, #tpu.memory_space<vmem>> -> memref<1x128xi32, #tpu.memory_space<vmem>>
      %dma_start3A_339 = tpu.memref_squeeze %dma_start3A_338 : memref<1x128xi32, #tpu.memory_space<vmem>> -> memref<128xi32, #tpu.memory_space<vmem>>
      %dma_start3A_340 = arith.constant 0 : i32
      %dma_start3A_341 = arith.constant 0 : i32
      %dma_start3A_342 = tpu.memref_slice %arg2[%dma_start3A_340, %dma_start3A_341] : memref<160000x8xf32, #tpu.memory_space<hbm>> -> memref<160000x8xf32, #tpu.memory_space<hbm>>
      tpu.enqueue_indirect_dma source(%dma_start3A_342 : memref<160000x8xf32, #tpu.memory_space<hbm>>) target(%dma_start3A_336 : memref<128x8xf32, #tpu.memory_space<vmem>>) offsets(%dma_start3A_339 : memref<128xi32, #tpu.memory_space<vmem>>) semaphore(%arg11 : memref<!tpu.dma_semaphore, #tpu.memory_space<semaphore_mem>>)
      %dma_wait3A = arith.constant 0 : i32
      %dma_wait3A_343 = arith.constant 0 : i32
      %dma_wait3A_344 = arith.constant 0 : i32
      %dma_wait3A_345 = tpu.memref_slice %arg9[%dma_wait3A_343, %dma_wait3A_344] : memref<2048x8xf32, #tpu.memory_space<vmem>> -> memref<128x8xf32, #tpu.memory_space<vmem>>
      %dma_wait3A_346 = arith.constant 0 : i32
      %dma_wait3A_347 = tpu.memref_slice %arg7[%dma_wait3A, %dma_wait3A_346] : memref<16x128xi32, #tpu.memory_space<vmem>> -> memref<1x128xi32, #tpu.memory_space<vmem>>
      %dma_wait3A_348 = tpu.memref_squeeze %dma_wait3A_347 : memref<1x128xi32, #tpu.memory_space<vmem>> -> memref<128xi32, #tpu.memory_space<vmem>>
      %dma_wait3A_349 = arith.constant 0 : i32
      %dma_wait3A_350 = arith.constant 0 : i32
      %dma_wait3A_351 = tpu.memref_slice %arg2[%dma_wait3A_349, %dma_wait3A_350] : memref<160000x8xf32, #tpu.memory_space<hbm>> -> memref<160000x8xf32, #tpu.memory_space<hbm>>
      tpu.wait_indirect_dma semaphore(%arg11 : memref<!tpu.dma_semaphore, #tpu.memory_space<semaphore_mem>>) src(%dma_wait3A_351 : memref<160000x8xf32, #tpu.memory_space<hbm>>) dst(%dma_wait3A_345 : memref<128x8xf32, #tpu.memory_space<vmem>>)
      %dma_wait3A_352 = arith.constant 1 : i32
      %dma_wait3A_353 = arith.constant 128 : i32
      %dma_wait3A_354 = arith.constant 0 : i32
      %dma_wait3A_355 = tpu.memref_slice %arg9[%dma_wait3A_353, %dma_wait3A_354] : memref<2048x8xf32, #tpu.memory_space<vmem>> -> memref<128x8xf32, #tpu.memory_space<vmem>>
      %dma_wait3A_356 = arith.constant 0 : i32
      %dma_wait3A_357 = tpu.memref_slice %arg7[%dma_wait3A_352, %dma_wait3A_356] : memref<16x128xi32, #tpu.memory_space<vmem>> -> memref<1x128xi32, #tpu.memory_space<vmem>>
      %dma_wait3A_358 = tpu.memref_squeeze %dma_wait3A_357 : memref<1x128xi32, #tpu.memory_space<vmem>> -> memref<128xi32, #tpu.memory_space<vmem>>
      %dma_wait3A_359 = arith.constant 0 : i32
      %dma_wait3A_360 = arith.constant 0 : i32
      %dma_wait3A_361 = tpu.memref_slice %arg2[%dma_wait3A_359, %dma_wait3A_360] : memref<160000x8xf32, #tpu.memory_space<hbm>> -> memref<160000x8xf32, #tpu.memory_space<hbm>>
      tpu.wait_indirect_dma semaphore(%arg11 : memref<!tpu.dma_semaphore, #tpu.memory_space<semaphore_mem>>) src(%dma_wait3A_361 : memref<160000x8xf32, #tpu.memory_space<hbm>>) dst(%dma_wait3A_355 : memref<128x8xf32, #tpu.memory_space<vmem>>)
      %dma_wait3A_362 = arith.constant 2 : i32
      %dma_wait3A_363 = arith.constant 256 : i32
      %dma_wait3A_364 = arith.constant 0 : i32
      %dma_wait3A_365 = tpu.memref_slice %arg9[%dma_wait3A_363, %dma_wait3A_364] : memref<2048x8xf32, #tpu.memory_space<vmem>> -> memref<128x8xf32, #tpu.memory_space<vmem>>
      %dma_wait3A_366 = arith.constant 0 : i32
      %dma_wait3A_367 = tpu.memref_slice %arg7[%dma_wait3A_362, %dma_wait3A_366] : memref<16x128xi32, #tpu.memory_space<vmem>> -> memref<1x128xi32, #tpu.memory_space<vmem>>
      %dma_wait3A_368 = tpu.memref_squeeze %dma_wait3A_367 : memref<1x128xi32, #tpu.memory_space<vmem>> -> memref<128xi32, #tpu.memory_space<vmem>>
      %dma_wait3A_369 = arith.constant 0 : i32
      %dma_wait3A_370 = arith.constant 0 : i32
      %dma_wait3A_371 = tpu.memref_slice %arg2[%dma_wait3A_369, %dma_wait3A_370] : memref<160000x8xf32, #tpu.memory_space<hbm>> -> memref<160000x8xf32, #tpu.memory_space<hbm>>
      tpu.wait_indirect_dma semaphore(%arg11 : memref<!tpu.dma_semaphore, #tpu.memory_space<semaphore_mem>>) src(%dma_wait3A_371 : memref<160000x8xf32, #tpu.memory_space<hbm>>) dst(%dma_wait3A_365 : memref<128x8xf32, #tpu.memory_space<vmem>>)
      %dma_wait3A_372 = arith.constant 3 : i32
      %dma_wait3A_373 = arith.constant 384 : i32
      %dma_wait3A_374 = arith.constant 0 : i32
      %dma_wait3A_375 = tpu.memref_slice %arg9[%dma_wait3A_373, %dma_wait3A_374] : memref<2048x8xf32, #tpu.memory_space<vmem>> -> memref<128x8xf32, #tpu.memory_space<vmem>>
      %dma_wait3A_376 = arith.constant 0 : i32
      %dma_wait3A_377 = tpu.memref_slice %arg7[%dma_wait3A_372, %dma_wait3A_376] : memref<16x128xi32, #tpu.memory_space<vmem>> -> memref<1x128xi32, #tpu.memory_space<vmem>>
      %dma_wait3A_378 = tpu.memref_squeeze %dma_wait3A_377 : memref<1x128xi32, #tpu.memory_space<vmem>> -> memref<128xi32, #tpu.memory_space<vmem>>
      %dma_wait3A_379 = arith.constant 0 : i32
      %dma_wait3A_380 = arith.constant 0 : i32
      %dma_wait3A_381 = tpu.memref_slice %arg2[%dma_wait3A_379, %dma_wait3A_380] : memref<160000x8xf32, #tpu.memory_space<hbm>> -> memref<160000x8xf32, #tpu.memory_space<hbm>>
      tpu.wait_indirect_dma semaphore(%arg11 : memref<!tpu.dma_semaphore, #tpu.memory_space<semaphore_mem>>) src(%dma_wait3A_381 : memref<160000x8xf32, #tpu.memory_space<hbm>>) dst(%dma_wait3A_375 : memref<128x8xf32, #tpu.memory_space<vmem>>)
      %dma_wait3A_382 = arith.constant 4 : i32
      %dma_wait3A_383 = arith.constant 512 : i32
      %dma_wait3A_384 = arith.constant 0 : i32
      %dma_wait3A_385 = tpu.memref_slice %arg9[%dma_wait3A_383, %dma_wait3A_384] : memref<2048x8xf32, #tpu.memory_space<vmem>> -> memref<128x8xf32, #tpu.memory_space<vmem>>
      %dma_wait3A_386 = arith.constant 0 : i32
      %dma_wait3A_387 = tpu.memref_slice %arg7[%dma_wait3A_382, %dma_wait3A_386] : memref<16x128xi32, #tpu.memory_space<vmem>> -> memref<1x128xi32, #tpu.memory_space<vmem>>
      %dma_wait3A_388 = tpu.memref_squeeze %dma_wait3A_387 : memref<1x128xi32, #tpu.memory_space<vmem>> -> memref<128xi32, #tpu.memory_space<vmem>>
      %dma_wait3A_389 = arith.constant 0 : i32
      %dma_wait3A_390 = arith.constant 0 : i32
      %dma_wait3A_391 = tpu.memref_slice %arg2[%dma_wait3A_389, %dma_wait3A_390] : memref<160000x8xf32, #tpu.memory_space<hbm>> -> memref<160000x8xf32, #tpu.memory_space<hbm>>
      tpu.wait_indirect_dma semaphore(%arg11 : memref<!tpu.dma_semaphore, #tpu.memory_space<semaphore_mem>>) src(%dma_wait3A_391 : memref<160000x8xf32, #tpu.memory_space<hbm>>) dst(%dma_wait3A_385 : memref<128x8xf32, #tpu.memory_space<vmem>>)
      %dma_wait3A_392 = arith.constant 5 : i32
      %dma_wait3A_393 = arith.constant 640 : i32
      %dma_wait3A_394 = arith.constant 0 : i32
      %dma_wait3A_395 = tpu.memref_slice %arg9[%dma_wait3A_393, %dma_wait3A_394] : memref<2048x8xf32, #tpu.memory_space<vmem>> -> memref<128x8xf32, #tpu.memory_space<vmem>>
      %dma_wait3A_396 = arith.constant 0 : i32
      %dma_wait3A_397 = tpu.memref_slice %arg7[%dma_wait3A_392, %dma_wait3A_396] : memref<16x128xi32, #tpu.memory_space<vmem>> -> memref<1x128xi32, #tpu.memory_space<vmem>>
      %dma_wait3A_398 = tpu.memref_squeeze %dma_wait3A_397 : memref<1x128xi32, #tpu.memory_space<vmem>> -> memref<128xi32, #tpu.memory_space<vmem>>
      %dma_wait3A_399 = arith.constant 0 : i32
      %dma_wait3A_400 = arith.constant 0 : i32
      %dma_wait3A_401 = tpu.memref_slice %arg2[%dma_wait3A_399, %dma_wait3A_400] : memref<160000x8xf32, #tpu.memory_space<hbm>> -> memref<160000x8xf32, #tpu.memory_space<hbm>>
      tpu.wait_indirect_dma semaphore(%arg11 : memref<!tpu.dma_semaphore, #tpu.memory_space<semaphore_mem>>) src(%dma_wait3A_401 : memref<160000x8xf32, #tpu.memory_space<hbm>>) dst(%dma_wait3A_395 : memref<128x8xf32, #tpu.memory_space<vmem>>)
      %dma_wait3A_402 = arith.constant 6 : i32
      %dma_wait3A_403 = arith.constant 768 : i32
      %dma_wait3A_404 = arith.constant 0 : i32
      %dma_wait3A_405 = tpu.memref_slice %arg9[%dma_wait3A_403, %dma_wait3A_404] : memref<2048x8xf32, #tpu.memory_space<vmem>> -> memref<128x8xf32, #tpu.memory_space<vmem>>
      %dma_wait3A_406 = arith.constant 0 : i32
      %dma_wait3A_407 = tpu.memref_slice %arg7[%dma_wait3A_402, %dma_wait3A_406] : memref<16x128xi32, #tpu.memory_space<vmem>> -> memref<1x128xi32, #tpu.memory_space<vmem>>
      %dma_wait3A_408 = tpu.memref_squeeze %dma_wait3A_407 : memref<1x128xi32, #tpu.memory_space<vmem>> -> memref<128xi32, #tpu.memory_space<vmem>>
      %dma_wait3A_409 = arith.constant 0 : i32
      %dma_wait3A_410 = arith.constant 0 : i32
      %dma_wait3A_411 = tpu.memref_slice %arg2[%dma_wait3A_409, %dma_wait3A_410] : memref<160000x8xf32, #tpu.memory_space<hbm>> -> memref<160000x8xf32, #tpu.memory_space<hbm>>
      tpu.wait_indirect_dma semaphore(%arg11 : memref<!tpu.dma_semaphore, #tpu.memory_space<semaphore_mem>>) src(%dma_wait3A_411 : memref<160000x8xf32, #tpu.memory_space<hbm>>) dst(%dma_wait3A_405 : memref<128x8xf32, #tpu.memory_space<vmem>>)
      %dma_wait3A_412 = arith.constant 7 : i32
      %dma_wait3A_413 = arith.constant 896 : i32
      %dma_wait3A_414 = arith.constant 0 : i32
      %dma_wait3A_415 = tpu.memref_slice %arg9[%dma_wait3A_413, %dma_wait3A_414] : memref<2048x8xf32, #tpu.memory_space<vmem>> -> memref<128x8xf32, #tpu.memory_space<vmem>>
      %dma_wait3A_416 = arith.constant 0 : i32
      %dma_wait3A_417 = tpu.memref_slice %arg7[%dma_wait3A_412, %dma_wait3A_416] : memref<16x128xi32, #tpu.memory_space<vmem>> -> memref<1x128xi32, #tpu.memory_space<vmem>>
      %dma_wait3A_418 = tpu.memref_squeeze %dma_wait3A_417 : memref<1x128xi32, #tpu.memory_space<vmem>> -> memref<128xi32, #tpu.memory_space<vmem>>
      %dma_wait3A_419 = arith.constant 0 : i32
      %dma_wait3A_420 = arith.constant 0 : i32
      %dma_wait3A_421 = tpu.memref_slice %arg2[%dma_wait3A_419, %dma_wait3A_420] : memref<160000x8xf32, #tpu.memory_space<hbm>> -> memref<160000x8xf32, #tpu.memory_space<hbm>>
      tpu.wait_indirect_dma semaphore(%arg11 : memref<!tpu.dma_semaphore, #tpu.memory_space<semaphore_mem>>) src(%dma_wait3A_421 : memref<160000x8xf32, #tpu.memory_space<hbm>>) dst(%dma_wait3A_415 : memref<128x8xf32, #tpu.memory_space<vmem>>)
      %dma_wait3A_422 = arith.constant 8 : i32
      %dma_wait3A_423 = arith.constant 1024 : i32
      %dma_wait3A_424 = arith.constant 0 : i32
      %dma_wait3A_425 = tpu.memref_slice %arg9[%dma_wait3A_423, %dma_wait3A_424] : memref<2048x8xf32, #tpu.memory_space<vmem>> -> memref<128x8xf32, #tpu.memory_space<vmem>>
      %dma_wait3A_426 = arith.constant 0 : i32
      %dma_wait3A_427 = tpu.memref_slice %arg7[%dma_wait3A_422, %dma_wait3A_426] : memref<16x128xi32, #tpu.memory_space<vmem>> -> memref<1x128xi32, #tpu.memory_space<vmem>>
      %dma_wait3A_428 = tpu.memref_squeeze %dma_wait3A_427 : memref<1x128xi32, #tpu.memory_space<vmem>> -> memref<128xi32, #tpu.memory_space<vmem>>
      %dma_wait3A_429 = arith.constant 0 : i32
      %dma_wait3A_430 = arith.constant 0 : i32
      %dma_wait3A_431 = tpu.memref_slice %arg2[%dma_wait3A_429, %dma_wait3A_430] : memref<160000x8xf32, #tpu.memory_space<hbm>> -> memref<160000x8xf32, #tpu.memory_space<hbm>>
      tpu.wait_indirect_dma semaphore(%arg11 : memref<!tpu.dma_semaphore, #tpu.memory_space<semaphore_mem>>) src(%dma_wait3A_431 : memref<160000x8xf32, #tpu.memory_space<hbm>>) dst(%dma_wait3A_425 : memref<128x8xf32, #tpu.memory_space<vmem>>)
      %dma_wait3A_432 = arith.constant 9 : i32
      %dma_wait3A_433 = arith.constant 1152 : i32
      %dma_wait3A_434 = arith.constant 0 : i32
      %dma_wait3A_435 = tpu.memref_slice %arg9[%dma_wait3A_433, %dma_wait3A_434] : memref<2048x8xf32, #tpu.memory_space<vmem>> -> memref<128x8xf32, #tpu.memory_space<vmem>>
      %dma_wait3A_436 = arith.constant 0 : i32
      %dma_wait3A_437 = tpu.memref_slice %arg7[%dma_wait3A_432, %dma_wait3A_436] : memref<16x128xi32, #tpu.memory_space<vmem>> -> memref<1x128xi32, #tpu.memory_space<vmem>>
      %dma_wait3A_438 = tpu.memref_squeeze %dma_wait3A_437 : memref<1x128xi32, #tpu.memory_space<vmem>> -> memref<128xi32, #tpu.memory_space<vmem>>
      %dma_wait3A_439 = arith.constant 0 : i32
      %dma_wait3A_440 = arith.constant 0 : i32
      %dma_wait3A_441 = tpu.memref_slice %arg2[%dma_wait3A_439, %dma_wait3A_440] : memref<160000x8xf32, #tpu.memory_space<hbm>> -> memref<160000x8xf32, #tpu.memory_space<hbm>>
      tpu.wait_indirect_dma semaphore(%arg11 : memref<!tpu.dma_semaphore, #tpu.memory_space<semaphore_mem>>) src(%dma_wait3A_441 : memref<160000x8xf32, #tpu.memory_space<hbm>>) dst(%dma_wait3A_435 : memref<128x8xf32, #tpu.memory_space<vmem>>)
      %dma_wait3A_442 = arith.constant 10 : i32
      %dma_wait3A_443 = arith.constant 1280 : i32
      %dma_wait3A_444 = arith.constant 0 : i32
      %dma_wait3A_445 = tpu.memref_slice %arg9[%dma_wait3A_443, %dma_wait3A_444] : memref<2048x8xf32, #tpu.memory_space<vmem>> -> memref<128x8xf32, #tpu.memory_space<vmem>>
      %dma_wait3A_446 = arith.constant 0 : i32
      %dma_wait3A_447 = tpu.memref_slice %arg7[%dma_wait3A_442, %dma_wait3A_446] : memref<16x128xi32, #tpu.memory_space<vmem>> -> memref<1x128xi32, #tpu.memory_space<vmem>>
      %dma_wait3A_448 = tpu.memref_squeeze %dma_wait3A_447 : memref<1x128xi32, #tpu.memory_space<vmem>> -> memref<128xi32, #tpu.memory_space<vmem>>
      %dma_wait3A_449 = arith.constant 0 : i32
      %dma_wait3A_450 = arith.constant 0 : i32
      %dma_wait3A_451 = tpu.memref_slice %arg2[%dma_wait3A_449, %dma_wait3A_450] : memref<160000x8xf32, #tpu.memory_space<hbm>> -> memref<160000x8xf32, #tpu.memory_space<hbm>>
      tpu.wait_indirect_dma semaphore(%arg11 : memref<!tpu.dma_semaphore, #tpu.memory_space<semaphore_mem>>) src(%dma_wait3A_451 : memref<160000x8xf32, #tpu.memory_space<hbm>>) dst(%dma_wait3A_445 : memref<128x8xf32, #tpu.memory_space<vmem>>)
      %dma_wait3A_452 = arith.constant 11 : i32
      %dma_wait3A_453 = arith.constant 1408 : i32
      %dma_wait3A_454 = arith.constant 0 : i32
      %dma_wait3A_455 = tpu.memref_slice %arg9[%dma_wait3A_453, %dma_wait3A_454] : memref<2048x8xf32, #tpu.memory_space<vmem>> -> memref<128x8xf32, #tpu.memory_space<vmem>>
      %dma_wait3A_456 = arith.constant 0 : i32
      %dma_wait3A_457 = tpu.memref_slice %arg7[%dma_wait3A_452, %dma_wait3A_456] : memref<16x128xi32, #tpu.memory_space<vmem>> -> memref<1x128xi32, #tpu.memory_space<vmem>>
      %dma_wait3A_458 = tpu.memref_squeeze %dma_wait3A_457 : memref<1x128xi32, #tpu.memory_space<vmem>> -> memref<128xi32, #tpu.memory_space<vmem>>
      %dma_wait3A_459 = arith.constant 0 : i32
      %dma_wait3A_460 = arith.constant 0 : i32
      %dma_wait3A_461 = tpu.memref_slice %arg2[%dma_wait3A_459, %dma_wait3A_460] : memref<160000x8xf32, #tpu.memory_space<hbm>> -> memref<160000x8xf32, #tpu.memory_space<hbm>>
      tpu.wait_indirect_dma semaphore(%arg11 : memref<!tpu.dma_semaphore, #tpu.memory_space<semaphore_mem>>) src(%dma_wait3A_461 : memref<160000x8xf32, #tpu.memory_space<hbm>>) dst(%dma_wait3A_455 : memref<128x8xf32, #tpu.memory_space<vmem>>)
      %dma_wait3A_462 = arith.constant 12 : i32
      %dma_wait3A_463 = arith.constant 1536 : i32
      %dma_wait3A_464 = arith.constant 0 : i32
      %dma_wait3A_465 = tpu.memref_slice %arg9[%dma_wait3A_463, %dma_wait3A_464] : memref<2048x8xf32, #tpu.memory_space<vmem>> -> memref<128x8xf32, #tpu.memory_space<vmem>>
      %dma_wait3A_466 = arith.constant 0 : i32
      %dma_wait3A_467 = tpu.memref_slice %arg7[%dma_wait3A_462, %dma_wait3A_466] : memref<16x128xi32, #tpu.memory_space<vmem>> -> memref<1x128xi32, #tpu.memory_space<vmem>>
      %dma_wait3A_468 = tpu.memref_squeeze %dma_wait3A_467 : memref<1x128xi32, #tpu.memory_space<vmem>> -> memref<128xi32, #tpu.memory_space<vmem>>
      %dma_wait3A_469 = arith.constant 0 : i32
      %dma_wait3A_470 = arith.constant 0 : i32
      %dma_wait3A_471 = tpu.memref_slice %arg2[%dma_wait3A_469, %dma_wait3A_470] : memref<160000x8xf32, #tpu.memory_space<hbm>> -> memref<160000x8xf32, #tpu.memory_space<hbm>>
      tpu.wait_indirect_dma semaphore(%arg11 : memref<!tpu.dma_semaphore, #tpu.memory_space<semaphore_mem>>) src(%dma_wait3A_471 : memref<160000x8xf32, #tpu.memory_space<hbm>>) dst(%dma_wait3A_465 : memref<128x8xf32, #tpu.memory_space<vmem>>)
      %dma_wait3A_472 = arith.constant 13 : i32
      %dma_wait3A_473 = arith.constant 1664 : i32
      %dma_wait3A_474 = arith.constant 0 : i32
      %dma_wait3A_475 = tpu.memref_slice %arg9[%dma_wait3A_473, %dma_wait3A_474] : memref<2048x8xf32, #tpu.memory_space<vmem>> -> memref<128x8xf32, #tpu.memory_space<vmem>>
      %dma_wait3A_476 = arith.constant 0 : i32
      %dma_wait3A_477 = tpu.memref_slice %arg7[%dma_wait3A_472, %dma_wait3A_476] : memref<16x128xi32, #tpu.memory_space<vmem>> -> memref<1x128xi32, #tpu.memory_space<vmem>>
      %dma_wait3A_478 = tpu.memref_squeeze %dma_wait3A_477 : memref<1x128xi32, #tpu.memory_space<vmem>> -> memref<128xi32, #tpu.memory_space<vmem>>
      %dma_wait3A_479 = arith.constant 0 : i32
      %dma_wait3A_480 = arith.constant 0 : i32
      %dma_wait3A_481 = tpu.memref_slice %arg2[%dma_wait3A_479, %dma_wait3A_480] : memref<160000x8xf32, #tpu.memory_space<hbm>> -> memref<160000x8xf32, #tpu.memory_space<hbm>>
      tpu.wait_indirect_dma semaphore(%arg11 : memref<!tpu.dma_semaphore, #tpu.memory_space<semaphore_mem>>) src(%dma_wait3A_481 : memref<160000x8xf32, #tpu.memory_space<hbm>>) dst(%dma_wait3A_475 : memref<128x8xf32, #tpu.memory_space<vmem>>)
      %dma_wait3A_482 = arith.constant 14 : i32
      %dma_wait3A_483 = arith.constant 1792 : i32
      %dma_wait3A_484 = arith.constant 0 : i32
      %dma_wait3A_485 = tpu.memref_slice %arg9[%dma_wait3A_483, %dma_wait3A_484] : memref<2048x8xf32, #tpu.memory_space<vmem>> -> memref<128x8xf32, #tpu.memory_space<vmem>>
      %dma_wait3A_486 = arith.constant 0 : i32
      %dma_wait3A_487 = tpu.memref_slice %arg7[%dma_wait3A_482, %dma_wait3A_486] : memref<16x128xi32, #tpu.memory_space<vmem>> -> memref<1x128xi32, #tpu.memory_space<vmem>>
      %dma_wait3A_488 = tpu.memref_squeeze %dma_wait3A_487 : memref<1x128xi32, #tpu.memory_space<vmem>> -> memref<128xi32, #tpu.memory_space<vmem>>
      %dma_wait3A_489 = arith.constant 0 : i32
      %dma_wait3A_490 = arith.constant 0 : i32
      %dma_wait3A_491 = tpu.memref_slice %arg2[%dma_wait3A_489, %dma_wait3A_490] : memref<160000x8xf32, #tpu.memory_space<hbm>> -> memref<160000x8xf32, #tpu.memory_space<hbm>>
      tpu.wait_indirect_dma semaphore(%arg11 : memref<!tpu.dma_semaphore, #tpu.memory_space<semaphore_mem>>) src(%dma_wait3A_491 : memref<160000x8xf32, #tpu.memory_space<hbm>>) dst(%dma_wait3A_485 : memref<128x8xf32, #tpu.memory_space<vmem>>)
      %dma_wait3A_492 = arith.constant 15 : i32
      %dma_wait3A_493 = arith.constant 1920 : i32
      %dma_wait3A_494 = arith.constant 0 : i32
      %dma_wait3A_495 = tpu.memref_slice %arg9[%dma_wait3A_493, %dma_wait3A_494] : memref<2048x8xf32, #tpu.memory_space<vmem>> -> memref<128x8xf32, #tpu.memory_space<vmem>>
      %dma_wait3A_496 = arith.constant 0 : i32
      %dma_wait3A_497 = tpu.memref_slice %arg7[%dma_wait3A_492, %dma_wait3A_496] : memref<16x128xi32, #tpu.memory_space<vmem>> -> memref<1x128xi32, #tpu.memory_space<vmem>>
      %dma_wait3A_498 = tpu.memref_squeeze %dma_wait3A_497 : memref<1x128xi32, #tpu.memory_space<vmem>> -> memref<128xi32, #tpu.memory_space<vmem>>
      %dma_wait3A_499 = arith.constant 0 : i32
      %dma_wait3A_500 = arith.constant 0 : i32
      %dma_wait3A_501 = tpu.memref_slice %arg2[%dma_wait3A_499, %dma_wait3A_500] : memref<160000x8xf32, #tpu.memory_space<hbm>> -> memref<160000x8xf32, #tpu.memory_space<hbm>>
      tpu.wait_indirect_dma semaphore(%arg11 : memref<!tpu.dma_semaphore, #tpu.memory_space<semaphore_mem>>) src(%dma_wait3A_501 : memref<160000x8xf32, #tpu.memory_space<hbm>>) dst(%dma_wait3A_495 : memref<128x8xf32, #tpu.memory_space<vmem>>)
      %dma_wait3A_502 = arith.constant 0 : i32
      %dma_wait3A_503 = arith.constant 0 : i32
      %dma_wait3A_504 = arith.constant 0 : i32
      %dma_wait3A_505 = tpu.memref_slice %arg10[%dma_wait3A_503, %dma_wait3A_504] : memref<2048x8xf32, #tpu.memory_space<vmem>> -> memref<128x8xf32, #tpu.memory_space<vmem>>
      %dma_wait3A_506 = arith.constant 0 : i32
      %dma_wait3A_507 = tpu.memref_slice %arg8[%dma_wait3A_502, %dma_wait3A_506] : memref<16x128xi32, #tpu.memory_space<vmem>> -> memref<1x128xi32, #tpu.memory_space<vmem>>
      %dma_wait3A_508 = tpu.memref_squeeze %dma_wait3A_507 : memref<1x128xi32, #tpu.memory_space<vmem>> -> memref<128xi32, #tpu.memory_space<vmem>>
      %dma_wait3A_509 = arith.constant 0 : i32
      %dma_wait3A_510 = arith.constant 0 : i32
      %dma_wait3A_511 = tpu.memref_slice %arg2[%dma_wait3A_509, %dma_wait3A_510] : memref<160000x8xf32, #tpu.memory_space<hbm>> -> memref<160000x8xf32, #tpu.memory_space<hbm>>
      tpu.wait_indirect_dma semaphore(%arg11 : memref<!tpu.dma_semaphore, #tpu.memory_space<semaphore_mem>>) src(%dma_wait3A_511 : memref<160000x8xf32, #tpu.memory_space<hbm>>) dst(%dma_wait3A_505 : memref<128x8xf32, #tpu.memory_space<vmem>>)
      %dma_wait3A_512 = arith.constant 1 : i32
      %dma_wait3A_513 = arith.constant 128 : i32
      %dma_wait3A_514 = arith.constant 0 : i32
      %dma_wait3A_515 = tpu.memref_slice %arg10[%dma_wait3A_513, %dma_wait3A_514] : memref<2048x8xf32, #tpu.memory_space<vmem>> -> memref<128x8xf32, #tpu.memory_space<vmem>>
      %dma_wait3A_516 = arith.constant 0 : i32
      %dma_wait3A_517 = tpu.memref_slice %arg8[%dma_wait3A_512, %dma_wait3A_516] : memref<16x128xi32, #tpu.memory_space<vmem>> -> memref<1x128xi32, #tpu.memory_space<vmem>>
      %dma_wait3A_518 = tpu.memref_squeeze %dma_wait3A_517 : memref<1x128xi32, #tpu.memory_space<vmem>> -> memref<128xi32, #tpu.memory_space<vmem>>
      %dma_wait3A_519 = arith.constant 0 : i32
      %dma_wait3A_520 = arith.constant 0 : i32
      %dma_wait3A_521 = tpu.memref_slice %arg2[%dma_wait3A_519, %dma_wait3A_520] : memref<160000x8xf32, #tpu.memory_space<hbm>> -> memref<160000x8xf32, #tpu.memory_space<hbm>>
      tpu.wait_indirect_dma semaphore(%arg11 : memref<!tpu.dma_semaphore, #tpu.memory_space<semaphore_mem>>) src(%dma_wait3A_521 : memref<160000x8xf32, #tpu.memory_space<hbm>>) dst(%dma_wait3A_515 : memref<128x8xf32, #tpu.memory_space<vmem>>)
      %dma_wait3A_522 = arith.constant 2 : i32
      %dma_wait3A_523 = arith.constant 256 : i32
      %dma_wait3A_524 = arith.constant 0 : i32
      %dma_wait3A_525 = tpu.memref_slice %arg10[%dma_wait3A_523, %dma_wait3A_524] : memref<2048x8xf32, #tpu.memory_space<vmem>> -> memref<128x8xf32, #tpu.memory_space<vmem>>
      %dma_wait3A_526 = arith.constant 0 : i32
      %dma_wait3A_527 = tpu.memref_slice %arg8[%dma_wait3A_522, %dma_wait3A_526] : memref<16x128xi32, #tpu.memory_space<vmem>> -> memref<1x128xi32, #tpu.memory_space<vmem>>
      %dma_wait3A_528 = tpu.memref_squeeze %dma_wait3A_527 : memref<1x128xi32, #tpu.memory_space<vmem>> -> memref<128xi32, #tpu.memory_space<vmem>>
      %dma_wait3A_529 = arith.constant 0 : i32
      %dma_wait3A_530 = arith.constant 0 : i32
      %dma_wait3A_531 = tpu.memref_slice %arg2[%dma_wait3A_529, %dma_wait3A_530] : memref<160000x8xf32, #tpu.memory_space<hbm>> -> memref<160000x8xf32, #tpu.memory_space<hbm>>
      tpu.wait_indirect_dma semaphore(%arg11 : memref<!tpu.dma_semaphore, #tpu.memory_space<semaphore_mem>>) src(%dma_wait3A_531 : memref<160000x8xf32, #tpu.memory_space<hbm>>) dst(%dma_wait3A_525 : memref<128x8xf32, #tpu.memory_space<vmem>>)
      %dma_wait3A_532 = arith.constant 3 : i32
      %dma_wait3A_533 = arith.constant 384 : i32
      %dma_wait3A_534 = arith.constant 0 : i32
      %dma_wait3A_535 = tpu.memref_slice %arg10[%dma_wait3A_533, %dma_wait3A_534] : memref<2048x8xf32, #tpu.memory_space<vmem>> -> memref<128x8xf32, #tpu.memory_space<vmem>>
      %dma_wait3A_536 = arith.constant 0 : i32
      %dma_wait3A_537 = tpu.memref_slice %arg8[%dma_wait3A_532, %dma_wait3A_536] : memref<16x128xi32, #tpu.memory_space<vmem>> -> memref<1x128xi32, #tpu.memory_space<vmem>>
      %dma_wait3A_538 = tpu.memref_squeeze %dma_wait3A_537 : memref<1x128xi32, #tpu.memory_space<vmem>> -> memref<128xi32, #tpu.memory_space<vmem>>
      %dma_wait3A_539 = arith.constant 0 : i32
      %dma_wait3A_540 = arith.constant 0 : i32
      %dma_wait3A_541 = tpu.memref_slice %arg2[%dma_wait3A_539, %dma_wait3A_540] : memref<160000x8xf32, #tpu.memory_space<hbm>> -> memref<160000x8xf32, #tpu.memory_space<hbm>>
      tpu.wait_indirect_dma semaphore(%arg11 : memref<!tpu.dma_semaphore, #tpu.memory_space<semaphore_mem>>) src(%dma_wait3A_541 : memref<160000x8xf32, #tpu.memory_space<hbm>>) dst(%dma_wait3A_535 : memref<128x8xf32, #tpu.memory_space<vmem>>)
      %dma_wait3A_542 = arith.constant 4 : i32
      %dma_wait3A_543 = arith.constant 512 : i32
      %dma_wait3A_544 = arith.constant 0 : i32
      %dma_wait3A_545 = tpu.memref_slice %arg10[%dma_wait3A_543, %dma_wait3A_544] : memref<2048x8xf32, #tpu.memory_space<vmem>> -> memref<128x8xf32, #tpu.memory_space<vmem>>
      %dma_wait3A_546 = arith.constant 0 : i32
      %dma_wait3A_547 = tpu.memref_slice %arg8[%dma_wait3A_542, %dma_wait3A_546] : memref<16x128xi32, #tpu.memory_space<vmem>> -> memref<1x128xi32, #tpu.memory_space<vmem>>
      %dma_wait3A_548 = tpu.memref_squeeze %dma_wait3A_547 : memref<1x128xi32, #tpu.memory_space<vmem>> -> memref<128xi32, #tpu.memory_space<vmem>>
      %dma_wait3A_549 = arith.constant 0 : i32
      %dma_wait3A_550 = arith.constant 0 : i32
      %dma_wait3A_551 = tpu.memref_slice %arg2[%dma_wait3A_549, %dma_wait3A_550] : memref<160000x8xf32, #tpu.memory_space<hbm>> -> memref<160000x8xf32, #tpu.memory_space<hbm>>
      tpu.wait_indirect_dma semaphore(%arg11 : memref<!tpu.dma_semaphore, #tpu.memory_space<semaphore_mem>>) src(%dma_wait3A_551 : memref<160000x8xf32, #tpu.memory_space<hbm>>) dst(%dma_wait3A_545 : memref<128x8xf32, #tpu.memory_space<vmem>>)
      %dma_wait3A_552 = arith.constant 5 : i32
      %dma_wait3A_553 = arith.constant 640 : i32
      %dma_wait3A_554 = arith.constant 0 : i32
      %dma_wait3A_555 = tpu.memref_slice %arg10[%dma_wait3A_553, %dma_wait3A_554] : memref<2048x8xf32, #tpu.memory_space<vmem>> -> memref<128x8xf32, #tpu.memory_space<vmem>>
      %dma_wait3A_556 = arith.constant 0 : i32
      %dma_wait3A_557 = tpu.memref_slice %arg8[%dma_wait3A_552, %dma_wait3A_556] : memref<16x128xi32, #tpu.memory_space<vmem>> -> memref<1x128xi32, #tpu.memory_space<vmem>>
      %dma_wait3A_558 = tpu.memref_squeeze %dma_wait3A_557 : memref<1x128xi32, #tpu.memory_space<vmem>> -> memref<128xi32, #tpu.memory_space<vmem>>
      %dma_wait3A_559 = arith.constant 0 : i32
      %dma_wait3A_560 = arith.constant 0 : i32
      %dma_wait3A_561 = tpu.memref_slice %arg2[%dma_wait3A_559, %dma_wait3A_560] : memref<160000x8xf32, #tpu.memory_space<hbm>> -> memref<160000x8xf32, #tpu.memory_space<hbm>>
      tpu.wait_indirect_dma semaphore(%arg11 : memref<!tpu.dma_semaphore, #tpu.memory_space<semaphore_mem>>) src(%dma_wait3A_561 : memref<160000x8xf32, #tpu.memory_space<hbm>>) dst(%dma_wait3A_555 : memref<128x8xf32, #tpu.memory_space<vmem>>)
      %dma_wait3A_562 = arith.constant 6 : i32
      %dma_wait3A_563 = arith.constant 768 : i32
      %dma_wait3A_564 = arith.constant 0 : i32
      %dma_wait3A_565 = tpu.memref_slice %arg10[%dma_wait3A_563, %dma_wait3A_564] : memref<2048x8xf32, #tpu.memory_space<vmem>> -> memref<128x8xf32, #tpu.memory_space<vmem>>
      %dma_wait3A_566 = arith.constant 0 : i32
      %dma_wait3A_567 = tpu.memref_slice %arg8[%dma_wait3A_562, %dma_wait3A_566] : memref<16x128xi32, #tpu.memory_space<vmem>> -> memref<1x128xi32, #tpu.memory_space<vmem>>
      %dma_wait3A_568 = tpu.memref_squeeze %dma_wait3A_567 : memref<1x128xi32, #tpu.memory_space<vmem>> -> memref<128xi32, #tpu.memory_space<vmem>>
      %dma_wait3A_569 = arith.constant 0 : i32
      %dma_wait3A_570 = arith.constant 0 : i32
      %dma_wait3A_571 = tpu.memref_slice %arg2[%dma_wait3A_569, %dma_wait3A_570] : memref<160000x8xf32, #tpu.memory_space<hbm>> -> memref<160000x8xf32, #tpu.memory_space<hbm>>
      tpu.wait_indirect_dma semaphore(%arg11 : memref<!tpu.dma_semaphore, #tpu.memory_space<semaphore_mem>>) src(%dma_wait3A_571 : memref<160000x8xf32, #tpu.memory_space<hbm>>) dst(%dma_wait3A_565 : memref<128x8xf32, #tpu.memory_space<vmem>>)
      %dma_wait3A_572 = arith.constant 7 : i32
      %dma_wait3A_573 = arith.constant 896 : i32
      %dma_wait3A_574 = arith.constant 0 : i32
      %dma_wait3A_575 = tpu.memref_slice %arg10[%dma_wait3A_573, %dma_wait3A_574] : memref<2048x8xf32, #tpu.memory_space<vmem>> -> memref<128x8xf32, #tpu.memory_space<vmem>>
      %dma_wait3A_576 = arith.constant 0 : i32
      %dma_wait3A_577 = tpu.memref_slice %arg8[%dma_wait3A_572, %dma_wait3A_576] : memref<16x128xi32, #tpu.memory_space<vmem>> -> memref<1x128xi32, #tpu.memory_space<vmem>>
      %dma_wait3A_578 = tpu.memref_squeeze %dma_wait3A_577 : memref<1x128xi32, #tpu.memory_space<vmem>> -> memref<128xi32, #tpu.memory_space<vmem>>
      %dma_wait3A_579 = arith.constant 0 : i32
      %dma_wait3A_580 = arith.constant 0 : i32
      %dma_wait3A_581 = tpu.memref_slice %arg2[%dma_wait3A_579, %dma_wait3A_580] : memref<160000x8xf32, #tpu.memory_space<hbm>> -> memref<160000x8xf32, #tpu.memory_space<hbm>>
      tpu.wait_indirect_dma semaphore(%arg11 : memref<!tpu.dma_semaphore, #tpu.memory_space<semaphore_mem>>) src(%dma_wait3A_581 : memref<160000x8xf32, #tpu.memory_space<hbm>>) dst(%dma_wait3A_575 : memref<128x8xf32, #tpu.memory_space<vmem>>)
      %dma_wait3A_582 = arith.constant 8 : i32
      %dma_wait3A_583 = arith.constant 1024 : i32
      %dma_wait3A_584 = arith.constant 0 : i32
      %dma_wait3A_585 = tpu.memref_slice %arg10[%dma_wait3A_583, %dma_wait3A_584] : memref<2048x8xf32, #tpu.memory_space<vmem>> -> memref<128x8xf32, #tpu.memory_space<vmem>>
      %dma_wait3A_586 = arith.constant 0 : i32
      %dma_wait3A_587 = tpu.memref_slice %arg8[%dma_wait3A_582, %dma_wait3A_586] : memref<16x128xi32, #tpu.memory_space<vmem>> -> memref<1x128xi32, #tpu.memory_space<vmem>>
      %dma_wait3A_588 = tpu.memref_squeeze %dma_wait3A_587 : memref<1x128xi32, #tpu.memory_space<vmem>> -> memref<128xi32, #tpu.memory_space<vmem>>
      %dma_wait3A_589 = arith.constant 0 : i32
      %dma_wait3A_590 = arith.constant 0 : i32
      %dma_wait3A_591 = tpu.memref_slice %arg2[%dma_wait3A_589, %dma_wait3A_590] : memref<160000x8xf32, #tpu.memory_space<hbm>> -> memref<160000x8xf32, #tpu.memory_space<hbm>>
      tpu.wait_indirect_dma semaphore(%arg11 : memref<!tpu.dma_semaphore, #tpu.memory_space<semaphore_mem>>) src(%dma_wait3A_591 : memref<160000x8xf32, #tpu.memory_space<hbm>>) dst(%dma_wait3A_585 : memref<128x8xf32, #tpu.memory_space<vmem>>)
      %dma_wait3A_592 = arith.constant 9 : i32
      %dma_wait3A_593 = arith.constant 1152 : i32
      %dma_wait3A_594 = arith.constant 0 : i32
      %dma_wait3A_595 = tpu.memref_slice %arg10[%dma_wait3A_593, %dma_wait3A_594] : memref<2048x8xf32, #tpu.memory_space<vmem>> -> memref<128x8xf32, #tpu.memory_space<vmem>>
      %dma_wait3A_596 = arith.constant 0 : i32
      %dma_wait3A_597 = tpu.memref_slice %arg8[%dma_wait3A_592, %dma_wait3A_596] : memref<16x128xi32, #tpu.memory_space<vmem>> -> memref<1x128xi32, #tpu.memory_space<vmem>>
      %dma_wait3A_598 = tpu.memref_squeeze %dma_wait3A_597 : memref<1x128xi32, #tpu.memory_space<vmem>> -> memref<128xi32, #tpu.memory_space<vmem>>
      %dma_wait3A_599 = arith.constant 0 : i32
      %dma_wait3A_600 = arith.constant 0 : i32
      %dma_wait3A_601 = tpu.memref_slice %arg2[%dma_wait3A_599, %dma_wait3A_600] : memref<160000x8xf32, #tpu.memory_space<hbm>> -> memref<160000x8xf32, #tpu.memory_space<hbm>>
      tpu.wait_indirect_dma semaphore(%arg11 : memref<!tpu.dma_semaphore, #tpu.memory_space<semaphore_mem>>) src(%dma_wait3A_601 : memref<160000x8xf32, #tpu.memory_space<hbm>>) dst(%dma_wait3A_595 : memref<128x8xf32, #tpu.memory_space<vmem>>)
      %dma_wait3A_602 = arith.constant 10 : i32
      %dma_wait3A_603 = arith.constant 1280 : i32
      %dma_wait3A_604 = arith.constant 0 : i32
      %dma_wait3A_605 = tpu.memref_slice %arg10[%dma_wait3A_603, %dma_wait3A_604] : memref<2048x8xf32, #tpu.memory_space<vmem>> -> memref<128x8xf32, #tpu.memory_space<vmem>>
      %dma_wait3A_606 = arith.constant 0 : i32
      %dma_wait3A_607 = tpu.memref_slice %arg8[%dma_wait3A_602, %dma_wait3A_606] : memref<16x128xi32, #tpu.memory_space<vmem>> -> memref<1x128xi32, #tpu.memory_space<vmem>>
      %dma_wait3A_608 = tpu.memref_squeeze %dma_wait3A_607 : memref<1x128xi32, #tpu.memory_space<vmem>> -> memref<128xi32, #tpu.memory_space<vmem>>
      %dma_wait3A_609 = arith.constant 0 : i32
      %dma_wait3A_610 = arith.constant 0 : i32
      %dma_wait3A_611 = tpu.memref_slice %arg2[%dma_wait3A_609, %dma_wait3A_610] : memref<160000x8xf32, #tpu.memory_space<hbm>> -> memref<160000x8xf32, #tpu.memory_space<hbm>>
      tpu.wait_indirect_dma semaphore(%arg11 : memref<!tpu.dma_semaphore, #tpu.memory_space<semaphore_mem>>) src(%dma_wait3A_611 : memref<160000x8xf32, #tpu.memory_space<hbm>>) dst(%dma_wait3A_605 : memref<128x8xf32, #tpu.memory_space<vmem>>)
      %dma_wait3A_612 = arith.constant 11 : i32
      %dma_wait3A_613 = arith.constant 1408 : i32
      %dma_wait3A_614 = arith.constant 0 : i32
      %dma_wait3A_615 = tpu.memref_slice %arg10[%dma_wait3A_613, %dma_wait3A_614] : memref<2048x8xf32, #tpu.memory_space<vmem>> -> memref<128x8xf32, #tpu.memory_space<vmem>>
      %dma_wait3A_616 = arith.constant 0 : i32
      %dma_wait3A_617 = tpu.memref_slice %arg8[%dma_wait3A_612, %dma_wait3A_616] : memref<16x128xi32, #tpu.memory_space<vmem>> -> memref<1x128xi32, #tpu.memory_space<vmem>>
      %dma_wait3A_618 = tpu.memref_squeeze %dma_wait3A_617 : memref<1x128xi32, #tpu.memory_space<vmem>> -> memref<128xi32, #tpu.memory_space<vmem>>
      %dma_wait3A_619 = arith.constant 0 : i32
      %dma_wait3A_620 = arith.constant 0 : i32
      %dma_wait3A_621 = tpu.memref_slice %arg2[%dma_wait3A_619, %dma_wait3A_620] : memref<160000x8xf32, #tpu.memory_space<hbm>> -> memref<160000x8xf32, #tpu.memory_space<hbm>>
      tpu.wait_indirect_dma semaphore(%arg11 : memref<!tpu.dma_semaphore, #tpu.memory_space<semaphore_mem>>) src(%dma_wait3A_621 : memref<160000x8xf32, #tpu.memory_space<hbm>>) dst(%dma_wait3A_615 : memref<128x8xf32, #tpu.memory_space<vmem>>)
      %dma_wait3A_622 = arith.constant 12 : i32
      %dma_wait3A_623 = arith.constant 1536 : i32
      %dma_wait3A_624 = arith.constant 0 : i32
      %dma_wait3A_625 = tpu.memref_slice %arg10[%dma_wait3A_623, %dma_wait3A_624] : memref<2048x8xf32, #tpu.memory_space<vmem>> -> memref<128x8xf32, #tpu.memory_space<vmem>>
      %dma_wait3A_626 = arith.constant 0 : i32
      %dma_wait3A_627 = tpu.memref_slice %arg8[%dma_wait3A_622, %dma_wait3A_626] : memref<16x128xi32, #tpu.memory_space<vmem>> -> memref<1x128xi32, #tpu.memory_space<vmem>>
      %dma_wait3A_628 = tpu.memref_squeeze %dma_wait3A_627 : memref<1x128xi32, #tpu.memory_space<vmem>> -> memref<128xi32, #tpu.memory_space<vmem>>
      %dma_wait3A_629 = arith.constant 0 : i32
      %dma_wait3A_630 = arith.constant 0 : i32
      %dma_wait3A_631 = tpu.memref_slice %arg2[%dma_wait3A_629, %dma_wait3A_630] : memref<160000x8xf32, #tpu.memory_space<hbm>> -> memref<160000x8xf32, #tpu.memory_space<hbm>>
      tpu.wait_indirect_dma semaphore(%arg11 : memref<!tpu.dma_semaphore, #tpu.memory_space<semaphore_mem>>) src(%dma_wait3A_631 : memref<160000x8xf32, #tpu.memory_space<hbm>>) dst(%dma_wait3A_625 : memref<128x8xf32, #tpu.memory_space<vmem>>)
      %dma_wait3A_632 = arith.constant 13 : i32
      %dma_wait3A_633 = arith.constant 1664 : i32
      %dma_wait3A_634 = arith.constant 0 : i32
      %dma_wait3A_635 = tpu.memref_slice %arg10[%dma_wait3A_633, %dma_wait3A_634] : memref<2048x8xf32, #tpu.memory_space<vmem>> -> memref<128x8xf32, #tpu.memory_space<vmem>>
      %dma_wait3A_636 = arith.constant 0 : i32
      %dma_wait3A_637 = tpu.memref_slice %arg8[%dma_wait3A_632, %dma_wait3A_636] : memref<16x128xi32, #tpu.memory_space<vmem>> -> memref<1x128xi32, #tpu.memory_space<vmem>>
      %dma_wait3A_638 = tpu.memref_squeeze %dma_wait3A_637 : memref<1x128xi32, #tpu.memory_space<vmem>> -> memref<128xi32, #tpu.memory_space<vmem>>
      %dma_wait3A_639 = arith.constant 0 : i32
      %dma_wait3A_640 = arith.constant 0 : i32
      %dma_wait3A_641 = tpu.memref_slice %arg2[%dma_wait3A_639, %dma_wait3A_640] : memref<160000x8xf32, #tpu.memory_space<hbm>> -> memref<160000x8xf32, #tpu.memory_space<hbm>>
      tpu.wait_indirect_dma semaphore(%arg11 : memref<!tpu.dma_semaphore, #tpu.memory_space<semaphore_mem>>) src(%dma_wait3A_641 : memref<160000x8xf32, #tpu.memory_space<hbm>>) dst(%dma_wait3A_635 : memref<128x8xf32, #tpu.memory_space<vmem>>)
      %dma_wait3A_642 = arith.constant 14 : i32
      %dma_wait3A_643 = arith.constant 1792 : i32
      %dma_wait3A_644 = arith.constant 0 : i32
      %dma_wait3A_645 = tpu.memref_slice %arg10[%dma_wait3A_643, %dma_wait3A_644] : memref<2048x8xf32, #tpu.memory_space<vmem>> -> memref<128x8xf32, #tpu.memory_space<vmem>>
      %dma_wait3A_646 = arith.constant 0 : i32
      %dma_wait3A_647 = tpu.memref_slice %arg8[%dma_wait3A_642, %dma_wait3A_646] : memref<16x128xi32, #tpu.memory_space<vmem>> -> memref<1x128xi32, #tpu.memory_space<vmem>>
      %dma_wait3A_648 = tpu.memref_squeeze %dma_wait3A_647 : memref<1x128xi32, #tpu.memory_space<vmem>> -> memref<128xi32, #tpu.memory_space<vmem>>
      %dma_wait3A_649 = arith.constant 0 : i32
      %dma_wait3A_650 = arith.constant 0 : i32
      %dma_wait3A_651 = tpu.memref_slice %arg2[%dma_wait3A_649, %dma_wait3A_650] : memref<160000x8xf32, #tpu.memory_space<hbm>> -> memref<160000x8xf32, #tpu.memory_space<hbm>>
      tpu.wait_indirect_dma semaphore(%arg11 : memref<!tpu.dma_semaphore, #tpu.memory_space<semaphore_mem>>) src(%dma_wait3A_651 : memref<160000x8xf32, #tpu.memory_space<hbm>>) dst(%dma_wait3A_645 : memref<128x8xf32, #tpu.memory_space<vmem>>)
      %dma_wait3A_652 = arith.constant 15 : i32
      %dma_wait3A_653 = arith.constant 1920 : i32
      %dma_wait3A_654 = arith.constant 0 : i32
      %dma_wait3A_655 = tpu.memref_slice %arg10[%dma_wait3A_653, %dma_wait3A_654] : memref<2048x8xf32, #tpu.memory_space<vmem>> -> memref<128x8xf32, #tpu.memory_space<vmem>>
      %dma_wait3A_656 = arith.constant 0 : i32
      %dma_wait3A_657 = tpu.memref_slice %arg8[%dma_wait3A_652, %dma_wait3A_656] : memref<16x128xi32, #tpu.memory_space<vmem>> -> memref<1x128xi32, #tpu.memory_space<vmem>>
      %dma_wait3A_658 = tpu.memref_squeeze %dma_wait3A_657 : memref<1x128xi32, #tpu.memory_space<vmem>> -> memref<128xi32, #tpu.memory_space<vmem>>
      %dma_wait3A_659 = arith.constant 0 : i32
      %dma_wait3A_660 = arith.constant 0 : i32
      %dma_wait3A_661 = tpu.memref_slice %arg2[%dma_wait3A_659, %dma_wait3A_660] : memref<160000x8xf32, #tpu.memory_space<hbm>> -> memref<160000x8xf32, #tpu.memory_space<hbm>>
      tpu.wait_indirect_dma semaphore(%arg11 : memref<!tpu.dma_semaphore, #tpu.memory_space<semaphore_mem>>) src(%dma_wait3A_661 : memref<160000x8xf32, #tpu.memory_space<hbm>>) dst(%dma_wait3A_655 : memref<128x8xf32, #tpu.memory_space<vmem>>)
      "tpu.region"() ({
        %run_scoped3A = tpu.sem_alloc : memref<!tpu.dma_semaphore, #tpu.memory_space<semaphore_mem>>
        %dma_start3A_662 = arith.constant 0 : i32
        %dma_start3A_663 = tpu.memref_slice %arg5[%multiple_of3A_23, %dma_start3A_662] : memref<320000x8xf32, #tpu.memory_space<hbm>> -> memref<2048x8xf32, #tpu.memory_space<hbm>>
        %dma_start3A_664 = arith.constant 0 : i32
        %dma_start3A_665 = tpu.memref_slice %arg5[%multiple_of3A_23, %dma_start3A_664] : memref<320000x8xf32, #tpu.memory_space<hbm>> -> memref<2048x8xf32, #tpu.memory_space<hbm>>
        tpu.enqueue_dma source(%arg9 : memref<2048x8xf32, #tpu.memory_space<vmem>>) target(%dma_start3A_665 : memref<2048x8xf32, #tpu.memory_space<hbm>>) target_semaphore(%run_scoped3A : memref<!tpu.dma_semaphore, #tpu.memory_space<semaphore_mem>>)
        %dma_wait3A_666 = arith.constant 0 : i32
        %dma_wait3A_667 = tpu.memref_slice %arg5[%multiple_of3A_23, %dma_wait3A_666] : memref<320000x8xf32, #tpu.memory_space<hbm>> -> memref<2048x8xf32, #tpu.memory_space<hbm>>
        %dma_wait3A_668 = arith.constant 0 : i32
        %dma_wait3A_669 = tpu.memref_slice %arg5[%multiple_of3A_23, %dma_wait3A_668] : memref<320000x8xf32, #tpu.memory_space<hbm>> -> memref<2048x8xf32, #tpu.memory_space<hbm>>
        tpu.wait_dma2 semaphore(%run_scoped3A : memref<!tpu.dma_semaphore, #tpu.memory_space<semaphore_mem>>) src(%arg9 : memref<2048x8xf32, #tpu.memory_space<vmem>>) dst(%dma_wait3A_669 : memref<2048x8xf32, #tpu.memory_space<hbm>>)
        tpu.yield
      }) : () -> ()
      "tpu.region"() ({
        %run_scoped3A = tpu.sem_alloc : memref<!tpu.dma_semaphore, #tpu.memory_space<semaphore_mem>>
        %dma_start3A_662 = arith.constant 0 : i32
        %dma_start3A_663 = tpu.memref_slice %arg6[%multiple_of3A_23, %dma_start3A_662] : memref<320000x8xf32, #tpu.memory_space<hbm>> -> memref<2048x8xf32, #tpu.memory_space<hbm>>
        %dma_start3A_664 = arith.constant 0 : i32
        %dma_start3A_665 = tpu.memref_slice %arg6[%multiple_of3A_23, %dma_start3A_664] : memref<320000x8xf32, #tpu.memory_space<hbm>> -> memref<2048x8xf32, #tpu.memory_space<hbm>>
        tpu.enqueue_dma source(%arg10 : memref<2048x8xf32, #tpu.memory_space<vmem>>) target(%dma_start3A_665 : memref<2048x8xf32, #tpu.memory_space<hbm>>) target_semaphore(%run_scoped3A : memref<!tpu.dma_semaphore, #tpu.memory_space<semaphore_mem>>)
        %dma_wait3A_666 = arith.constant 0 : i32
        %dma_wait3A_667 = tpu.memref_slice %arg6[%multiple_of3A_23, %dma_wait3A_666] : memref<320000x8xf32, #tpu.memory_space<hbm>> -> memref<2048x8xf32, #tpu.memory_space<hbm>>
        %dma_wait3A_668 = arith.constant 0 : i32
        %dma_wait3A_669 = tpu.memref_slice %arg6[%multiple_of3A_23, %dma_wait3A_668] : memref<320000x8xf32, #tpu.memory_space<hbm>> -> memref<2048x8xf32, #tpu.memory_space<hbm>>
        tpu.wait_dma2 semaphore(%run_scoped3A : memref<!tpu.dma_semaphore, #tpu.memory_space<semaphore_mem>>) src(%arg10 : memref<2048x8xf32, #tpu.memory_space<vmem>>) dst(%dma_wait3A_669 : memref<2048x8xf32, #tpu.memory_space<hbm>>)
        tpu.yield
      }) : () -> ()
    }
    %eq3A_14 = arith.constant 31 : i32
    %eq3A_15 = arith.cmpi eq, %add3A, %eq3A_14 : i32
    %convert_element_type3A = arith.extui %eq3A_15 : i1 to i32
    %cond3A = arith.constant 0 : i32
    %cond3A_16 = arith.cmpi ne, %convert_element_type3A, %cond3A : i32
    scf.if %cond3A_16 {
      "tpu.region"() ({
        %run_scoped3A = tpu.sem_alloc : memref<!tpu.dma_semaphore, #tpu.memory_space<semaphore_mem>>
        %dma_start3A_175 = arith.constant 0 : i32
        %dma_start3A_176 = arith.constant 0 : i32
        %dma_start3A_177 = tpu.memref_slice %arg7[%dma_start3A_175, %dma_start3A_176] : memref<16x128xi32, #tpu.memory_space<vmem>> -> memref<4x128xi32, #tpu.memory_space<vmem>>
        %dma_start3A_178 = arith.constant 2496 : i32
        %dma_start3A_179 = arith.constant 0 : i32
        %dma_start3A_180 = tpu.memref_slice %arg3[%dma_start3A_178, %dma_start3A_179] : memref<2500x128xi32, #tpu.memory_space<hbm>> -> memref<4x128xi32, #tpu.memory_space<hbm>>
        %dma_start3A_181 = arith.constant 0 : i32
        %dma_start3A_182 = arith.constant 0 : i32
        %dma_start3A_183 = tpu.memref_slice %arg7[%dma_start3A_181, %dma_start3A_182] : memref<16x128xi32, #tpu.memory_space<vmem>> -> memref<4x128xi32, #tpu.memory_space<vmem>>
        %dma_start3A_184 = arith.constant 2496 : i32
        %dma_start3A_185 = arith.constant 0 : i32
        %dma_start3A_186 = tpu.memref_slice %arg3[%dma_start3A_184, %dma_start3A_185] : memref<2500x128xi32, #tpu.memory_space<hbm>> -> memref<4x128xi32, #tpu.memory_space<hbm>>
        tpu.enqueue_dma source(%dma_start3A_186 : memref<4x128xi32, #tpu.memory_space<hbm>>) target(%dma_start3A_183 : memref<4x128xi32, #tpu.memory_space<vmem>>) target_semaphore(%run_scoped3A : memref<!tpu.dma_semaphore, #tpu.memory_space<semaphore_mem>>)
        %dma_wait3A_187 = arith.constant 0 : i32
        %dma_wait3A_188 = arith.constant 0 : i32
        %dma_wait3A_189 = tpu.memref_slice %arg7[%dma_wait3A_187, %dma_wait3A_188] : memref<16x128xi32, #tpu.memory_space<vmem>> -> memref<4x128xi32, #tpu.memory_space<vmem>>
        %dma_wait3A_190 = arith.constant 2496 : i32
        %dma_wait3A_191 = arith.constant 0 : i32
        %dma_wait3A_192 = tpu.memref_slice %arg3[%dma_wait3A_190, %dma_wait3A_191] : memref<2500x128xi32, #tpu.memory_space<hbm>> -> memref<4x128xi32, #tpu.memory_space<hbm>>
        %dma_wait3A_193 = arith.constant 0 : i32
        %dma_wait3A_194 = arith.constant 0 : i32
        %dma_wait3A_195 = tpu.memref_slice %arg7[%dma_wait3A_193, %dma_wait3A_194] : memref<16x128xi32, #tpu.memory_space<vmem>> -> memref<4x128xi32, #tpu.memory_space<vmem>>
        %dma_wait3A_196 = arith.constant 2496 : i32
        %dma_wait3A_197 = arith.constant 0 : i32
        %dma_wait3A_198 = tpu.memref_slice %arg3[%dma_wait3A_196, %dma_wait3A_197] : memref<2500x128xi32, #tpu.memory_space<hbm>> -> memref<4x128xi32, #tpu.memory_space<hbm>>
        tpu.wait_dma2 semaphore(%run_scoped3A : memref<!tpu.dma_semaphore, #tpu.memory_space<semaphore_mem>>) src(%dma_wait3A_198 : memref<4x128xi32, #tpu.memory_space<hbm>>) dst(%dma_wait3A_195 : memref<4x128xi32, #tpu.memory_space<vmem>>)
        tpu.yield
      }) : () -> ()
      "tpu.region"() ({
        %run_scoped3A = tpu.sem_alloc : memref<!tpu.dma_semaphore, #tpu.memory_space<semaphore_mem>>
        %dma_start3A_175 = arith.constant 0 : i32
        %dma_start3A_176 = arith.constant 0 : i32
        %dma_start3A_177 = tpu.memref_slice %arg8[%dma_start3A_175, %dma_start3A_176] : memref<16x128xi32, #tpu.memory_space<vmem>> -> memref<4x128xi32, #tpu.memory_space<vmem>>
        %dma_start3A_178 = arith.constant 2496 : i32
        %dma_start3A_179 = arith.constant 0 : i32
        %dma_start3A_180 = tpu.memref_slice %arg4[%dma_start3A_178, %dma_start3A_179] : memref<2500x128xi32, #tpu.memory_space<hbm>> -> memref<4x128xi32, #tpu.memory_space<hbm>>
        %dma_start3A_181 = arith.constant 0 : i32
        %dma_start3A_182 = arith.constant 0 : i32
        %dma_start3A_183 = tpu.memref_slice %arg8[%dma_start3A_181, %dma_start3A_182] : memref<16x128xi32, #tpu.memory_space<vmem>> -> memref<4x128xi32, #tpu.memory_space<vmem>>
        %dma_start3A_184 = arith.constant 2496 : i32
        %dma_start3A_185 = arith.constant 0 : i32
        %dma_start3A_186 = tpu.memref_slice %arg4[%dma_start3A_184, %dma_start3A_185] : memref<2500x128xi32, #tpu.memory_space<hbm>> -> memref<4x128xi32, #tpu.memory_space<hbm>>
        tpu.enqueue_dma source(%dma_start3A_186 : memref<4x128xi32, #tpu.memory_space<hbm>>) target(%dma_start3A_183 : memref<4x128xi32, #tpu.memory_space<vmem>>) target_semaphore(%run_scoped3A : memref<!tpu.dma_semaphore, #tpu.memory_space<semaphore_mem>>)
        %dma_wait3A_187 = arith.constant 0 : i32
        %dma_wait3A_188 = arith.constant 0 : i32
        %dma_wait3A_189 = tpu.memref_slice %arg8[%dma_wait3A_187, %dma_wait3A_188] : memref<16x128xi32, #tpu.memory_space<vmem>> -> memref<4x128xi32, #tpu.memory_space<vmem>>
        %dma_wait3A_190 = arith.constant 2496 : i32
        %dma_wait3A_191 = arith.constant 0 : i32
        %dma_wait3A_192 = tpu.memref_slice %arg4[%dma_wait3A_190, %dma_wait3A_191] : memref<2500x128xi32, #tpu.memory_space<hbm>> -> memref<4x128xi32, #tpu.memory_space<hbm>>
        %dma_wait3A_193 = arith.constant 0 : i32
        %dma_wait3A_194 = arith.constant 0 : i32
        %dma_wait3A_195 = tpu.memref_slice %arg8[%dma_wait3A_193, %dma_wait3A_194] : memref<16x128xi32, #tpu.memory_space<vmem>> -> memref<4x128xi32, #tpu.memory_space<vmem>>
        %dma_wait3A_196 = arith.constant 2496 : i32
        %dma_wait3A_197 = arith.constant 0 : i32
        %dma_wait3A_198 = tpu.memref_slice %arg4[%dma_wait3A_196, %dma_wait3A_197] : memref<2500x128xi32, #tpu.memory_space<hbm>> -> memref<4x128xi32, #tpu.memory_space<hbm>>
        tpu.wait_dma2 semaphore(%run_scoped3A : memref<!tpu.dma_semaphore, #tpu.memory_space<semaphore_mem>>) src(%dma_wait3A_198 : memref<4x128xi32, #tpu.memory_space<hbm>>) dst(%dma_wait3A_195 : memref<4x128xi32, #tpu.memory_space<vmem>>)
        tpu.yield
      }) : () -> ()
      %dma_start3A = arith.constant 0 : i32
      %dma_start3A_17 = arith.constant 0 : i32
      %dma_start3A_18 = arith.constant 0 : i32
      %dma_start3A_19 = tpu.memref_slice %arg9[%dma_start3A_17, %dma_start3A_18] : memref<2048x8xf32, #tpu.memory_space<vmem>> -> memref<128x8xf32, #tpu.memory_space<vmem>>
      %dma_start3A_20 = arith.constant 0 : i32
      %dma_start3A_21 = tpu.memref_slice %arg7[%dma_start3A, %dma_start3A_20] : memref<16x128xi32, #tpu.memory_space<vmem>> -> memref<1x128xi32, #tpu.memory_space<vmem>>
      %dma_start3A_22 = tpu.memref_squeeze %dma_start3A_21 : memref<1x128xi32, #tpu.memory_space<vmem>> -> memref<128xi32, #tpu.memory_space<vmem>>
      %dma_start3A_23 = arith.constant 0 : i32
      %dma_start3A_24 = arith.constant 0 : i32
      %dma_start3A_25 = tpu.memref_slice %arg2[%dma_start3A_23, %dma_start3A_24] : memref<160000x8xf32, #tpu.memory_space<hbm>> -> memref<160000x8xf32, #tpu.memory_space<hbm>>
      tpu.enqueue_indirect_dma source(%dma_start3A_25 : memref<160000x8xf32, #tpu.memory_space<hbm>>) target(%dma_start3A_19 : memref<128x8xf32, #tpu.memory_space<vmem>>) offsets(%dma_start3A_22 : memref<128xi32, #tpu.memory_space<vmem>>) semaphore(%arg11 : memref<!tpu.dma_semaphore, #tpu.memory_space<semaphore_mem>>)
      %dma_start3A_26 = arith.constant 1 : i32
      %dma_start3A_27 = arith.constant 128 : i32
      %dma_start3A_28 = arith.constant 0 : i32
      %dma_start3A_29 = tpu.memref_slice %arg9[%dma_start3A_27, %dma_start3A_28] : memref<2048x8xf32, #tpu.memory_space<vmem>> -> memref<128x8xf32, #tpu.memory_space<vmem>>
      %dma_start3A_30 = arith.constant 0 : i32
      %dma_start3A_31 = tpu.memref_slice %arg7[%dma_start3A_26, %dma_start3A_30] : memref<16x128xi32, #tpu.memory_space<vmem>> -> memref<1x128xi32, #tpu.memory_space<vmem>>
      %dma_start3A_32 = tpu.memref_squeeze %dma_start3A_31 : memref<1x128xi32, #tpu.memory_space<vmem>> -> memref<128xi32, #tpu.memory_space<vmem>>
      %dma_start3A_33 = arith.constant 0 : i32
      %dma_start3A_34 = arith.constant 0 : i32
      %dma_start3A_35 = tpu.memref_slice %arg2[%dma_start3A_33, %dma_start3A_34] : memref<160000x8xf32, #tpu.memory_space<hbm>> -> memref<160000x8xf32, #tpu.memory_space<hbm>>
      tpu.enqueue_indirect_dma source(%dma_start3A_35 : memref<160000x8xf32, #tpu.memory_space<hbm>>) target(%dma_start3A_29 : memref<128x8xf32, #tpu.memory_space<vmem>>) offsets(%dma_start3A_32 : memref<128xi32, #tpu.memory_space<vmem>>) semaphore(%arg11 : memref<!tpu.dma_semaphore, #tpu.memory_space<semaphore_mem>>)
      %dma_start3A_36 = arith.constant 2 : i32
      %dma_start3A_37 = arith.constant 256 : i32
      %dma_start3A_38 = arith.constant 0 : i32
      %dma_start3A_39 = tpu.memref_slice %arg9[%dma_start3A_37, %dma_start3A_38] : memref<2048x8xf32, #tpu.memory_space<vmem>> -> memref<128x8xf32, #tpu.memory_space<vmem>>
      %dma_start3A_40 = arith.constant 0 : i32
      %dma_start3A_41 = tpu.memref_slice %arg7[%dma_start3A_36, %dma_start3A_40] : memref<16x128xi32, #tpu.memory_space<vmem>> -> memref<1x128xi32, #tpu.memory_space<vmem>>
      %dma_start3A_42 = tpu.memref_squeeze %dma_start3A_41 : memref<1x128xi32, #tpu.memory_space<vmem>> -> memref<128xi32, #tpu.memory_space<vmem>>
      %dma_start3A_43 = arith.constant 0 : i32
      %dma_start3A_44 = arith.constant 0 : i32
      %dma_start3A_45 = tpu.memref_slice %arg2[%dma_start3A_43, %dma_start3A_44] : memref<160000x8xf32, #tpu.memory_space<hbm>> -> memref<160000x8xf32, #tpu.memory_space<hbm>>
      tpu.enqueue_indirect_dma source(%dma_start3A_45 : memref<160000x8xf32, #tpu.memory_space<hbm>>) target(%dma_start3A_39 : memref<128x8xf32, #tpu.memory_space<vmem>>) offsets(%dma_start3A_42 : memref<128xi32, #tpu.memory_space<vmem>>) semaphore(%arg11 : memref<!tpu.dma_semaphore, #tpu.memory_space<semaphore_mem>>)
      %dma_start3A_46 = arith.constant 3 : i32
      %dma_start3A_47 = arith.constant 384 : i32
      %dma_start3A_48 = arith.constant 0 : i32
      %dma_start3A_49 = tpu.memref_slice %arg9[%dma_start3A_47, %dma_start3A_48] : memref<2048x8xf32, #tpu.memory_space<vmem>> -> memref<128x8xf32, #tpu.memory_space<vmem>>
      %dma_start3A_50 = arith.constant 0 : i32
      %dma_start3A_51 = tpu.memref_slice %arg7[%dma_start3A_46, %dma_start3A_50] : memref<16x128xi32, #tpu.memory_space<vmem>> -> memref<1x128xi32, #tpu.memory_space<vmem>>
      %dma_start3A_52 = tpu.memref_squeeze %dma_start3A_51 : memref<1x128xi32, #tpu.memory_space<vmem>> -> memref<128xi32, #tpu.memory_space<vmem>>
      %dma_start3A_53 = arith.constant 0 : i32
      %dma_start3A_54 = arith.constant 0 : i32
      %dma_start3A_55 = tpu.memref_slice %arg2[%dma_start3A_53, %dma_start3A_54] : memref<160000x8xf32, #tpu.memory_space<hbm>> -> memref<160000x8xf32, #tpu.memory_space<hbm>>
      tpu.enqueue_indirect_dma source(%dma_start3A_55 : memref<160000x8xf32, #tpu.memory_space<hbm>>) target(%dma_start3A_49 : memref<128x8xf32, #tpu.memory_space<vmem>>) offsets(%dma_start3A_52 : memref<128xi32, #tpu.memory_space<vmem>>) semaphore(%arg11 : memref<!tpu.dma_semaphore, #tpu.memory_space<semaphore_mem>>)
      %dma_start3A_56 = arith.constant 0 : i32
      %dma_start3A_57 = arith.constant 0 : i32
      %dma_start3A_58 = arith.constant 0 : i32
      %dma_start3A_59 = tpu.memref_slice %arg10[%dma_start3A_57, %dma_start3A_58] : memref<2048x8xf32, #tpu.memory_space<vmem>> -> memref<128x8xf32, #tpu.memory_space<vmem>>
      %dma_start3A_60 = arith.constant 0 : i32
      %dma_start3A_61 = tpu.memref_slice %arg8[%dma_start3A_56, %dma_start3A_60] : memref<16x128xi32, #tpu.memory_space<vmem>> -> memref<1x128xi32, #tpu.memory_space<vmem>>
      %dma_start3A_62 = tpu.memref_squeeze %dma_start3A_61 : memref<1x128xi32, #tpu.memory_space<vmem>> -> memref<128xi32, #tpu.memory_space<vmem>>
      %dma_start3A_63 = arith.constant 0 : i32
      %dma_start3A_64 = arith.constant 0 : i32
      %dma_start3A_65 = tpu.memref_slice %arg2[%dma_start3A_63, %dma_start3A_64] : memref<160000x8xf32, #tpu.memory_space<hbm>> -> memref<160000x8xf32, #tpu.memory_space<hbm>>
      tpu.enqueue_indirect_dma source(%dma_start3A_65 : memref<160000x8xf32, #tpu.memory_space<hbm>>) target(%dma_start3A_59 : memref<128x8xf32, #tpu.memory_space<vmem>>) offsets(%dma_start3A_62 : memref<128xi32, #tpu.memory_space<vmem>>) semaphore(%arg11 : memref<!tpu.dma_semaphore, #tpu.memory_space<semaphore_mem>>)
      %dma_start3A_66 = arith.constant 1 : i32
      %dma_start3A_67 = arith.constant 128 : i32
      %dma_start3A_68 = arith.constant 0 : i32
      %dma_start3A_69 = tpu.memref_slice %arg10[%dma_start3A_67, %dma_start3A_68] : memref<2048x8xf32, #tpu.memory_space<vmem>> -> memref<128x8xf32, #tpu.memory_space<vmem>>
      %dma_start3A_70 = arith.constant 0 : i32
      %dma_start3A_71 = tpu.memref_slice %arg8[%dma_start3A_66, %dma_start3A_70] : memref<16x128xi32, #tpu.memory_space<vmem>> -> memref<1x128xi32, #tpu.memory_space<vmem>>
      %dma_start3A_72 = tpu.memref_squeeze %dma_start3A_71 : memref<1x128xi32, #tpu.memory_space<vmem>> -> memref<128xi32, #tpu.memory_space<vmem>>
      %dma_start3A_73 = arith.constant 0 : i32
      %dma_start3A_74 = arith.constant 0 : i32
      %dma_start3A_75 = tpu.memref_slice %arg2[%dma_start3A_73, %dma_start3A_74] : memref<160000x8xf32, #tpu.memory_space<hbm>> -> memref<160000x8xf32, #tpu.memory_space<hbm>>
      tpu.enqueue_indirect_dma source(%dma_start3A_75 : memref<160000x8xf32, #tpu.memory_space<hbm>>) target(%dma_start3A_69 : memref<128x8xf32, #tpu.memory_space<vmem>>) offsets(%dma_start3A_72 : memref<128xi32, #tpu.memory_space<vmem>>) semaphore(%arg11 : memref<!tpu.dma_semaphore, #tpu.memory_space<semaphore_mem>>)
      %dma_start3A_76 = arith.constant 2 : i32
      %dma_start3A_77 = arith.constant 256 : i32
      %dma_start3A_78 = arith.constant 0 : i32
      %dma_start3A_79 = tpu.memref_slice %arg10[%dma_start3A_77, %dma_start3A_78] : memref<2048x8xf32, #tpu.memory_space<vmem>> -> memref<128x8xf32, #tpu.memory_space<vmem>>
      %dma_start3A_80 = arith.constant 0 : i32
      %dma_start3A_81 = tpu.memref_slice %arg8[%dma_start3A_76, %dma_start3A_80] : memref<16x128xi32, #tpu.memory_space<vmem>> -> memref<1x128xi32, #tpu.memory_space<vmem>>
      %dma_start3A_82 = tpu.memref_squeeze %dma_start3A_81 : memref<1x128xi32, #tpu.memory_space<vmem>> -> memref<128xi32, #tpu.memory_space<vmem>>
      %dma_start3A_83 = arith.constant 0 : i32
      %dma_start3A_84 = arith.constant 0 : i32
      %dma_start3A_85 = tpu.memref_slice %arg2[%dma_start3A_83, %dma_start3A_84] : memref<160000x8xf32, #tpu.memory_space<hbm>> -> memref<160000x8xf32, #tpu.memory_space<hbm>>
      tpu.enqueue_indirect_dma source(%dma_start3A_85 : memref<160000x8xf32, #tpu.memory_space<hbm>>) target(%dma_start3A_79 : memref<128x8xf32, #tpu.memory_space<vmem>>) offsets(%dma_start3A_82 : memref<128xi32, #tpu.memory_space<vmem>>) semaphore(%arg11 : memref<!tpu.dma_semaphore, #tpu.memory_space<semaphore_mem>>)
      %dma_start3A_86 = arith.constant 3 : i32
      %dma_start3A_87 = arith.constant 384 : i32
      %dma_start3A_88 = arith.constant 0 : i32
      %dma_start3A_89 = tpu.memref_slice %arg10[%dma_start3A_87, %dma_start3A_88] : memref<2048x8xf32, #tpu.memory_space<vmem>> -> memref<128x8xf32, #tpu.memory_space<vmem>>
      %dma_start3A_90 = arith.constant 0 : i32
      %dma_start3A_91 = tpu.memref_slice %arg8[%dma_start3A_86, %dma_start3A_90] : memref<16x128xi32, #tpu.memory_space<vmem>> -> memref<1x128xi32, #tpu.memory_space<vmem>>
      %dma_start3A_92 = tpu.memref_squeeze %dma_start3A_91 : memref<1x128xi32, #tpu.memory_space<vmem>> -> memref<128xi32, #tpu.memory_space<vmem>>
      %dma_start3A_93 = arith.constant 0 : i32
      %dma_start3A_94 = arith.constant 0 : i32
      %dma_start3A_95 = tpu.memref_slice %arg2[%dma_start3A_93, %dma_start3A_94] : memref<160000x8xf32, #tpu.memory_space<hbm>> -> memref<160000x8xf32, #tpu.memory_space<hbm>>
      tpu.enqueue_indirect_dma source(%dma_start3A_95 : memref<160000x8xf32, #tpu.memory_space<hbm>>) target(%dma_start3A_89 : memref<128x8xf32, #tpu.memory_space<vmem>>) offsets(%dma_start3A_92 : memref<128xi32, #tpu.memory_space<vmem>>) semaphore(%arg11 : memref<!tpu.dma_semaphore, #tpu.memory_space<semaphore_mem>>)
      %dma_wait3A = arith.constant 0 : i32
      %dma_wait3A_96 = arith.constant 0 : i32
      %dma_wait3A_97 = arith.constant 0 : i32
      %dma_wait3A_98 = tpu.memref_slice %arg9[%dma_wait3A_96, %dma_wait3A_97] : memref<2048x8xf32, #tpu.memory_space<vmem>> -> memref<128x8xf32, #tpu.memory_space<vmem>>
      %dma_wait3A_99 = arith.constant 0 : i32
      %dma_wait3A_100 = tpu.memref_slice %arg7[%dma_wait3A, %dma_wait3A_99] : memref<16x128xi32, #tpu.memory_space<vmem>> -> memref<1x128xi32, #tpu.memory_space<vmem>>
      %dma_wait3A_101 = tpu.memref_squeeze %dma_wait3A_100 : memref<1x128xi32, #tpu.memory_space<vmem>> -> memref<128xi32, #tpu.memory_space<vmem>>
      %dma_wait3A_102 = arith.constant 0 : i32
      %dma_wait3A_103 = arith.constant 0 : i32
      %dma_wait3A_104 = tpu.memref_slice %arg2[%dma_wait3A_102, %dma_wait3A_103] : memref<160000x8xf32, #tpu.memory_space<hbm>> -> memref<160000x8xf32, #tpu.memory_space<hbm>>
      tpu.wait_indirect_dma semaphore(%arg11 : memref<!tpu.dma_semaphore, #tpu.memory_space<semaphore_mem>>) src(%dma_wait3A_104 : memref<160000x8xf32, #tpu.memory_space<hbm>>) dst(%dma_wait3A_98 : memref<128x8xf32, #tpu.memory_space<vmem>>)
      %dma_wait3A_105 = arith.constant 1 : i32
      %dma_wait3A_106 = arith.constant 128 : i32
      %dma_wait3A_107 = arith.constant 0 : i32
      %dma_wait3A_108 = tpu.memref_slice %arg9[%dma_wait3A_106, %dma_wait3A_107] : memref<2048x8xf32, #tpu.memory_space<vmem>> -> memref<128x8xf32, #tpu.memory_space<vmem>>
      %dma_wait3A_109 = arith.constant 0 : i32
      %dma_wait3A_110 = tpu.memref_slice %arg7[%dma_wait3A_105, %dma_wait3A_109] : memref<16x128xi32, #tpu.memory_space<vmem>> -> memref<1x128xi32, #tpu.memory_space<vmem>>
      %dma_wait3A_111 = tpu.memref_squeeze %dma_wait3A_110 : memref<1x128xi32, #tpu.memory_space<vmem>> -> memref<128xi32, #tpu.memory_space<vmem>>
      %dma_wait3A_112 = arith.constant 0 : i32
      %dma_wait3A_113 = arith.constant 0 : i32
      %dma_wait3A_114 = tpu.memref_slice %arg2[%dma_wait3A_112, %dma_wait3A_113] : memref<160000x8xf32, #tpu.memory_space<hbm>> -> memref<160000x8xf32, #tpu.memory_space<hbm>>
      tpu.wait_indirect_dma semaphore(%arg11 : memref<!tpu.dma_semaphore, #tpu.memory_space<semaphore_mem>>) src(%dma_wait3A_114 : memref<160000x8xf32, #tpu.memory_space<hbm>>) dst(%dma_wait3A_108 : memref<128x8xf32, #tpu.memory_space<vmem>>)
      %dma_wait3A_115 = arith.constant 2 : i32
      %dma_wait3A_116 = arith.constant 256 : i32
      %dma_wait3A_117 = arith.constant 0 : i32
      %dma_wait3A_118 = tpu.memref_slice %arg9[%dma_wait3A_116, %dma_wait3A_117] : memref<2048x8xf32, #tpu.memory_space<vmem>> -> memref<128x8xf32, #tpu.memory_space<vmem>>
      %dma_wait3A_119 = arith.constant 0 : i32
      %dma_wait3A_120 = tpu.memref_slice %arg7[%dma_wait3A_115, %dma_wait3A_119] : memref<16x128xi32, #tpu.memory_space<vmem>> -> memref<1x128xi32, #tpu.memory_space<vmem>>
      %dma_wait3A_121 = tpu.memref_squeeze %dma_wait3A_120 : memref<1x128xi32, #tpu.memory_space<vmem>> -> memref<128xi32, #tpu.memory_space<vmem>>
      %dma_wait3A_122 = arith.constant 0 : i32
      %dma_wait3A_123 = arith.constant 0 : i32
      %dma_wait3A_124 = tpu.memref_slice %arg2[%dma_wait3A_122, %dma_wait3A_123] : memref<160000x8xf32, #tpu.memory_space<hbm>> -> memref<160000x8xf32, #tpu.memory_space<hbm>>
      tpu.wait_indirect_dma semaphore(%arg11 : memref<!tpu.dma_semaphore, #tpu.memory_space<semaphore_mem>>) src(%dma_wait3A_124 : memref<160000x8xf32, #tpu.memory_space<hbm>>) dst(%dma_wait3A_118 : memref<128x8xf32, #tpu.memory_space<vmem>>)
      %dma_wait3A_125 = arith.constant 3 : i32
      %dma_wait3A_126 = arith.constant 384 : i32
      %dma_wait3A_127 = arith.constant 0 : i32
      %dma_wait3A_128 = tpu.memref_slice %arg9[%dma_wait3A_126, %dma_wait3A_127] : memref<2048x8xf32, #tpu.memory_space<vmem>> -> memref<128x8xf32, #tpu.memory_space<vmem>>
      %dma_wait3A_129 = arith.constant 0 : i32
      %dma_wait3A_130 = tpu.memref_slice %arg7[%dma_wait3A_125, %dma_wait3A_129] : memref<16x128xi32, #tpu.memory_space<vmem>> -> memref<1x128xi32, #tpu.memory_space<vmem>>
      %dma_wait3A_131 = tpu.memref_squeeze %dma_wait3A_130 : memref<1x128xi32, #tpu.memory_space<vmem>> -> memref<128xi32, #tpu.memory_space<vmem>>
      %dma_wait3A_132 = arith.constant 0 : i32
      %dma_wait3A_133 = arith.constant 0 : i32
      %dma_wait3A_134 = tpu.memref_slice %arg2[%dma_wait3A_132, %dma_wait3A_133] : memref<160000x8xf32, #tpu.memory_space<hbm>> -> memref<160000x8xf32, #tpu.memory_space<hbm>>
      tpu.wait_indirect_dma semaphore(%arg11 : memref<!tpu.dma_semaphore, #tpu.memory_space<semaphore_mem>>) src(%dma_wait3A_134 : memref<160000x8xf32, #tpu.memory_space<hbm>>) dst(%dma_wait3A_128 : memref<128x8xf32, #tpu.memory_space<vmem>>)
      %dma_wait3A_135 = arith.constant 0 : i32
      %dma_wait3A_136 = arith.constant 0 : i32
      %dma_wait3A_137 = arith.constant 0 : i32
      %dma_wait3A_138 = tpu.memref_slice %arg10[%dma_wait3A_136, %dma_wait3A_137] : memref<2048x8xf32, #tpu.memory_space<vmem>> -> memref<128x8xf32, #tpu.memory_space<vmem>>
      %dma_wait3A_139 = arith.constant 0 : i32
      %dma_wait3A_140 = tpu.memref_slice %arg8[%dma_wait3A_135, %dma_wait3A_139] : memref<16x128xi32, #tpu.memory_space<vmem>> -> memref<1x128xi32, #tpu.memory_space<vmem>>
      %dma_wait3A_141 = tpu.memref_squeeze %dma_wait3A_140 : memref<1x128xi32, #tpu.memory_space<vmem>> -> memref<128xi32, #tpu.memory_space<vmem>>
      %dma_wait3A_142 = arith.constant 0 : i32
      %dma_wait3A_143 = arith.constant 0 : i32
      %dma_wait3A_144 = tpu.memref_slice %arg2[%dma_wait3A_142, %dma_wait3A_143] : memref<160000x8xf32, #tpu.memory_space<hbm>> -> memref<160000x8xf32, #tpu.memory_space<hbm>>
      tpu.wait_indirect_dma semaphore(%arg11 : memref<!tpu.dma_semaphore, #tpu.memory_space<semaphore_mem>>) src(%dma_wait3A_144 : memref<160000x8xf32, #tpu.memory_space<hbm>>) dst(%dma_wait3A_138 : memref<128x8xf32, #tpu.memory_space<vmem>>)
      %dma_wait3A_145 = arith.constant 1 : i32
      %dma_wait3A_146 = arith.constant 128 : i32
      %dma_wait3A_147 = arith.constant 0 : i32
      %dma_wait3A_148 = tpu.memref_slice %arg10[%dma_wait3A_146, %dma_wait3A_147] : memref<2048x8xf32, #tpu.memory_space<vmem>> -> memref<128x8xf32, #tpu.memory_space<vmem>>
      %dma_wait3A_149 = arith.constant 0 : i32
      %dma_wait3A_150 = tpu.memref_slice %arg8[%dma_wait3A_145, %dma_wait3A_149] : memref<16x128xi32, #tpu.memory_space<vmem>> -> memref<1x128xi32, #tpu.memory_space<vmem>>
      %dma_wait3A_151 = tpu.memref_squeeze %dma_wait3A_150 : memref<1x128xi32, #tpu.memory_space<vmem>> -> memref<128xi32, #tpu.memory_space<vmem>>
      %dma_wait3A_152 = arith.constant 0 : i32
      %dma_wait3A_153 = arith.constant 0 : i32
      %dma_wait3A_154 = tpu.memref_slice %arg2[%dma_wait3A_152, %dma_wait3A_153] : memref<160000x8xf32, #tpu.memory_space<hbm>> -> memref<160000x8xf32, #tpu.memory_space<hbm>>
      tpu.wait_indirect_dma semaphore(%arg11 : memref<!tpu.dma_semaphore, #tpu.memory_space<semaphore_mem>>) src(%dma_wait3A_154 : memref<160000x8xf32, #tpu.memory_space<hbm>>) dst(%dma_wait3A_148 : memref<128x8xf32, #tpu.memory_space<vmem>>)
      %dma_wait3A_155 = arith.constant 2 : i32
      %dma_wait3A_156 = arith.constant 256 : i32
      %dma_wait3A_157 = arith.constant 0 : i32
      %dma_wait3A_158 = tpu.memref_slice %arg10[%dma_wait3A_156, %dma_wait3A_157] : memref<2048x8xf32, #tpu.memory_space<vmem>> -> memref<128x8xf32, #tpu.memory_space<vmem>>
      %dma_wait3A_159 = arith.constant 0 : i32
      %dma_wait3A_160 = tpu.memref_slice %arg8[%dma_wait3A_155, %dma_wait3A_159] : memref<16x128xi32, #tpu.memory_space<vmem>> -> memref<1x128xi32, #tpu.memory_space<vmem>>
      %dma_wait3A_161 = tpu.memref_squeeze %dma_wait3A_160 : memref<1x128xi32, #tpu.memory_space<vmem>> -> memref<128xi32, #tpu.memory_space<vmem>>
      %dma_wait3A_162 = arith.constant 0 : i32
      %dma_wait3A_163 = arith.constant 0 : i32
      %dma_wait3A_164 = tpu.memref_slice %arg2[%dma_wait3A_162, %dma_wait3A_163] : memref<160000x8xf32, #tpu.memory_space<hbm>> -> memref<160000x8xf32, #tpu.memory_space<hbm>>
      tpu.wait_indirect_dma semaphore(%arg11 : memref<!tpu.dma_semaphore, #tpu.memory_space<semaphore_mem>>) src(%dma_wait3A_164 : memref<160000x8xf32, #tpu.memory_space<hbm>>) dst(%dma_wait3A_158 : memref<128x8xf32, #tpu.memory_space<vmem>>)
      %dma_wait3A_165 = arith.constant 3 : i32
      %dma_wait3A_166 = arith.constant 384 : i32
      %dma_wait3A_167 = arith.constant 0 : i32
      %dma_wait3A_168 = tpu.memref_slice %arg10[%dma_wait3A_166, %dma_wait3A_167] : memref<2048x8xf32, #tpu.memory_space<vmem>> -> memref<128x8xf32, #tpu.memory_space<vmem>>
      %dma_wait3A_169 = arith.constant 0 : i32
      %dma_wait3A_170 = tpu.memref_slice %arg8[%dma_wait3A_165, %dma_wait3A_169] : memref<16x128xi32, #tpu.memory_space<vmem>> -> memref<1x128xi32, #tpu.memory_space<vmem>>
      %dma_wait3A_171 = tpu.memref_squeeze %dma_wait3A_170 : memref<1x128xi32, #tpu.memory_space<vmem>> -> memref<128xi32, #tpu.memory_space<vmem>>
      %dma_wait3A_172 = arith.constant 0 : i32
      %dma_wait3A_173 = arith.constant 0 : i32
      %dma_wait3A_174 = tpu.memref_slice %arg2[%dma_wait3A_172, %dma_wait3A_173] : memref<160000x8xf32, #tpu.memory_space<hbm>> -> memref<160000x8xf32, #tpu.memory_space<hbm>>
      tpu.wait_indirect_dma semaphore(%arg11 : memref<!tpu.dma_semaphore, #tpu.memory_space<semaphore_mem>>) src(%dma_wait3A_174 : memref<160000x8xf32, #tpu.memory_space<hbm>>) dst(%dma_wait3A_168 : memref<128x8xf32, #tpu.memory_space<vmem>>)
      "tpu.region"() ({
        %run_scoped3A = tpu.sem_alloc : memref<!tpu.dma_semaphore, #tpu.memory_space<semaphore_mem>>
        %dma_start3A_175 = arith.constant 0 : i32
        %dma_start3A_176 = arith.constant 0 : i32
        %dma_start3A_177 = tpu.memref_slice %arg9[%dma_start3A_175, %dma_start3A_176] : memref<2048x8xf32, #tpu.memory_space<vmem>> -> memref<512x8xf32, #tpu.memory_space<vmem>>
        %dma_start3A_178 = arith.constant 319488 : i32
        %dma_start3A_179 = arith.constant 0 : i32
        %dma_start3A_180 = tpu.memref_slice %arg5[%dma_start3A_178, %dma_start3A_179] : memref<320000x8xf32, #tpu.memory_space<hbm>> -> memref<512x8xf32, #tpu.memory_space<hbm>>
        %dma_start3A_181 = arith.constant 319488 : i32
        %dma_start3A_182 = arith.constant 0 : i32
        %dma_start3A_183 = tpu.memref_slice %arg5[%dma_start3A_181, %dma_start3A_182] : memref<320000x8xf32, #tpu.memory_space<hbm>> -> memref<512x8xf32, #tpu.memory_space<hbm>>
        %dma_start3A_184 = arith.constant 0 : i32
        %dma_start3A_185 = arith.constant 0 : i32
        %dma_start3A_186 = tpu.memref_slice %arg9[%dma_start3A_184, %dma_start3A_185] : memref<2048x8xf32, #tpu.memory_space<vmem>> -> memref<512x8xf32, #tpu.memory_space<vmem>>
        tpu.enqueue_dma source(%dma_start3A_186 : memref<512x8xf32, #tpu.memory_space<vmem>>) target(%dma_start3A_183 : memref<512x8xf32, #tpu.memory_space<hbm>>) target_semaphore(%run_scoped3A : memref<!tpu.dma_semaphore, #tpu.memory_space<semaphore_mem>>)
        %dma_wait3A_187 = arith.constant 0 : i32
        %dma_wait3A_188 = arith.constant 0 : i32
        %dma_wait3A_189 = tpu.memref_slice %arg9[%dma_wait3A_187, %dma_wait3A_188] : memref<2048x8xf32, #tpu.memory_space<vmem>> -> memref<512x8xf32, #tpu.memory_space<vmem>>
        %dma_wait3A_190 = arith.constant 319488 : i32
        %dma_wait3A_191 = arith.constant 0 : i32
        %dma_wait3A_192 = tpu.memref_slice %arg5[%dma_wait3A_190, %dma_wait3A_191] : memref<320000x8xf32, #tpu.memory_space<hbm>> -> memref<512x8xf32, #tpu.memory_space<hbm>>
        %dma_wait3A_193 = arith.constant 319488 : i32
        %dma_wait3A_194 = arith.constant 0 : i32
        %dma_wait3A_195 = tpu.memref_slice %arg5[%dma_wait3A_193, %dma_wait3A_194] : memref<320000x8xf32, #tpu.memory_space<hbm>> -> memref<512x8xf32, #tpu.memory_space<hbm>>
        %dma_wait3A_196 = arith.constant 0 : i32
        %dma_wait3A_197 = arith.constant 0 : i32
        %dma_wait3A_198 = tpu.memref_slice %arg9[%dma_wait3A_196, %dma_wait3A_197] : memref<2048x8xf32, #tpu.memory_space<vmem>> -> memref<512x8xf32, #tpu.memory_space<vmem>>
        tpu.wait_dma2 semaphore(%run_scoped3A : memref<!tpu.dma_semaphore, #tpu.memory_space<semaphore_mem>>) src(%dma_wait3A_198 : memref<512x8xf32, #tpu.memory_space<vmem>>) dst(%dma_wait3A_195 : memref<512x8xf32, #tpu.memory_space<hbm>>)
        tpu.yield
      }) : () -> ()
      "tpu.region"() ({
        %run_scoped3A = tpu.sem_alloc : memref<!tpu.dma_semaphore, #tpu.memory_space<semaphore_mem>>
        %dma_start3A_175 = arith.constant 0 : i32
        %dma_start3A_176 = arith.constant 0 : i32
        %dma_start3A_177 = tpu.memref_slice %arg10[%dma_start3A_175, %dma_start3A_176] : memref<2048x8xf32, #tpu.memory_space<vmem>> -> memref<512x8xf32, #tpu.memory_space<vmem>>
        %dma_start3A_178 = arith.constant 319488 : i32
        %dma_start3A_179 = arith.constant 0 : i32
        %dma_start3A_180 = tpu.memref_slice %arg6[%dma_start3A_178, %dma_start3A_179] : memref<320000x8xf32, #tpu.memory_space<hbm>> -> memref<512x8xf32, #tpu.memory_space<hbm>>
        %dma_start3A_181 = arith.constant 319488 : i32
        %dma_start3A_182 = arith.constant 0 : i32
        %dma_start3A_183 = tpu.memref_slice %arg6[%dma_start3A_181, %dma_start3A_182] : memref<320000x8xf32, #tpu.memory_space<hbm>> -> memref<512x8xf32, #tpu.memory_space<hbm>>
        %dma_start3A_184 = arith.constant 0 : i32
        %dma_start3A_185 = arith.constant 0 : i32
        %dma_start3A_186 = tpu.memref_slice %arg10[%dma_start3A_184, %dma_start3A_185] : memref<2048x8xf32, #tpu.memory_space<vmem>> -> memref<512x8xf32, #tpu.memory_space<vmem>>
        tpu.enqueue_dma source(%dma_start3A_186 : memref<512x8xf32, #tpu.memory_space<vmem>>) target(%dma_start3A_183 : memref<512x8xf32, #tpu.memory_space<hbm>>) target_semaphore(%run_scoped3A : memref<!tpu.dma_semaphore, #tpu.memory_space<semaphore_mem>>)
        %dma_wait3A_187 = arith.constant 0 : i32
        %dma_wait3A_188 = arith.constant 0 : i32
        %dma_wait3A_189 = tpu.memref_slice %arg10[%dma_wait3A_187, %dma_wait3A_188] : memref<2048x8xf32, #tpu.memory_space<vmem>> -> memref<512x8xf32, #tpu.memory_space<vmem>>
        %dma_wait3A_190 = arith.constant 319488 : i32
        %dma_wait3A_191 = arith.constant 0 : i32
        %dma_wait3A_192 = tpu.memref_slice %arg6[%dma_wait3A_190, %dma_wait3A_191] : memref<320000x8xf32, #tpu.memory_space<hbm>> -> memref<512x8xf32, #tpu.memory_space<hbm>>
        %dma_wait3A_193 = arith.constant 319488 : i32
        %dma_wait3A_194 = arith.constant 0 : i32
        %dma_wait3A_195 = tpu.memref_slice %arg6[%dma_wait3A_193, %dma_wait3A_194] : memref<320000x8xf32, #tpu.memory_space<hbm>> -> memref<512x8xf32, #tpu.memory_space<hbm>>
        %dma_wait3A_196 = arith.constant 0 : i32
        %dma_wait3A_197 = arith.constant 0 : i32
        %dma_wait3A_198 = tpu.memref_slice %arg10[%dma_wait3A_196, %dma_wait3A_197] : memref<2048x8xf32, #tpu.memory_space<vmem>> -> memref<512x8xf32, #tpu.memory_space<vmem>>
        tpu.wait_dma2 semaphore(%run_scoped3A : memref<!tpu.dma_semaphore, #tpu.memory_space<semaphore_mem>>) src(%dma_wait3A_198 : memref<512x8xf32, #tpu.memory_space<vmem>>) dst(%dma_wait3A_195 : memref<512x8xf32, #tpu.memory_space<hbm>>)
        tpu.yield
      }) : () -> ()
    } else {
    }
    return
  }
}

module attributes {stable_mosaic.version = 14 : i64} {
  func.func @_mlp_block(%arg0: i32, %arg1: memref<2560x8xf32, #tpu.memory_space<vmem>>, %arg2: memref<2560x8xf32, #tpu.memory_space<vmem>>, %arg3: memref<33x64xf32, #tpu.memory_space<vmem>>, %arg4: memref<1x64xf32, #tpu.memory_space<vmem>>, %arg5: memref<64x64xf32, #tpu.memory_space<vmem>>, %arg6: memref<1x64xf32, #tpu.memory_space<vmem>>, %arg7: memref<64x64xf32, #tpu.memory_space<vmem>>, %arg8: memref<1x64xf32, #tpu.memory_space<vmem>>, %arg9: memref<64x64xf32, #tpu.memory_space<vmem>>, %arg10: memref<1x64xf32, #tpu.memory_space<vmem>>, %arg11: memref<2560x64xf32, #tpu.memory_space<vmem>>) attributes {dimension_semantics = [#tpu.dimension_semantics<arbitrary>], iteration_bounds = array<i64: 125>, scalar_prefetch = 0 : i64, scratch_operands = 0 : i64, tpu.core_type = #tpu.core_type<tc>, window_params = [{transform_indices = @transform_0, window_bounds = array<i64: 2560, 8>}, {transform_indices = @transform_1, window_bounds = array<i64: 2560, 8>}, {pipeline_mode = #tpu.pipeline_mode<synchronous>, transform_indices = @transform_2, window_bounds = array<i64: 33, 64>}, {pipeline_mode = #tpu.pipeline_mode<synchronous>, transform_indices = @transform_3, window_bounds = array<i64: 1, 64>}, {pipeline_mode = #tpu.pipeline_mode<synchronous>, transform_indices = @transform_4, window_bounds = array<i64: 64, 64>}, {pipeline_mode = #tpu.pipeline_mode<synchronous>, transform_indices = @transform_5, window_bounds = array<i64: 1, 64>}, {pipeline_mode = #tpu.pipeline_mode<synchronous>, transform_indices = @transform_6, window_bounds = array<i64: 64, 64>}, {pipeline_mode = #tpu.pipeline_mode<synchronous>, transform_indices = @transform_7, window_bounds = array<i64: 1, 64>}, {pipeline_mode = #tpu.pipeline_mode<synchronous>, transform_indices = @transform_8, window_bounds = array<i64: 64, 64>}, {pipeline_mode = #tpu.pipeline_mode<synchronous>, transform_indices = @transform_9, window_bounds = array<i64: 1, 64>}, {transform_indices = @transform_10, window_bounds = array<i64: 2560, 64>}]} {
    %get3A = arith.constant 0 : index
    %get3A_0 = arith.constant 0 : index
    %get3A_1 = vector.load %arg1[%get3A, %get3A_0] : memref<2560x8xf32, #tpu.memory_space<vmem>>, vector<2560x8xf32>
    %get3A_2 = arith.constant 0 : index
    %get3A_3 = arith.constant 0 : index
    %get3A_4 = vector.load %arg2[%get3A_2, %get3A_3] : memref<2560x8xf32, #tpu.memory_space<vmem>>, vector<2560x8xf32>
    %slice3A = vector.extract_strided_slice %get3A_1 {offsets = [0, 0], sizes = [2560, 4], strides = [1, 1]} : vector<2560x8xf32> to vector<2560x4xf32>
    %slice3A_5 = vector.extract_strided_slice %get3A_4 {offsets = [0, 0], sizes = [2560, 4], strides = [1, 1]} : vector<2560x8xf32> to vector<2560x4xf32>
    %mul3A = arith.mulf %slice3A, %slice3A_5 : vector<2560x4xf32>
    %reduce_sum3A = arith.constant dense<0.000000e+00> : vector<2560xf32>
    %reduce_sum3A_6 = vector.multi_reduction <add>, %mul3A, %reduce_sum3A [1] : vector<2560x4xf32> to vector<2560xf32>
    %broadcast_in_dim3A = vector.shape_cast %reduce_sum3A_6 : vector<2560xf32> to vector<2560x1xf32>
    %slice3A_7 = vector.extract_strided_slice %get3A_1 {offsets = [0, 4], sizes = [2560, 1], strides = [1, 1]} : vector<2560x8xf32> to vector<2560x1xf32>
    %slice3A_8 = vector.extract_strided_slice %get3A_4 {offsets = [0, 4], sizes = [2560, 1], strides = [1, 1]} : vector<2560x8xf32> to vector<2560x1xf32>
    %get3A_9 = arith.constant 0 : index
    %get3A_10 = arith.constant 0 : index
    %get3A_11 = vector.load %arg3[%get3A_9, %get3A_10] : memref<33x64xf32, #tpu.memory_space<vmem>>, vector<33x64xf32>
    %slice3A_12 = vector.extract_strided_slice %get3A_11 {offsets = [0, 0], sizes = [1, 64], strides = [1, 1]} : vector<33x64xf32> to vector<1x64xf32>
    %slice3A_13 = vector.extract_strided_slice %get3A_11 {offsets = [1, 0], sizes = [16, 64], strides = [1, 1]} : vector<33x64xf32> to vector<16x64xf32>
    %slice3A_14 = vector.extract_strided_slice %get3A_11 {offsets = [17, 0], sizes = [16, 64], strides = [1, 1]} : vector<33x64xf32> to vector<16x64xf32>
    %get3A_15 = arith.constant 0 : index
    %get3A_16 = arith.constant 0 : index
    %get3A_17 = vector.load %arg4[%get3A_15, %get3A_16] : memref<1x64xf32, #tpu.memory_space<vmem>>, vector<1x64xf32>
    %iota3A = tpu.iota {dimensions = array<i32: 0>} : vector<256x16xi32>
    %jit3A = arith.constant 16 : i32
    %div3A = vector.broadcast %jit3A : i32 to vector<256x16xi32>
    %div3A_18 = arith.divsi %iota3A, %div3A : vector<256x16xi32>
    %sign3A = arith.constant 0 : i32
    %sign3A_19 = vector.broadcast %sign3A : i32 to vector<256x16xi32>
    %sign3A_20 = arith.cmpi sgt, %iota3A, %sign3A_19 : vector<256x16xi32>
    %sign3A_21 = arith.extui %sign3A_20 : vector<256x16xi1> to vector<256x16xi32>
    %sign3A_22 = arith.constant 0 : i32
    %sign3A_23 = vector.broadcast %sign3A_22 : i32 to vector<256x16xi32>
    %sign3A_24 = arith.cmpi slt, %iota3A, %sign3A_23 : vector<256x16xi32>
    %sign3A_25 = arith.extui %sign3A_24 : vector<256x16xi1> to vector<256x16xi32>
    %sign3A_26 = arith.subi %sign3A_21, %sign3A_25 : vector<256x16xi32>
    %sign3A_27 = arith.constant 0 : i32
    %sign3A_28 = arith.cmpi sgt, %jit3A, %sign3A_27 : i32
    %sign3A_29 = arith.extui %sign3A_28 : i1 to i32
    %sign3A_30 = arith.constant 0 : i32
    %sign3A_31 = arith.cmpi slt, %jit3A, %sign3A_30 : i32
    %sign3A_32 = arith.extui %sign3A_31 : i1 to i32
    %sign3A_33 = arith.subi %sign3A_29, %sign3A_32 : i32
    %ne3A = vector.broadcast %sign3A_33 : i32 to vector<256x16xi32>
    %ne3A_34 = arith.cmpi ne, %sign3A_26, %ne3A : vector<256x16xi32>
    %rem3A = vector.broadcast %jit3A : i32 to vector<256x16xi32>
    %rem3A_35 = arith.remsi %iota3A, %rem3A : vector<256x16xi32>
    %ne3A_36 = arith.constant 0 : i32
    %ne3A_37 = vector.broadcast %ne3A_36 : i32 to vector<256x16xi32>
    %ne3A_38 = arith.cmpi ne, %rem3A_35, %ne3A_37 : vector<256x16xi32>
    %and3A = arith.andi %ne3A_34, %ne3A_38 : vector<256x16xi1>
    %sub3A = arith.constant 1 : i32
    %sub3A_39 = vector.broadcast %sub3A : i32 to vector<256x16xi32>
    %sub3A_40 = arith.subi %div3A_18, %sub3A_39 : vector<256x16xi32>
    %select_n3A = arith.select %and3A, %sub3A_40, %div3A_18 : vector<256x16xi1>, vector<256x16xi32>
    %iota3A_41 = tpu.iota {dimensions = array<i32: 1>} : vector<256x16xi32>
    %eq3A = arith.cmpi eq, %select_n3A, %iota3A_41 : vector<256x16xi32>
    %convert_element_type3A = arith.extui %eq3A : vector<256x16xi1> to vector<256x16xi32>
    %convert_element_type3A_42 = arith.sitofp %convert_element_type3A : vector<256x16xi32> to vector<256x16xf32>
    %jit3A_43 = arith.constant 16 : i32
    %eq3A_44 = arith.constant 0 : i32
    %eq3A_45 = arith.cmpi eq, %jit3A_43, %eq3A_44 : i32
    %jit3A_46 = arith.constant 1 : i32
    %select_n3A_47 = arith.select %eq3A_45, %jit3A_46, %jit3A_43 : i32
    %rem3A_48 = vector.broadcast %select_n3A_47 : i32 to vector<256x16xi32>
    %rem3A_49 = arith.remsi %iota3A, %rem3A_48 : vector<256x16xi32>
    %ne3A_50 = arith.constant 0 : i32
    %ne3A_51 = vector.broadcast %ne3A_50 : i32 to vector<256x16xi32>
    %ne3A_52 = arith.cmpi ne, %rem3A_49, %ne3A_51 : vector<256x16xi32>
    %lt3A = arith.constant 0 : i32
    %lt3A_53 = vector.broadcast %lt3A : i32 to vector<256x16xi32>
    %lt3A_54 = arith.cmpi slt, %rem3A_49, %lt3A_53 : vector<256x16xi32>
    %lt3A_55 = arith.constant 0 : i32
    %lt3A_56 = arith.cmpi slt, %select_n3A_47, %lt3A_55 : i32
    %ne3A_57 = vector.broadcast %lt3A_56 : i1 to vector<256x16xi1>
    %ne3A_58 = vector.broadcast %ne3A_57 : vector<256x16xi1> to vector<256x16xi1>
    %ne3A_59 = arith.xori %lt3A_54, %ne3A_58 : vector<256x16xi1>
    %and3A_60 = arith.andi %ne3A_59, %ne3A_52 : vector<256x16xi1>
    %add3A = vector.broadcast %select_n3A_47 : i32 to vector<256x16xi32>
    %add3A_61 = arith.addi %rem3A_49, %add3A : vector<256x16xi32>
    %select_n3A_62 = arith.select %and3A_60, %add3A_61, %rem3A_49 : vector<256x16xi1>, vector<256x16xi32>
    %iota3A_63 = tpu.iota {dimensions = array<i32: 1>} : vector<256x16xi32>
    %eq3A_64 = arith.cmpi eq, %select_n3A_62, %iota3A_63 : vector<256x16xi32>
    %convert_element_type3A_65 = arith.extui %eq3A_64 : vector<256x16xi1> to vector<256x16xi32>
    %convert_element_type3A_66 = arith.sitofp %convert_element_type3A_65 : vector<256x16xi32> to vector<256x16xf32>
    %dot_general3A = arith.constant dense<0.000000e+00> : vector<256x64xf32>
    %dot_general3A_67 = tpu.matmul %convert_element_type3A_42, %slice3A_13, %dot_general3A {dimension_numbers = #tpu.dot_dimension_numbers<[1], [0], [0], [1], [0, 0, 1, 1], [], []>, transpose_lhs_hint = false} : vector<256x16xf32>, vector<16x64xf32>, vector<256x64xf32> -> vector<256x64xf32>
    %dot_general3A_68 = arith.constant dense<0.000000e+00> : vector<256x64xf32>
    %dot_general3A_69 = tpu.matmul %convert_element_type3A_42, %slice3A_14, %dot_general3A_68 {dimension_numbers = #tpu.dot_dimension_numbers<[1], [0], [0], [1], [0, 0, 1, 1], [], []>, transpose_lhs_hint = false} : vector<256x16xf32>, vector<16x64xf32>, vector<256x64xf32> -> vector<256x64xf32>
    %dot_general3A_70 = arith.constant dense<0.000000e+00> : vector<256x64xf32>
    %dot_general3A_71 = tpu.matmul %convert_element_type3A_66, %slice3A_13, %dot_general3A_70 {dimension_numbers = #tpu.dot_dimension_numbers<[1], [0], [0], [1], [0, 0, 1, 1], [], []>, transpose_lhs_hint = false} : vector<256x16xf32>, vector<16x64xf32>, vector<256x64xf32> -> vector<256x64xf32>
    %dot_general3A_72 = arith.constant dense<0.000000e+00> : vector<256x64xf32>
    %dot_general3A_73 = tpu.matmul %convert_element_type3A_66, %slice3A_14, %dot_general3A_72 {dimension_numbers = #tpu.dot_dimension_numbers<[1], [0], [0], [1], [0, 0, 1, 1], [], []>, transpose_lhs_hint = false} : vector<256x16xf32>, vector<16x64xf32>, vector<256x64xf32> -> vector<256x64xf32>
    %add3A_74 = arith.addf %dot_general3A_67, %dot_general3A_73 : vector<256x64xf32>
    %add3A_75 = vector.broadcast %get3A_17 : vector<1x64xf32> to vector<256x64xf32>
    %add3A_76 = arith.addf %add3A_74, %add3A_75 : vector<256x64xf32>
    %add3A_77 = arith.addf %dot_general3A_69, %dot_general3A_71 : vector<256x64xf32>
    %add3A_78 = vector.broadcast %get3A_17 : vector<1x64xf32> to vector<256x64xf32>
    %add3A_79 = arith.addf %add3A_77, %add3A_78 : vector<256x64xf32>
    %concatenate3A = tpu.concatenate %add3A_76, %add3A_79 in 1 : vector<256x64xf32>, vector<256x64xf32> -> vector<256x128xf32>
    %mul3A_80 = arith.constant 1.600000e+01 : f32
    %mul3A_81 = vector.broadcast %mul3A_80 : f32 to vector<2560x1xf32>
    %mul3A_82 = arith.mulf %slice3A_7, %mul3A_81 : vector<2560x1xf32>
    %add3A_83 = arith.addf %mul3A_82, %slice3A_8 : vector<2560x1xf32>
    %convert_element_type3A_84 = arith.fptosi %add3A_83 : vector<2560x1xf32> to vector<2560x1xi32>
    %iota3A_85 = tpu.iota {dimensions = array<i32: 1>} : vector<2560x256xi32>
    %eq3A_86 = vector.broadcast %convert_element_type3A_84 : vector<2560x1xi32> to vector<2560x256xi32>
    %eq3A_87 = arith.cmpi eq, %eq3A_86, %iota3A_85 : vector<2560x256xi32>
    %convert_element_type3A_88 = arith.extui %eq3A_87 : vector<2560x256xi1> to vector<2560x256xi32>
    %convert_element_type3A_89 = arith.sitofp %convert_element_type3A_88 : vector<2560x256xi32> to vector<2560x256xf32>
    %concatenate3A_90 = tpu.concatenate %slice3A_12, %slice3A_12 in 1 : vector<1x64xf32>, vector<1x64xf32> -> vector<1x128xf32>
    %dot_general3A_91 = arith.constant dense<0.000000e+00> : vector<2560x128xf32>
    %dot_general3A_92 = tpu.matmul %convert_element_type3A_89, %concatenate3A, %dot_general3A_91 {dimension_numbers = #tpu.dot_dimension_numbers<[1], [0], [0], [1], [0, 0, 1, 1], [], []>, transpose_lhs_hint = false} : vector<2560x256xf32>, vector<256x128xf32>, vector<2560x128xf32> -> vector<2560x128xf32>
    %mul3A_93 = vector.broadcast %broadcast_in_dim3A : vector<2560x1xf32> to vector<2560x128xf32>
    %mul3A_94 = vector.broadcast %concatenate3A_90 : vector<1x128xf32> to vector<2560x128xf32>
    %mul3A_95 = arith.mulf %mul3A_93, %mul3A_94 : vector<2560x128xf32>
    %add3A_96 = arith.addf %dot_general3A_92, %mul3A_95 : vector<2560x128xf32>
    %logistic3A = arith.negf %add3A_96 : vector<2560x128xf32>
    %logistic3A_97 = math.exp %logistic3A : vector<2560x128xf32>
    %logistic3A_98 = arith.constant 1.000000e+00 : f32
    %logistic3A_99 = vector.broadcast %logistic3A_98 : f32 to vector<2560x128xf32>
    %logistic3A_100 = arith.addf %logistic3A_99, %logistic3A_97 : vector<2560x128xf32>
    %logistic3A_101 = arith.divf %logistic3A_99, %logistic3A_100 : vector<2560x128xf32>
    %mul3A_102 = arith.mulf %add3A_96, %logistic3A_101 : vector<2560x128xf32>
    %broadcast_in_dim3A_103 = arith.constant 0.000000e+00 : f32
    %broadcast_in_dim3A_104 = vector.broadcast %broadcast_in_dim3A_103 : f32 to vector<64x64xf32>
    %get3A_105 = arith.constant 0 : index
    %get3A_106 = arith.constant 0 : index
    %get3A_107 = vector.load %arg5[%get3A_105, %get3A_106] : memref<64x64xf32, #tpu.memory_space<vmem>>, vector<64x64xf32>
    %get3A_108 = arith.constant 0 : index
    %get3A_109 = arith.constant 0 : index
    %get3A_110 = vector.load %arg6[%get3A_108, %get3A_109] : memref<1x64xf32, #tpu.memory_space<vmem>>, vector<1x64xf32>
    %concatenate3A_111 = tpu.concatenate %get3A_107, %broadcast_in_dim3A_104 in 1 : vector<64x64xf32>, vector<64x64xf32> -> vector<64x128xf32>
    %concatenate3A_112 = tpu.concatenate %broadcast_in_dim3A_104, %get3A_107 in 1 : vector<64x64xf32>, vector<64x64xf32> -> vector<64x128xf32>
    %concatenate3A_113 = tpu.concatenate %concatenate3A_111, %concatenate3A_112 in 0 : vector<64x128xf32>, vector<64x128xf32> -> vector<128x128xf32>
    %concatenate3A_114 = tpu.concatenate %get3A_110, %get3A_110 in 1 : vector<1x64xf32>, vector<1x64xf32> -> vector<1x128xf32>
    %dot_general3A_115 = arith.constant dense<0.000000e+00> : vector<2560x128xf32>
    %dot_general3A_116 = tpu.matmul %mul3A_102, %concatenate3A_113, %dot_general3A_115 {dimension_numbers = #tpu.dot_dimension_numbers<[1], [0], [0], [1], [0, 0, 1, 1], [], []>, transpose_lhs_hint = false} : vector<2560x128xf32>, vector<128x128xf32>, vector<2560x128xf32> -> vector<2560x128xf32>
    %add3A_117 = vector.broadcast %concatenate3A_114 : vector<1x128xf32> to vector<2560x128xf32>
    %add3A_118 = arith.addf %dot_general3A_116, %add3A_117 : vector<2560x128xf32>
    %logistic3A_119 = arith.negf %add3A_118 : vector<2560x128xf32>
    %logistic3A_120 = math.exp %logistic3A_119 : vector<2560x128xf32>
    %logistic3A_121 = arith.constant 1.000000e+00 : f32
    %logistic3A_122 = vector.broadcast %logistic3A_121 : f32 to vector<2560x128xf32>
    %logistic3A_123 = arith.addf %logistic3A_122, %logistic3A_120 : vector<2560x128xf32>
    %logistic3A_124 = arith.divf %logistic3A_122, %logistic3A_123 : vector<2560x128xf32>
    %mul3A_125 = arith.mulf %add3A_118, %logistic3A_124 : vector<2560x128xf32>
    %get3A_126 = arith.constant 0 : index
    %get3A_127 = arith.constant 0 : index
    %get3A_128 = vector.load %arg7[%get3A_126, %get3A_127] : memref<64x64xf32, #tpu.memory_space<vmem>>, vector<64x64xf32>
    %get3A_129 = arith.constant 0 : index
    %get3A_130 = arith.constant 0 : index
    %get3A_131 = vector.load %arg8[%get3A_129, %get3A_130] : memref<1x64xf32, #tpu.memory_space<vmem>>, vector<1x64xf32>
    %concatenate3A_132 = tpu.concatenate %get3A_128, %broadcast_in_dim3A_104 in 1 : vector<64x64xf32>, vector<64x64xf32> -> vector<64x128xf32>
    %concatenate3A_133 = tpu.concatenate %broadcast_in_dim3A_104, %get3A_128 in 1 : vector<64x64xf32>, vector<64x64xf32> -> vector<64x128xf32>
    %concatenate3A_134 = tpu.concatenate %concatenate3A_132, %concatenate3A_133 in 0 : vector<64x128xf32>, vector<64x128xf32> -> vector<128x128xf32>
    %concatenate3A_135 = tpu.concatenate %get3A_131, %get3A_131 in 1 : vector<1x64xf32>, vector<1x64xf32> -> vector<1x128xf32>
    %dot_general3A_136 = arith.constant dense<0.000000e+00> : vector<2560x128xf32>
    %dot_general3A_137 = tpu.matmul %mul3A_125, %concatenate3A_134, %dot_general3A_136 {dimension_numbers = #tpu.dot_dimension_numbers<[1], [0], [0], [1], [0, 0, 1, 1], [], []>, transpose_lhs_hint = false} : vector<2560x128xf32>, vector<128x128xf32>, vector<2560x128xf32> -> vector<2560x128xf32>
    %add3A_138 = vector.broadcast %concatenate3A_135 : vector<1x128xf32> to vector<2560x128xf32>
    %add3A_139 = arith.addf %dot_general3A_137, %add3A_138 : vector<2560x128xf32>
    %logistic3A_140 = arith.negf %add3A_139 : vector<2560x128xf32>
    %logistic3A_141 = math.exp %logistic3A_140 : vector<2560x128xf32>
    %logistic3A_142 = arith.constant 1.000000e+00 : f32
    %logistic3A_143 = vector.broadcast %logistic3A_142 : f32 to vector<2560x128xf32>
    %logistic3A_144 = arith.addf %logistic3A_143, %logistic3A_141 : vector<2560x128xf32>
    %logistic3A_145 = arith.divf %logistic3A_143, %logistic3A_144 : vector<2560x128xf32>
    %mul3A_146 = arith.mulf %add3A_139, %logistic3A_145 : vector<2560x128xf32>
    %get3A_147 = arith.constant 0 : index
    %get3A_148 = arith.constant 0 : index
    %get3A_149 = vector.load %arg9[%get3A_147, %get3A_148] : memref<64x64xf32, #tpu.memory_space<vmem>>, vector<64x64xf32>
    %get3A_150 = arith.constant 0 : index
    %get3A_151 = arith.constant 0 : index
    %get3A_152 = vector.load %arg9[%get3A_150, %get3A_151] : memref<64x64xf32, #tpu.memory_space<vmem>>, vector<64x64xf32>
    %concatenate3A_153 = tpu.concatenate %get3A_149, %get3A_152 in 0 : vector<64x64xf32>, vector<64x64xf32> -> vector<128x64xf32>
    %dot_general3A_154 = arith.constant dense<0.000000e+00> : vector<2560x64xf32>
    %dot_general3A_155 = tpu.matmul %mul3A_146, %concatenate3A_153, %dot_general3A_154 {dimension_numbers = #tpu.dot_dimension_numbers<[1], [0], [0], [1], [0, 0, 1, 1], [], []>, transpose_lhs_hint = false} : vector<2560x128xf32>, vector<128x64xf32>, vector<2560x64xf32> -> vector<2560x64xf32>
    %get3A_156 = arith.constant 0 : index
    %get3A_157 = arith.constant 0 : index
    %get3A_158 = vector.load %arg10[%get3A_156, %get3A_157] : memref<1x64xf32, #tpu.memory_space<vmem>>, vector<1x64xf32>
    %mul3A_159 = arith.constant 2.000000e+00 : f32
    %mul3A_160 = vector.broadcast %mul3A_159 : f32 to vector<1x64xf32>
    %mul3A_161 = arith.mulf %mul3A_160, %get3A_158 : vector<1x64xf32>
    %add3A_162 = vector.broadcast %mul3A_161 : vector<1x64xf32> to vector<2560x64xf32>
    %add3A_163 = arith.addf %dot_general3A_155, %add3A_162 : vector<2560x64xf32>
    %mul3A_164 = vector.broadcast %broadcast_in_dim3A : vector<2560x1xf32> to vector<2560x64xf32>
    %mul3A_165 = arith.mulf %add3A_163, %mul3A_164 : vector<2560x64xf32>
    %swap3A = arith.constant 0 : index
    %swap3A_166 = arith.constant 0 : index
    %swap3A_167 = vector.load %arg11[%swap3A, %swap3A_166] : memref<2560x64xf32, #tpu.memory_space<vmem>>, vector<2560x64xf32>
    tpu.vector_store %arg11[%swap3A, %swap3A_166], %mul3A_165 {strides = array<i32>} : memref<2560x64xf32, #tpu.memory_space<vmem>>, vector<2560x64xf32>,
    return
  }
  func.func @transform_0(%arg0: i32) -> (i32, i32) {
    %c0_i32 = arith.constant 0 : i32
    %c0_i32_0 = arith.constant 0 : i32
    return %arg0, %c0_i32 : i32, i32
  }
  func.func @transform_1(%arg0: i32) -> (i32, i32) {
    %c0_i32 = arith.constant 0 : i32
    %c0_i32_0 = arith.constant 0 : i32
    return %arg0, %c0_i32 : i32, i32
  }
  func.func @transform_2(%arg0: i32) -> (i32, i32) {
    %c0_i32 = arith.constant 0 : i32
    %c0_i32_0 = arith.constant 0 : i32
    %c0_i32_1 = arith.constant 0 : i32
    return %c0_i32, %c0_i32_0 : i32, i32
  }
  func.func @transform_3(%arg0: i32) -> (i32, i32) {
    %c0_i32 = arith.constant 0 : i32
    %c0_i32_0 = arith.constant 0 : i32
    %c0_i32_1 = arith.constant 0 : i32
    return %c0_i32, %c0_i32_0 : i32, i32
  }
  func.func @transform_4(%arg0: i32) -> (i32, i32) {
    %c0_i32 = arith.constant 0 : i32
    %c0_i32_0 = arith.constant 0 : i32
    %c0_i32_1 = arith.constant 0 : i32
    return %c0_i32, %c0_i32_0 : i32, i32
  }
  func.func @transform_5(%arg0: i32) -> (i32, i32) {
    %c0_i32 = arith.constant 0 : i32
    %c0_i32_0 = arith.constant 0 : i32
    %c0_i32_1 = arith.constant 0 : i32
    return %c0_i32, %c0_i32_0 : i32, i32
  }
  func.func @transform_6(%arg0: i32) -> (i32, i32) {
    %c0_i32 = arith.constant 0 : i32
    %c0_i32_0 = arith.constant 0 : i32
    %c0_i32_1 = arith.constant 0 : i32
    return %c0_i32, %c0_i32_0 : i32, i32
  }
  func.func @transform_7(%arg0: i32) -> (i32, i32) {
    %c0_i32 = arith.constant 0 : i32
    %c0_i32_0 = arith.constant 0 : i32
    %c0_i32_1 = arith.constant 0 : i32
    return %c0_i32, %c0_i32_0 : i32, i32
  }
  func.func @transform_8(%arg0: i32) -> (i32, i32) {
    %c0_i32 = arith.constant 0 : i32
    %c0_i32_0 = arith.constant 0 : i32
    %c0_i32_1 = arith.constant 0 : i32
    return %c0_i32, %c0_i32_0 : i32, i32
  }
  func.func @transform_9(%arg0: i32) -> (i32, i32) {
    %c0_i32 = arith.constant 0 : i32
    %c0_i32_0 = arith.constant 0 : i32
    %c0_i32_1 = arith.constant 0 : i32
    return %c0_i32, %c0_i32_0 : i32, i32
  }
  func.func @transform_10(%arg0: i32) -> (i32, i32) {
    %c0_i32 = arith.constant 0 : i32
    %c0_i32_0 = arith.constant 0 : i32
    return %arg0, %c0_i32 : i32, i32
  }
}

module attributes {stable_mosaic.version = 14 : i64} {
  func.func @_sum_block(%arg0: i32, %arg1: memref<2x2000x64xf32, #tpu.memory_space<vmem>>, %arg2: memref<2000x64xf32, #tpu.memory_space<vmem>>) attributes {dimension_semantics = [#tpu.dimension_semantics<arbitrary>], iteration_bounds = array<i64: 5>, scalar_prefetch = 0 : i64, scratch_operands = 0 : i64, tpu.core_type = #tpu.core_type<tc>, window_params = [{transform_indices = @transform_0, window_bounds = array<i64: 2, 2000, 64>}, {transform_indices = @transform_1, window_bounds = array<i64: 2000, 64>}]} {
    %get3A = arith.constant 0 : index
    %get3A_0 = arith.constant 0 : index
    %get3A_1 = arith.constant 0 : index
    %get3A_2 = vector.load %arg1[%get3A, %get3A_0, %get3A_1] : memref<2x2000x64xf32, #tpu.memory_space<vmem>>, vector<1x2000x64xf32>
    %get3A_3 = vector.shape_cast %get3A_2 : vector<1x2000x64xf32> to vector<2000x64xf32>
    %get3A_4 = arith.constant 1 : index
    %get3A_5 = arith.constant 0 : index
    %get3A_6 = arith.constant 0 : index
    %get3A_7 = vector.load %arg1[%get3A_4, %get3A_5, %get3A_6] : memref<2x2000x64xf32, #tpu.memory_space<vmem>>, vector<1x2000x64xf32>
    %get3A_8 = vector.shape_cast %get3A_7 : vector<1x2000x64xf32> to vector<2000x64xf32>
    %add3A = arith.addf %get3A_3, %get3A_8 : vector<2000x64xf32>
    %swap3A = arith.constant 0 : index
    %swap3A_9 = arith.constant 0 : index
    %swap3A_10 = vector.load %arg2[%swap3A, %swap3A_9] : memref<2000x64xf32, #tpu.memory_space<vmem>>, vector<2000x64xf32>
    tpu.vector_store %arg2[%swap3A, %swap3A_9], %add3A {strides = array<i32>} : memref<2000x64xf32, #tpu.memory_space<vmem>>, vector<2000x64xf32>,
    return
  }
  func.func @transform_0(%arg0: i32) -> (i32, i32, i32) {
    %c0_i32 = arith.constant 0 : i32
    %c0_i32_0 = arith.constant 0 : i32
    %c0_i32_1 = arith.constant 0 : i32
    return %c0_i32, %arg0, %c0_i32_0 : i32, i32, i32
  }
  func.func @transform_1(%arg0: i32) -> (i32, i32) {
    %c0_i32 = arith.constant 0 : i32
    %c0_i32_0 = arith.constant 0 : i32
    return %arg0, %c0_i32 : i32, i32
  }
}

</mosaic_0001>

<sc_bundles>
// kernel: kernel.10.cloned.1.call-start
scs
__scs_entry_jumppad:
0x0: {  	(pc) =	sbr.rel $0x88, $3  }
0x1: {  	(tag) =	ssettag $0x0;
	lr =	simm.s32 $0x1  }
0x2: {  	[smem:$0x3F91] =	sst lr;
	_ =	strace $0xD0000000  }
0x3: {  	_ = 	snop  }
0x4: {  	_ = 	snop  }
0x5: {  	_ = 	snop  }
0x6: {  	_ = 	snop  }
0x7: {  	_ = 	snop  }
__scs_overlays_trampoline_lowered:
0x8: {  	[smem:$0x3FA0] =	sst s0  }
0x9: {  	[smem:$0x3FA1] =	sst s1  }
0xa: {  	[smem:$0x3FA2] =	sst s2  }
0xb: {  	[smem:$0x3FA3] =	sst s3  }
0xc: {  	[smem:$0x3FA4] =	sst s4  }
0xd: {  	[smem:$0x3FA5] =	sst s5  }
0xe: {  	[smem:$0x3FA6] =	sst s6  }
0xf: {  	[smem:$0x3FA7] =	sst s7  }
0x10: {  	[smem:$0x3FA8] =	sst s8  }
0x11: {  	[smem:$0x3FA9] =	sst s9;
	s0 =	simm.s32 @!p0 $0x0  }
0x12: {  	s1 =	sld [smem:$0x3F8F];
	s0 =	simm.s32 @p0 $0x1  }
0x13: {  	[smem:$0x3FAA] =	sst s0;
	s0 =	simm.s32 @!p1 $0x0  }
0x14: {  	s2 =	sld [smem:$0x3F8E];
	s0 =	simm.s32 @p1 $0x1  }
0x15: {  	[smem:$0x3FAB] =	sst s0;
	s0 =	simm.s32 @!p2 $0x0  }
0x16: {  	s3 =	sld [smem:$0x3FDB];
	s0 =	simm.s32 @p2 $0x1  }
0x17: {  	s4 =	simm.s32 $0x1BF5;
	[smem:$0x3FAD] =	sst s0  }
0x18: {  	s0 =	sld [smem:$0x3F90];
	_ =	swait.ge [sflag:s4], $0x0  }
0x19: {  	s7 =	sld [smem:$0x3F91]  }
0x1a: {  	s8 =	sadd.s32 $0xFFFFE003, lr  }
0x1b: {  	s9 =	sadd.s32 $0xFFFFFEF7, lr;
	s5 =	simm.s32 $0xFFFFFFFF;
	p2 =	slt.u32 s8, $0xFFFFF086  }
0x1c: {  	p1 =	slt.u32 s9, $0xF7A;
	s5 =	simm.s32 @!p2 $0x0  }
0x1d: {  	s5 =	simm.s32 @p1 $0x1;
	p0 =	seq.s32 s7, s2  }
0x1e: {  	s7 =	smul.u32 @!p0 $0xF7A, s2;
	p2 =	seq.s32 @!p0 s5, $0x0  }
0x1f: {  	s9 =	smul.u32 $0xF7A, s1;
	s8 =	simm.s32 @!p0 $0x1BF5;
	p2 =	por !p2, p0  }
0x20: {  	[sflag:s8] =	ssyncset.s32 @!p0 $0xFFFFF086;
	s6 =	sadd.s32 @!p0 s3, s7;
	s7 =	simm.s32 @!p0 $0x108  }
0x21: {  	s3 =	sadd.s32 s3, s9;
	s6 =	sadd.s32 @!p0 $0x88, s6;
	s7 =	simm.s32 @p2 $0x1082  }
0x22: {  	[simem:s7], [sflag:s8] =	dma.local @!p0 [hbm:s6], $0xF7A  }
0x23: {  	s9 =	sor.u32 $0xD0000000, s2;
	s6 =	simm.s32 $0x108;
	_ =	swait.ge @!p0 [sflag:s8], $0x0  }
0x24: {  	s3 =	sadd.s32 $0x88, s3;
	s6 =	simm.s32 @!p1 $0x1082;
	[sflag:s4] =	ssyncset.s32 $0xFFFFF086  }
0x25: {  	[simem:s6], [sflag:s4] =	dma.local [hbm:s3], $0xF7A  }
0x26: {  	[smem:$0x3F91] =	sst s1;
	(tag) =	ssettag s2;
	_ =	strace s9  }
0x27: {  	s1 =	sld [smem:$0x3FA1]  }
0x28: {  	s2 =	sld [smem:$0x3FA2]  }
0x29: {  	s4 =	sld [smem:$0x3FA4]  }
0x2a: {  	p0 =	seq.s32 s5, $0x0;
	s5 =	sld [smem:$0x3FA5]  }
0x2b: {  	s6 =	sld [smem:$0x3FA6]  }
0x2c: {  	s7 =	sld [smem:$0x3FA7]  }
0x2d: {  	s3 =	simm.s32 $0x108;
	s8 =	sld [smem:$0x3FA8]  }
0x2e: {  	s3 =	simm.s32 @!p0 $0x1082;
	s9 =	sld [smem:$0x3FA9]  }
0x2f: {  	lr =	sadd.s32 s0, s3;
	s0 =	sld [smem:$0x3FA0]  }
0x30: {  	s3 =	sld [smem:$0x3FA3]  }
0x31: {  	[smem:$0x3FAC] =	sst s10  }
0x32: {  	s10 =	sld [smem:$0x3FAA];
	_ =	sdelay $0x3  }
0x33: {  	p0 =	seq.s32 s10, $0x1;
	s10 =	sld [smem:$0x3FAC];
	_ =	sdelay $0x3  }
0x34: {  	[smem:$0x3FAC] =	sst s10  }
0x35: {  	s10 =	sld [smem:$0x3FAB];
	_ =	sdelay $0x3  }
0x36: {  	p1 =	seq.s32 s10, $0x1;
	s10 =	sld [smem:$0x3FAC];
	_ =	sdelay $0x3  }
0x37: {  	[smem:$0x3FAC] =	sst s10  }
0x38: {  	s10 =	sld [smem:$0x3FAD]  }
0x39: {  	_ = 	snop;
	(pc) =	sbr.ind lr, $3  }
0x3a: {  	_ = 	snop  }
0x3b: {  	_ = 	snop  }
0x3c: {  	p2 =	seq.s32 s10, $0x1;
	s10 =	sld [smem:$0x3FAC]  }
0x3d: {  	_ =	shalt  }
0x3e: {  	_ =	shalt  }
0x3f: {  	_ =	shalt  }
0x40: {  	_ =	shalt  }
0x41: {  	_ =	shalt  }
0x42: {  	_ =	shalt  }
0x43: {  	_ =	shalt  }
0x44: {  	_ =	shalt  }
0x45: {  	_ =	shalt  }
0x46: {  	_ =	shalt  }
0x47: {  	_ =	shalt  }
0x48: {  	_ =	shalt  }
0x49: {  	_ =	shalt  }
0x4a: {  	_ =	shalt  }
0x4b: {  	_ =	shalt  }
0x4c: {  	_ =	shalt  }
0x4d: {  	_ =	shalt  }
0x4e: {  	_ =	shalt  }
0x4f: {  	_ =	shalt  }
0x50: {  	_ =	shalt  }
0x51: {  	_ =	shalt  }
0x52: {  	_ =	shalt  }
0x53: {  	_ =	shalt  }
0x54: {  	_ =	shalt  }
0x55: {  	_ =	shalt  }
0x56: {  	_ =	shalt  }
0x57: {  	_ =	shalt  }
0x58: {  	_ =	shalt  }
0x59: {  	_ =	shalt  }
0x5a: {  	_ =	shalt  }
0x5b: {  	_ =	shalt  }
0x5c: {  	_ =	shalt  }
0x5d: {  	_ =	shalt  }
0x5e: {  	_ =	shalt  }
0x5f: {  	_ =	shalt  }
0x60: {  	_ =	shalt  }
0x61: {  	_ =	shalt  }
0x62: {  	_ =	shalt  }
0x63: {  	_ =	shalt  }
0x64: {  	_ =	shalt  }
0x65: {  	_ =	shalt  }
0x66: {  	_ =	shalt  }
0x67: {  	_ =	shalt  }
0x68: {  	_ =	shalt  }
0x69: {  	_ =	shalt  }
0x6a: {  	_ =	shalt  }
0x6b: {  	_ =	shalt  }
0x6c: {  	_ =	shalt  }
0x6d: {  	_ =	shalt  }
0x6e: {  	_ =	shalt  }
0x6f: {  	_ =	shalt  }
0x70: {  	_ =	shalt  }
0x71: {  	_ =	shalt  }
0x72: {  	_ =	shalt  }
0x73: {  	_ =	shalt  }
0x74: {  	_ =	shalt  }
0x75: {  	_ =	shalt  }
0x76: {  	_ =	shalt  }
0x77: {  	_ =	shalt  }
0x78: {  	_ =	shalt  }
0x79: {  	_ =	shalt  }
0x7a: {  	_ =	shalt  }
0x7b: {  	_ =	shalt  }
0x7c: {  	_ =	shalt  }
0x7d: {  	_ =	shalt  }
0x7e: {  	_ =	shalt  }
0x7f: {  	_ =	shalt  }
0x80: {  	_ =	shalt  }
0x81: {  	_ =	shalt  }
0x82: {  	_ =	shalt  }
0x83: {  	_ =	shalt  }
0x84: {  	_ =	shalt  }
0x85: {  	_ =	shalt  }
0x86: {  	_ =	shalt  }
0x87: {  	_ =	shalt  }
.Lfunc_end0:
.L_simem_size_0:
called_computation.1_lowered:
.L_overlay_start_0:
0x88: {  	s2 =	sld [smem:$0x3FD9]  }
0x89: {  	s3 =	sld [smem:$0x3FFE];
	_ =	sdelay $0x1  }
0x8a: {  	s1 =	srdreg.scid  }
0x8b: {  	s0 =	sand.u32 $0x1, s1  }
0x8c: {  	s17 =	sshll.u32 s0, $0xA;
	s2 =	sadd.s32 s3, s2  }
0x8d: {  	s2 =	sadd.s32 s2, s17  }
0x8e: {  	[smem:$0x3FB8] =	sst s2  }
0x8f: {  	_ = 	snop  }
0x90: {  	s2 =	sld [smem:$0x3FC4]  }
0x91: {  	s18 =	sld [smem:$0x3FC3];
	(tm) =	ssettm $0x1  }
0x92: {  	s4 =	sld [smem:$0x3FFB];
	_ =	sdelay $0x3  }
0x93: {  	_ =	strace s4  }
0x94: {  	s4 =	sld [smem:$0x3FFC];
	_ =	sdelay $0x3  }
0x95: {  	_ =	strace s4  }
0x96: {  	s4 =	sld [smem:$0x3FFD];
	_ =	sdelay $0x3  }
0x97: {  	_ =	strace s4  }
0x98: {  	_ =	strace $0x8FFFFFFF  }
0x99: {  	s19 =	sld [smem:$0x3FDB];
	_ =	sdelay $0x1  }
0x9a: {  	s5 =	simm.s32 $_scs_section_size  }
0x9b: {  	s6 =	simm.s32 $_size__tile_overlayer_lowered;
	s7 =	simm.s32 $_tile_overlayer_lowered  }
0x9c: {  	s22 =	simm.s32 $0x1BFF;
	s21 =	sshll.u32 s7, $0x1;
	s4 =	sadd.s32 s5, s19  }
0x9d: {  	s8 =	simm.s32 $0x0;
	s20 =	sshll.u32 s6, $0x1;
	s6 =	sadd.s32 s21, s4  }
0x9e: {  	[timem:s8], [sflag:s22] =	dma.local [hbm:s6], s20  }
0x9f: {  	_ =	swait.ge [sflag:s22], s20  }
0xa0: {  	s5 =	ssub.s32 $0x0, s20;
	[sflag:s22] =	ssyncset.done $0x0  }
0xa1: {  	[sflag:s22] =	ssyncadd.s32 s5;
	_ =	sdelay $0x1  }
0xa2: {  	s23 =	simm.s32 $0x1B8B  }
0xa3: {  	_ =	swait.ge [sflag:s23], $0x1  }
0xa4: {  	[sflag:s23] =	ssyncset.done $0x0  }
0xa5: {  	s25 =	simm.s32 $0x1B8E;
	s24 =	sld [smem:$0x3FFE];
	[sflag:s23] =	ssyncadd.s32 $0xFFFFFFFF  }
0xa6: {  	s26 =	simm.s32 $execute0_lowered;
	[smem:$0x3FD2] =	sst s25  }
0xa7: {  	s6 =	sshll.u32 s26, $0x1;
	_ =	strace $0x80000049;
	[dreg:$0x1] =	wrdreg $0xFFFFFFFF  }
0xa8: {  	s28 =	simm.s32 $_size_execute0_lowered;
	s4 =	sadd.s32 s4, s6;
	[dreg:$0x0] =	wrdreg $0x0  }
0xa9: {  	s6 =	sshll.u32 s28, $0x1;
	[dreg:$0x2] =	wrdreg s4  }
0xaa: {  	[dreg:$0x3] =	wrdreg s6  }
0xab: {  	[dreg:$0x4] =	wrdreg $0xC0  }
0xac: {  	_ =	task [dreg:s8], $0x5FFFF  }
0xad: {  	[dreg:$0x1] =	wrdreg $0xFFFFFFFF  }
0xae: {  	[dreg:$0x0] =	wrdreg $0x60  }
0xaf: {  	[dreg:$0x2] =	wrdreg s24  }
0xb0: {  	[dreg:$0x3] =	wrdreg s2  }
0xb1: {  	[dreg:$0x4] =	wrdreg s18  }
0xb2: {  	[dreg:$0x5] =	wrdreg $0x9  }
0xb3: {  	_ =	task.clear_ibuf [dreg:s8], $0x6FFFF;
	_ =	strace $0x90000049  }
0xb4: {  	s29 =	simm.s32 $0x9;
	_ =	strace $0x8000004B  }
0xb5: {  	_ =	swait.ge [sflag:s29], $0x1  }
0xb6: {  	[sflag:s29] =	ssyncadd.s32 $0xFFFFFFFF  }
0xb7: {  	_ =	strace $0x9000004B  }
0xb8: {  	_ =	sfence  }
0xb9: {  	s30 =	sld [smem:$0x0];
	_ =	sdelay $0x2  }
0xba: {  	s31 =	sshll.u32 s1, $0xD;
	s1 =	sshrl.u32 s1, $0x2  }
0xbb: {  	s3 =	sand.u32 $0x4000, s31;
	s1 =	sadd.s32 s1, s30  }
0xbc: {  	s0 =	sor.u32 s3, s0;
	s1 =	sshll.u32 s1, $0x11  }
0xbd: {  	s0 =	sor.u32 s1, s0  }
0xbe: {  	s0 =	sadd.s32 $0x8F2B, s0  }
0xbf: {  	[sflag:s0] =	ssyncadd.remote.s32 $0x1  }
0xc0: {  	_ =	sfence.sel $0xFFFF  }
0xc1: {  	[dreg:$0x0] =	wrdreg $0xFFFFFFFF;
	(pc) =	sbr.abs _section_cstart, $3  }
0xc2: {  	[dreg:$0x1] =	wrdreg $0xFFFFFFFF  }
0xc3: {  	_ =	task.clear_ibuf [dreg:s8], $0x2FFFF;
	_ =	strace $0x9FFFFFFF  }
0xc4: {  	(tm) =	ssettm $0x7FFFFFFF  }
0xc5: {  	_ =	shalt  }
tec
execute0_lowered:
.L_overlay_start_1:
0x0: {  	(tag) =	ssettag $0x1  }
0x1: {  	s0 =	rddreg [dreg:$0x0]  }
0x2: {  	s1 =	rddreg [dreg:$0x1]  }
0x3: {  	s4 =	rddreg [dreg:$0x2]  }
0x4: {  	s3 =	srdreg.scid;
	s9 =	stileid.u32;
	s2 =	simm.s32 $0x0  }
0x5: {  	s13 =	simm.s32 $0x2;
	s14 =	simm.s32 $0x800;
	s15 =	simm.s32 $0x80  }
0x6: {  	s16 =	simm.s32 $0x1000;
	s20 =	simm.s32 $0x5000;
	s30 =	simm.s32 $0x1  }
0x7: {  	s18 =	simm.s32 $0x0;
	s19 =	simm.s32 $0x7C00;
	s29 =	simm.s32 $0x8000  }
0x8: {  	s5 =	sand.u32 $0x1, s3;
	s6 =	smul.u32 $0x5000, s9;
	[smem:$0x7FF] =	sst s2  }
0x9: {  	s3 =	sadd.s32 $0x29400, s0;
	s9 =	sshll.u32 s9, $0x1;
	s22 =	sadd.s32 $0x9C00, s1  }
0xa: {  	s23 =	sadd.s32 $0x9C00, s4;
	_ =	strace $0x8000004A;
	[dreg:$0x4] =	wrdreg s22  }
0xb: {  	s24 =	sadd.s32 $0xEC800, s0;
	s7 =	smul.u32 $0x2800, s5;
	[dreg:$0x5] =	wrdreg s23  }
0xc: {  	s8 =	ssub.s32 $0x2, s5;
	s5 =	sor.u32 s5, s9;
	[dreg:$0x6] =	wrdreg s24  }
0xd: {  	s24 =	simm.s32 $0xD80;
	s21 =	sshrl.u32 s8, $0x1;
	s6 =	sadd.s32 s7, s6  }
0xe: {  	s7 =	ssub.s32 s8, s21;
	s10 =	sadd.s32 s6, s0;
	s0 =	sadd.s32 $0x9E600, s0  }
0xf: {  	p0 =	seq.s32 s5, $0x1F;
	s25 =	smax.u32 s7, $0x1;
	[dreg:$0x7] =	wrdreg s0  }
.Ltmp0:
0x10: {  	[dreg:$0x8] =	wrdreg s25;
	s28 =	sadd.s32 $0x50600, s10;
	(pc) =	sbr.rel .LBB2_1-.Ltmp0, $4  }
0x11: {  	s26 =	sshrl.u32 s6, $0x3;
	s31 =	sadd.s32 $0x9E800, s10;
	[dreg:$0x9] =	wrdreg s28  }
0x12: {  	p1 =	sne.s32 s5, $0x1F;
	s4 =	sadd.s32 s26, s4;
	[dreg:$0xa] =	wrdreg s31  }
0x13: {  	s21 =	simm.s32 $0xD00;
	s0 =	sadd.s32 s26, s1;
	[dreg:$0xb] =	wrdreg s4  }
0x14: {  	s25 =	simm.s32 $0xE00;
	s26 =	simm.s32 $0xE80;
	[dreg:$0xc] =	wrdreg s0  }
.LBB2_5:
0x15: {  	s18 =	sadd.s32 $0x1, s18;
	s0 =	rddreg [dreg:$0x8]  }
0x16: {  	p2 =	sne.s32 s18, s0  }
.Ltmp1:
0x17: {  	_ = 	snop;
	(pc) =	sbr.rel @!p2 .LBB2_6-.Ltmp1, $1  }
0x18: {  	_ =	sdelay $0x3  }
.LBB2_1:
0x19: {  	[dreg:$0xd] =	wrdreg s18  }
0x1a: {  	s28 =	rddreg [dreg:$0xc]  }
0x1b: {  	s31 =	rddreg [dreg:$0xb]  }
0x1c: {  	s0 =	rddreg [dreg:$0xa]  }
0x1d: {  	s1 =	rddreg [dreg:$0x9];
	s4 =	simm.s32 $0x0;
	s8 =	simm.s32 $0x6C00  }
0x1e: {  	s10 =	simm.s32 $0xC00;
	s11 =	simm.s32 $0x7000;
	s12 =	simm.s32 $0xC80  }
0x1f: {  	s17 =	simm.s32 $0x7400;
	s18 =	simm.s32 $0x7800;
	s5 =	simm.s32 $0x8400  }
0x20: {  	s7 =	simm.s32 $0xF00;
	s6 =	simm.s32 $0x8800;
	s9 =	simm.s32 $0xF80  }
.LBB2_2:
0x21: {  	[tilespmem:s2], [sflag:$0x2] =	stream.linear.gather [hbm4b:s28+s2], $0x800, $0x38;
	[tilespmem:$0x9000] =	vst v63  }
0x22: {  	_ =	swait.ge [sflag:s13], $0x800  }
0x23: {  	[sflag:s13] =	ssyncset.done $0x0  }
0x24: {  	[sflag:s13] =	ssyncadd.s32 $0xFFFFF800  }
0x25: {  	[tilespmem:s14], [sflag:$0x2] =	stream.linear.gather [hbm4b:s31+s2], $0x800, $0x38;
	[tilespmem:$0x9000] =	vst v63  }
0x26: {  	_ =	swait.ge [sflag:s13], $0x800  }
0x27: {  	[sflag:s13] =	ssyncset.done $0x0  }
0x28: {  	[sflag:s13] =	ssyncadd.s32 $0xFFFFF800  }
0x29: {  	[tilespmem:s16], [sflag:$0x1] =	stream.indirect.gather [hbm4b:s3+s15], $0x8, s2, s15, $0xb8;
	[tilespmem:$0x9000] =	vst v63  }
0x2a: {  	s22 =	simm.s32 $0x1400  }
0x2b: {  	[tilespmem:s22], [sflag:$0x1] =	stream.indirect.gather [hbm4b:s3+s15], $0x8, s15, s15, $0xb8;
	[tilespmem:$0x9000] =	vst v63  }
0x2c: {  	s23 =	simm.s32 $0x100;
	s22 =	simm.s32 $0x1800  }
0x2d: {  	[tilespmem:s22], [sflag:$0x1] =	stream.indirect.gather [hbm4b:s3+s15], $0x8, s23, s15, $0xb8;
	[tilespmem:$0x9000] =	vst v63  }
0x2e: {  	s22 =	simm.s32 $0x1C00;
	s23 =	simm.s32 $0x180  }
0x2f: {  	[tilespmem:s22], [sflag:$0x1] =	stream.indirect.gather [hbm4b:s3+s15], $0x8, s23, s15, $0xb8;
	[tilespmem:$0x9000] =	vst v63  }
0x30: {  	s22 =	simm.s32 $0x200;
	s23 =	simm.s32 $0x2000  }
0x31: {  	[tilespmem:s23], [sflag:$0x1] =	stream.indirect.gather [hbm4b:s3+s15], $0x8, s22, s15, $0xb8;
	[tilespmem:$0x9000] =	vst v63  }
0x32: {  	s22 =	simm.s32 $0x280;
	s23 =	simm.s32 $0x2400  }
0x33: {  	[tilespmem:s23], [sflag:$0x1] =	stream.indirect.gather [hbm4b:s3+s15], $0x8, s22, s15, $0xb8;
	[tilespmem:$0x9000] =	vst v63  }
0x34: {  	s22 =	simm.s32 $0x300;
	s23 =	simm.s32 $0x2800  }
0x35: {  	[tilespmem:s23], [sflag:$0x1] =	stream.indirect.gather [hbm4b:s3+s15], $0x8, s22, s15, $0xb8;
	[tilespmem:$0x9000] =	vst v63  }
0x36: {  	s22 =	simm.s32 $0x380;
	s23 =	simm.s32 $0x2C00  }
0x37: {  	[tilespmem:s23], [sflag:$0x1] =	stream.indirect.gather [hbm4b:s3+s15], $0x8, s22, s15, $0xb8;
	[tilespmem:$0x9000] =	vst v63  }
0x38: {  	s22 =	simm.s32 $0x400;
	s23 =	simm.s32 $0x3000  }
0x39: {  	[tilespmem:s23], [sflag:$0x1] =	stream.indirect.gather [hbm4b:s3+s15], $0x8, s22, s15, $0xb8;
	[tilespmem:$0x9000] =	vst v63  }
0x3a: {  	s22 =	simm.s32 $0x480;
	s23 =	simm.s32 $0x3400  }
0x3b: {  	[tilespmem:s23], [sflag:$0x1] =	stream.indirect.gather [hbm4b:s3+s15], $0x8, s22, s15, $0xb8;
	[tilespmem:$0x9000] =	vst v63  }
0x3c: {  	s22 =	simm.s32 $0x500;
	s23 =	simm.s32 $0x3800  }
0x3d: {  	[tilespmem:s23], [sflag:$0x1] =	stream.indirect.gather [hbm4b:s3+s15], $0x8, s22, s15, $0xb8;
	[tilespmem:$0x9000] =	vst v63  }
0x3e: {  	s22 =	simm.s32 $0x580;
	s23 =	simm.s32 $0x3C00  }
0x3f: {  	[tilespmem:s23], [sflag:$0x1] =	stream.indirect.gather [hbm4b:s3+s15], $0x8, s22, s15, $0xb8;
	[tilespmem:$0x9000] =	vst v63  }
0x40: {  	s22 =	simm.s32 $0x600;
	s23 =	simm.s32 $0x4000  }
0x41: {  	[tilespmem:s23], [sflag:$0x1] =	stream.indirect.gather [hbm4b:s3+s15], $0x8, s22, s15, $0xb8;
	[tilespmem:$0x9000] =	vst v63  }
0x42: {  	s22 =	simm.s32 $0x680;
	s23 =	simm.s32 $0x4400  }
0x43: {  	[tilespmem:s23], [sflag:$0x1] =	stream.indirect.gather [hbm4b:s3+s15], $0x8, s22, s15, $0xb8;
	[tilespmem:$0x9000] =	vst v63  }
0x44: {  	s22 =	simm.s32 $0x700;
	s23 =	simm.s32 $0x4800  }
0x45: {  	[tilespmem:s23], [sflag:$0x1] =	stream.indirect.gather [hbm4b:s3+s15], $0x8, s22, s15, $0xb8;
	[tilespmem:$0x9000] =	vst v63  }
0x46: {  	s22 =	simm.s32 $0x780;
	s23 =	simm.s32 $0x4C00  }
0x47: {  	[tilespmem:s23], [sflag:$0x1] =	stream.indirect.gather [hbm4b:s3+s15], $0x8, s22, s15, $0xb8;
	[tilespmem:$0x9000] =	vst v63  }
0x48: {  	_ = 	snop  }
0x49: {  	[tilespmem:s20], [sflag:$0x1] =	stream.indirect.gather [hbm4b:s3+s15], $0x8, s14, s15, $0xb8;
	[tilespmem:$0x9000] =	vst v63  }
0x4a: {  	s22 =	simm.s32 $0x5400;
	s23 =	simm.s32 $0x880  }
0x4b: {  	[tilespmem:s22], [sflag:$0x1] =	stream.indirect.gather [hbm4b:s3+s15], $0x8, s23, s15, $0xb8;
	[tilespmem:$0x9000] =	vst v63  }
0x4c: {  	s22 =	simm.s32 $0x900;
	s23 =	simm.s32 $0x5800  }
0x4d: {  	[tilespmem:s23], [sflag:$0x1] =	stream.indirect.gather [hbm4b:s3+s15], $0x8, s22, s15, $0xb8;
	[tilespmem:$0x9000] =	vst v63  }
0x4e: {  	s22 =	simm.s32 $0x980;
	s23 =	simm.s32 $0x5C00  }
0x4f: {  	[tilespmem:s23], [sflag:$0x1] =	stream.indirect.gather [hbm4b:s3+s15], $0x8, s22, s15, $0xb8;
	[tilespmem:$0x9000] =	vst v63  }
0x50: {  	s22 =	simm.s32 $0xA00;
	s23 =	simm.s32 $0x6000  }
0x51: {  	[tilespmem:s23], [sflag:$0x1] =	stream.indirect.gather [hbm4b:s3+s15], $0x8, s22, s15, $0xb8;
	[tilespmem:$0x9000] =	vst v63  }
0x52: {  	s22 =	simm.s32 $0xA80;
	s23 =	simm.s32 $0x6400  }
0x53: {  	[tilespmem:s23], [sflag:$0x1] =	stream.indirect.gather [hbm4b:s3+s15], $0x8, s22, s15, $0xb8;
	[tilespmem:$0x9000] =	vst v63  }
0x54: {  	s22 =	simm.s32 $0x6800;
	s23 =	simm.s32 $0xB00  }
0x55: {  	[tilespmem:s22], [sflag:$0x1] =	stream.indirect.gather [hbm4b:s3+s15], $0x8, s23, s15, $0xb8;
	[tilespmem:$0x9000] =	vst v63  }
0x56: {  	s23 =	simm.s32 $0xB80  }
0x57: {  	[tilespmem:s8], [sflag:$0x1] =	stream.indirect.gather [hbm4b:s3+s15], $0x8, s23, s15, $0xb8;
	[tilespmem:$0x9000] =	vst v63  }
0x58: {  	_ = 	snop  }
0x59: {  	[tilespmem:s11], [sflag:$0x1] =	stream.indirect.gather [hbm4b:s3+s15], $0x8, s10, s15, $0xb8;
	[tilespmem:$0x9000] =	vst v63  }
0x5a: {  	_ = 	snop  }
0x5b: {  	[tilespmem:s17], [sflag:$0x1] =	stream.indirect.gather [hbm4b:s3+s15], $0x8, s12, s15, $0xb8;
	[tilespmem:$0x9000] =	vst v63  }
0x5c: {  	_ = 	snop  }
0x5d: {  	[tilespmem:s18], [sflag:$0x1] =	stream.indirect.gather [hbm4b:s3+s15], $0x8, s21, s15, $0xb8;
	[tilespmem:$0x9000] =	vst v63  }
0x5e: {  	_ = 	snop  }
0x5f: {  	[tilespmem:s19], [sflag:$0x1] =	stream.indirect.gather [hbm4b:s3+s15], $0x8, s24, s15, $0xb8;
	[tilespmem:$0x9000] =	vst v63  }
0x60: {  	_ = 	snop  }
0x61: {  	[tilespmem:s29], [sflag:$0x1] =	stream.indirect.gather [hbm4b:s3+s15], $0x8, s25, s15, $0xb8;
	[tilespmem:$0x9000] =	vst v63  }
0x62: {  	_ = 	snop  }
0x63: {  	[tilespmem:s5], [sflag:$0x1] =	stream.indirect.gather [hbm4b:s3+s15], $0x8, s26, s15, $0xb8;
	[tilespmem:$0x9000] =	vst v63  }
0x64: {  	_ = 	snop  }
0x65: {  	[tilespmem:s6], [sflag:$0x1] =	stream.indirect.gather [hbm4b:s3+s15], $0x8, s7, s15, $0xb8;
	[tilespmem:$0x9000] =	vst v63  }
0x66: {  	s23 =	simm.s32 $0x8C00  }
0x67: {  	[tilespmem:s23], [sflag:$0x1] =	stream.indirect.gather [hbm4b:s3+s15], $0x8, s9, s15, $0xb8;
	[tilespmem:$0x9000] =	vst v63  }
0x68: {  	_ =	swait.ge [sflag:s30], $0x400  }
0x69: {  	[sflag:s30] =	ssyncset.done $0x0  }
0x6a: {  	[sflag:s30] =	ssyncadd.s32 $0xFFFFFC00  }
0x6b: {  	_ =	swait.ge [sflag:s30], $0x400  }
0x6c: {  	[sflag:s30] =	ssyncset.done $0x0  }
0x6d: {  	[sflag:s30] =	ssyncadd.s32 $0xFFFFFC00  }
0x6e: {  	_ =	swait.ge [sflag:s30], $0x400  }
0x6f: {  	[sflag:s30] =	ssyncset.done $0x0  }
0x70: {  	[sflag:s30] =	ssyncadd.s32 $0xFFFFFC00  }
0x71: {  	_ =	swait.ge [sflag:s30], $0x400  }
0x72: {  	[sflag:s30] =	ssyncset.done $0x0  }
0x73: {  	[sflag:s30] =	ssyncadd.s32 $0xFFFFFC00  }
0x74: {  	_ =	swait.ge [sflag:s30], $0x400  }
0x75: {  	[sflag:s30] =	ssyncset.done $0x0  }
0x76: {  	[sflag:s30] =	ssyncadd.s32 $0xFFFFFC00  }
0x77: {  	_ =	swait.ge [sflag:s30], $0x400  }
0x78: {  	[sflag:s30] =	ssyncset.done $0x0  }
0x79: {  	[sflag:s30] =	ssyncadd.s32 $0xFFFFFC00  }
0x7a: {  	_ =	swait.ge [sflag:s30], $0x400  }
0x7b: {  	[sflag:s30] =	ssyncset.done $0x0  }
0x7c: {  	[sflag:s30] =	ssyncadd.s32 $0xFFFFFC00  }
0x7d: {  	_ =	swait.ge [sflag:s30], $0x400  }
0x7e: {  	[sflag:s30] =	ssyncset.done $0x0  }
0x7f: {  	[sflag:s30] =	ssyncadd.s32 $0xFFFFFC00  }
0x80: {  	_ =	swait.ge [sflag:s30], $0x400  }
0x81: {  	[sflag:s30] =	ssyncset.done $0x0  }
0x82: {  	[sflag:s30] =	ssyncadd.s32 $0xFFFFFC00  }
0x83: {  	_ =	swait.ge [sflag:s30], $0x400  }
0x84: {  	[sflag:s30] =	ssyncset.done $0x0  }
0x85: {  	[sflag:s30] =	ssyncadd.s32 $0xFFFFFC00  }
0x86: {  	_ =	swait.ge [sflag:s30], $0x400  }
0x87: {  	[sflag:s30] =	ssyncset.done $0x0  }
0x88: {  	[sflag:s30] =	ssyncadd.s32 $0xFFFFFC00  }
0x89: {  	_ =	swait.ge [sflag:s30], $0x400  }
0x8a: {  	[sflag:s30] =	ssyncset.done $0x0  }
0x8b: {  	[sflag:s30] =	ssyncadd.s32 $0xFFFFFC00  }
0x8c: {  	_ =	swait.ge [sflag:s30], $0x400  }
0x8d: {  	[sflag:s30] =	ssyncset.done $0x0  }
0x8e: {  	[sflag:s30] =	ssyncadd.s32 $0xFFFFFC00  }
0x8f: {  	_ =	swait.ge [sflag:s30], $0x400  }
0x90: {  	[sflag:s30] =	ssyncset.done $0x0  }
0x91: {  	[sflag:s30] =	ssyncadd.s32 $0xFFFFFC00  }
0x92: {  	_ =	swait.ge [sflag:s30], $0x400  }
0x93: {  	[sflag:s30] =	ssyncset.done $0x0  }
0x94: {  	[sflag:s30] =	ssyncadd.s32 $0xFFFFFC00  }
0x95: {  	_ =	swait.ge [sflag:s30], $0x400  }
0x96: {  	[sflag:s30] =	ssyncset.done $0x0  }
0x97: {  	[sflag:s30] =	ssyncadd.s32 $0xFFFFFC00  }
0x98: {  	_ =	swait.ge [sflag:s30], $0x400  }
0x99: {  	[sflag:s30] =	ssyncset.done $0x0  }
0x9a: {  	[sflag:s30] =	ssyncadd.s32 $0xFFFFFC00  }
0x9b: {  	_ =	swait.ge [sflag:s30], $0x400  }
0x9c: {  	[sflag:s30] =	ssyncset.done $0x0  }
0x9d: {  	[sflag:s30] =	ssyncadd.s32 $0xFFFFFC00  }
0x9e: {  	_ =	swait.ge [sflag:s30], $0x400  }
0x9f: {  	[sflag:s30] =	ssyncset.done $0x0  }
0xa0: {  	[sflag:s30] =	ssyncadd.s32 $0xFFFFFC00  }
0xa1: {  	_ =	swait.ge [sflag:s30], $0x400  }
0xa2: {  	[sflag:s30] =	ssyncset.done $0x0  }
0xa3: {  	[sflag:s30] =	ssyncadd.s32 $0xFFFFFC00  }
0xa4: {  	_ =	swait.ge [sflag:s30], $0x400  }
0xa5: {  	[sflag:s30] =	ssyncset.done $0x0  }
0xa6: {  	[sflag:s30] =	ssyncadd.s32 $0xFFFFFC00  }
0xa7: {  	_ =	swait.ge [sflag:s30], $0x400  }
0xa8: {  	[sflag:s30] =	ssyncset.done $0x0  }
0xa9: {  	[sflag:s30] =	ssyncadd.s32 $0xFFFFFC00  }
0xaa: {  	_ =	swait.ge [sflag:s30], $0x400  }
0xab: {  	[sflag:s30] =	ssyncset.done $0x0  }
0xac: {  	[sflag:s30] =	ssyncadd.s32 $0xFFFFFC00  }
0xad: {  	_ =	swait.ge [sflag:s30], $0x400  }
0xae: {  	[sflag:s30] =	ssyncset.done $0x0  }
0xaf: {  	[sflag:s30] =	ssyncadd.s32 $0xFFFFFC00  }
0xb0: {  	_ =	swait.ge [sflag:s30], $0x400  }
0xb1: {  	[sflag:s30] =	ssyncset.done $0x0  }
0xb2: {  	[sflag:s30] =	ssyncadd.s32 $0xFFFFFC00  }
0xb3: {  	_ =	swait.ge [sflag:s30], $0x400  }
0xb4: {  	[sflag:s30] =	ssyncset.done $0x0  }
0xb5: {  	[sflag:s30] =	ssyncadd.s32 $0xFFFFFC00  }
0xb6: {  	_ =	swait.ge [sflag:s30], $0x400  }
0xb7: {  	[sflag:s30] =	ssyncset.done $0x0  }
0xb8: {  	[sflag:s30] =	ssyncadd.s32 $0xFFFFFC00  }
0xb9: {  	_ =	swait.ge [sflag:s30], $0x400  }
0xba: {  	[sflag:s30] =	ssyncset.done $0x0  }
0xbb: {  	[sflag:s30] =	ssyncadd.s32 $0xFFFFFC00  }
0xbc: {  	_ =	swait.ge [sflag:s30], $0x400  }
0xbd: {  	[sflag:s30] =	ssyncset.done $0x0  }
0xbe: {  	[sflag:s30] =	ssyncadd.s32 $0xFFFFFC00  }
0xbf: {  	_ =	swait.ge [sflag:s30], $0x400  }
0xc0: {  	[sflag:s30] =	ssyncset.done $0x0  }
0xc1: {  	[sflag:s30] =	ssyncadd.s32 $0xFFFFFC00  }
0xc2: {  	_ =	swait.ge [sflag:s30], $0x400  }
0xc3: {  	[sflag:s30] =	ssyncset.done $0x0  }
0xc4: {  	[sflag:s30] =	ssyncadd.s32 $0xFFFFFC00  }
0xc5: {  	_ =	swait.ge [sflag:s30], $0x400  }
0xc6: {  	[sflag:s30] =	ssyncset.done $0x0  }
0xc7: {  	[sflag:s30] =	ssyncadd.s32 $0xFFFFFC00  }
0xc8: {  	[hbm4b:s0+s2] =	stream.linear.scatter [tilespmem:s16], [sflag:$0x2], $0x4000, $0x38;
	[tilespmem:$0x9000] =	vst v63  }
0xc9: {  	p2 =	slt.u32 @!p0 s4, $0x4;
	_ =	swait.ge [sflag:s13], $0x4000  }
0xca: {  	p2 =	por p0, !p2;
	[sflag:s13] =	ssyncset.done $0x0  }
.Ltmp2:
0xcb: {  	[sflag:s13] =	ssyncadd.s32 $0xFFFFC000;
	(pc) =	sbr.rel @!p2 .LBB2_2-.Ltmp2, $4  }
0xcc: {  	[hbm4b:s1+s2] =	stream.linear.scatter [tilespmem:s20], [sflag:$0x2], $0x4000, $0x38;
	[tilespmem:$0x9000] =	vst v63  }
0xcd: {  	s4 =	sadd.s32 $0x1, s4;
	_ =	swait.ge [sflag:s13], $0x4000  }
0xce: {  	s28 =	sadd.s32 $0x100, s28;
	s31 =	sadd.s32 $0x100, s31;
	[sflag:s13] =	ssyncset.done $0x0  }
0xcf: {  	s0 =	sadd.s32 $0x800, s0;
	s1 =	sadd.s32 $0x800, s1;
	[sflag:s13] =	ssyncadd.s32 $0xFFFFC000  }
.Ltmp3:
0xd0: {  	(pc) =	sbr.rel @p1 .LBB2_5-.Ltmp3, $4  }
0xd1: {  	s1 =	simm.s32 $0x1400;
	s4 =	simm.s32 $0x100;
	s5 =	simm.s32 $0x1800  }
0xd2: {  	s6 =	simm.s32 $0x180;
	s7 =	simm.s32 $0x1C00;
	s8 =	simm.s32 $0x880  }
0xd3: {  	s9 =	simm.s32 $0x5400;
	s10 =	simm.s32 $0x900;
	s11 =	simm.s32 $0x5800  }
0xd4: {  	s12 =	simm.s32 $0x980;
	s17 =	simm.s32 $0x5C00;
	s18 =	rddreg [dreg:$0xd]  }
0xd5: {  	s0 =	rddreg [dreg:$0x4]  }
0xd6: {  	[tilespmem:s2], [sflag:$0x2] =	stream.linear.gather [hbm4b:s0+s2], $0x200, $0x38;
	[tilespmem:$0x9000] =	vst v63  }
0xd7: {  	_ =	swait.ge [sflag:s13], $0x200  }
0xd8: {  	[sflag:s13] =	ssyncset.done $0x0  }
0xd9: {  	s23 =	rddreg [dreg:$0x5];
	[sflag:s13] =	ssyncadd.s32 $0xFFFFFE00  }
0xda: {  	[tilespmem:s14], [sflag:$0x2] =	stream.linear.gather [hbm4b:s23+s2], $0x200, $0x38;
	[tilespmem:$0x9000] =	vst v63  }
0xdb: {  	_ =	swait.ge [sflag:s13], $0x200  }
0xdc: {  	[sflag:s13] =	ssyncset.done $0x0  }
0xdd: {  	[sflag:s13] =	ssyncadd.s32 $0xFFFFFE00  }
0xde: {  	[tilespmem:s16], [sflag:$0x1] =	stream.indirect.gather [hbm4b:s3+s15], $0x8, s2, s15, $0xb8;
	[tilespmem:$0x9000] =	vst v63  }
0xdf: {  	_ = 	snop  }
0xe0: {  	[tilespmem:s1], [sflag:$0x1] =	stream.indirect.gather [hbm4b:s3+s15], $0x8, s15, s15, $0xb8;
	[tilespmem:$0x9000] =	vst v63  }
0xe1: {  	_ = 	snop  }
0xe2: {  	[tilespmem:s5], [sflag:$0x1] =	stream.indirect.gather [hbm4b:s3+s15], $0x8, s4, s15, $0xb8;
	[tilespmem:$0x9000] =	vst v63  }
0xe3: {  	_ = 	snop  }
0xe4: {  	[tilespmem:s7], [sflag:$0x1] =	stream.indirect.gather [hbm4b:s3+s15], $0x8, s6, s15, $0xb8;
	[tilespmem:$0x9000] =	vst v63  }
0xe5: {  	_ = 	snop  }
0xe6: {  	[tilespmem:s20], [sflag:$0x1] =	stream.indirect.gather [hbm4b:s3+s15], $0x8, s14, s15, $0xb8;
	[tilespmem:$0x9000] =	vst v63  }
0xe7: {  	_ = 	snop  }
0xe8: {  	[tilespmem:s9], [sflag:$0x1] =	stream.indirect.gather [hbm4b:s3+s15], $0x8, s8, s15, $0xb8;
	[tilespmem:$0x9000] =	vst v63  }
0xe9: {  	_ = 	snop  }
0xea: {  	[tilespmem:s11], [sflag:$0x1] =	stream.indirect.gather [hbm4b:s3+s15], $0x8, s10, s15, $0xb8;
	[tilespmem:$0x9000] =	vst v63  }
0xeb: {  	_ = 	snop  }
0xec: {  	[tilespmem:s17], [sflag:$0x1] =	stream.indirect.gather [hbm4b:s3+s15], $0x8, s12, s15, $0xb8;
	[tilespmem:$0x9000] =	vst v63  }
0xed: {  	_ =	swait.ge [sflag:s30], $0x400  }
0xee: {  	[sflag:s30] =	ssyncset.done $0x0  }
0xef: {  	[sflag:s30] =	ssyncadd.s32 $0xFFFFFC00  }
0xf0: {  	_ =	swait.ge [sflag:s30], $0x400  }
0xf1: {  	[sflag:s30] =	ssyncset.done $0x0  }
0xf2: {  	[sflag:s30] =	ssyncadd.s32 $0xFFFFFC00  }
0xf3: {  	_ =	swait.ge [sflag:s30], $0x400  }
0xf4: {  	[sflag:s30] =	ssyncset.done $0x0  }
0xf5: {  	[sflag:s30] =	ssyncadd.s32 $0xFFFFFC00  }
0xf6: {  	_ =	swait.ge [sflag:s30], $0x400  }
0xf7: {  	[sflag:s30] =	ssyncset.done $0x0  }
0xf8: {  	[sflag:s30] =	ssyncadd.s32 $0xFFFFFC00  }
0xf9: {  	_ =	swait.ge [sflag:s30], $0x400  }
0xfa: {  	[sflag:s30] =	ssyncset.done $0x0  }
0xfb: {  	[sflag:s30] =	ssyncadd.s32 $0xFFFFFC00  }
0xfc: {  	_ =	swait.ge [sflag:s30], $0x400  }
0xfd: {  	[sflag:s30] =	ssyncset.done $0x0  }
0xfe: {  	[sflag:s30] =	ssyncadd.s32 $0xFFFFFC00  }
0xff: {  	_ =	swait.ge [sflag:s30], $0x400  }
0x100: {  	[sflag:s30] =	ssyncset.done $0x0  }
0x101: {  	[sflag:s30] =	ssyncadd.s32 $0xFFFFFC00  }
0x102: {  	_ =	swait.ge [sflag:s30], $0x400  }
0x103: {  	[sflag:s30] =	ssyncset.done $0x0  }
0x104: {  	s28 =	rddreg [dreg:$0x6];
	[sflag:s30] =	ssyncadd.s32 $0xFFFFFC00  }
0x105: {  	[hbm4b:s28+s2] =	stream.linear.scatter [tilespmem:s16], [sflag:$0x2], $0x1000, $0x38;
	[tilespmem:$0x9000] =	vst v63  }
0x106: {  	_ =	swait.ge [sflag:s13], $0x1000  }
0x107: {  	[sflag:s13] =	ssyncset.done $0x0  }
.Ltmp4:
0x108: {  	s31 =	rddreg [dreg:$0x7];
	[sflag:s13] =	ssyncadd.s32 $0xFFFFF000;
	(pc) =	sbr.rel .LBB2_5-.Ltmp4, $4  }
0x109: {  	[hbm4b:s31+s2] =	stream.linear.scatter [tilespmem:s20], [sflag:$0x2], $0x1000, $0x38;
	[tilespmem:$0x9000] =	vst v63  }
0x10a: {  	_ =	swait.ge [sflag:s13], $0x1000  }
0x10b: {  	[sflag:s13] =	ssyncset.done $0x0  }
0x10c: {  	[sflag:s13] =	ssyncadd.s32 $0xFFFFF000  }
.LBB2_6:
0x10d: {  	_ =	sfence.sel $0x180000  }
0x10e: {  	[bflag:$0x0] =	sbarrier.arrive $0xFFFF  }
0x10f: {  	_ =	strace $0x9000004A  }
0x110: {  	s0 =	stileid.u32;
	[bflag:$0x2] =	sbarrier.arrive $0xFFFF  }
0x111: {  	p0 =	sne.s32 s0, $0x0;
	s0 =	rddreg [dreg:$0x3]  }
0x112: {  	s0 =	sadd.s32 @!p0 $0x100000, s0  }
0x113: {  	[sflag:s0] =	ssyncadd.tile.s32 @!p0 $0x1;
	_ =	shalt  }
.Lfunc_end2:
_tile_overlayer_lowered:
.L_overlay_start_2:
0x114: {  	(tag) =	ssettag $0x2  }
0x115: {  	s0 =	rddreg [dreg:$0x0];
	s2 =	stileid.u32  }
0x116: {  	s1 =	rddreg [dreg:$0x1];
	p0 =	sne.s32 s2, $0x0  }
0x117: {  	s3 =	rddreg [dreg:$0x2];
	[bflag:$0x3] =	sbarrier.arrive $0xFFFF;
	s2 =	simm.s32 @!p0 $0x1C02  }
0x118: {  	[timem:s3], [sflag:s2] =	dma.local @!p0 [hbm:s0], s1  }
0x119: {  	s0 =	simm.s32 @!p0 $0x2  }
0x11a: {  	_ =	swait.ge @!p0 [sflag:s0], s1  }
0x11b: {  	s1 =	ssub.s32 @!p0 $0x0, s1;
	[sflag:s0] =	ssyncset.done @!p0 $0x0  }
0x11c: {  	[sflag:s0] =	ssyncadd.s32 @!p0 s1  }
0x11d: {  	[bflag:$0x3] =	sbarrier.arrive $0xFFFF  }
0x11e: {  	_ =	shalt  }

// kernel: kernel.13.cloned.1.call-start
scs
__scs_entry_jumppad:
0x0: {  	(pc) =	sbr.rel $0x88, $3  }
0x1: {  	(tag) =	ssettag $0x0;
	lr =	simm.s32 $0x1  }
0x2: {  	[smem:$0x3F91] =	sst lr;
	_ =	strace $0xD0000000  }
0x3: {  	_ = 	snop  }
0x4: {  	_ = 	snop  }
0x5: {  	_ = 	snop  }
0x6: {  	_ = 	snop  }
0x7: {  	_ = 	snop  }
__scs_overlays_trampoline_lowered:
0x8: {  	[smem:$0x3FA0] =	sst s0  }
0x9: {  	[smem:$0x3FA1] =	sst s1  }
0xa: {  	[smem:$0x3FA2] =	sst s2  }
0xb: {  	[smem:$0x3FA3] =	sst s3  }
0xc: {  	[smem:$0x3FA4] =	sst s4  }
0xd: {  	[smem:$0x3FA5] =	sst s5  }
0xe: {  	[smem:$0x3FA6] =	sst s6  }
0xf: {  	[smem:$0x3FA7] =	sst s7  }
0x10: {  	[smem:$0x3FA8] =	sst s8  }
0x11: {  	[smem:$0x3FA9] =	sst s9;
	s0 =	simm.s32 @!p0 $0x0  }
0x12: {  	s1 =	sld [smem:$0x3F8F];
	s0 =	simm.s32 @p0 $0x1  }
0x13: {  	[smem:$0x3FAA] =	sst s0;
	s0 =	simm.s32 @!p1 $0x0  }
0x14: {  	s2 =	sld [smem:$0x3F8E];
	s0 =	simm.s32 @p1 $0x1  }
0x15: {  	[smem:$0x3FAB] =	sst s0;
	s0 =	simm.s32 @!p2 $0x0  }
0x16: {  	s3 =	sld [smem:$0x3FDB];
	s0 =	simm.s32 @p2 $0x1  }
0x17: {  	s4 =	simm.s32 $0x1BF5;
	[smem:$0x3FAD] =	sst s0  }
0x18: {  	s0 =	sld [smem:$0x3F90];
	_ =	swait.ge [sflag:s4], $0x0  }
0x19: {  	s7 =	sld [smem:$0x3F91]  }
0x1a: {  	s8 =	sadd.s32 $0xFFFFE003, lr  }
0x1b: {  	s9 =	sadd.s32 $0xFFFFFEF7, lr;
	s5 =	simm.s32 $0xFFFFFFFF;
	p2 =	slt.u32 s8, $0xFFFFF086  }
0x1c: {  	p1 =	slt.u32 s9, $0xF7A;
	s5 =	simm.s32 @!p2 $0x0  }
0x1d: {  	s5 =	simm.s32 @p1 $0x1;
	p0 =	seq.s32 s7, s2  }
0x1e: {  	s7 =	smul.u32 @!p0 $0xF7A, s2;
	p2 =	seq.s32 @!p0 s5, $0x0  }
0x1f: {  	s9 =	smul.u32 $0xF7A, s1;
	s8 =	simm.s32 @!p0 $0x1BF5;
	p2 =	por !p2, p0  }
0x20: {  	[sflag:s8] =	ssyncset.s32 @!p0 $0xFFFFF086;
	s6 =	sadd.s32 @!p0 s3, s7;
	s7 =	simm.s32 @!p0 $0x108  }
0x21: {  	s3 =	sadd.s32 s3, s9;
	s6 =	sadd.s32 @!p0 $0x88, s6;
	s7 =	simm.s32 @p2 $0x1082  }
0x22: {  	[simem:s7], [sflag:s8] =	dma.local @!p0 [hbm:s6], $0xF7A  }
0x23: {  	s9 =	sor.u32 $0xD0000000, s2;
	s6 =	simm.s32 $0x108;
	_ =	swait.ge @!p0 [sflag:s8], $0x0  }
0x24: {  	s3 =	sadd.s32 $0x88, s3;
	s6 =	simm.s32 @!p1 $0x1082;
	[sflag:s4] =	ssyncset.s32 $0xFFFFF086  }
0x25: {  	[simem:s6], [sflag:s4] =	dma.local [hbm:s3], $0xF7A  }
0x26: {  	[smem:$0x3F91] =	sst s1;
	(tag) =	ssettag s2;
	_ =	strace s9  }
0x27: {  	s1 =	sld [smem:$0x3FA1]  }
0x28: {  	s2 =	sld [smem:$0x3FA2]  }
0x29: {  	s4 =	sld [smem:$0x3FA4]  }
0x2a: {  	p0 =	seq.s32 s5, $0x0;
	s5 =	sld [smem:$0x3FA5]  }
0x2b: {  	s6 =	sld [smem:$0x3FA6]  }
0x2c: {  	s7 =	sld [smem:$0x3FA7]  }
0x2d: {  	s3 =	simm.s32 $0x108;
	s8 =	sld [smem:$0x3FA8]  }
0x2e: {  	s3 =	simm.s32 @!p0 $0x1082;
	s9 =	sld [smem:$0x3FA9]  }
0x2f: {  	lr =	sadd.s32 s0, s3;
	s0 =	sld [smem:$0x3FA0]  }
0x30: {  	s3 =	sld [smem:$0x3FA3]  }
0x31: {  	[smem:$0x3FAC] =	sst s10  }
0x32: {  	s10 =	sld [smem:$0x3FAA];
	_ =	sdelay $0x3  }
0x33: {  	p0 =	seq.s32 s10, $0x1;
	s10 =	sld [smem:$0x3FAC];
	_ =	sdelay $0x3  }
0x34: {  	[smem:$0x3FAC] =	sst s10  }
0x35: {  	s10 =	sld [smem:$0x3FAB];
	_ =	sdelay $0x3  }
0x36: {  	p1 =	seq.s32 s10, $0x1;
	s10 =	sld [smem:$0x3FAC];
	_ =	sdelay $0x3  }
0x37: {  	[smem:$0x3FAC] =	sst s10  }
0x38: {  	s10 =	sld [smem:$0x3FAD]  }
0x39: {  	_ = 	snop;
	(pc) =	sbr.ind lr, $3  }
0x3a: {  	_ = 	snop  }
0x3b: {  	_ = 	snop  }
0x3c: {  	p2 =	seq.s32 s10, $0x1;
	s10 =	sld [smem:$0x3FAC]  }
0x3d: {  	_ =	shalt  }
0x3e: {  	_ =	shalt  }
0x3f: {  	_ =	shalt  }
0x40: {  	_ =	shalt  }
0x41: {  	_ =	shalt  }
0x42: {  	_ =	shalt  }
0x43: {  	_ =	shalt  }
0x44: {  	_ =	shalt  }
0x45: {  	_ =	shalt  }
0x46: {  	_ =	shalt  }
0x47: {  	_ =	shalt  }
0x48: {  	_ =	shalt  }
0x49: {  	_ =	shalt  }
0x4a: {  	_ =	shalt  }
0x4b: {  	_ =	shalt  }
0x4c: {  	_ =	shalt  }
0x4d: {  	_ =	shalt  }
0x4e: {  	_ =	shalt  }
0x4f: {  	_ =	shalt  }
0x50: {  	_ =	shalt  }
0x51: {  	_ =	shalt  }
0x52: {  	_ =	shalt  }
0x53: {  	_ =	shalt  }
0x54: {  	_ =	shalt  }
0x55: {  	_ =	shalt  }
0x56: {  	_ =	shalt  }
0x57: {  	_ =	shalt  }
0x58: {  	_ =	shalt  }
0x59: {  	_ =	shalt  }
0x5a: {  	_ =	shalt  }
0x5b: {  	_ =	shalt  }
0x5c: {  	_ =	shalt  }
0x5d: {  	_ =	shalt  }
0x5e: {  	_ =	shalt  }
0x5f: {  	_ =	shalt  }
0x60: {  	_ =	shalt  }
0x61: {  	_ =	shalt  }
0x62: {  	_ =	shalt  }
0x63: {  	_ =	shalt  }
0x64: {  	_ =	shalt  }
0x65: {  	_ =	shalt  }
0x66: {  	_ =	shalt  }
0x67: {  	_ =	shalt  }
0x68: {  	_ =	shalt  }
0x69: {  	_ =	shalt  }
0x6a: {  	_ =	shalt  }
0x6b: {  	_ =	shalt  }
0x6c: {  	_ =	shalt  }
0x6d: {  	_ =	shalt  }
0x6e: {  	_ =	shalt  }
0x6f: {  	_ =	shalt  }
0x70: {  	_ =	shalt  }
0x71: {  	_ =	shalt  }
0x72: {  	_ =	shalt  }
0x73: {  	_ =	shalt  }
0x74: {  	_ =	shalt  }
0x75: {  	_ =	shalt  }
0x76: {  	_ =	shalt  }
0x77: {  	_ =	shalt  }
0x78: {  	_ =	shalt  }
0x79: {  	_ =	shalt  }
0x7a: {  	_ =	shalt  }
0x7b: {  	_ =	shalt  }
0x7c: {  	_ =	shalt  }
0x7d: {  	_ =	shalt  }
0x7e: {  	_ =	shalt  }
0x7f: {  	_ =	shalt  }
0x80: {  	_ =	shalt  }
0x81: {  	_ =	shalt  }
0x82: {  	_ =	shalt  }
0x83: {  	_ =	shalt  }
0x84: {  	_ =	shalt  }
0x85: {  	_ =	shalt  }
0x86: {  	_ =	shalt  }
0x87: {  	_ =	shalt  }
.Lfunc_end0:
.L_simem_size_0:
called_computation.2_lowered:
.L_overlay_start_0:
0x88: {  	s2 =	sld [smem:$0x3FD9]  }
0x89: {  	s3 =	sld [smem:$0x3FFE];
	_ =	sdelay $0x1  }
0x8a: {  	s1 =	srdreg.scid  }
0x8b: {  	s0 =	sand.u32 $0x1, s1  }
0x8c: {  	s17 =	sshll.u32 s0, $0xA;
	s2 =	sadd.s32 s3, s2  }
0x8d: {  	s2 =	sadd.s32 s2, s17  }
0x8e: {  	[smem:$0x3FB8] =	sst s2  }
0x8f: {  	_ = 	snop  }
0x90: {  	s2 =	sld [smem:$0x3FC2]  }
0x91: {  	s18 =	sld [smem:$0x3FD0];
	(tm) =	ssettm $0x1  }
0x92: {  	s4 =	sld [smem:$0x3FFB];
	_ =	sdelay $0x3  }
0x93: {  	_ =	strace s4  }
0x94: {  	s4 =	sld [smem:$0x3FFC];
	_ =	sdelay $0x3  }
0x95: {  	_ =	strace s4  }
0x96: {  	s4 =	sld [smem:$0x3FFD];
	_ =	sdelay $0x3  }
0x97: {  	_ =	strace s4  }
0x98: {  	_ =	strace $0x8FFFFFFF  }
0x99: {  	s19 =	sld [smem:$0x3FDB];
	_ =	sdelay $0x1  }
0x9a: {  	s5 =	simm.s32 $_scs_section_size  }
0x9b: {  	s6 =	simm.s32 $_size__tile_overlayer_lowered;
	s7 =	simm.s32 $_tile_overlayer_lowered  }
0x9c: {  	s22 =	simm.s32 $0x1BFF;
	s21 =	sshll.u32 s7, $0x1;
	s4 =	sadd.s32 s5, s19  }
0x9d: {  	s8 =	simm.s32 $0x0;
	s20 =	sshll.u32 s6, $0x1;
	s6 =	sadd.s32 s21, s4  }
0x9e: {  	[timem:s8], [sflag:s22] =	dma.local [hbm:s6], s20  }
0x9f: {  	_ =	swait.ge [sflag:s22], s20  }
0xa0: {  	s5 =	ssub.s32 $0x0, s20;
	[sflag:s22] =	ssyncset.done $0x0  }
0xa1: {  	[sflag:s22] =	ssyncadd.s32 s5;
	_ =	sdelay $0x1  }
0xa2: {  	s23 =	simm.s32 $0x1B8B  }
0xa3: {  	_ =	swait.ge [sflag:s23], $0x1  }
0xa4: {  	[sflag:s23] =	ssyncset.done $0x0  }
0xa5: {  	s25 =	simm.s32 $0x1B8E;
	s24 =	sld [smem:$0x3FFE];
	[sflag:s23] =	ssyncadd.s32 $0xFFFFFFFF  }
0xa6: {  	s26 =	simm.s32 $execute0_lowered;
	[smem:$0x3FD2] =	sst s25  }
0xa7: {  	s6 =	sshll.u32 s26, $0x1;
	_ =	strace $0x8000004C;
	[dreg:$0x1] =	wrdreg $0xFFFFFFFF  }
0xa8: {  	s28 =	simm.s32 $_size_execute0_lowered;
	s4 =	sadd.s32 s4, s6;
	[dreg:$0x0] =	wrdreg $0x0  }
0xa9: {  	s6 =	sshll.u32 s28, $0x1;
	[dreg:$0x2] =	wrdreg s4  }
0xaa: {  	[dreg:$0x3] =	wrdreg s6  }
0xab: {  	[dreg:$0x4] =	wrdreg $0xC0  }
0xac: {  	_ =	task [dreg:s8], $0x5FFFF  }
0xad: {  	[dreg:$0x1] =	wrdreg $0xFFFFFFFF  }
0xae: {  	[dreg:$0x0] =	wrdreg $0x60  }
0xaf: {  	[dreg:$0x2] =	wrdreg s24  }
0xb0: {  	[dreg:$0x3] =	wrdreg s2  }
0xb1: {  	[dreg:$0x4] =	wrdreg s18  }
0xb2: {  	[dreg:$0x5] =	wrdreg $0x104000  }
0xb3: {  	[dreg:$0x6] =	wrdreg $0x9  }
0xb4: {  	_ =	task.clear_ibuf [dreg:s8], $0x7FFFF;
	_ =	strace $0x9000004C  }
0xb5: {  	s29 =	simm.s32 $0x9;
	_ =	strace $0x8000004E  }
0xb6: {  	_ =	swait.ge [sflag:s29], $0x1  }
0xb7: {  	[sflag:s29] =	ssyncadd.s32 $0xFFFFFFFF  }
0xb8: {  	_ =	strace $0x9000004E  }
0xb9: {  	_ =	sfence  }
0xba: {  	s30 =	sld [smem:$0x0];
	_ =	sdelay $0x2  }
0xbb: {  	s31 =	sshll.u32 s1, $0xD;
	s1 =	sshrl.u32 s1, $0x2  }
0xbc: {  	s3 =	sand.u32 $0x4000, s31;
	s1 =	sadd.s32 s1, s30  }
0xbd: {  	s0 =	sor.u32 s3, s0;
	s1 =	sshll.u32 s1, $0x11  }
0xbe: {  	s0 =	sor.u32 s1, s0  }
0xbf: {  	s0 =	sadd.s32 $0x8F2B, s0  }
0xc0: {  	[sflag:s0] =	ssyncadd.remote.s32 $0x1  }
0xc1: {  	_ =	sfence.sel $0xFFFF  }
0xc2: {  	[dreg:$0x0] =	wrdreg $0xFFFFFFFF;
	(pc) =	sbr.abs _section_cstart, $3  }
0xc3: {  	[dreg:$0x1] =	wrdreg $0xFFFFFFFF  }
0xc4: {  	_ =	task.clear_ibuf [dreg:s8], $0x2FFFF;
	_ =	strace $0x9FFFFFFF  }
0xc5: {  	(tm) =	ssettm $0x7FFFFFFF  }
tec
execute0_lowered:
.L_overlay_start_1:
0x0: {  	(tag) =	ssettag $0x1  }
0x1: {  	s0 =	rddreg [dreg:$0x0]  }
0x2: {  	s1 =	rddreg [dreg:$0x1]  }
0x3: {  	s4 =	rddreg [dreg:$0x2]  }
0x4: {  	s2 =	rddreg [dreg:$0x3]  }
0x5: {  	s3 =	simm.s32 $0x0;
	s15 =	stileid.u32;
	s5 =	srdreg.scid  }
0x6: {  	s16 =	simm.s32 $0x1;
	s28 =	simm.s32 $0x8000;
	s29 =	simm.s32 $0x10280  }
0x7: {  	s30 =	simm.s32 $0xA000;
	s31 =	simm.s32 $0x10300;
	s6 =	smul.u32 $0x28000, s15  }
0x8: {  	[smem:$0x7FF] =	sst s3;
	s7 =	sand.u32 $0x1, s5;
	s9 =	smul.u32 $0x9C00, s15  }
0x9: {  	s10 =	sadd.s32 $0x273200, s0;
	s19 =	sshll.u32 s15, $0x1;
	s21 =	sshll.u32 s15, $0x6  }
0xa: {  	s17 =	sadd.s32 $0x9C000, s2;
	s23 =	sadd.s32 $0x9C00, s1;
	s24 =	smul.u32 $0x5000, s15  }
0xb: {  	_ =	strace $0x8000004D;
	s5 =	ssub.s32 $0x2, s7;
	s22 =	smul.u32 $0x9C400, s7  }
0xc: {  	s13 =	sor.u32 s7, s19;
	[dreg:$0x8] =	wrdreg s23;
	s12 =	smul.u32 $0x2800, s7  }
0xd: {  	s7 =	smul.u32 $0x14000, s7;
	s19 =	simm.s32 $0x80;
	s23 =	simm.s32 $0x4000  }
0xe: {  	s8 =	sadd.s32 s6, s0;
	s18 =	sshrl.u32 s5, $0x1;
	s20 =	sshrl.u32 s9, $0x3  }
0xf: {  	s14 =	sadd.s32 s9, s2;
	p0 =	seq.s32 s13, $0x1F;
	s6 =	simm.s32 $0x2  }
0x10: {  	s0 =	sadd.s32 $0x272200, s0;
	p1 =	sne.s32 s13, $0x1F;
	s11 =	ssub.s32 s5, s18  }
0x11: {  	s5 =	sadd.s32 s4, s20;
	s4 =	sadd.s32 $0x13800, s4;
	s6 =	simm.s32 @!p0 $0xA  }
0x12: {  	[dreg:$0x7] =	wrdreg s0;
	s9 =	sadd.s32 s9, s22;
	s0 =	sadd.s32 s12, s24  }
0x13: {  	s26 =	sadd.s32 s7, s8;
	p0 =	sne.s32 s15, $0xF;
	s15 =	sshrl.u32 s14, $0x3  }
0x14: {  	s18 =	simm.s32 $0x10000;
	s20 =	simm.s32 $0x10080;
	s24 =	simm.s32 $0x10180  }
0x15: {  	s7 =	simm.s32 $0x0;
	[dreg:$0x5] =	wrdreg s5;
	s5 =	sor.u32 $0x1C01, s21  }
0x16: {  	[dreg:$0x6] =	wrdreg s4;
	s4 =	sshrl.u32 s22, $0x3;
	s9 =	sshrl.u32 s9, $0x3  }
0x17: {  	s25 =	smax.u32 s11, $0x1;
	s0 =	sshrl.u32 s0, $0x3;
	s17 =	sshrl.u32 @!p0 s17, $0x3  }
0x18: {  	s21 =	simm.s32 $0x2000;
	s22 =	simm.s32 $0x10100;
	s4 =	sadd.s32 s10, s4  }
0x19: {  	s9 =	sadd.s32 s10, s9;
	[dreg:$0xb] =	wrdreg s25;
	s10 =	sadd.s32 $0x2200, s26  }
0x1a: {  	s11 =	sadd.s32 s0, s1;
	s25 =	simm.s32 $0x6000;
	s26 =	simm.s32 $0x10200  }
0x1b: {  	s0 =	simm.s32 $0xC000;
	[dreg:$0x9] =	wrdreg s9;
	s4 =	sadd.s32 $0x13800, s4  }
0x1c: {  	s1 =	simm.s32 $0x10380;
	[dreg:$0xa] =	wrdreg s4;
	s4 =	simm.s32 $0xE000  }
.LBB2_1:
0x1d: {  	s8 =	rddreg [dreg:$0x5]  }
0x1e: {  	[spmem:s15], [sflag:s5] =	dma.local [hbm:s8], $0x1380  }
0x1f: {  	_ =	swait.ge [sflag:s16], $0x1380  }
0x20: {  	[sflag:s16] =	ssyncset.done $0x0  }
0x21: {  	s8 =	rddreg [dreg:$0x6];
	[sflag:s16] =	ssyncadd.s32 $0xFFFFEC80  }
0x22: {  	[spmem:s17], [sflag:s5] =	dma.local @!p0 [hbm:s8], $0x80  }
0x23: {  	s8 =	simm.s32 @!p0 $0x1  }
0x24: {  	_ =	swait.ge @!p0 [sflag:s8], $0x80  }
0x25: {  	[sflag:s8] =	ssyncset.done @!p0 $0x0  }
0x26: {  	[sflag:s8] =	ssyncadd.s32 @!p0 $0xFFFFFF80  }
0x27: {  	[bflag:$0x0] =	sbarrier.arrive $0xFFFF  }
0x28: {  	[tilespmem:s3], [sflag:$0x1] =	stream.linear.gather [hbm4b:s10+s3], $0x10000, $0x38;
	[tilespmem:$0x1A040] =	vst v63  }
0x29: {  	_ =	swait.ge [sflag:s16], $0x10000  }
0x2a: {  	[sflag:s16] =	ssyncset.done $0x0  }
0x2b: {  	[sflag:s16] =	ssyncadd.s32 $0xFFFF0000  }
0x2c: {  	[tilespmem:s18], [sflag:$0x1] =	stream.linear.gather [hbm4b:s11+s3], $0x400, $0x38;
	[tilespmem:$0x1A040] =	vst v63  }
0x2d: {  	_ =	swait.ge [sflag:s16], $0x400  }
0x2e: {  	[sflag:s16] =	ssyncset.done $0x0  }
0x2f: {  	[sflag:s16] =	ssyncadd.s32 $0xFFFFFC00  }
0x30: {  	[spmem:s2] =	stream.indirect.scatter.add.f32 [tilespmem:s3], [sflag:$0x1], $0x40, s18, s19, $0xb8;
	[tilespmem:$0x1A040] =	vst v63  }
0x31: {  	_ =	swait.ge [sflag:s16], $0x2000  }
0x32: {  	[sflag:s16] =	ssyncset.done $0x0  }
0x33: {  	[sflag:s16] =	ssyncadd.s32 $0xFFFFE000  }
0x34: {  	[spmem:s2] =	stream.indirect.scatter.add.f32 [tilespmem:s21], [sflag:$0x1], $0x40, s20, s19, $0xb8;
	[tilespmem:$0x1A040] =	vst v63  }
0x35: {  	_ =	swait.ge [sflag:s16], $0x2000  }
0x36: {  	[sflag:s16] =	ssyncset.done $0x0  }
0x37: {  	[sflag:s16] =	ssyncadd.s32 $0xFFFFE000  }
0x38: {  	[spmem:s2] =	stream.indirect.scatter.add.f32 [tilespmem:s23], [sflag:$0x1], $0x40, s22, s19, $0xb8;
	[tilespmem:$0x1A040] =	vst v63  }
0x39: {  	_ =	swait.ge [sflag:s16], $0x2000  }
0x3a: {  	[sflag:s16] =	ssyncset.done $0x0  }
0x3b: {  	[sflag:s16] =	ssyncadd.s32 $0xFFFFE000  }
0x3c: {  	[spmem:s2] =	stream.indirect.scatter.add.f32 [tilespmem:s25], [sflag:$0x1], $0x40, s24, s19, $0xb8;
	[tilespmem:$0x1A040] =	vst v63  }
0x3d: {  	_ =	swait.ge [sflag:s16], $0x2000  }
0x3e: {  	[sflag:s16] =	ssyncset.done $0x0  }
0x3f: {  	[sflag:s16] =	ssyncadd.s32 $0xFFFFE000  }
0x40: {  	[spmem:s2] =	stream.indirect.scatter.add.f32 [tilespmem:s28], [sflag:$0x1], $0x40, s26, s19, $0xb8;
	[tilespmem:$0x1A040] =	vst v63  }
0x41: {  	_ =	swait.ge [sflag:s16], $0x2000  }
0x42: {  	[sflag:s16] =	ssyncset.done $0x0  }
0x43: {  	[sflag:s16] =	ssyncadd.s32 $0xFFFFE000  }
0x44: {  	[spmem:s2] =	stream.indirect.scatter.add.f32 [tilespmem:s30], [sflag:$0x1], $0x40, s29, s19, $0xb8;
	[tilespmem:$0x1A040] =	vst v63  }
0x45: {  	_ =	swait.ge [sflag:s16], $0x2000  }
0x46: {  	[sflag:s16] =	ssyncset.done $0x0  }
0x47: {  	[sflag:s16] =	ssyncadd.s32 $0xFFFFE000  }
0x48: {  	[spmem:s2] =	stream.indirect.scatter.add.f32 [tilespmem:s0], [sflag:$0x1], $0x40, s31, s19, $0xb8;
	[tilespmem:$0x1A040] =	vst v63  }
0x49: {  	p2 =	sne.s32 s6, $0x1;
	_ =	swait.ge [sflag:s16], $0x2000  }
.Ltmp0:
0x4a: {  	[sflag:s16] =	ssyncset.done $0x0;
	(pc) =	sbr.rel @!p2 .LBB2_3-.Ltmp0, $4  }
0x4b: {  	[sflag:s16] =	ssyncadd.s32 $0xFFFFE000  }
0x4c: {  	[spmem:s2] =	stream.indirect.scatter.add.f32 [tilespmem:s4], [sflag:$0x1], $0x40, s1, s19, $0xb8;
	[tilespmem:$0x1A040] =	vst v63  }
0x4d: {  	s9 =	sadd.s32 $0xFFFFFFFF, s6;
	_ =	swait.ge [sflag:s16], $0x2000  }
0x4e: {  	s13 =	smov.u32 s10;
	s14 =	smov.u32 s11;
	[sflag:s16] =	ssyncset.done $0x0  }
.LBB2_2:
0x4f: {  	[sflag:s16] =	ssyncadd.s32 $0xFFFFE000;
	s13 =	sadd.s32 $0x2000, s13;
	s14 =	sadd.s32 $0x80, s14  }
0x50: {  	[tilespmem:s3], [sflag:$0x1] =	stream.linear.gather [hbm4b:s13+s3], $0x10000, $0x38;
	[tilespmem:$0x1A040] =	vst v63  }
0x51: {  	p2 =	sne.s32 s9, $0x1;
	s9 =	sadd.s32 $0xFFFFFFFF, s9;
	_ =	swait.ge [sflag:s16], $0x10000  }
0x52: {  	[sflag:s16] =	ssyncset.done $0x0  }
0x53: {  	[sflag:s16] =	ssyncadd.s32 $0xFFFF0000  }
0x54: {  	[tilespmem:s18], [sflag:$0x1] =	stream.linear.gather [hbm4b:s14+s3], $0x400, $0x38;
	[tilespmem:$0x1A040] =	vst v63  }
0x55: {  	_ =	swait.ge [sflag:s16], $0x400  }
0x56: {  	[sflag:s16] =	ssyncset.done $0x0  }
0x57: {  	[sflag:s16] =	ssyncadd.s32 $0xFFFFFC00  }
0x58: {  	[spmem:s2] =	stream.indirect.scatter.add.f32 [tilespmem:s3], [sflag:$0x1], $0x40, s18, s19, $0xb8;
	[tilespmem:$0x1A040] =	vst v63  }
0x59: {  	_ =	swait.ge [sflag:s16], $0x2000  }
0x5a: {  	[sflag:s16] =	ssyncset.done $0x0  }
0x5b: {  	[sflag:s16] =	ssyncadd.s32 $0xFFFFE000  }
0x5c: {  	[spmem:s2] =	stream.indirect.scatter.add.f32 [tilespmem:s21], [sflag:$0x1], $0x40, s20, s19, $0xb8;
	[tilespmem:$0x1A040] =	vst v63  }
0x5d: {  	_ =	swait.ge [sflag:s16], $0x2000  }
0x5e: {  	[sflag:s16] =	ssyncset.done $0x0  }
0x5f: {  	[sflag:s16] =	ssyncadd.s32 $0xFFFFE000  }
0x60: {  	[spmem:s2] =	stream.indirect.scatter.add.f32 [tilespmem:s23], [sflag:$0x1], $0x40, s22, s19, $0xb8;
	[tilespmem:$0x1A040] =	vst v63  }
0x61: {  	_ =	swait.ge [sflag:s16], $0x2000  }
0x62: {  	[sflag:s16] =	ssyncset.done $0x0  }
0x63: {  	[sflag:s16] =	ssyncadd.s32 $0xFFFFE000  }
0x64: {  	[spmem:s2] =	stream.indirect.scatter.add.f32 [tilespmem:s25], [sflag:$0x1], $0x40, s24, s19, $0xb8;
	[tilespmem:$0x1A040] =	vst v63  }
0x65: {  	_ =	swait.ge [sflag:s16], $0x2000  }
0x66: {  	[sflag:s16] =	ssyncset.done $0x0  }
0x67: {  	[sflag:s16] =	ssyncadd.s32 $0xFFFFE000  }
0x68: {  	[spmem:s2] =	stream.indirect.scatter.add.f32 [tilespmem:s28], [sflag:$0x1], $0x40, s26, s19, $0xb8;
	[tilespmem:$0x1A040] =	vst v63  }
0x69: {  	_ =	swait.ge [sflag:s16], $0x2000  }
0x6a: {  	[sflag:s16] =	ssyncset.done $0x0  }
0x6b: {  	[sflag:s16] =	ssyncadd.s32 $0xFFFFE000  }
0x6c: {  	[spmem:s2] =	stream.indirect.scatter.add.f32 [tilespmem:s30], [sflag:$0x1], $0x40, s29, s19, $0xb8;
	[tilespmem:$0x1A040] =	vst v63  }
0x6d: {  	_ =	swait.ge [sflag:s16], $0x2000  }
0x6e: {  	[sflag:s16] =	ssyncset.done $0x0  }
0x6f: {  	[sflag:s16] =	ssyncadd.s32 $0xFFFFE000  }
0x70: {  	[spmem:s2] =	stream.indirect.scatter.add.f32 [tilespmem:s0], [sflag:$0x1], $0x40, s31, s19, $0xb8;
	[tilespmem:$0x1A040] =	vst v63  }
0x71: {  	_ =	swait.ge [sflag:s16], $0x2000  }
.Ltmp1:
0x72: {  	[sflag:s16] =	ssyncset.done $0x0;
	(pc) =	sbr.rel @p2 .LBB2_2-.Ltmp1, $4  }
0x73: {  	[sflag:s16] =	ssyncadd.s32 $0xFFFFE000  }
0x74: {  	[spmem:s2] =	stream.indirect.scatter.add.f32 [tilespmem:s4], [sflag:$0x1], $0x40, s1, s19, $0xb8;
	[tilespmem:$0x1A040] =	vst v63  }
0x75: {  	_ =	swait.ge [sflag:s16], $0x2000  }
0x76: {  	[sflag:s16] =	ssyncset.done $0x0  }
.LBB2_3:
0x77: {  	[sflag:s16] =	ssyncadd.s32 $0xFFFFE000  }
0x78: {  	s9 =	simm.s32 @!p1 $0x0;
	s12 =	rddreg [dreg:$0x7];
	s13 =	simm.s32 @!p1 $0x1  }
0x79: {  	[tilespmem:s9], [sflag:$0x1] =	stream.linear.gather @!p1 [hbm4b:s12+s9], $0x8000, $0x38;
	[tilespmem:$0x1A040] =	vst v63  }
0x7a: {  	_ =	swait.ge @!p1 [sflag:s13], $0x8000  }
0x7b: {  	[sflag:s13] =	ssyncset.done @!p1 $0x0  }
0x7c: {  	s14 =	simm.s32 @!p1 $0x10000;
	s12 =	rddreg [dreg:$0x8];
	[sflag:s13] =	ssyncadd.s32 @!p1 $0xFFFF8000  }
0x7d: {  	[tilespmem:s14], [sflag:$0x1] =	stream.linear.gather @!p1 [hbm4b:s12+s9], $0x200, $0x38;
	[tilespmem:$0x1A040] =	vst v63  }
0x7e: {  	_ =	swait.ge @!p1 [sflag:s13], $0x200  }
0x7f: {  	[sflag:s13] =	ssyncset.done @!p1 $0x0  }
0x80: {  	s12 =	simm.s32 @!p1 $0x80;
	[sflag:s13] =	ssyncadd.s32 @!p1 $0xFFFFFE00  }
0x81: {  	[spmem:s2] =	stream.indirect.scatter.add.f32 @!p1 [tilespmem:s9], [sflag:$0x1], $0x40, s14, s12, $0xb8;
	[tilespmem:$0x1A040] =	vst v63  }
0x82: {  	_ =	swait.ge @!p1 [sflag:s13], $0x2000  }
0x83: {  	[sflag:s13] =	ssyncset.done @!p1 $0x0  }
0x84: {  	s9 =	simm.s32 @!p1 $0x10080;
	s14 =	simm.s32 @!p1 $0x2000;
	[sflag:s13] =	ssyncadd.s32 @!p1 $0xFFFFE000  }
0x85: {  	[spmem:s2] =	stream.indirect.scatter.add.f32 @!p1 [tilespmem:s14], [sflag:$0x1], $0x40, s9, s12, $0xb8;
	[tilespmem:$0x1A040] =	vst v63  }
0x86: {  	_ =	swait.ge @!p1 [sflag:s13], $0x2000  }
0x87: {  	[sflag:s13] =	ssyncset.done @!p1 $0x0  }
0x88: {  	s9 =	simm.s32 @!p1 $0x10100;
	s14 =	simm.s32 @!p1 $0x4000;
	[sflag:s13] =	ssyncadd.s32 @!p1 $0xFFFFE000  }
0x89: {  	[spmem:s2] =	stream.indirect.scatter.add.f32 @!p1 [tilespmem:s14], [sflag:$0x1], $0x40, s9, s12, $0xb8;
	[tilespmem:$0x1A040] =	vst v63  }
0x8a: {  	_ =	swait.ge @!p1 [sflag:s13], $0x2000  }
0x8b: {  	[sflag:s13] =	ssyncset.done @!p1 $0x0  }
0x8c: {  	s9 =	simm.s32 @!p1 $0x10180;
	s14 =	simm.s32 @!p1 $0x6000;
	[sflag:s13] =	ssyncadd.s32 @!p1 $0xFFFFE000  }
0x8d: {  	[spmem:s2] =	stream.indirect.scatter.add.f32 @!p1 [tilespmem:s14], [sflag:$0x1], $0x40, s9, s12, $0xb8;
	[tilespmem:$0x1A040] =	vst v63  }
0x8e: {  	_ =	swait.ge @!p1 [sflag:s13], $0x2000  }
0x8f: {  	[sflag:s13] =	ssyncset.done @!p1 $0x0  }
0x90: {  	[sflag:s13] =	ssyncadd.s32 @!p1 $0xFFFFE000  }
0x91: {  	[bflag:$0x0] =	sbarrier.arrive $0xFFFF  }
0x92: {  	s13 =	rddreg [dreg:$0x9]  }
0x93: {  	[hbm:s13], [sflag:s5] =	dma.local [spmem:s15], $0x1380  }
0x94: {  	_ =	swait.ge [sflag:s16], $0x1380  }
0x95: {  	[sflag:s16] =	ssyncset.done $0x0  }
0x96: {  	s9 =	rddreg [dreg:$0xa];
	[sflag:s16] =	ssyncadd.s32 $0xFFFFEC80  }
0x97: {  	[hbm:s9], [sflag:s5] =	dma.local @!p0 [spmem:s17], $0x80  }
0x98: {  	_ =	swait.ge @!p0 [sflag:s8], $0x80  }
0x99: {  	s7 =	sadd.s32 $0x1, s7;
	s14 =	rddreg [dreg:$0xb]  }
0x9a: {  	p2 =	sne.s32 s7, s14  }
.Ltmp2:
0x9b: {  	_ = 	snop;
	(pc) =	sbr.rel @p2 .LBB2_1-.Ltmp2, $3  }
0x9c: {  	_ =	sdelay $0x1  }
0x9d: {  	[sflag:s8] =	ssyncset.done @!p0 $0x0  }
0x9e: {  	[sflag:s8] =	ssyncadd.s32 @!p0 $0xFFFFFF80  }
0x9f: {  	_ =	sfence.sel $0x180000  }
0xa0: {  	[bflag:$0x0] =	sbarrier.arrive $0xFFFF  }
0xa1: {  	_ =	strace $0x9000004D  }
0xa2: {  	s0 =	stileid.u32;
	[bflag:$0x2] =	sbarrier.arrive $0xFFFF  }
0xa3: {  	p0 =	sne.s32 s0, $0x0;
	s0 =	rddreg [dreg:$0x4]  }
0xa4: {  	s0 =	sadd.s32 @!p0 $0x100000, s0  }
0xa5: {  	[sflag:s0] =	ssyncadd.tile.s32 @!p0 $0x1;
	_ =	shalt  }
.Lfunc_end2:
_tile_overlayer_lowered:
.L_overlay_start_2:
0xa6: {  	(tag) =	ssettag $0x2  }
0xa7: {  	s0 =	rddreg [dreg:$0x0];
	s2 =	stileid.u32  }
0xa8: {  	s1 =	rddreg [dreg:$0x1];
	p0 =	sne.s32 s2, $0x0  }
0xa9: {  	s3 =	rddreg [dreg:$0x2];
	[bflag:$0x3] =	sbarrier.arrive $0xFFFF;
	s2 =	simm.s32 @!p0 $0x1C01  }
0xaa: {  	[timem:s3], [sflag:s2] =	dma.local @!p0 [hbm:s0], s1  }
0xab: {  	s0 =	simm.s32 @!p0 $0x1  }
0xac: {  	_ =	swait.ge @!p0 [sflag:s0], s1  }
0xad: {  	s1 =	ssub.s32 @!p0 $0x0, s1;
	[sflag:s0] =	ssyncset.done @!p0 $0x0  }
0xae: {  	[sflag:s0] =	ssyncadd.s32 @!p0 s1  }
0xaf: {  	[bflag:$0x3] =	sbarrier.arrive $0xFFFF  }
0xb0: {  	_ =	shalt  }

// kernel: kernel.7.cloned.1.call-start
scs
__scs_entry_jumppad:
0x0: {  	(pc) =	sbr.rel $0x88, $3  }
0x1: {  	(tag) =	ssettag $0x0;
	lr =	simm.s32 $0x1  }
0x2: {  	[smem:$0x3F91] =	sst lr;
	_ =	strace $0xD0000000  }
0x3: {  	_ = 	snop  }
0x4: {  	_ = 	snop  }
0x5: {  	_ = 	snop  }
0x6: {  	_ = 	snop  }
0x7: {  	_ = 	snop  }
__scs_overlays_trampoline_lowered:
0x8: {  	[smem:$0x3FA0] =	sst s0  }
0x9: {  	[smem:$0x3FA1] =	sst s1  }
0xa: {  	[smem:$0x3FA2] =	sst s2  }
0xb: {  	[smem:$0x3FA3] =	sst s3  }
0xc: {  	[smem:$0x3FA4] =	sst s4  }
0xd: {  	[smem:$0x3FA5] =	sst s5  }
0xe: {  	[smem:$0x3FA6] =	sst s6  }
0xf: {  	[smem:$0x3FA7] =	sst s7  }
0x10: {  	[smem:$0x3FA8] =	sst s8  }
0x11: {  	[smem:$0x3FA9] =	sst s9;
	s0 =	simm.s32 @!p0 $0x0  }
0x12: {  	s1 =	sld [smem:$0x3F8F];
	s0 =	simm.s32 @p0 $0x1  }
0x13: {  	[smem:$0x3FAA] =	sst s0;
	s0 =	simm.s32 @!p1 $0x0  }
0x14: {  	s2 =	sld [smem:$0x3F8E];
	s0 =	simm.s32 @p1 $0x1  }
0x15: {  	[smem:$0x3FAB] =	sst s0;
	s0 =	simm.s32 @!p2 $0x0  }
0x16: {  	s3 =	sld [smem:$0x3FDB];
	s0 =	simm.s32 @p2 $0x1  }
0x17: {  	s4 =	simm.s32 $0x1BF5;
	[smem:$0x3FAD] =	sst s0  }
0x18: {  	s0 =	sld [smem:$0x3F90];
	_ =	swait.ge [sflag:s4], $0x0  }
0x19: {  	s7 =	sld [smem:$0x3F91]  }
0x1a: {  	s8 =	sadd.s32 $0xFFFFE003, lr  }
0x1b: {  	s9 =	sadd.s32 $0xFFFFFEF7, lr;
	s5 =	simm.s32 $0xFFFFFFFF;
	p2 =	slt.u32 s8, $0xFFFFF086  }
0x1c: {  	p1 =	slt.u32 s9, $0xF7A;
	s5 =	simm.s32 @!p2 $0x0  }
0x1d: {  	s5 =	simm.s32 @p1 $0x1;
	p0 =	seq.s32 s7, s2  }
0x1e: {  	s7 =	smul.u32 @!p0 $0xF7A, s2;
	p2 =	seq.s32 @!p0 s5, $0x0  }
0x1f: {  	s9 =	smul.u32 $0xF7A, s1;
	s8 =	simm.s32 @!p0 $0x1BF5;
	p2 =	por !p2, p0  }
0x20: {  	[sflag:s8] =	ssyncset.s32 @!p0 $0xFFFFF086;
	s6 =	sadd.s32 @!p0 s3, s7;
	s7 =	simm.s32 @!p0 $0x108  }
0x21: {  	s3 =	sadd.s32 s3, s9;
	s6 =	sadd.s32 @!p0 $0x88, s6;
	s7 =	simm.s32 @p2 $0x1082  }
0x22: {  	[simem:s7], [sflag:s8] =	dma.local @!p0 [hbm:s6], $0xF7A  }
0x23: {  	s9 =	sor.u32 $0xD0000000, s2;
	s6 =	simm.s32 $0x108;
	_ =	swait.ge @!p0 [sflag:s8], $0x0  }
0x24: {  	s3 =	sadd.s32 $0x88, s3;
	s6 =	simm.s32 @!p1 $0x1082;
	[sflag:s4] =	ssyncset.s32 $0xFFFFF086  }
0x25: {  	[simem:s6], [sflag:s4] =	dma.local [hbm:s3], $0xF7A  }
0x26: {  	[smem:$0x3F91] =	sst s1;
	(tag) =	ssettag s2;
	_ =	strace s9  }
0x27: {  	s1 =	sld [smem:$0x3FA1]  }
0x28: {  	s2 =	sld [smem:$0x3FA2]  }
0x29: {  	s4 =	sld [smem:$0x3FA4]  }
0x2a: {  	p0 =	seq.s32 s5, $0x0;
	s5 =	sld [smem:$0x3FA5]  }
0x2b: {  	s6 =	sld [smem:$0x3FA6]  }
0x2c: {  	s7 =	sld [smem:$0x3FA7]  }
0x2d: {  	s3 =	simm.s32 $0x108;
	s8 =	sld [smem:$0x3FA8]  }
0x2e: {  	s3 =	simm.s32 @!p0 $0x1082;
	s9 =	sld [smem:$0x3FA9]  }
0x2f: {  	lr =	sadd.s32 s0, s3;
	s0 =	sld [smem:$0x3FA0]  }
0x30: {  	s3 =	sld [smem:$0x3FA3]  }
0x31: {  	[smem:$0x3FAC] =	sst s10  }
0x32: {  	s10 =	sld [smem:$0x3FAA];
	_ =	sdelay $0x3  }
0x33: {  	p0 =	seq.s32 s10, $0x1;
	s10 =	sld [smem:$0x3FAC];
	_ =	sdelay $0x3  }
0x34: {  	[smem:$0x3FAC] =	sst s10  }
0x35: {  	s10 =	sld [smem:$0x3FAB];
	_ =	sdelay $0x3  }
0x36: {  	p1 =	seq.s32 s10, $0x1;
	s10 =	sld [smem:$0x3FAC];
	_ =	sdelay $0x3  }
0x37: {  	[smem:$0x3FAC] =	sst s10  }
0x38: {  	s10 =	sld [smem:$0x3FAD]  }
0x39: {  	_ = 	snop;
	(pc) =	sbr.ind lr, $3  }
0x3a: {  	_ = 	snop  }
0x3b: {  	_ = 	snop  }
0x3c: {  	p2 =	seq.s32 s10, $0x1;
	s10 =	sld [smem:$0x3FAC]  }
0x3d: {  	_ =	shalt  }
0x3e: {  	_ =	shalt  }
0x3f: {  	_ =	shalt  }
0x40: {  	_ =	shalt  }
0x41: {  	_ =	shalt  }
0x42: {  	_ =	shalt  }
0x43: {  	_ =	shalt  }
0x44: {  	_ =	shalt  }
0x45: {  	_ =	shalt  }
0x46: {  	_ =	shalt  }
0x47: {  	_ =	shalt  }
0x48: {  	_ =	shalt  }
0x49: {  	_ =	shalt  }
0x4a: {  	_ =	shalt  }
0x4b: {  	_ =	shalt  }
0x4c: {  	_ =	shalt  }
0x4d: {  	_ =	shalt  }
0x4e: {  	_ =	shalt  }
0x4f: {  	_ =	shalt  }
0x50: {  	_ =	shalt  }
0x51: {  	_ =	shalt  }
0x52: {  	_ =	shalt  }
0x53: {  	_ =	shalt  }
0x54: {  	_ =	shalt  }
0x55: {  	_ =	shalt  }
0x56: {  	_ =	shalt  }
0x57: {  	_ =	shalt  }
0x58: {  	_ =	shalt  }
0x59: {  	_ =	shalt  }
0x5a: {  	_ =	shalt  }
0x5b: {  	_ =	shalt  }
0x5c: {  	_ =	shalt  }
0x5d: {  	_ =	shalt  }
0x5e: {  	_ =	shalt  }
0x5f: {  	_ =	shalt  }
0x60: {  	_ =	shalt  }
0x61: {  	_ =	shalt  }
0x62: {  	_ =	shalt  }
0x63: {  	_ =	shalt  }
0x64: {  	_ =	shalt  }
0x65: {  	_ =	shalt  }
0x66: {  	_ =	shalt  }
0x67: {  	_ =	shalt  }
0x68: {  	_ =	shalt  }
0x69: {  	_ =	shalt  }
0x6a: {  	_ =	shalt  }
0x6b: {  	_ =	shalt  }
0x6c: {  	_ =	shalt  }
0x6d: {  	_ =	shalt  }
0x6e: {  	_ =	shalt  }
0x6f: {  	_ =	shalt  }
0x70: {  	_ =	shalt  }
0x71: {  	_ =	shalt  }
0x72: {  	_ =	shalt  }
0x73: {  	_ =	shalt  }
0x74: {  	_ =	shalt  }
0x75: {  	_ =	shalt  }
0x76: {  	_ =	shalt  }
0x77: {  	_ =	shalt  }
0x78: {  	_ =	shalt  }
0x79: {  	_ =	shalt  }
0x7a: {  	_ =	shalt  }
0x7b: {  	_ =	shalt  }
0x7c: {  	_ =	shalt  }
0x7d: {  	_ =	shalt  }
0x7e: {  	_ =	shalt  }
0x7f: {  	_ =	shalt  }
0x80: {  	_ =	shalt  }
0x81: {  	_ =	shalt  }
0x82: {  	_ =	shalt  }
0x83: {  	_ =	shalt  }
0x84: {  	_ =	shalt  }
0x85: {  	_ =	shalt  }
0x86: {  	_ =	shalt  }
0x87: {  	_ =	shalt  }
.Lfunc_end0:
.L_simem_size_0:
called_computation_lowered:
.L_overlay_start_0:
0x88: {  	s2 =	sld [smem:$0x3FD9]  }
0x89: {  	s3 =	sld [smem:$0x3FFE];
	_ =	sdelay $0x1  }
0x8a: {  	s1 =	srdreg.scid  }
0x8b: {  	s0 =	sand.u32 $0x1, s1  }
0x8c: {  	s17 =	sshll.u32 s0, $0xA;
	s2 =	sadd.s32 s3, s2  }
0x8d: {  	s2 =	sadd.s32 s2, s17  }
0x8e: {  	[smem:$0x3FB8] =	sst s2  }
0x8f: {  	_ = 	snop  }
0x90: {  	s2 =	sld [smem:$0x3FC9]  }
0x91: {  	s18 =	sld [smem:$0x3FC8]  }
0x92: {  	s4 =	sld [smem:$0x3FC7]  }
0x93: {  	s5 =	sld [smem:$0x3FC6];
	(tm) =	ssettm $0x1  }
0x94: {  	s6 =	sld [smem:$0x3FFB];
	_ =	sdelay $0x3  }
0x95: {  	_ =	strace s6  }
0x96: {  	s6 =	sld [smem:$0x3FFC];
	_ =	sdelay $0x3  }
0x97: {  	_ =	strace s6  }
0x98: {  	s6 =	sld [smem:$0x3FFD];
	_ =	sdelay $0x3  }
0x99: {  	_ =	strace s6  }
0x9a: {  	_ =	strace $0x8FFFFFFF  }
0x9b: {  	s19 =	sld [smem:$0x3FDB];
	_ =	sdelay $0x1  }
0x9c: {  	s7 =	simm.s32 $_scs_section_size  }
0x9d: {  	s8 =	simm.s32 $_size__tile_overlayer_lowered;
	s9 =	simm.s32 $_tile_overlayer_lowered  }
0x9e: {  	s22 =	simm.s32 $0x1BFF;
	s21 =	sshll.u32 s9, $0x1;
	s6 =	sadd.s32 s7, s19  }
0x9f: {  	s10 =	simm.s32 $0x0;
	s20 =	sshll.u32 s8, $0x1;
	s8 =	sadd.s32 s21, s6  }
0xa0: {  	[timem:s10], [sflag:s22] =	dma.local [hbm:s8], s20  }
0xa1: {  	_ =	swait.ge [sflag:s22], s20  }
0xa2: {  	s7 =	ssub.s32 $0x0, s20;
	[sflag:s22] =	ssyncset.done $0x0  }
0xa3: {  	[sflag:s22] =	ssyncadd.s32 s7;
	_ =	sdelay $0x1  }
0xa4: {  	s23 =	simm.s32 $0x1B8B  }
0xa5: {  	_ =	swait.ge [sflag:s23], $0x1  }
0xa6: {  	[sflag:s23] =	ssyncset.done $0x0  }
0xa7: {  	s25 =	simm.s32 $0x1B8E;
	s24 =	sld [smem:$0x3FFE];
	[sflag:s23] =	ssyncadd.s32 $0xFFFFFFFF  }
0xa8: {  	s26 =	simm.s32 $execute0_lowered;
	[smem:$0x3FD2] =	sst s25  }
0xa9: {  	s8 =	sshll.u32 s26, $0x1;
	_ =	strace $0x80000046;
	[dreg:$0x1] =	wrdreg $0xFFFFFFFF  }
0xaa: {  	s28 =	simm.s32 $_size_execute0_lowered;
	s6 =	sadd.s32 s6, s8;
	[dreg:$0x0] =	wrdreg $0x0  }
0xab: {  	s8 =	sshll.u32 s28, $0x1;
	[dreg:$0x2] =	wrdreg s6  }
0xac: {  	[dreg:$0x3] =	wrdreg s8  }
0xad: {  	[dreg:$0x4] =	wrdreg $0xC0  }
0xae: {  	_ =	task [dreg:s10], $0x5FFFF  }
0xaf: {  	[dreg:$0x1] =	wrdreg $0xFFFFFFFF  }
0xb0: {  	[dreg:$0x0] =	wrdreg $0x60  }
0xb1: {  	[dreg:$0x2] =	wrdreg s18  }
0xb2: {  	[dreg:$0x3] =	wrdreg s4  }
0xb3: {  	[dreg:$0x4] =	wrdreg s5  }
0xb4: {  	[dreg:$0x5] =	wrdreg s24  }
0xb5: {  	[dreg:$0x6] =	wrdreg s2  }
0xb6: {  	[dreg:$0x7] =	wrdreg $0x9  }
0xb7: {  	_ =	task.clear_ibuf [dreg:s10], $0x8FFFF;
	_ =	strace $0x90000046  }
0xb8: {  	s29 =	simm.s32 $0x9;
	_ =	strace $0x80000048  }
0xb9: {  	_ =	swait.ge [sflag:s29], $0x1  }
0xba: {  	[sflag:s29] =	ssyncadd.s32 $0xFFFFFFFF  }
0xbb: {  	_ =	strace $0x90000048  }
0xbc: {  	_ =	sfence  }
0xbd: {  	s30 =	sld [smem:$0x0];
	_ =	sdelay $0x2  }
0xbe: {  	s31 =	sshll.u32 s1, $0xD;
	s1 =	sshrl.u32 s1, $0x2  }
0xbf: {  	s3 =	sand.u32 $0x4000, s31;
	s1 =	sadd.s32 s1, s30  }
0xc0: {  	s0 =	sor.u32 s3, s0;
	s1 =	sshll.u32 s1, $0x11  }
0xc1: {  	s0 =	sor.u32 s1, s0  }
0xc2: {  	s0 =	sadd.s32 $0x8F2B, s0  }
0xc3: {  	[sflag:s0] =	ssyncadd.remote.s32 $0x1  }
0xc4: {  	_ =	sfence.sel $0xFFFF  }
0xc5: {  	[dreg:$0x0] =	wrdreg $0xFFFFFFFF;
	(pc) =	sbr.abs _section_cstart, $3  }
0xc6: {  	[dreg:$0x1] =	wrdreg $0xFFFFFFFF  }
0xc7: {  	_ =	task.clear_ibuf [dreg:s10], $0x2FFFF;
	_ =	strace $0x9FFFFFFF  }
0xc8: {  	(tm) =	ssettm $0x7FFFFFFF  }
0xc9: {  	_ =	shalt  }
tec
execute0_lowered:
.L_overlay_start_1:
0x0: {  	(tag) =	ssettag $0x1  }
0x1: {  	s4 =	rddreg [dreg:$0x0]  }
0x2: {  	s5 =	rddreg [dreg:$0x1]  }
0x3: {  	s6 =	rddreg [dreg:$0x2]  }
0x4: {  	s1 =	srdreg.scid;
	s7 =	rddreg [dreg:$0x3]  }
0x5: {  	s0 =	stileid.u32;
	s2 =	rddreg [dreg:$0x4]  }
0x6: {  	s3 =	simm.s32 $0x0;
	s8 =	sand.u32 $0x1, s1;
	s30 =	sshll.u32 s0, $0x1  }
0x7: {  	s12 =	simm.s32 $0xD6D8;
	s13 =	simm.s32 $0xFDE8;
	s9 =	sor.u32 s8, s30  }
0x8: {  	s14 =	simm.s32 $0x0;
	s8 =	ssub.s32 $0x2, s8;
	s10 =	smul.u32 $0x1388, s9  }
0x9: {  	v0 =	vlaneseq.u32;
	[smem:$0x7FF] =	sst s3;
	s9 =	smul.u32 $0x271, s9;
	s31 =	sshrl.u32 s8, $0x1  }
0xa: {  	s1 =	rddreg [dreg:$0x5];
	v0 =	vmul.u32 $0x8, v0;
	_ =	strace $0x80000047;
	s11 =	ssub.s32 s8, s31  }
0xb: {  	s10 =	sadd.s32 s10, s7;
	s4 =	sadd.s32 s4, s9;
	s5 =	sadd.s32 s5, s9  }
0xc: {  	v1 =	vadd.s32 $0x9BC0, v0;
	v2 =	vadd.s32 $0x9BC1, v0;
	s6 =	sadd.s32 s6, s9;
	s9 =	smax.u32 s11, $0x1;
	s11 =	simm.s32 $0x3A98  }
0xd: {  	v3 =	vadd.s32 $0x9BC2, v0;
	v4 =	vadd.s32 $0x9BC3, v0;
	v5 =	vadd.s32 $0x9BC4, v0;
	s7 =	sadd.s32 $0x2200, s10;
	s8 =	sadd.s32 $0x29400, s10;
	s10 =	simm.s32 $0x1  }
.LBB2_1:
0xe: {  	[tilespmem:s3], [sflag:$0x1] =	stream.linear.gather [hbm4b:s4+s3], $0x1388, $0x38;
	[tilespmem:$0x19A28] =	vst v63  }
0xf: {  	_ =	swait.ge [sflag:s10], $0x1388  }
0x10: {  	[sflag:s10] =	ssyncset.done $0x0  }
0x11: {  	s15 =	simm.s32 $0x1388;
	[sflag:s10] =	ssyncadd.s32 $0xFFFFEC78  }
0x12: {  	[tilespmem:s15], [sflag:$0x1] =	stream.linear.gather [hbm4b:s5+s3], $0x1388, $0x38;
	[tilespmem:$0x19A28] =	vst v63  }
0x13: {  	_ =	swait.ge [sflag:s10], $0x1388  }
0x14: {  	[sflag:s10] =	ssyncset.done $0x0  }
0x15: {  	s16 =	simm.s32 $0x2710;
	[sflag:s10] =	ssyncadd.s32 $0xFFFFEC78  }
0x16: {  	[tilespmem:s16], [sflag:$0x1] =	stream.linear.gather [hbm4b:s6+s3], $0x1388, $0x38;
	[tilespmem:$0x19A28] =	vst v63  }
0x17: {  	_ =	swait.ge [sflag:s10], $0x1388  }
0x18: {  	[sflag:s10] =	ssyncset.done $0x0  }
0x19: {  	[sflag:s10] =	ssyncadd.s32 $0xFFFFEC78  }
0x1a: {  	[tilespmem:s11], [sflag:$0x1] =	stream.linear.gather [hbm4b:s7+s3], $0x9C40, $0x38;
	[tilespmem:$0x19A28] =	vst v63  }
0x1b: {  	_ =	swait.ge [sflag:s10], $0x9C40  }
0x1c: {  	[sflag:s10] =	ssyncset.done $0x0  }
0x1d: {  	[sflag:s10] =	ssyncadd.s32 $0xFFFF63C0  }
0x1e: {  	[tilespmem:s12], [sflag:$0x1] =	stream.linear.gather [hbm4b:s2+s3], $0x2710, $0x38;
	[tilespmem:$0x19A28] =	vst v63  }
0x1f: {  	_ =	swait.ge [sflag:s10], $0x2710  }
0x20: {  	[sflag:s10] =	ssyncset.done $0x0  }
0x21: {  	[sflag:s10] =	ssyncadd.s32 $0xFFFFD8F0  }
0x22: {  	v6 =	vld [tilespmem:s15+$0x0];
	_ =	sdelay $0x4  }
0x23: {  	(erf) = vrcp.f32 v6;
	_ =	sdelay $0x1  }
0x24: {  	v6 =	vmov s3  }
0x25: {  	v6 =	vshll.u32 v6, $0x3  }
0x26: {  	v7 =	vld [tilespmem:s3+$0x0];
	v6 =	vor.u32 v0, v6  }
0x27: {  	v9 =	vld [tilespmem:s16+$0x0];
	v8 =	vor.u32 $0x1, v6  }
0x28: {  	v10 =	vor.u32 $0x2, v6;
	_ =	sdelay $0x2  }
0x29: {  	v11 =	vld.idx.msk [tilespmem:v6+s11+$0x0], $0xffff;
	v12 =	vpop (erf)  }
0x2a: {  	v13 =	vld.idx.msk [tilespmem:v8+s11+$0x0], $0xffff;
	v9 =	vmul.f32 v12, v9  }
0x2b: {  	v14 =	vld.idx.msk [tilespmem:v10+s11+$0x0], $0xffff  }
0x2c: {  	v7 =	vld.idx.msk [tilespmem:v7+s12+$0x0], $0xffff;
	v12 =	vmul.f32 v9, v12  }
0x2d: {  	v15 =	vor.u32 $0x3, v6  }
0x2e: {  	[tilespmem:v6+s13+$0x0] =	vst.idx.msk $0xffff, v9;
	v6 =	vor.u32 $0x4, v6;
	v11 =	vmul.f32 v12, v11  }
0x2f: {  	v63 =	vmul.f32 v13, v12  }
0x30: {  	[tilespmem:v8+s13+$0x0] =	vst.idx.msk $0xffff, v11;
	v8 =	vmul.f32 v14, v12  }
0x31: {  	v7 =	vcvt.s32.f32 v7;
	[tilespmem:v10+s13+$0x0] =	vst.idx.msk $0xffff, v63  }
0x32: {  	s17 =	simm.s32 $0x10;
	s18 =	simm.s32 $0x0;
	[tilespmem:v15+s13+$0x0] =	vst.idx.msk $0xffff, v8  }
.LBB2_2:
0x33: {  	[tilespmem:v6+s13+$0x0] =	vst.idx.msk $0xffff, v7;
	s15 =	sadd.s32 $0x10, s15;
	s16 =	sadd.s32 $0x10, s16;
	s18 =	sadd.s32 $0x10, s18  }
0x34: {  	p0 =	sne.s32 s17, $0x1370;
	s19 =	smov.u32 s17;
	s17 =	sadd.s32 $0x10, s17;
	v6 =	vld [tilespmem:s15+$0x0]  }
0x35: {  	_ =	sdelay $0x3  }
0x36: {  	(erf) = vrcp.f32 v6  }
0x37: {  	v6 =	vmov s19  }
0x38: {  	v6 =	vshll.u32 v6, $0x3  }
0x39: {  	v7 =	vor.u32 v0, v6;
	v6 =	vld [tilespmem:s18+$0x0]  }
0x3a: {  	v8 =	vor.u32 $0x1, v7  }
0x3b: {  	v10 =	vor.u32 $0x2, v7;
	v9 =	vld [tilespmem:s16+$0x0];
	_ =	sdelay $0x2  }
0x3c: {  	v11 =	vld.idx.msk [tilespmem:v7+s11+$0x0], $0xffff  }
0x3d: {  	v12 =	vld.idx.msk [tilespmem:v8+s11+$0x0], $0xffff;
	v13 =	vpop (erf)  }
0x3e: {  	v14 =	vld.idx.msk [tilespmem:v10+s11+$0x0], $0xffff;
	v9 =	vmul.f32 v13, v9  }
0x3f: {  	v15 =	vld.idx.msk [tilespmem:v6+s12+$0x0], $0xffff  }
0x40: {  	v13 =	vmul.f32 v9, v13  }
0x41: {  	v16 =	vor.u32 $0x3, v7  }
.Ltmp0:
0x42: {  	v6 =	vor.u32 $0x4, v7;
	v11 =	vmul.f32 v13, v11;
	(pc) =	sbr.rel @p0 .LBB2_2-.Ltmp0, $4  }
0x43: {  	[tilespmem:v7+s13+$0x0] =	vst.idx.msk $0xffff, v9;
	v7 =	vmul.f32 v12, v13  }
0x44: {  	[tilespmem:v8+s13+$0x0] =	vst.idx.msk $0xffff, v11;
	v8 =	vmul.f32 v14, v13  }
0x45: {  	[tilespmem:v10+s13+$0x0] =	vst.idx.msk $0xffff, v7;
	v7 =	vcvt.s32.f32 v15  }
0x46: {  	[tilespmem:v16+s13+$0x0] =	vst.idx.msk $0xffff, v8  }
0x47: {  	_ =	sdelay $0x3  }
0x48: {  	[tilespmem:v6+s13+$0x0] =	vst.idx.msk $0xffff, v7  }
0x49: {  	v6 =	vld [tilespmem:$0x2700];
	_ =	sdelay $0x4  }
0x4a: {  	(erf) = vrcp.f32 v6;
	_ =	sdelay $0x3  }
0x4b: {  	v6 =	vld [tilespmem:$0x1378]  }
0x4c: {  	v7 =	vld [tilespmem:$0x3A88];
	_ =	sdelay $0x3  }
0x4d: {  	v8 =	vld.idx.msk [tilespmem:v1+s11+$0x0], $0xffff;
	v9 =	vpop (erf)  }
0x4e: {  	v10 =	vld.idx.msk [tilespmem:v2+s11+$0x0], $0xffff;
	v7 =	vmul.f32 v9, v7  }
0x4f: {  	v11 =	vld.idx.msk [tilespmem:v3+s11+$0x0], $0xffff  }
0x50: {  	v6 =	vld.idx.msk [tilespmem:v6+s12+$0x0], $0xffff;
	v9 =	vmul.f32 v7, v9;
	_ =	sdelay $0x1  }
0x51: {  	v8 =	vmul.f32 v9, v8  }
0x52: {  	[tilespmem:v1+s13+$0x0] =	vst.idx.msk $0xffff, v7;
	v7 =	vmul.f32 v10, v9  }
0x53: {  	v63 =	vmul.f32 v11, v9;
	[tilespmem:v2+s13+$0x0] =	vst.idx.msk $0xffff, v8  }
0x54: {  	s14 =	sadd.s32 $0x1, s14;
	v6 =	vcvt.s32.f32 v6;
	[tilespmem:v3+s13+$0x0] =	vst.idx.msk $0xffff, v7  }
0x55: {  	p0 =	sne.s32 s14, s9;
	[tilespmem:v4+s13+$0x0] =	vst.idx.msk $0xffff, v63  }
.Ltmp1:
0x56: {  	[tilespmem:v5+s13+$0x0] =	vst.idx.msk $0xffff, v6;
	(pc) =	sbr.rel @p0 .LBB2_1-.Ltmp1, $4  }
0x57: {  	[hbm4b:s8+s3] =	stream.linear.scatter [tilespmem:s13], [sflag:$0x1], $0x9C40, $0x38;
	[tilespmem:$0x19A28] =	vst v63  }
0x58: {  	_ =	swait.ge [sflag:s10], $0x9C40  }
0x59: {  	[sflag:s10] =	ssyncset.done $0x0  }
0x5a: {  	[sflag:s10] =	ssyncadd.s32 $0xFFFF63C0  }
0x5b: {  	_ =	sfence.sel $0x180000  }
0x5c: {  	[bflag:$0x0] =	sbarrier.arrive $0xFFFF  }
0x5d: {  	p0 =	sne.s32 s0, $0x0;
	_ =	strace $0x90000047  }
0x5e: {  	s0 =	sadd.s32 @!p0 $0x100000, s1;
	[bflag:$0x2] =	sbarrier.arrive $0xFFFF  }
0x5f: {  	[sflag:s0] =	ssyncadd.tile.s32 @!p0 $0x1;
	_ =	shalt  }
.Lfunc_end2:
_tile_overlayer_lowered:
.L_overlay_start_2:
0x60: {  	(tag) =	ssettag $0x2  }
0x61: {  	s0 =	rddreg [dreg:$0x0];
	s2 =	stileid.u32  }
0x62: {  	s1 =	rddreg [dreg:$0x1];
	p0 =	sne.s32 s2, $0x0  }
0x63: {  	s3 =	rddreg [dreg:$0x2];
	[bflag:$0x3] =	sbarrier.arrive $0xFFFF;
	s2 =	simm.s32 @!p0 $0x1C01  }
0x64: {  	[timem:s3], [sflag:s2] =	dma.local @!p0 [hbm:s0], s1  }
0x65: {  	s0 =	simm.s32 @!p0 $0x1  }
0x66: {  	_ =	swait.ge @!p0 [sflag:s0], s1  }
0x67: {  	s1 =	ssub.s32 @!p0 $0x0, s1;
	[sflag:s0] =	ssyncset.done @!p0 $0x0  }
0x68: {  	[sflag:s0] =	ssyncadd.s32 @!p0 s1  }
0x69: {  	[bflag:$0x3] =	sbarrier.arrive $0xFFFF  }
0x6a: {  	_ =	shalt  }

</sc_bundles>
